<compile_context>
chip_gen: v7x
topology: tpu7x:2x2x1
jax: 0.10.2.dev20260603
libtpu: 0.0.44.dev20260713+nightly
codegen_flags: <defaults>
</compile_context>

<pallas_src>
import functools

import jax
import jax.numpy as jnp
from jax import lax
from jax.experimental import pallas as pl
from jax.experimental.pallas import tpu as pltpu
from jax.experimental.pallas import tpu_sc as plsc

_L = 16
_NC, _NS = 2, 16
_NW = _NC * _NS


def _mlp_table_kernel(G, x_ref, f_ref, w1x_ref, w1f_ref, b1_ref, w2_ref,
                      b2_ref, w3_ref, b3_ref, out_ref):
  pid = pl.program_id(0)

  @pl.when(pid < G)
  def _():
    bf = jnp.bfloat16
    h = jnp.dot(x_ref[...].astype(bf), w1x_ref[...],
                preferred_element_type=jnp.float32)
    h += jnp.dot(f_ref[...].astype(bf), w1f_ref[...],
                 preferred_element_type=jnp.float32)
    h = jnp.maximum(h + b1_ref[...], 0.0).astype(bf)
    h = jnp.maximum(
        jnp.dot(h, w2_ref[...], preferred_element_type=jnp.float32)
        + b2_ref[...], 0.0).astype(bf)
    out_ref[...] = (
        jnp.dot(h, w3_ref[...], preferred_element_type=jnp.float32)
        + b3_ref[...])

  @pl.when(pid == G)
  def _():
    out_ref[...] = jnp.zeros_like(out_ref)

  @pl.when(pid > G)
  def _():
    out_ref[...] = f_ref[...]


def _shift_up_fn(iota):
  gd = lax.GatherDimensionNumbers(
      offset_dims=(), collapsed_slice_dims=(0,), start_index_map=(0,))

  def shift_up(v):
    idx = jnp.minimum(iota + 1, _L - 1)
    return lax.gather(v, idx[:, None], gd, slice_sizes=(1,),
                      mode=lax.GatherScatterMode.PROMISE_IN_BOUNDS)
  return shift_up


def _make_scan_kernel(NT, NP, NSEC=4):
  mesh = plsc.VectorSubcoreMesh(core_axis_name="c", subcore_axis_name="s",
                                num_cores=_NC, num_subcores=_NS)
  TPW = NT // _NW
  SEC = NP // NSEC
  _MAXI = 0x7FFFFFFF

  def body(fa_hbm, lc_hbm, rc_hbm, wt_hbm, wl_hbm, wr_hbm,
           wt_ref, wl_ref, wr_ref, fch, lch, rch, sem):
    cid = lax.axis_index("c")
    sid = lax.axis_index("s")
    wid = sid * _NC + cid
    iota = lax.iota(jnp.int32, _L)
    shift_up = _shift_up_fn(iota)

    with jax.named_scope("ph_stage"):
      pltpu.sync_copy(fa_hbm.at[pl.ds(wid * TPW, TPW)], fch)
      pltpu.sync_copy(lc_hbm.at[pl.ds(wid * TPW, TPW)], lch)
      pltpu.sync_copy(rc_hbm.at[pl.ds(wid * TPW, TPW)], rch)
    t_off = wid * TPW

    for sec in range(NSEC):
      sec_lo = sec * SEC
      with jax.named_scope("ph_memset"):
        @pl.loop(0, SEC // _L)
        def _(i):
          wt_ref[pl.ds(i * _L, _L)] = jnp.full((_L,), -1, jnp.int32)

      with jax.named_scope("ph_localscan"):
        @pl.loop(0, TPW // _L)
        def _(ic):
          s = pl.ds(ic * _L, _L)
          fl = fch[s] - sec_lo
          valid = (fl >= 0) & (fl < SEC)
          key = jnp.where(valid, lax.shift_left(fl, 12) | (ic * _L + iota),
                          _MAXI)
          ks, lv = plsc.sort_key_val(key, lch[s])
          _, rv = plsc.sort_key_val(key, rch[s])
          fs = lax.shift_right_logical(ks, 12)
          is_last = (fs != shift_up(fs)) | (iota == _L - 1)
          m = is_last & (ks != _MAXI)
          plsc.store_scatter(wt_ref, [fs], (ks & 0xFFF) + t_off, mask=m)
          plsc.store_scatter(wl_ref, [fs], lv, mask=m)
          plsc.store_scatter(wr_ref, [fs], rv, mask=m)

      with jax.named_scope("ph_publish"):
        pltpu.sync_copy(wt_ref, wt_hbm.at[wid, pl.ds(sec_lo, SEC)])
        pltpu.sync_copy(wl_ref, wl_hbm.at[wid, pl.ds(sec_lo, SEC)])
        pltpu.sync_copy(wr_ref, wr_hbm.at[wid, pl.ds(sec_lo, SEC)])

  sd = jax.ShapeDtypeStruct((_NW, NP), jnp.int32)
  return pl.kernel(
      body,
      out_type=(sd, sd, sd),
      mesh=mesh,
      compiler_params=pltpu.CompilerParams(needs_layout_passes=False),
      scratch_types=[
          pltpu.VMEM((SEC,), jnp.int32),
          pltpu.VMEM((SEC,), jnp.int32),
          pltpu.VMEM((SEC,), jnp.int32),
          pltpu.VMEM((TPW,), jnp.int32),
          pltpu.VMEM((TPW,), jnp.int32),
          pltpu.VMEM((TPW,), jnp.int32),
          pltpu.SemaphoreType.DMA,
      ],
  )


def _make_gather_kernel(N, D, NP, T, ZBASE, FBASE, RPT, C):
  mesh = plsc.VectorSubcoreMesh(core_axis_name="c", subcore_axis_name="s",
                                num_cores=_NC, num_subcores=_NS)
  NQ = 5
  Q = RPT // NQ
  P = 4

  def body(wt_hbm, wl_hbm, wr_hbm, mf_hbm, out_hbm,
           a_ref, b_ref, mt, ml, mr, semm,
           abuf0, abuf1, abuf2, abuf3, sem0, sem1, sem2, sem3,
           semw0, semw1, semw2, semw3):
    abuf = (abuf0, abuf1, abuf2, abuf3)
    sem = (sem0, sem1, sem2, sem3)
    semw = (semw0, semw1, semw2, semw3)
    cid = lax.axis_index("c")
    sid = lax.axis_index("s")
    wid = sid * _NC + cid
    lo = wid * RPT
    iota = lax.iota(jnp.int32, _L)

    with jax.named_scope("ph_merge"):
      for q in range(NQ):
        qo = q * Q
        src_t = wt_hbm.at[pl.ds(0, _NW), pl.ds(lo + qo, Q)]
        src_l = wl_hbm.at[pl.ds(0, _NW), pl.ds(lo + qo, Q)]
        src_r = wr_hbm.at[pl.ds(0, _NW), pl.ds(lo + qo, Q)]
        pltpu.async_copy(src_t, mt, semm)
        pltpu.async_copy(src_l, ml, semm)
        pltpu.async_copy(src_r, mr, semm)
        pltpu.make_async_copy(src_t, mt, semm).wait()
        pltpu.make_async_copy(src_l, ml, semm).wait()
        pltpu.make_async_copy(src_r, mr, semm).wait()

        @pl.loop(0, Q // _L)
        def _(i):
          s = pl.ds(i * _L, _L)
          at = mt[0, s]
          al = ml[0, s]
          ar = mr[0, s]
          for k in range(1, _NW):
            tk = mt[k, s]
            m = tk > at
            at = jnp.where(m, tk, at)
            al = jnp.where(m, ml[k, s], al)
            ar = jnp.where(m, mr[k, s], ar)
          j = lo + qo + i * _L + iota
          a_ref[pl.ds(qo + i * _L, _L)] = jnp.where(at < 0, FBASE + j, al)
          b_ref[pl.ds(qo + i * _L, _L)] = jnp.where(
              at < 0, ZBASE + (j & (T - 1)), ar)

    NCH = RPT // C

    def fire_a(c, par):
      pltpu.async_copy(
          mf_hbm.at[a_ref.at[pl.ds(c * C, C)]], abuf[par], sem[par])

    def fire_b(c, par):
      pltpu.async_copy(
          mf_hbm.at[b_ref.at[pl.ds(c * C, C)]], abuf[par], sem[par],
          add=True)

    def drain(par):
      pltpu.make_async_copy(
          mf_hbm.at[a_ref.at[pl.ds(0, C)]], abuf[par], sem[par]).wait()

    def drain_w(par):
      pltpu.make_async_copy(
          abuf[par], out_hbm.at[pl.ds(0, C)], semw[par]).wait()

    with jax.named_scope("ph_gather"):
      for par in range(P):
        fire_a(par, par)

      @pl.loop(0, NCH // P)
      def _(oc):
        for par in range(P):
          c = oc * P + par
          drain(par)
          fire_b(c, par)
          drain(par)

          @pl.when(lo + c * C + C <= N)
          def _():
            pltpu.async_copy(
                abuf[par], out_hbm.at[pl.ds(lo + c * C, C)], semw[par])

          @pl.when(c + P < NCH)
          def _():
            @pl.when(lo + c * C + C <= N)
            def _():
              drain_w(par)
            fire_a(c + P, par)

  return pl.kernel(
      body,
      out_type=jax.ShapeDtypeStruct((N, D), jnp.float32),
      mesh=mesh,
      compiler_params=pltpu.CompilerParams(needs_layout_passes=False),
      scratch_types=[
          pltpu.VMEM((RPT,), jnp.int32),
          pltpu.VMEM((RPT,), jnp.int32),
          pltpu.VMEM((_NW, RPT // 5), jnp.int32),
          pltpu.VMEM((_NW, RPT // 5), jnp.int32),
          pltpu.VMEM((_NW, RPT // 5), jnp.int32),
          pltpu.SemaphoreType.DMA,
          pltpu.VMEM((C, D), jnp.float32),
          pltpu.VMEM((C, D), jnp.float32),
          pltpu.VMEM((C, D), jnp.float32),
          pltpu.VMEM((C, D), jnp.float32),
          pltpu.SemaphoreType.DMA,
          pltpu.SemaphoreType.DMA,
          pltpu.SemaphoreType.DMA,
          pltpu.SemaphoreType.DMA,
          pltpu.SemaphoreType.DMA,
          pltpu.SemaphoreType.DMA,
          pltpu.SemaphoreType.DMA,
          pltpu.SemaphoreType.DMA,
      ],
  )


@jax.jit
def kernel(X, Feature, I_list, W1, b1, W2, b2, W3, b3):
  N, D = Feature.shape
  nlev, _, ni, _ = I_list.shape
  NT = nlev * ni
  T = 4096
  NP = -(-N // 4096) * 4096
  G = NP // T
  ZBASE = NP
  FBASE = NP + T
  RPT = NP // _NW
  C = 80
  NB = -(-N // T)

  w1x = W1[:6].astype(jnp.bfloat16)
  w1f = W1[6:].astype(jnp.bfloat16)
  w2b = W2.astype(jnp.bfloat16)
  w3b = W3.astype(jnp.bfloat16)
  b1r = b1.reshape(1, D)
  b2r = b2.reshape(1, D)
  b3r = b3.reshape(1, D)
  mf = pl.pallas_call(
      functools.partial(_mlp_table_kernel, G),
      grid=(2 * G + 1,),
      in_specs=[
          pl.BlockSpec((T, 6), lambda i: (jnp.minimum(i, NB - 1), 0)),
          pl.BlockSpec((T, D), lambda i: (
              jnp.minimum(jnp.where(i < G, i, jnp.maximum(i - G - 1, 0)),
                          NB - 1), 0)),
          pl.BlockSpec((6, D), lambda i: (0, 0)),
          pl.BlockSpec((D, D), lambda i: (0, 0)),
          pl.BlockSpec((1, D), lambda i: (0, 0)),
          pl.BlockSpec((D, D), lambda i: (0, 0)),
          pl.BlockSpec((1, D), lambda i: (0, 0)),
          pl.BlockSpec((D, D), lambda i: (0, 0)),
          pl.BlockSpec((1, D), lambda i: (0, 0)),
      ],
      out_specs=pl.BlockSpec((T, D), lambda i: (i, 0)),
      out_shape=jax.ShapeDtypeStruct(((2 * G + 1) * T, D), jnp.float32),
  )(X, Feature, w1x, w1f, b1r, w2b, b2r, w3b, b3r)

  tri = I_list.reshape(NT, 3)
  father = tri[:, 2]
  lchild = tri[:, 0]
  rchild = tri[:, 1]
  wt, wl, wr = _make_scan_kernel(NT, NP)(father, lchild, rchild)

  return _make_gather_kernel(N, D, NP, T, ZBASE, FBASE, RPT, C)(
      wt, wl, wr, mf)

# --- scband reference (transcript-rebuilt; emitter-appended) ---
"""Pipeline reference for scband-ae-14542759264456 (READ-ONLY COPY).

The authoritative reference and input builder live on the scoring server;
editing this copy changes nothing except your own understanding.
"""

import jax, jax.numpy as jnp
import numpy as np

N = 100000
D = 128          # n_feature
IN = D + 6       # encoder in_channel = n_feature + 6
NLEV = 12
NI = 8192


def setup_inputs(seed: int = 0) -> dict:
    key = jax.random.key(seed)
    ks = jax.random.split(key, 10)
    X = jax.random.uniform(ks[0], (N, 6), dtype=jnp.float32)
    Feature = jax.random.normal(ks[1], (N, D), dtype=jnp.float32)
    I_list = jax.random.randint(ks[2], (NLEV, 1, NI, 3), 0, N, dtype=jnp.int32)
    # Encoder MLP: dims (IN, D, D, D), Linear+ReLU, Linear+ReLU, Linear (no last relu)
    W1 = jax.random.normal(ks[3], (IN, D), dtype=jnp.float32) * 0.05
    b1 = jnp.zeros((D,), dtype=jnp.float32)
    W2 = jax.random.normal(ks[4], (D, D), dtype=jnp.float32) * 0.05
    b2 = jnp.zeros((D,), dtype=jnp.float32)
    W3 = jax.random.normal(ks[5], (D, D), dtype=jnp.float32) * 0.05
    b3 = jnp.zeros((D,), dtype=jnp.float32)
    return {"X": X, "Feature": Feature, "I_list": I_list,
            "W1": W1, "b1": b1, "W2": W2, "b2": b2, "W3": W3, "b3": b3}


def reference(X, Feature, I_list, W1, b1, W2, b2, W3, b3):
    # AE.encode: bottom-up tree message passing.
    # For each level, gather left/right child (position, feature), run the shared
    # Encoder MLP W on each, sum, and scatter-overwrite into the father node slot.
    def mlp(h):
        h = jax.nn.relu(h @ W1 + b1)
        h = jax.nn.relu(h @ W2 + b2)
        return h @ W3 + b3

    Feature_New = Feature
    nlev = I_list.shape[0]
    for i in range(nlev):
        I = I_list[i, 0]                    # [ni, 3] -> (left_idx, right_idx, father_idx)
        left_p = X[I[:, 0]]
        right_p = X[I[:, 1]]
        left_f = Feature[I[:, 0]]
        right_f = Feature[I[:, 1]]
        input_left = jnp.concatenate((left_p, left_f), axis=1)
        input_right = jnp.concatenate((right_p, right_f), axis=1)
        out = mlp(input_left) + mlp(input_right)
        Feature_New = Feature_New.at[I[:, 2]].set(out)
    return Feature_New

if __name__ == "__main__":
    import jax
    _d = setup_inputs()
    print(jax.jit(kernel)(*tuple(_d.values())))

</pallas_src>

<mosaic_0001>
#map = affine_map<(d0, d1) -> (0)>
#map1 = affine_map<(d0, d1) -> (0, 0)>
module attributes {stable_mosaic.version = 14 : i64} {
  func.func @body(%arg0: i32, %arg1: i32, %arg2: memref<98304xi32, #tpu.memory_space<hbm>>, %arg3: memref<98304xi32, #tpu.memory_space<hbm>>, %arg4: memref<98304xi32, #tpu.memory_space<hbm>>, %arg5: memref<32x102400xi32, #tpu.memory_space<hbm>>, %arg6: memref<32x102400xi32, #tpu.memory_space<hbm>>, %arg7: memref<32x102400xi32, #tpu.memory_space<hbm>>, %arg8: memref<25600xi32, #tpu.memory_space<vmem>>, %arg9: memref<25600xi32, #tpu.memory_space<vmem>>, %arg10: memref<25600xi32, #tpu.memory_space<vmem>>, %arg11: memref<3072xi32, #tpu.memory_space<vmem>>, %arg12: memref<3072xi32, #tpu.memory_space<vmem>>, %arg13: memref<3072xi32, #tpu.memory_space<vmem>>, %arg14: memref<!tpu.dma_semaphore, #tpu.memory_space<semaphore_mem>>) attributes {dimension_semantics = [#tpu.dimension_semantics<core_parallel>, #tpu.dimension_semantics<subcore_parallel>], iteration_bounds = array<i64: 2, 16>, scalar_prefetch = 0 : i64, scratch_operands = 7 : i64, tpu.core_type = #tpu.core_type<sc_vector_subcore>, window_params = [{transform_indices = #map}, {transform_indices = #map}, {transform_indices = #map}, {transform_indices = #map1}, {transform_indices = #map1}, {transform_indices = #map1}]} {
    %mul3A = arith.constant 2 : i32
    %mul3A_0 = arith.muli %arg1, %mul3A : i32
    %add3A = arith.addi %mul3A_0, %arg0 : i32
    %iota3A = tpu.iota {dimensions = array<i32: 0>} : vector<16xi32>
    "tpu.trace_start"() <{level = 10 : i32, message = "ph_stage"}> : () -> ()
    %mul3A_1 = arith.constant 3072 : i32
    %mul3A_2 = arith.muli %add3A, %mul3A_1 : i32
    "tpu.region"() ({
      %run_scoped3A = tpu.sem_alloc : memref<!tpu.dma_semaphore, #tpu.memory_space<semaphore_mem>>
      %dma_start3A = tpu.memref_slice %arg2[%mul3A_2] : memref<98304xi32, #tpu.memory_space<hbm>> -> memref<3072xi32, #tpu.memory_space<hbm>>
      %dma_start3A_48 = tpu.memref_slice %arg2[%mul3A_2] : memref<98304xi32, #tpu.memory_space<hbm>> -> memref<3072xi32, #tpu.memory_space<hbm>>
      tpu.enqueue_dma source(%dma_start3A_48 : memref<3072xi32, #tpu.memory_space<hbm>>) target(%arg11 : memref<3072xi32, #tpu.memory_space<vmem>>) target_semaphore(%run_scoped3A : memref<!tpu.dma_semaphore, #tpu.memory_space<semaphore_mem>>)
      %dma_wait3A = tpu.memref_slice %arg2[%mul3A_2] : memref<98304xi32, #tpu.memory_space<hbm>> -> memref<3072xi32, #tpu.memory_space<hbm>>
      %dma_wait3A_49 = tpu.memref_slice %arg2[%mul3A_2] : memref<98304xi32, #tpu.memory_space<hbm>> -> memref<3072xi32, #tpu.memory_space<hbm>>
      tpu.wait_dma2 semaphore(%run_scoped3A : memref<!tpu.dma_semaphore, #tpu.memory_space<semaphore_mem>>) src(%dma_wait3A_49 : memref<3072xi32, #tpu.memory_space<hbm>>) dst(%arg11 : memref<3072xi32, #tpu.memory_space<vmem>>)
      tpu.yield
    }) : () -> ()
    %mul3A_3 = arith.constant 3072 : i32
    %mul3A_4 = arith.muli %add3A, %mul3A_3 : i32
    "tpu.region"() ({
      %run_scoped3A = tpu.sem_alloc : memref<!tpu.dma_semaphore, #tpu.memory_space<semaphore_mem>>
      %dma_start3A = tpu.memref_slice %arg3[%mul3A_4] : memref<98304xi32, #tpu.memory_space<hbm>> -> memref<3072xi32, #tpu.memory_space<hbm>>
      %dma_start3A_48 = tpu.memref_slice %arg3[%mul3A_4] : memref<98304xi32, #tpu.memory_space<hbm>> -> memref<3072xi32, #tpu.memory_space<hbm>>
      tpu.enqueue_dma source(%dma_start3A_48 : memref<3072xi32, #tpu.memory_space<hbm>>) target(%arg12 : memref<3072xi32, #tpu.memory_space<vmem>>) target_semaphore(%run_scoped3A : memref<!tpu.dma_semaphore, #tpu.memory_space<semaphore_mem>>)
      %dma_wait3A = tpu.memref_slice %arg3[%mul3A_4] : memref<98304xi32, #tpu.memory_space<hbm>> -> memref<3072xi32, #tpu.memory_space<hbm>>
      %dma_wait3A_49 = tpu.memref_slice %arg3[%mul3A_4] : memref<98304xi32, #tpu.memory_space<hbm>> -> memref<3072xi32, #tpu.memory_space<hbm>>
      tpu.wait_dma2 semaphore(%run_scoped3A : memref<!tpu.dma_semaphore, #tpu.memory_space<semaphore_mem>>) src(%dma_wait3A_49 : memref<3072xi32, #tpu.memory_space<hbm>>) dst(%arg12 : memref<3072xi32, #tpu.memory_space<vmem>>)
      tpu.yield
    }) : () -> ()
    %mul3A_5 = arith.constant 3072 : i32
    %mul3A_6 = arith.muli %add3A, %mul3A_5 : i32
    "tpu.region"() ({
      %run_scoped3A = tpu.sem_alloc : memref<!tpu.dma_semaphore, #tpu.memory_space<semaphore_mem>>
      %dma_start3A = tpu.memref_slice %arg4[%mul3A_6] : memref<98304xi32, #tpu.memory_space<hbm>> -> memref<3072xi32, #tpu.memory_space<hbm>>
      %dma_start3A_48 = tpu.memref_slice %arg4[%mul3A_6] : memref<98304xi32, #tpu.memory_space<hbm>> -> memref<3072xi32, #tpu.memory_space<hbm>>
      tpu.enqueue_dma source(%dma_start3A_48 : memref<3072xi32, #tpu.memory_space<hbm>>) target(%arg13 : memref<3072xi32, #tpu.memory_space<vmem>>) target_semaphore(%run_scoped3A : memref<!tpu.dma_semaphore, #tpu.memory_space<semaphore_mem>>)
      %dma_wait3A = tpu.memref_slice %arg4[%mul3A_6] : memref<98304xi32, #tpu.memory_space<hbm>> -> memref<3072xi32, #tpu.memory_space<hbm>>
      %dma_wait3A_49 = tpu.memref_slice %arg4[%mul3A_6] : memref<98304xi32, #tpu.memory_space<hbm>> -> memref<3072xi32, #tpu.memory_space<hbm>>
      tpu.wait_dma2 semaphore(%run_scoped3A : memref<!tpu.dma_semaphore, #tpu.memory_space<semaphore_mem>>) src(%dma_wait3A_49 : memref<3072xi32, #tpu.memory_space<hbm>>) dst(%arg13 : memref<3072xi32, #tpu.memory_space<vmem>>)
      tpu.yield
    }) : () -> ()
    "tpu.trace_stop"() : () -> ()
    %mul3A_7 = arith.constant 3072 : i32
    %mul3A_8 = arith.muli %add3A, %mul3A_7 : i32
    "tpu.trace_start"() <{level = 10 : i32, message = "ph_memset"}> : () -> ()
    %scan3A = arith.constant 0 : i32
    %scan3A_9 = arith.constant 1600 : i32
    %scan3A_10 = arith.addi %scan3A, %scan3A_9 : i32
    %scan3A_11 = arith.constant 1 : i32
    scf.for %scan3A_48 = %scan3A to %scan3A_10 step %scan3A_11  : i32 {
      %mul3A_49 = arith.constant 1 : i32
      %mul3A_50 = arith.muli %scan3A_48, %mul3A_49 : i32
      %add3A_51 = arith.constant 0 : i32
      %add3A_52 = arith.addi %add3A_51, %mul3A_50 : i32
      %broadcast_in_dim3A = arith.constant -1 : i32
      %broadcast_in_dim3A_53 = vector.broadcast %broadcast_in_dim3A : i32 to vector<16xi32>
      %mul3A_54 = arith.constant 16 : i32
      %mul3A_55 = arith.muli %add3A_52, %mul3A_54 : i32
      %swap3A = arith.index_cast %mul3A_55 : i32 to index
      %swap3A_56 = tpu.vector_load %arg8[%swap3A] {strides = array<i32>} : memref<25600xi32, #tpu.memory_space<vmem>>, vector<16xi32>,
      tpu.vector_store %arg8[%swap3A], %broadcast_in_dim3A_53 {strides = array<i32>} : memref<25600xi32, #tpu.memory_space<vmem>>, vector<16xi32>,
    }
    %scan3A_12 = arith.constant 1600 : i32
    "tpu.trace_stop"() : () -> ()
    "tpu.trace_start"() <{level = 10 : i32, message = "ph_localscan"}> : () -> ()
    %scan3A_13 = arith.constant 0 : i32
    %scan3A_14 = arith.constant 192 : i32
    %scan3A_15 = arith.addi %scan3A_13, %scan3A_14 : i32
    %scan3A_16 = arith.constant 1 : i32
    scf.for %scan3A_48 = %scan3A_13 to %scan3A_15 step %scan3A_16  : i32 {
      %mul3A_49 = arith.constant 1 : i32
      %mul3A_50 = arith.muli %scan3A_48, %mul3A_49 : i32
      %add3A_51 = arith.constant 0 : i32
      %add3A_52 = arith.addi %add3A_51, %mul3A_50 : i32
      %mul3A_53 = arith.constant 16 : i32
      %mul3A_54 = arith.muli %add3A_52, %mul3A_53 : i32
      %get3A = arith.index_cast %mul3A_54 : i32 to index
      %get3A_55 = tpu.vector_load %arg11[%get3A] {strides = array<i32>} : memref<3072xi32, #tpu.memory_space<vmem>>, vector<16xi32>,
      %sub3A = arith.constant 0 : i32
      %sub3A_56 = vector.broadcast %sub3A : i32 to vector<16xi32>
      %sub3A_57 = arith.subi %get3A_55, %sub3A_56 : vector<16xi32>
      %ge3A = arith.constant 0 : i32
      %ge3A_58 = vector.broadcast %ge3A : i32 to vector<16xi32>
      %ge3A_59 = arith.cmpi sge, %sub3A_57, %ge3A_58 : vector<16xi32>
      %lt3A = arith.constant 25600 : i32
      %lt3A_60 = vector.broadcast %lt3A : i32 to vector<16xi32>
      %lt3A_61 = arith.cmpi slt, %sub3A_57, %lt3A_60 : vector<16xi32>
      %and3A = arith.andi %ge3A_59, %lt3A_61 : vector<16xi1>
      %shift_left3A = arith.constant 12 : i32
      %shift_left3A_62 = vector.broadcast %shift_left3A : i32 to vector<16xi32>
      %shift_left3A_63 = arith.shli %sub3A_57, %shift_left3A_62 : vector<16xi32>
      %mul3A_64 = arith.constant 16 : i32
      %mul3A_65 = arith.muli %add3A_52, %mul3A_64 : i32
      %add3A_66 = vector.broadcast %mul3A_65 : i32 to vector<16xi32>
      %add3A_67 = arith.addi %add3A_66, %iota3A : vector<16xi32>
      %or3A = arith.ori %shift_left3A_63, %add3A_67 : vector<16xi32>
      %jit3A = arith.constant 2147483647 : i32
      %broadcast_in_dim3A = vector.broadcast %jit3A : i32 to vector<16xi32>
      %select_n3A = arith.select %and3A, %or3A, %broadcast_in_dim3A : vector<16xi1>, vector<16xi32>
      %get3A_68 = arith.index_cast %mul3A_54 : i32 to index
      %get3A_69 = tpu.vector_load %arg12[%get3A_68] {strides = array<i32>} : memref<3072xi32, #tpu.memory_space<vmem>>, vector<16xi32>,
      %masked_sort3A = arith.constant dense<true> : vector<16xi1>
      %masked_sort3A_70 = arith.constant -2147483648 : i32
      %masked_sort3A_71 = vector.broadcast %masked_sort3A_70 : i32 to vector<16xi32>
      %masked_sort3A_72 = arith.xori %select_n3A, %masked_sort3A_71 : vector<16xi32>
      %masked_sort3A_73, %masked_sort3A_74, %masked_sort3A_75 = tpu.sort %masked_sort3A_72, %get3A_69 masked %masked_sort3A : (vector<16xi32>, vector<16xi32>, vector<16xi1>) -> (vector<16xi1>, vector<16xi32>, vector<16xi32>)
      %masked_sort3A_76 = arith.xori %masked_sort3A_74, %masked_sort3A_71 : vector<16xi32>
      %get3A_77 = arith.index_cast %mul3A_54 : i32 to index
      %get3A_78 = tpu.vector_load %arg13[%get3A_77] {strides = array<i32>} : memref<3072xi32, #tpu.memory_space<vmem>>, vector<16xi32>,
      %masked_sort3A_79 = arith.constant dense<true> : vector<16xi1>
      %masked_sort3A_80 = arith.constant -2147483648 : i32
      %masked_sort3A_81 = vector.broadcast %masked_sort3A_80 : i32 to vector<16xi32>
      %masked_sort3A_82 = arith.xori %select_n3A, %masked_sort3A_81 : vector<16xi32>
      %masked_sort3A_83, %masked_sort3A_84, %masked_sort3A_85 = tpu.sort %masked_sort3A_82, %get3A_78 masked %masked_sort3A_79 : (vector<16xi32>, vector<16xi32>, vector<16xi1>) -> (vector<16xi1>, vector<16xi32>, vector<16xi32>)
      %masked_sort3A_86 = arith.xori %masked_sort3A_84, %masked_sort3A_81 : vector<16xi32>
      %shift_right_logical3A = arith.constant 12 : i32
      %shift_right_logical3A_87 = vector.broadcast %shift_right_logical3A : i32 to vector<16xi32>
      %shift_right_logical3A_88 = arith.shrui %masked_sort3A_76, %shift_right_logical3A_87 : vector<16xi32>
      %add3A_89 = arith.constant 1 : i32
      %add3A_90 = vector.broadcast %add3A_89 : i32 to vector<16xi32>
      %add3A_91 = arith.addi %iota3A, %add3A_90 : vector<16xi32>
      %min3A = arith.constant 15 : i32
      %min3A_92 = vector.broadcast %min3A : i32 to vector<16xi32>
      %min3A_93 = arith.minsi %add3A_91, %min3A_92 : vector<16xi32>
      %broadcast_in_dim3A_94 = vector.shape_cast %min3A_93 : vector<16xi32> to vector<16x1xi32>
      %gather3A = vector.shape_cast %broadcast_in_dim3A_94 : vector<16x1xi32> to vector<16xi32>
      %gather3A_95 = tpu.dynamic_gather %shift_right_logical3A_88[%gather3A] in [0] : vector<16xi32>, vector<16xi32> -> vector<16xi32>
      %ne3A = arith.cmpi ne, %shift_right_logical3A_88, %gather3A_95 : vector<16xi32>
      %eq3A = arith.constant 15 : i32
      %eq3A_96 = vector.broadcast %eq3A : i32 to vector<16xi32>
      %eq3A_97 = arith.cmpi eq, %iota3A, %eq3A_96 : vector<16xi32>
      %or3A_98 = arith.ori %ne3A, %eq3A_97 : vector<16xi1>
      %ne3A_99 = arith.constant 2147483647 : i32
      %ne3A_100 = vector.broadcast %ne3A_99 : i32 to vector<16xi32>
      %ne3A_101 = arith.cmpi ne, %masked_sort3A_76, %ne3A_100 : vector<16xi32>
      %and3A_102 = arith.andi %or3A_98, %ne3A_101 : vector<16xi1>
      %and3A_103 = arith.constant 4095 : i32
      %and3A_104 = vector.broadcast %and3A_103 : i32 to vector<16xi32>
      %and3A_105 = arith.andi %masked_sort3A_76, %and3A_104 : vector<16xi32>
      %add3A_106 = vector.broadcast %mul3A_8 : i32 to vector<16xi32>
      %add3A_107 = arith.addi %and3A_105, %add3A_106 : vector<16xi32>
      tpu.vector_store_idx %arg8[%shift_right_logical3A_88], %add3A_107 masked %and3A_102 : memref<25600xi32, #tpu.memory_space<vmem>>[vector<16xi32>], vector<16xi32>, vector<16xi1>
      tpu.vector_store_idx %arg9[%shift_right_logical3A_88], %masked_sort3A_75 masked %and3A_102 : memref<25600xi32, #tpu.memory_space<vmem>>[vector<16xi32>], vector<16xi32>, vector<16xi1>
      tpu.vector_store_idx %arg10[%shift_right_logical3A_88], %masked_sort3A_85 masked %and3A_102 : memref<25600xi32, #tpu.memory_space<vmem>>[vector<16xi32>], vector<16xi32>, vector<16xi1>
    }
    %scan3A_17 = arith.constant 192 : i32
    "tpu.trace_stop"() : () -> ()
    "tpu.trace_start"() <{level = 10 : i32, message = "ph_publish"}> : () -> ()
    "tpu.region"() ({
      %run_scoped3A = tpu.sem_alloc : memref<!tpu.dma_semaphore, #tpu.memory_space<semaphore_mem>>
      %dma_start3A = arith.constant 0 : i32
      %dma_start3A_48 = tpu.memref_slice %arg5[%add3A, %dma_start3A] : memref<32x102400xi32, #tpu.memory_space<hbm>> -> memref<1x25600xi32, #tpu.memory_space<hbm>>
      %dma_start3A_49 = tpu.memref_squeeze %dma_start3A_48 : memref<1x25600xi32, #tpu.memory_space<hbm>> -> memref<25600xi32, #tpu.memory_space<hbm>>
      %dma_start3A_50 = arith.constant 0 : i32
      %dma_start3A_51 = tpu.memref_slice %arg5[%add3A, %dma_start3A_50] : memref<32x102400xi32, #tpu.memory_space<hbm>> -> memref<1x25600xi32, #tpu.memory_space<hbm>>
      %dma_start3A_52 = tpu.memref_squeeze %dma_start3A_51 : memref<1x25600xi32, #tpu.memory_space<hbm>> -> memref<25600xi32, #tpu.memory_space<hbm>>
      tpu.enqueue_dma source(%arg8 : memref<25600xi32, #tpu.memory_space<vmem>>) target(%dma_start3A_52 : memref<25600xi32, #tpu.memory_space<hbm>>) target_semaphore(%run_scoped3A : memref<!tpu.dma_semaphore, #tpu.memory_space<semaphore_mem>>)
      %dma_wait3A = arith.constant 0 : i32
      %dma_wait3A_53 = tpu.memref_slice %arg5[%add3A, %dma_wait3A] : memref<32x102400xi32, #tpu.memory_space<hbm>> -> memref<1x25600xi32, #tpu.memory_space<hbm>>
      %dma_wait3A_54 = tpu.memref_squeeze %dma_wait3A_53 : memref<1x25600xi32, #tpu.memory_space<hbm>> -> memref<25600xi32, #tpu.memory_space<hbm>>
      %dma_wait3A_55 = arith.constant 0 : i32
      %dma_wait3A_56 = tpu.memref_slice %arg5[%add3A, %dma_wait3A_55] : memref<32x102400xi32, #tpu.memory_space<hbm>> -> memref<1x25600xi32, #tpu.memory_space<hbm>>
      %dma_wait3A_57 = tpu.memref_squeeze %dma_wait3A_56 : memref<1x25600xi32, #tpu.memory_space<hbm>> -> memref<25600xi32, #tpu.memory_space<hbm>>
      tpu.wait_dma2 semaphore(%run_scoped3A : memref<!tpu.dma_semaphore, #tpu.memory_space<semaphore_mem>>) src(%arg8 : memref<25600xi32, #tpu.memory_space<vmem>>) dst(%dma_wait3A_57 : memref<25600xi32, #tpu.memory_space<hbm>>)
      tpu.yield
    }) : () -> ()
    "tpu.region"() ({
      %run_scoped3A = tpu.sem_alloc : memref<!tpu.dma_semaphore, #tpu.memory_space<semaphore_mem>>
      %dma_start3A = arith.constant 0 : i32
      %dma_start3A_48 = tpu.memref_slice %arg6[%add3A, %dma_start3A] : memref<32x102400xi32, #tpu.memory_space<hbm>> -> memref<1x25600xi32, #tpu.memory_space<hbm>>
      %dma_start3A_49 = tpu.memref_squeeze %dma_start3A_48 : memref<1x25600xi32, #tpu.memory_space<hbm>> -> memref<25600xi32, #tpu.memory_space<hbm>>
      %dma_start3A_50 = arith.constant 0 : i32
      %dma_start3A_51 = tpu.memref_slice %arg6[%add3A, %dma_start3A_50] : memref<32x102400xi32, #tpu.memory_space<hbm>> -> memref<1x25600xi32, #tpu.memory_space<hbm>>
      %dma_start3A_52 = tpu.memref_squeeze %dma_start3A_51 : memref<1x25600xi32, #tpu.memory_space<hbm>> -> memref<25600xi32, #tpu.memory_space<hbm>>
      tpu.enqueue_dma source(%arg9 : memref<25600xi32, #tpu.memory_space<vmem>>) target(%dma_start3A_52 : memref<25600xi32, #tpu.memory_space<hbm>>) target_semaphore(%run_scoped3A : memref<!tpu.dma_semaphore, #tpu.memory_space<semaphore_mem>>)
      %dma_wait3A = arith.constant 0 : i32
      %dma_wait3A_53 = tpu.memref_slice %arg6[%add3A, %dma_wait3A] : memref<32x102400xi32, #tpu.memory_space<hbm>> -> memref<1x25600xi32, #tpu.memory_space<hbm>>
      %dma_wait3A_54 = tpu.memref_squeeze %dma_wait3A_53 : memref<1x25600xi32, #tpu.memory_space<hbm>> -> memref<25600xi32, #tpu.memory_space<hbm>>
      %dma_wait3A_55 = arith.constant 0 : i32
      %dma_wait3A_56 = tpu.memref_slice %arg6[%add3A, %dma_wait3A_55] : memref<32x102400xi32, #tpu.memory_space<hbm>> -> memref<1x25600xi32, #tpu.memory_space<hbm>>
      %dma_wait3A_57 = tpu.memref_squeeze %dma_wait3A_56 : memref<1x25600xi32, #tpu.memory_space<hbm>> -> memref<25600xi32, #tpu.memory_space<hbm>>
      tpu.wait_dma2 semaphore(%run_scoped3A : memref<!tpu.dma_semaphore, #tpu.memory_space<semaphore_mem>>) src(%arg9 : memref<25600xi32, #tpu.memory_space<vmem>>) dst(%dma_wait3A_57 : memref<25600xi32, #tpu.memory_space<hbm>>)
      tpu.yield
    }) : () -> ()
    "tpu.region"() ({
      %run_scoped3A = tpu.sem_alloc : memref<!tpu.dma_semaphore, #tpu.memory_space<semaphore_mem>>
      %dma_start3A = arith.constant 0 : i32
      %dma_start3A_48 = tpu.memref_slice %arg7[%add3A, %dma_start3A] : memref<32x102400xi32, #tpu.memory_space<hbm>> -> memref<1x25600xi32, #tpu.memory_space<hbm>>
      %dma_start3A_49 = tpu.memref_squeeze %dma_start3A_48 : memref<1x25600xi32, #tpu.memory_space<hbm>> -> memref<25600xi32, #tpu.memory_space<hbm>>
      %dma_start3A_50 = arith.constant 0 : i32
      %dma_start3A_51 = tpu.memref_slice %arg7[%add3A, %dma_start3A_50] : memref<32x102400xi32, #tpu.memory_space<hbm>> -> memref<1x25600xi32, #tpu.memory_space<hbm>>
      %dma_start3A_52 = tpu.memref_squeeze %dma_start3A_51 : memref<1x25600xi32, #tpu.memory_space<hbm>> -> memref<25600xi32, #tpu.memory_space<hbm>>
      tpu.enqueue_dma source(%arg10 : memref<25600xi32, #tpu.memory_space<vmem>>) target(%dma_start3A_52 : memref<25600xi32, #tpu.memory_space<hbm>>) target_semaphore(%run_scoped3A : memref<!tpu.dma_semaphore, #tpu.memory_space<semaphore_mem>>)
      %dma_wait3A = arith.constant 0 : i32
      %dma_wait3A_53 = tpu.memref_slice %arg7[%add3A, %dma_wait3A] : memref<32x102400xi32, #tpu.memory_space<hbm>> -> memref<1x25600xi32, #tpu.memory_space<hbm>>
      %dma_wait3A_54 = tpu.memref_squeeze %dma_wait3A_53 : memref<1x25600xi32, #tpu.memory_space<hbm>> -> memref<25600xi32, #tpu.memory_space<hbm>>
      %dma_wait3A_55 = arith.constant 0 : i32
      %dma_wait3A_56 = tpu.memref_slice %arg7[%add3A, %dma_wait3A_55] : memref<32x102400xi32, #tpu.memory_space<hbm>> -> memref<1x25600xi32, #tpu.memory_space<hbm>>
      %dma_wait3A_57 = tpu.memref_squeeze %dma_wait3A_56 : memref<1x25600xi32, #tpu.memory_space<hbm>> -> memref<25600xi32, #tpu.memory_space<hbm>>
      tpu.wait_dma2 semaphore(%run_scoped3A : memref<!tpu.dma_semaphore, #tpu.memory_space<semaphore_mem>>) src(%arg10 : memref<25600xi32, #tpu.memory_space<vmem>>) dst(%dma_wait3A_57 : memref<25600xi32, #tpu.memory_space<hbm>>)
      tpu.yield
    }) : () -> ()
    "tpu.trace_stop"() : () -> ()
    "tpu.trace_start"() <{level = 10 : i32, message = "ph_memset"}> : () -> ()
    %scan3A_18 = arith.constant 0 : i32
    %scan3A_19 = arith.constant 1600 : i32
    %scan3A_20 = arith.addi %scan3A_18, %scan3A_19 : i32
    %scan3A_21 = arith.constant 1 : i32
    scf.for %scan3A_48 = %scan3A_18 to %scan3A_20 step %scan3A_21  : i32 {
      %mul3A_49 = arith.constant 1 : i32
      %mul3A_50 = arith.muli %scan3A_48, %mul3A_49 : i32
      %add3A_51 = arith.constant 0 : i32
      %add3A_52 = arith.addi %add3A_51, %mul3A_50 : i32
      %broadcast_in_dim3A = arith.constant -1 : i32
      %broadcast_in_dim3A_53 = vector.broadcast %broadcast_in_dim3A : i32 to vector<16xi32>
      %mul3A_54 = arith.constant 16 : i32
      %mul3A_55 = arith.muli %add3A_52, %mul3A_54 : i32
      %swap3A = arith.index_cast %mul3A_55 : i32 to index
      %swap3A_56 = tpu.vector_load %arg8[%swap3A] {strides = array<i32>} : memref<25600xi32, #tpu.memory_space<vmem>>, vector<16xi32>,
      tpu.vector_store %arg8[%swap3A], %broadcast_in_dim3A_53 {strides = array<i32>} : memref<25600xi32, #tpu.memory_space<vmem>>, vector<16xi32>,
    }
    %scan3A_22 = arith.constant 1600 : i32
    "tpu.trace_stop"() : () -> ()
    "tpu.trace_start"() <{level = 10 : i32, message = "ph_localscan"}> : () -> ()
    %scan3A_23 = arith.constant 0 : i32
    %scan3A_24 = arith.constant 192 : i32
    %scan3A_25 = arith.addi %scan3A_23, %scan3A_24 : i32
    %scan3A_26 = arith.constant 1 : i32
    scf.for %scan3A_48 = %scan3A_23 to %scan3A_25 step %scan3A_26  : i32 {
      %mul3A_49 = arith.constant 1 : i32
      %mul3A_50 = arith.muli %scan3A_48, %mul3A_49 : i32
      %add3A_51 = arith.constant 0 : i32
      %add3A_52 = arith.addi %add3A_51, %mul3A_50 : i32
      %mul3A_53 = arith.constant 16 : i32
      %mul3A_54 = arith.muli %add3A_52, %mul3A_53 : i32
      %get3A = arith.index_cast %mul3A_54 : i32 to index
      %get3A_55 = tpu.vector_load %arg11[%get3A] {strides = array<i32>} : memref<3072xi32, #tpu.memory_space<vmem>>, vector<16xi32>,
      %sub3A = arith.constant 25600 : i32
      %sub3A_56 = vector.broadcast %sub3A : i32 to vector<16xi32>
      %sub3A_57 = arith.subi %get3A_55, %sub3A_56 : vector<16xi32>
      %ge3A = arith.constant 0 : i32
      %ge3A_58 = vector.broadcast %ge3A : i32 to vector<16xi32>
      %ge3A_59 = arith.cmpi sge, %sub3A_57, %ge3A_58 : vector<16xi32>
      %lt3A = arith.constant 25600 : i32
      %lt3A_60 = vector.broadcast %lt3A : i32 to vector<16xi32>
      %lt3A_61 = arith.cmpi slt, %sub3A_57, %lt3A_60 : vector<16xi32>
      %and3A = arith.andi %ge3A_59, %lt3A_61 : vector<16xi1>
      %shift_left3A = arith.constant 12 : i32
      %shift_left3A_62 = vector.broadcast %shift_left3A : i32 to vector<16xi32>
      %shift_left3A_63 = arith.shli %sub3A_57, %shift_left3A_62 : vector<16xi32>
      %mul3A_64 = arith.constant 16 : i32
      %mul3A_65 = arith.muli %add3A_52, %mul3A_64 : i32
      %add3A_66 = vector.broadcast %mul3A_65 : i32 to vector<16xi32>
      %add3A_67 = arith.addi %add3A_66, %iota3A : vector<16xi32>
      %or3A = arith.ori %shift_left3A_63, %add3A_67 : vector<16xi32>
      %jit3A = arith.constant 2147483647 : i32
      %broadcast_in_dim3A = vector.broadcast %jit3A : i32 to vector<16xi32>
      %select_n3A = arith.select %and3A, %or3A, %broadcast_in_dim3A : vector<16xi1>, vector<16xi32>
      %get3A_68 = arith.index_cast %mul3A_54 : i32 to index
      %get3A_69 = tpu.vector_load %arg12[%get3A_68] {strides = array<i32>} : memref<3072xi32, #tpu.memory_space<vmem>>, vector<16xi32>,
      %masked_sort3A = arith.constant dense<true> : vector<16xi1>
      %masked_sort3A_70 = arith.constant -2147483648 : i32
      %masked_sort3A_71 = vector.broadcast %masked_sort3A_70 : i32 to vector<16xi32>
      %masked_sort3A_72 = arith.xori %select_n3A, %masked_sort3A_71 : vector<16xi32>
      %masked_sort3A_73, %masked_sort3A_74, %masked_sort3A_75 = tpu.sort %masked_sort3A_72, %get3A_69 masked %masked_sort3A : (vector<16xi32>, vector<16xi32>, vector<16xi1>) -> (vector<16xi1>, vector<16xi32>, vector<16xi32>)
      %masked_sort3A_76 = arith.xori %masked_sort3A_74, %masked_sort3A_71 : vector<16xi32>
      %get3A_77 = arith.index_cast %mul3A_54 : i32 to index
      %get3A_78 = tpu.vector_load %arg13[%get3A_77] {strides = array<i32>} : memref<3072xi32, #tpu.memory_space<vmem>>, vector<16xi32>,
      %masked_sort3A_79 = arith.constant dense<true> : vector<16xi1>
      %masked_sort3A_80 = arith.constant -2147483648 : i32
      %masked_sort3A_81 = vector.broadcast %masked_sort3A_80 : i32 to vector<16xi32>
      %masked_sort3A_82 = arith.xori %select_n3A, %masked_sort3A_81 : vector<16xi32>
      %masked_sort3A_83, %masked_sort3A_84, %masked_sort3A_85 = tpu.sort %masked_sort3A_82, %get3A_78 masked %masked_sort3A_79 : (vector<16xi32>, vector<16xi32>, vector<16xi1>) -> (vector<16xi1>, vector<16xi32>, vector<16xi32>)
      %masked_sort3A_86 = arith.xori %masked_sort3A_84, %masked_sort3A_81 : vector<16xi32>
      %shift_right_logical3A = arith.constant 12 : i32
      %shift_right_logical3A_87 = vector.broadcast %shift_right_logical3A : i32 to vector<16xi32>
      %shift_right_logical3A_88 = arith.shrui %masked_sort3A_76, %shift_right_logical3A_87 : vector<16xi32>
      %add3A_89 = arith.constant 1 : i32
      %add3A_90 = vector.broadcast %add3A_89 : i32 to vector<16xi32>
      %add3A_91 = arith.addi %iota3A, %add3A_90 : vector<16xi32>
      %min3A = arith.constant 15 : i32
      %min3A_92 = vector.broadcast %min3A : i32 to vector<16xi32>
      %min3A_93 = arith.minsi %add3A_91, %min3A_92 : vector<16xi32>
      %broadcast_in_dim3A_94 = vector.shape_cast %min3A_93 : vector<16xi32> to vector<16x1xi32>
      %gather3A = vector.shape_cast %broadcast_in_dim3A_94 : vector<16x1xi32> to vector<16xi32>
      %gather3A_95 = tpu.dynamic_gather %shift_right_logical3A_88[%gather3A] in [0] : vector<16xi32>, vector<16xi32> -> vector<16xi32>
      %ne3A = arith.cmpi ne, %shift_right_logical3A_88, %gather3A_95 : vector<16xi32>
      %eq3A = arith.constant 15 : i32
      %eq3A_96 = vector.broadcast %eq3A : i32 to vector<16xi32>
      %eq3A_97 = arith.cmpi eq, %iota3A, %eq3A_96 : vector<16xi32>
      %or3A_98 = arith.ori %ne3A, %eq3A_97 : vector<16xi1>
      %ne3A_99 = arith.constant 2147483647 : i32
      %ne3A_100 = vector.broadcast %ne3A_99 : i32 to vector<16xi32>
      %ne3A_101 = arith.cmpi ne, %masked_sort3A_76, %ne3A_100 : vector<16xi32>
      %and3A_102 = arith.andi %or3A_98, %ne3A_101 : vector<16xi1>
      %and3A_103 = arith.constant 4095 : i32
      %and3A_104 = vector.broadcast %and3A_103 : i32 to vector<16xi32>
      %and3A_105 = arith.andi %masked_sort3A_76, %and3A_104 : vector<16xi32>
      %add3A_106 = vector.broadcast %mul3A_8 : i32 to vector<16xi32>
      %add3A_107 = arith.addi %and3A_105, %add3A_106 : vector<16xi32>
      tpu.vector_store_idx %arg8[%shift_right_logical3A_88], %add3A_107 masked %and3A_102 : memref<25600xi32, #tpu.memory_space<vmem>>[vector<16xi32>], vector<16xi32>, vector<16xi1>
      tpu.vector_store_idx %arg9[%shift_right_logical3A_88], %masked_sort3A_75 masked %and3A_102 : memref<25600xi32, #tpu.memory_space<vmem>>[vector<16xi32>], vector<16xi32>, vector<16xi1>
      tpu.vector_store_idx %arg10[%shift_right_logical3A_88], %masked_sort3A_85 masked %and3A_102 : memref<25600xi32, #tpu.memory_space<vmem>>[vector<16xi32>], vector<16xi32>, vector<16xi1>
    }
    %scan3A_27 = arith.constant 192 : i32
    "tpu.trace_stop"() : () -> ()
    "tpu.trace_start"() <{level = 10 : i32, message = "ph_publish"}> : () -> ()
    "tpu.region"() ({
      %run_scoped3A = tpu.sem_alloc : memref<!tpu.dma_semaphore, #tpu.memory_space<semaphore_mem>>
      %dma_start3A = arith.constant 25600 : i32
      %dma_start3A_48 = tpu.memref_slice %arg5[%add3A, %dma_start3A] : memref<32x102400xi32, #tpu.memory_space<hbm>> -> memref<1x25600xi32, #tpu.memory_space<hbm>>
      %dma_start3A_49 = tpu.memref_squeeze %dma_start3A_48 : memref<1x25600xi32, #tpu.memory_space<hbm>> -> memref<25600xi32, #tpu.memory_space<hbm>>
      %dma_start3A_50 = arith.constant 25600 : i32
      %dma_start3A_51 = tpu.memref_slice %arg5[%add3A, %dma_start3A_50] : memref<32x102400xi32, #tpu.memory_space<hbm>> -> memref<1x25600xi32, #tpu.memory_space<hbm>>
      %dma_start3A_52 = tpu.memref_squeeze %dma_start3A_51 : memref<1x25600xi32, #tpu.memory_space<hbm>> -> memref<25600xi32, #tpu.memory_space<hbm>>
      tpu.enqueue_dma source(%arg8 : memref<25600xi32, #tpu.memory_space<vmem>>) target(%dma_start3A_52 : memref<25600xi32, #tpu.memory_space<hbm>>) target_semaphore(%run_scoped3A : memref<!tpu.dma_semaphore, #tpu.memory_space<semaphore_mem>>)
      %dma_wait3A = arith.constant 25600 : i32
      %dma_wait3A_53 = tpu.memref_slice %arg5[%add3A, %dma_wait3A] : memref<32x102400xi32, #tpu.memory_space<hbm>> -> memref<1x25600xi32, #tpu.memory_space<hbm>>
      %dma_wait3A_54 = tpu.memref_squeeze %dma_wait3A_53 : memref<1x25600xi32, #tpu.memory_space<hbm>> -> memref<25600xi32, #tpu.memory_space<hbm>>
      %dma_wait3A_55 = arith.constant 25600 : i32
      %dma_wait3A_56 = tpu.memref_slice %arg5[%add3A, %dma_wait3A_55] : memref<32x102400xi32, #tpu.memory_space<hbm>> -> memref<1x25600xi32, #tpu.memory_space<hbm>>
      %dma_wait3A_57 = tpu.memref_squeeze %dma_wait3A_56 : memref<1x25600xi32, #tpu.memory_space<hbm>> -> memref<25600xi32, #tpu.memory_space<hbm>>
      tpu.wait_dma2 semaphore(%run_scoped3A : memref<!tpu.dma_semaphore, #tpu.memory_space<semaphore_mem>>) src(%arg8 : memref<25600xi32, #tpu.memory_space<vmem>>) dst(%dma_wait3A_57 : memref<25600xi32, #tpu.memory_space<hbm>>)
      tpu.yield
    }) : () -> ()
    "tpu.region"() ({
      %run_scoped3A = tpu.sem_alloc : memref<!tpu.dma_semaphore, #tpu.memory_space<semaphore_mem>>
      %dma_start3A = arith.constant 25600 : i32
      %dma_start3A_48 = tpu.memref_slice %arg6[%add3A, %dma_start3A] : memref<32x102400xi32, #tpu.memory_space<hbm>> -> memref<1x25600xi32, #tpu.memory_space<hbm>>
      %dma_start3A_49 = tpu.memref_squeeze %dma_start3A_48 : memref<1x25600xi32, #tpu.memory_space<hbm>> -> memref<25600xi32, #tpu.memory_space<hbm>>
      %dma_start3A_50 = arith.constant 25600 : i32
      %dma_start3A_51 = tpu.memref_slice %arg6[%add3A, %dma_start3A_50] : memref<32x102400xi32, #tpu.memory_space<hbm>> -> memref<1x25600xi32, #tpu.memory_space<hbm>>
      %dma_start3A_52 = tpu.memref_squeeze %dma_start3A_51 : memref<1x25600xi32, #tpu.memory_space<hbm>> -> memref<25600xi32, #tpu.memory_space<hbm>>
      tpu.enqueue_dma source(%arg9 : memref<25600xi32, #tpu.memory_space<vmem>>) target(%dma_start3A_52 : memref<25600xi32, #tpu.memory_space<hbm>>) target_semaphore(%run_scoped3A : memref<!tpu.dma_semaphore, #tpu.memory_space<semaphore_mem>>)
      %dma_wait3A = arith.constant 25600 : i32
      %dma_wait3A_53 = tpu.memref_slice %arg6[%add3A, %dma_wait3A] : memref<32x102400xi32, #tpu.memory_space<hbm>> -> memref<1x25600xi32, #tpu.memory_space<hbm>>
      %dma_wait3A_54 = tpu.memref_squeeze %dma_wait3A_53 : memref<1x25600xi32, #tpu.memory_space<hbm>> -> memref<25600xi32, #tpu.memory_space<hbm>>
      %dma_wait3A_55 = arith.constant 25600 : i32
      %dma_wait3A_56 = tpu.memref_slice %arg6[%add3A, %dma_wait3A_55] : memref<32x102400xi32, #tpu.memory_space<hbm>> -> memref<1x25600xi32, #tpu.memory_space<hbm>>
      %dma_wait3A_57 = tpu.memref_squeeze %dma_wait3A_56 : memref<1x25600xi32, #tpu.memory_space<hbm>> -> memref<25600xi32, #tpu.memory_space<hbm>>
      tpu.wait_dma2 semaphore(%run_scoped3A : memref<!tpu.dma_semaphore, #tpu.memory_space<semaphore_mem>>) src(%arg9 : memref<25600xi32, #tpu.memory_space<vmem>>) dst(%dma_wait3A_57 : memref<25600xi32, #tpu.memory_space<hbm>>)
      tpu.yield
    }) : () -> ()
    "tpu.region"() ({
      %run_scoped3A = tpu.sem_alloc : memref<!tpu.dma_semaphore, #tpu.memory_space<semaphore_mem>>
      %dma_start3A = arith.constant 25600 : i32
      %dma_start3A_48 = tpu.memref_slice %arg7[%add3A, %dma_start3A] : memref<32x102400xi32, #tpu.memory_space<hbm>> -> memref<1x25600xi32, #tpu.memory_space<hbm>>
      %dma_start3A_49 = tpu.memref_squeeze %dma_start3A_48 : memref<1x25600xi32, #tpu.memory_space<hbm>> -> memref<25600xi32, #tpu.memory_space<hbm>>
      %dma_start3A_50 = arith.constant 25600 : i32
      %dma_start3A_51 = tpu.memref_slice %arg7[%add3A, %dma_start3A_50] : memref<32x102400xi32, #tpu.memory_space<hbm>> -> memref<1x25600xi32, #tpu.memory_space<hbm>>
      %dma_start3A_52 = tpu.memref_squeeze %dma_start3A_51 : memref<1x25600xi32, #tpu.memory_space<hbm>> -> memref<25600xi32, #tpu.memory_space<hbm>>
      tpu.enqueue_dma source(%arg10 : memref<25600xi32, #tpu.memory_space<vmem>>) target(%dma_start3A_52 : memref<25600xi32, #tpu.memory_space<hbm>>) target_semaphore(%run_scoped3A : memref<!tpu.dma_semaphore, #tpu.memory_space<semaphore_mem>>)
      %dma_wait3A = arith.constant 25600 : i32
      %dma_wait3A_53 = tpu.memref_slice %arg7[%add3A, %dma_wait3A] : memref<32x102400xi32, #tpu.memory_space<hbm>> -> memref<1x25600xi32, #tpu.memory_space<hbm>>
      %dma_wait3A_54 = tpu.memref_squeeze %dma_wait3A_53 : memref<1x25600xi32, #tpu.memory_space<hbm>> -> memref<25600xi32, #tpu.memory_space<hbm>>
      %dma_wait3A_55 = arith.constant 25600 : i32
      %dma_wait3A_56 = tpu.memref_slice %arg7[%add3A, %dma_wait3A_55] : memref<32x102400xi32, #tpu.memory_space<hbm>> -> memref<1x25600xi32, #tpu.memory_space<hbm>>
      %dma_wait3A_57 = tpu.memref_squeeze %dma_wait3A_56 : memref<1x25600xi32, #tpu.memory_space<hbm>> -> memref<25600xi32, #tpu.memory_space<hbm>>
      tpu.wait_dma2 semaphore(%run_scoped3A : memref<!tpu.dma_semaphore, #tpu.memory_space<semaphore_mem>>) src(%arg10 : memref<25600xi32, #tpu.memory_space<vmem>>) dst(%dma_wait3A_57 : memref<25600xi32, #tpu.memory_space<hbm>>)
      tpu.yield
    }) : () -> ()
    "tpu.trace_stop"() : () -> ()
    "tpu.trace_start"() <{level = 10 : i32, message = "ph_memset"}> : () -> ()
    %scan3A_28 = arith.constant 0 : i32
    %scan3A_29 = arith.constant 1600 : i32
    %scan3A_30 = arith.addi %scan3A_28, %scan3A_29 : i32
    %scan3A_31 = arith.constant 1 : i32
    scf.for %scan3A_48 = %scan3A_28 to %scan3A_30 step %scan3A_31  : i32 {
      %mul3A_49 = arith.constant 1 : i32
      %mul3A_50 = arith.muli %scan3A_48, %mul3A_49 : i32
      %add3A_51 = arith.constant 0 : i32
      %add3A_52 = arith.addi %add3A_51, %mul3A_50 : i32
      %broadcast_in_dim3A = arith.constant -1 : i32
      %broadcast_in_dim3A_53 = vector.broadcast %broadcast_in_dim3A : i32 to vector<16xi32>
      %mul3A_54 = arith.constant 16 : i32
      %mul3A_55 = arith.muli %add3A_52, %mul3A_54 : i32
      %swap3A = arith.index_cast %mul3A_55 : i32 to index
      %swap3A_56 = tpu.vector_load %arg8[%swap3A] {strides = array<i32>} : memref<25600xi32, #tpu.memory_space<vmem>>, vector<16xi32>,
      tpu.vector_store %arg8[%swap3A], %broadcast_in_dim3A_53 {strides = array<i32>} : memref<25600xi32, #tpu.memory_space<vmem>>, vector<16xi32>,
    }
    %scan3A_32 = arith.constant 1600 : i32
    "tpu.trace_stop"() : () -> ()
    "tpu.trace_start"() <{level = 10 : i32, message = "ph_localscan"}> : () -> ()
    %scan3A_33 = arith.constant 0 : i32
    %scan3A_34 = arith.constant 192 : i32
    %scan3A_35 = arith.addi %scan3A_33, %scan3A_34 : i32
    %scan3A_36 = arith.constant 1 : i32
    scf.for %scan3A_48 = %scan3A_33 to %scan3A_35 step %scan3A_36  : i32 {
      %mul3A_49 = arith.constant 1 : i32
      %mul3A_50 = arith.muli %scan3A_48, %mul3A_49 : i32
      %add3A_51 = arith.constant 0 : i32
      %add3A_52 = arith.addi %add3A_51, %mul3A_50 : i32
      %mul3A_53 = arith.constant 16 : i32
      %mul3A_54 = arith.muli %add3A_52, %mul3A_53 : i32
      %get3A = arith.index_cast %mul3A_54 : i32 to index
      %get3A_55 = tpu.vector_load %arg11[%get3A] {strides = array<i32>} : memref<3072xi32, #tpu.memory_space<vmem>>, vector<16xi32>,
      %sub3A = arith.constant 51200 : i32
      %sub3A_56 = vector.broadcast %sub3A : i32 to vector<16xi32>
      %sub3A_57 = arith.subi %get3A_55, %sub3A_56 : vector<16xi32>
      %ge3A = arith.constant 0 : i32
      %ge3A_58 = vector.broadcast %ge3A : i32 to vector<16xi32>
      %ge3A_59 = arith.cmpi sge, %sub3A_57, %ge3A_58 : vector<16xi32>
      %lt3A = arith.constant 25600 : i32
      %lt3A_60 = vector.broadcast %lt3A : i32 to vector<16xi32>
      %lt3A_61 = arith.cmpi slt, %sub3A_57, %lt3A_60 : vector<16xi32>
      %and3A = arith.andi %ge3A_59, %lt3A_61 : vector<16xi1>
      %shift_left3A = arith.constant 12 : i32
      %shift_left3A_62 = vector.broadcast %shift_left3A : i32 to vector<16xi32>
      %shift_left3A_63 = arith.shli %sub3A_57, %shift_left3A_62 : vector<16xi32>
      %mul3A_64 = arith.constant 16 : i32
      %mul3A_65 = arith.muli %add3A_52, %mul3A_64 : i32
      %add3A_66 = vector.broadcast %mul3A_65 : i32 to vector<16xi32>
      %add3A_67 = arith.addi %add3A_66, %iota3A : vector<16xi32>
      %or3A = arith.ori %shift_left3A_63, %add3A_67 : vector<16xi32>
      %jit3A = arith.constant 2147483647 : i32
      %broadcast_in_dim3A = vector.broadcast %jit3A : i32 to vector<16xi32>
      %select_n3A = arith.select %and3A, %or3A, %broadcast_in_dim3A : vector<16xi1>, vector<16xi32>
      %get3A_68 = arith.index_cast %mul3A_54 : i32 to index
      %get3A_69 = tpu.vector_load %arg12[%get3A_68] {strides = array<i32>} : memref<3072xi32, #tpu.memory_space<vmem>>, vector<16xi32>,
      %masked_sort3A = arith.constant dense<true> : vector<16xi1>
      %masked_sort3A_70 = arith.constant -2147483648 : i32
      %masked_sort3A_71 = vector.broadcast %masked_sort3A_70 : i32 to vector<16xi32>
      %masked_sort3A_72 = arith.xori %select_n3A, %masked_sort3A_71 : vector<16xi32>
      %masked_sort3A_73, %masked_sort3A_74, %masked_sort3A_75 = tpu.sort %masked_sort3A_72, %get3A_69 masked %masked_sort3A : (vector<16xi32>, vector<16xi32>, vector<16xi1>) -> (vector<16xi1>, vector<16xi32>, vector<16xi32>)
      %masked_sort3A_76 = arith.xori %masked_sort3A_74, %masked_sort3A_71 : vector<16xi32>
      %get3A_77 = arith.index_cast %mul3A_54 : i32 to index
      %get3A_78 = tpu.vector_load %arg13[%get3A_77] {strides = array<i32>} : memref<3072xi32, #tpu.memory_space<vmem>>, vector<16xi32>,
      %masked_sort3A_79 = arith.constant dense<true> : vector<16xi1>
      %masked_sort3A_80 = arith.constant -2147483648 : i32
      %masked_sort3A_81 = vector.broadcast %masked_sort3A_80 : i32 to vector<16xi32>
      %masked_sort3A_82 = arith.xori %select_n3A, %masked_sort3A_81 : vector<16xi32>
      %masked_sort3A_83, %masked_sort3A_84, %masked_sort3A_85 = tpu.sort %masked_sort3A_82, %get3A_78 masked %masked_sort3A_79 : (vector<16xi32>, vector<16xi32>, vector<16xi1>) -> (vector<16xi1>, vector<16xi32>, vector<16xi32>)
      %masked_sort3A_86 = arith.xori %masked_sort3A_84, %masked_sort3A_81 : vector<16xi32>
      %shift_right_logical3A = arith.constant 12 : i32
      %shift_right_logical3A_87 = vector.broadcast %shift_right_logical3A : i32 to vector<16xi32>
      %shift_right_logical3A_88 = arith.shrui %masked_sort3A_76, %shift_right_logical3A_87 : vector<16xi32>
      %add3A_89 = arith.constant 1 : i32
      %add3A_90 = vector.broadcast %add3A_89 : i32 to vector<16xi32>
      %add3A_91 = arith.addi %iota3A, %add3A_90 : vector<16xi32>
      %min3A = arith.constant 15 : i32
      %min3A_92 = vector.broadcast %min3A : i32 to vector<16xi32>
      %min3A_93 = arith.minsi %add3A_91, %min3A_92 : vector<16xi32>
      %broadcast_in_dim3A_94 = vector.shape_cast %min3A_93 : vector<16xi32> to vector<16x1xi32>
      %gather3A = vector.shape_cast %broadcast_in_dim3A_94 : vector<16x1xi32> to vector<16xi32>
      %gather3A_95 = tpu.dynamic_gather %shift_right_logical3A_88[%gather3A] in [0] : vector<16xi32>, vector<16xi32> -> vector<16xi32>
      %ne3A = arith.cmpi ne, %shift_right_logical3A_88, %gather3A_95 : vector<16xi32>
      %eq3A = arith.constant 15 : i32
      %eq3A_96 = vector.broadcast %eq3A : i32 to vector<16xi32>
      %eq3A_97 = arith.cmpi eq, %iota3A, %eq3A_96 : vector<16xi32>
      %or3A_98 = arith.ori %ne3A, %eq3A_97 : vector<16xi1>
      %ne3A_99 = arith.constant 2147483647 : i32
      %ne3A_100 = vector.broadcast %ne3A_99 : i32 to vector<16xi32>
      %ne3A_101 = arith.cmpi ne, %masked_sort3A_76, %ne3A_100 : vector<16xi32>
      %and3A_102 = arith.andi %or3A_98, %ne3A_101 : vector<16xi1>
      %and3A_103 = arith.constant 4095 : i32
      %and3A_104 = vector.broadcast %and3A_103 : i32 to vector<16xi32>
      %and3A_105 = arith.andi %masked_sort3A_76, %and3A_104 : vector<16xi32>
      %add3A_106 = vector.broadcast %mul3A_8 : i32 to vector<16xi32>
      %add3A_107 = arith.addi %and3A_105, %add3A_106 : vector<16xi32>
      tpu.vector_store_idx %arg8[%shift_right_logical3A_88], %add3A_107 masked %and3A_102 : memref<25600xi32, #tpu.memory_space<vmem>>[vector<16xi32>], vector<16xi32>, vector<16xi1>
      tpu.vector_store_idx %arg9[%shift_right_logical3A_88], %masked_sort3A_75 masked %and3A_102 : memref<25600xi32, #tpu.memory_space<vmem>>[vector<16xi32>], vector<16xi32>, vector<16xi1>
      tpu.vector_store_idx %arg10[%shift_right_logical3A_88], %masked_sort3A_85 masked %and3A_102 : memref<25600xi32, #tpu.memory_space<vmem>>[vector<16xi32>], vector<16xi32>, vector<16xi1>
    }
    %scan3A_37 = arith.constant 192 : i32
    "tpu.trace_stop"() : () -> ()
    "tpu.trace_start"() <{level = 10 : i32, message = "ph_publish"}> : () -> ()
    "tpu.region"() ({
      %run_scoped3A = tpu.sem_alloc : memref<!tpu.dma_semaphore, #tpu.memory_space<semaphore_mem>>
      %dma_start3A = arith.constant 51200 : i32
      %dma_start3A_48 = tpu.memref_slice %arg5[%add3A, %dma_start3A] : memref<32x102400xi32, #tpu.memory_space<hbm>> -> memref<1x25600xi32, #tpu.memory_space<hbm>>
      %dma_start3A_49 = tpu.memref_squeeze %dma_start3A_48 : memref<1x25600xi32, #tpu.memory_space<hbm>> -> memref<25600xi32, #tpu.memory_space<hbm>>
      %dma_start3A_50 = arith.constant 51200 : i32
      %dma_start3A_51 = tpu.memref_slice %arg5[%add3A, %dma_start3A_50] : memref<32x102400xi32, #tpu.memory_space<hbm>> -> memref<1x25600xi32, #tpu.memory_space<hbm>>
      %dma_start3A_52 = tpu.memref_squeeze %dma_start3A_51 : memref<1x25600xi32, #tpu.memory_space<hbm>> -> memref<25600xi32, #tpu.memory_space<hbm>>
      tpu.enqueue_dma source(%arg8 : memref<25600xi32, #tpu.memory_space<vmem>>) target(%dma_start3A_52 : memref<25600xi32, #tpu.memory_space<hbm>>) target_semaphore(%run_scoped3A : memref<!tpu.dma_semaphore, #tpu.memory_space<semaphore_mem>>)
      %dma_wait3A = arith.constant 51200 : i32
      %dma_wait3A_53 = tpu.memref_slice %arg5[%add3A, %dma_wait3A] : memref<32x102400xi32, #tpu.memory_space<hbm>> -> memref<1x25600xi32, #tpu.memory_space<hbm>>
      %dma_wait3A_54 = tpu.memref_squeeze %dma_wait3A_53 : memref<1x25600xi32, #tpu.memory_space<hbm>> -> memref<25600xi32, #tpu.memory_space<hbm>>
      %dma_wait3A_55 = arith.constant 51200 : i32
      %dma_wait3A_56 = tpu.memref_slice %arg5[%add3A, %dma_wait3A_55] : memref<32x102400xi32, #tpu.memory_space<hbm>> -> memref<1x25600xi32, #tpu.memory_space<hbm>>
      %dma_wait3A_57 = tpu.memref_squeeze %dma_wait3A_56 : memref<1x25600xi32, #tpu.memory_space<hbm>> -> memref<25600xi32, #tpu.memory_space<hbm>>
      tpu.wait_dma2 semaphore(%run_scoped3A : memref<!tpu.dma_semaphore, #tpu.memory_space<semaphore_mem>>) src(%arg8 : memref<25600xi32, #tpu.memory_space<vmem>>) dst(%dma_wait3A_57 : memref<25600xi32, #tpu.memory_space<hbm>>)
      tpu.yield
    }) : () -> ()
    "tpu.region"() ({
      %run_scoped3A = tpu.sem_alloc : memref<!tpu.dma_semaphore, #tpu.memory_space<semaphore_mem>>
      %dma_start3A = arith.constant 51200 : i32
      %dma_start3A_48 = tpu.memref_slice %arg6[%add3A, %dma_start3A] : memref<32x102400xi32, #tpu.memory_space<hbm>> -> memref<1x25600xi32, #tpu.memory_space<hbm>>
      %dma_start3A_49 = tpu.memref_squeeze %dma_start3A_48 : memref<1x25600xi32, #tpu.memory_space<hbm>> -> memref<25600xi32, #tpu.memory_space<hbm>>
      %dma_start3A_50 = arith.constant 51200 : i32
      %dma_start3A_51 = tpu.memref_slice %arg6[%add3A, %dma_start3A_50] : memref<32x102400xi32, #tpu.memory_space<hbm>> -> memref<1x25600xi32, #tpu.memory_space<hbm>>
      %dma_start3A_52 = tpu.memref_squeeze %dma_start3A_51 : memref<1x25600xi32, #tpu.memory_space<hbm>> -> memref<25600xi32, #tpu.memory_space<hbm>>
      tpu.enqueue_dma source(%arg9 : memref<25600xi32, #tpu.memory_space<vmem>>) target(%dma_start3A_52 : memref<25600xi32, #tpu.memory_space<hbm>>) target_semaphore(%run_scoped3A : memref<!tpu.dma_semaphore, #tpu.memory_space<semaphore_mem>>)
      %dma_wait3A = arith.constant 51200 : i32
      %dma_wait3A_53 = tpu.memref_slice %arg6[%add3A, %dma_wait3A] : memref<32x102400xi32, #tpu.memory_space<hbm>> -> memref<1x25600xi32, #tpu.memory_space<hbm>>
      %dma_wait3A_54 = tpu.memref_squeeze %dma_wait3A_53 : memref<1x25600xi32, #tpu.memory_space<hbm>> -> memref<25600xi32, #tpu.memory_space<hbm>>
      %dma_wait3A_55 = arith.constant 51200 : i32
      %dma_wait3A_56 = tpu.memref_slice %arg6[%add3A, %dma_wait3A_55] : memref<32x102400xi32, #tpu.memory_space<hbm>> -> memref<1x25600xi32, #tpu.memory_space<hbm>>
      %dma_wait3A_57 = tpu.memref_squeeze %dma_wait3A_56 : memref<1x25600xi32, #tpu.memory_space<hbm>> -> memref<25600xi32, #tpu.memory_space<hbm>>
      tpu.wait_dma2 semaphore(%run_scoped3A : memref<!tpu.dma_semaphore, #tpu.memory_space<semaphore_mem>>) src(%arg9 : memref<25600xi32, #tpu.memory_space<vmem>>) dst(%dma_wait3A_57 : memref<25600xi32, #tpu.memory_space<hbm>>)
      tpu.yield
    }) : () -> ()
    "tpu.region"() ({
      %run_scoped3A = tpu.sem_alloc : memref<!tpu.dma_semaphore, #tpu.memory_space<semaphore_mem>>
      %dma_start3A = arith.constant 51200 : i32
      %dma_start3A_48 = tpu.memref_slice %arg7[%add3A, %dma_start3A] : memref<32x102400xi32, #tpu.memory_space<hbm>> -> memref<1x25600xi32, #tpu.memory_space<hbm>>
      %dma_start3A_49 = tpu.memref_squeeze %dma_start3A_48 : memref<1x25600xi32, #tpu.memory_space<hbm>> -> memref<25600xi32, #tpu.memory_space<hbm>>
      %dma_start3A_50 = arith.constant 51200 : i32
      %dma_start3A_51 = tpu.memref_slice %arg7[%add3A, %dma_start3A_50] : memref<32x102400xi32, #tpu.memory_space<hbm>> -> memref<1x25600xi32, #tpu.memory_space<hbm>>
      %dma_start3A_52 = tpu.memref_squeeze %dma_start3A_51 : memref<1x25600xi32, #tpu.memory_space<hbm>> -> memref<25600xi32, #tpu.memory_space<hbm>>
      tpu.enqueue_dma source(%arg10 : memref<25600xi32, #tpu.memory_space<vmem>>) target(%dma_start3A_52 : memref<25600xi32, #tpu.memory_space<hbm>>) target_semaphore(%run_scoped3A : memref<!tpu.dma_semaphore, #tpu.memory_space<semaphore_mem>>)
      %dma_wait3A = arith.constant 51200 : i32
      %dma_wait3A_53 = tpu.memref_slice %arg7[%add3A, %dma_wait3A] : memref<32x102400xi32, #tpu.memory_space<hbm>> -> memref<1x25600xi32, #tpu.memory_space<hbm>>
      %dma_wait3A_54 = tpu.memref_squeeze %dma_wait3A_53 : memref<1x25600xi32, #tpu.memory_space<hbm>> -> memref<25600xi32, #tpu.memory_space<hbm>>
      %dma_wait3A_55 = arith.constant 51200 : i32
      %dma_wait3A_56 = tpu.memref_slice %arg7[%add3A, %dma_wait3A_55] : memref<32x102400xi32, #tpu.memory_space<hbm>> -> memref<1x25600xi32, #tpu.memory_space<hbm>>
      %dma_wait3A_57 = tpu.memref_squeeze %dma_wait3A_56 : memref<1x25600xi32, #tpu.memory_space<hbm>> -> memref<25600xi32, #tpu.memory_space<hbm>>
      tpu.wait_dma2 semaphore(%run_scoped3A : memref<!tpu.dma_semaphore, #tpu.memory_space<semaphore_mem>>) src(%arg10 : memref<25600xi32, #tpu.memory_space<vmem>>) dst(%dma_wait3A_57 : memref<25600xi32, #tpu.memory_space<hbm>>)
      tpu.yield
    }) : () -> ()
    "tpu.trace_stop"() : () -> ()
    "tpu.trace_start"() <{level = 10 : i32, message = "ph_memset"}> : () -> ()
    %scan3A_38 = arith.constant 0 : i32
    %scan3A_39 = arith.constant 1600 : i32
    %scan3A_40 = arith.addi %scan3A_38, %scan3A_39 : i32
    %scan3A_41 = arith.constant 1 : i32
    scf.for %scan3A_48 = %scan3A_38 to %scan3A_40 step %scan3A_41  : i32 {
      %mul3A_49 = arith.constant 1 : i32
      %mul3A_50 = arith.muli %scan3A_48, %mul3A_49 : i32
      %add3A_51 = arith.constant 0 : i32
      %add3A_52 = arith.addi %add3A_51, %mul3A_50 : i32
      %broadcast_in_dim3A = arith.constant -1 : i32
      %broadcast_in_dim3A_53 = vector.broadcast %broadcast_in_dim3A : i32 to vector<16xi32>
      %mul3A_54 = arith.constant 16 : i32
      %mul3A_55 = arith.muli %add3A_52, %mul3A_54 : i32
      %swap3A = arith.index_cast %mul3A_55 : i32 to index
      %swap3A_56 = tpu.vector_load %arg8[%swap3A] {strides = array<i32>} : memref<25600xi32, #tpu.memory_space<vmem>>, vector<16xi32>,
      tpu.vector_store %arg8[%swap3A], %broadcast_in_dim3A_53 {strides = array<i32>} : memref<25600xi32, #tpu.memory_space<vmem>>, vector<16xi32>,
    }
    %scan3A_42 = arith.constant 1600 : i32
    "tpu.trace_stop"() : () -> ()
    "tpu.trace_start"() <{level = 10 : i32, message = "ph_localscan"}> : () -> ()
    %scan3A_43 = arith.constant 0 : i32
    %scan3A_44 = arith.constant 192 : i32
    %scan3A_45 = arith.addi %scan3A_43, %scan3A_44 : i32
    %scan3A_46 = arith.constant 1 : i32
    scf.for %scan3A_48 = %scan3A_43 to %scan3A_45 step %scan3A_46  : i32 {
      %mul3A_49 = arith.constant 1 : i32
      %mul3A_50 = arith.muli %scan3A_48, %mul3A_49 : i32
      %add3A_51 = arith.constant 0 : i32
      %add3A_52 = arith.addi %add3A_51, %mul3A_50 : i32
      %mul3A_53 = arith.constant 16 : i32
      %mul3A_54 = arith.muli %add3A_52, %mul3A_53 : i32
      %get3A = arith.index_cast %mul3A_54 : i32 to index
      %get3A_55 = tpu.vector_load %arg11[%get3A] {strides = array<i32>} : memref<3072xi32, #tpu.memory_space<vmem>>, vector<16xi32>,
      %sub3A = arith.constant 76800 : i32
      %sub3A_56 = vector.broadcast %sub3A : i32 to vector<16xi32>
      %sub3A_57 = arith.subi %get3A_55, %sub3A_56 : vector<16xi32>
      %ge3A = arith.constant 0 : i32
      %ge3A_58 = vector.broadcast %ge3A : i32 to vector<16xi32>
      %ge3A_59 = arith.cmpi sge, %sub3A_57, %ge3A_58 : vector<16xi32>
      %lt3A = arith.constant 25600 : i32
      %lt3A_60 = vector.broadcast %lt3A : i32 to vector<16xi32>
      %lt3A_61 = arith.cmpi slt, %sub3A_57, %lt3A_60 : vector<16xi32>
      %and3A = arith.andi %ge3A_59, %lt3A_61 : vector<16xi1>
      %shift_left3A = arith.constant 12 : i32
      %shift_left3A_62 = vector.broadcast %shift_left3A : i32 to vector<16xi32>
      %shift_left3A_63 = arith.shli %sub3A_57, %shift_left3A_62 : vector<16xi32>
      %mul3A_64 = arith.constant 16 : i32
      %mul3A_65 = arith.muli %add3A_52, %mul3A_64 : i32
      %add3A_66 = vector.broadcast %mul3A_65 : i32 to vector<16xi32>
      %add3A_67 = arith.addi %add3A_66, %iota3A : vector<16xi32>
      %or3A = arith.ori %shift_left3A_63, %add3A_67 : vector<16xi32>
      %jit3A = arith.constant 2147483647 : i32
      %broadcast_in_dim3A = vector.broadcast %jit3A : i32 to vector<16xi32>
      %select_n3A = arith.select %and3A, %or3A, %broadcast_in_dim3A : vector<16xi1>, vector<16xi32>
      %get3A_68 = arith.index_cast %mul3A_54 : i32 to index
      %get3A_69 = tpu.vector_load %arg12[%get3A_68] {strides = array<i32>} : memref<3072xi32, #tpu.memory_space<vmem>>, vector<16xi32>,
      %masked_sort3A = arith.constant dense<true> : vector<16xi1>
      %masked_sort3A_70 = arith.constant -2147483648 : i32
      %masked_sort3A_71 = vector.broadcast %masked_sort3A_70 : i32 to vector<16xi32>
      %masked_sort3A_72 = arith.xori %select_n3A, %masked_sort3A_71 : vector<16xi32>
      %masked_sort3A_73, %masked_sort3A_74, %masked_sort3A_75 = tpu.sort %masked_sort3A_72, %get3A_69 masked %masked_sort3A : (vector<16xi32>, vector<16xi32>, vector<16xi1>) -> (vector<16xi1>, vector<16xi32>, vector<16xi32>)
      %masked_sort3A_76 = arith.xori %masked_sort3A_74, %masked_sort3A_71 : vector<16xi32>
      %get3A_77 = arith.index_cast %mul3A_54 : i32 to index
      %get3A_78 = tpu.vector_load %arg13[%get3A_77] {strides = array<i32>} : memref<3072xi32, #tpu.memory_space<vmem>>, vector<16xi32>,
      %masked_sort3A_79 = arith.constant dense<true> : vector<16xi1>
      %masked_sort3A_80 = arith.constant -2147483648 : i32
      %masked_sort3A_81 = vector.broadcast %masked_sort3A_80 : i32 to vector<16xi32>
      %masked_sort3A_82 = arith.xori %select_n3A, %masked_sort3A_81 : vector<16xi32>
      %masked_sort3A_83, %masked_sort3A_84, %masked_sort3A_85 = tpu.sort %masked_sort3A_82, %get3A_78 masked %masked_sort3A_79 : (vector<16xi32>, vector<16xi32>, vector<16xi1>) -> (vector<16xi1>, vector<16xi32>, vector<16xi32>)
      %masked_sort3A_86 = arith.xori %masked_sort3A_84, %masked_sort3A_81 : vector<16xi32>
      %shift_right_logical3A = arith.constant 12 : i32
      %shift_right_logical3A_87 = vector.broadcast %shift_right_logical3A : i32 to vector<16xi32>
      %shift_right_logical3A_88 = arith.shrui %masked_sort3A_76, %shift_right_logical3A_87 : vector<16xi32>
      %add3A_89 = arith.constant 1 : i32
      %add3A_90 = vector.broadcast %add3A_89 : i32 to vector<16xi32>
      %add3A_91 = arith.addi %iota3A, %add3A_90 : vector<16xi32>
      %min3A = arith.constant 15 : i32
      %min3A_92 = vector.broadcast %min3A : i32 to vector<16xi32>
      %min3A_93 = arith.minsi %add3A_91, %min3A_92 : vector<16xi32>
      %broadcast_in_dim3A_94 = vector.shape_cast %min3A_93 : vector<16xi32> to vector<16x1xi32>
      %gather3A = vector.shape_cast %broadcast_in_dim3A_94 : vector<16x1xi32> to vector<16xi32>
      %gather3A_95 = tpu.dynamic_gather %shift_right_logical3A_88[%gather3A] in [0] : vector<16xi32>, vector<16xi32> -> vector<16xi32>
      %ne3A = arith.cmpi ne, %shift_right_logical3A_88, %gather3A_95 : vector<16xi32>
      %eq3A = arith.constant 15 : i32
      %eq3A_96 = vector.broadcast %eq3A : i32 to vector<16xi32>
      %eq3A_97 = arith.cmpi eq, %iota3A, %eq3A_96 : vector<16xi32>
      %or3A_98 = arith.ori %ne3A, %eq3A_97 : vector<16xi1>
      %ne3A_99 = arith.constant 2147483647 : i32
      %ne3A_100 = vector.broadcast %ne3A_99 : i32 to vector<16xi32>
      %ne3A_101 = arith.cmpi ne, %masked_sort3A_76, %ne3A_100 : vector<16xi32>
      %and3A_102 = arith.andi %or3A_98, %ne3A_101 : vector<16xi1>
      %and3A_103 = arith.constant 4095 : i32
      %and3A_104 = vector.broadcast %and3A_103 : i32 to vector<16xi32>
      %and3A_105 = arith.andi %masked_sort3A_76, %and3A_104 : vector<16xi32>
      %add3A_106 = vector.broadcast %mul3A_8 : i32 to vector<16xi32>
      %add3A_107 = arith.addi %and3A_105, %add3A_106 : vector<16xi32>
      tpu.vector_store_idx %arg8[%shift_right_logical3A_88], %add3A_107 masked %and3A_102 : memref<25600xi32, #tpu.memory_space<vmem>>[vector<16xi32>], vector<16xi32>, vector<16xi1>
      tpu.vector_store_idx %arg9[%shift_right_logical3A_88], %masked_sort3A_75 masked %and3A_102 : memref<25600xi32, #tpu.memory_space<vmem>>[vector<16xi32>], vector<16xi32>, vector<16xi1>
      tpu.vector_store_idx %arg10[%shift_right_logical3A_88], %masked_sort3A_85 masked %and3A_102 : memref<25600xi32, #tpu.memory_space<vmem>>[vector<16xi32>], vector<16xi32>, vector<16xi1>
    }
    %scan3A_47 = arith.constant 192 : i32
    "tpu.trace_stop"() : () -> ()
    "tpu.trace_start"() <{level = 10 : i32, message = "ph_publish"}> : () -> ()
    "tpu.region"() ({
      %run_scoped3A = tpu.sem_alloc : memref<!tpu.dma_semaphore, #tpu.memory_space<semaphore_mem>>
      %dma_start3A = arith.constant 76800 : i32
      %dma_start3A_48 = tpu.memref_slice %arg5[%add3A, %dma_start3A] : memref<32x102400xi32, #tpu.memory_space<hbm>> -> memref<1x25600xi32, #tpu.memory_space<hbm>>
      %dma_start3A_49 = tpu.memref_squeeze %dma_start3A_48 : memref<1x25600xi32, #tpu.memory_space<hbm>> -> memref<25600xi32, #tpu.memory_space<hbm>>
      %dma_start3A_50 = arith.constant 76800 : i32
      %dma_start3A_51 = tpu.memref_slice %arg5[%add3A, %dma_start3A_50] : memref<32x102400xi32, #tpu.memory_space<hbm>> -> memref<1x25600xi32, #tpu.memory_space<hbm>>
      %dma_start3A_52 = tpu.memref_squeeze %dma_start3A_51 : memref<1x25600xi32, #tpu.memory_space<hbm>> -> memref<25600xi32, #tpu.memory_space<hbm>>
      tpu.enqueue_dma source(%arg8 : memref<25600xi32, #tpu.memory_space<vmem>>) target(%dma_start3A_52 : memref<25600xi32, #tpu.memory_space<hbm>>) target_semaphore(%run_scoped3A : memref<!tpu.dma_semaphore, #tpu.memory_space<semaphore_mem>>)
      %dma_wait3A = arith.constant 76800 : i32
      %dma_wait3A_53 = tpu.memref_slice %arg5[%add3A, %dma_wait3A] : memref<32x102400xi32, #tpu.memory_space<hbm>> -> memref<1x25600xi32, #tpu.memory_space<hbm>>
      %dma_wait3A_54 = tpu.memref_squeeze %dma_wait3A_53 : memref<1x25600xi32, #tpu.memory_space<hbm>> -> memref<25600xi32, #tpu.memory_space<hbm>>
      %dma_wait3A_55 = arith.constant 76800 : i32
      %dma_wait3A_56 = tpu.memref_slice %arg5[%add3A, %dma_wait3A_55] : memref<32x102400xi32, #tpu.memory_space<hbm>> -> memref<1x25600xi32, #tpu.memory_space<hbm>>
      %dma_wait3A_57 = tpu.memref_squeeze %dma_wait3A_56 : memref<1x25600xi32, #tpu.memory_space<hbm>> -> memref<25600xi32, #tpu.memory_space<hbm>>
      tpu.wait_dma2 semaphore(%run_scoped3A : memref<!tpu.dma_semaphore, #tpu.memory_space<semaphore_mem>>) src(%arg8 : memref<25600xi32, #tpu.memory_space<vmem>>) dst(%dma_wait3A_57 : memref<25600xi32, #tpu.memory_space<hbm>>)
      tpu.yield
    }) : () -> ()
    "tpu.region"() ({
      %run_scoped3A = tpu.sem_alloc : memref<!tpu.dma_semaphore, #tpu.memory_space<semaphore_mem>>
      %dma_start3A = arith.constant 76800 : i32
      %dma_start3A_48 = tpu.memref_slice %arg6[%add3A, %dma_start3A] : memref<32x102400xi32, #tpu.memory_space<hbm>> -> memref<1x25600xi32, #tpu.memory_space<hbm>>
      %dma_start3A_49 = tpu.memref_squeeze %dma_start3A_48 : memref<1x25600xi32, #tpu.memory_space<hbm>> -> memref<25600xi32, #tpu.memory_space<hbm>>
      %dma_start3A_50 = arith.constant 76800 : i32
      %dma_start3A_51 = tpu.memref_slice %arg6[%add3A, %dma_start3A_50] : memref<32x102400xi32, #tpu.memory_space<hbm>> -> memref<1x25600xi32, #tpu.memory_space<hbm>>
      %dma_start3A_52 = tpu.memref_squeeze %dma_start3A_51 : memref<1x25600xi32, #tpu.memory_space<hbm>> -> memref<25600xi32, #tpu.memory_space<hbm>>
      tpu.enqueue_dma source(%arg9 : memref<25600xi32, #tpu.memory_space<vmem>>) target(%dma_start3A_52 : memref<25600xi32, #tpu.memory_space<hbm>>) target_semaphore(%run_scoped3A : memref<!tpu.dma_semaphore, #tpu.memory_space<semaphore_mem>>)
      %dma_wait3A = arith.constant 76800 : i32
      %dma_wait3A_53 = tpu.memref_slice %arg6[%add3A, %dma_wait3A] : memref<32x102400xi32, #tpu.memory_space<hbm>> -> memref<1x25600xi32, #tpu.memory_space<hbm>>
      %dma_wait3A_54 = tpu.memref_squeeze %dma_wait3A_53 : memref<1x25600xi32, #tpu.memory_space<hbm>> -> memref<25600xi32, #tpu.memory_space<hbm>>
      %dma_wait3A_55 = arith.constant 76800 : i32
      %dma_wait3A_56 = tpu.memref_slice %arg6[%add3A, %dma_wait3A_55] : memref<32x102400xi32, #tpu.memory_space<hbm>> -> memref<1x25600xi32, #tpu.memory_space<hbm>>
      %dma_wait3A_57 = tpu.memref_squeeze %dma_wait3A_56 : memref<1x25600xi32, #tpu.memory_space<hbm>> -> memref<25600xi32, #tpu.memory_space<hbm>>
      tpu.wait_dma2 semaphore(%run_scoped3A : memref<!tpu.dma_semaphore, #tpu.memory_space<semaphore_mem>>) src(%arg9 : memref<25600xi32, #tpu.memory_space<vmem>>) dst(%dma_wait3A_57 : memref<25600xi32, #tpu.memory_space<hbm>>)
      tpu.yield
    }) : () -> ()
    "tpu.region"() ({
      %run_scoped3A = tpu.sem_alloc : memref<!tpu.dma_semaphore, #tpu.memory_space<semaphore_mem>>
      %dma_start3A = arith.constant 76800 : i32
      %dma_start3A_48 = tpu.memref_slice %arg7[%add3A, %dma_start3A] : memref<32x102400xi32, #tpu.memory_space<hbm>> -> memref<1x25600xi32, #tpu.memory_space<hbm>>
      %dma_start3A_49 = tpu.memref_squeeze %dma_start3A_48 : memref<1x25600xi32, #tpu.memory_space<hbm>> -> memref<25600xi32, #tpu.memory_space<hbm>>
      %dma_start3A_50 = arith.constant 76800 : i32
      %dma_start3A_51 = tpu.memref_slice %arg7[%add3A, %dma_start3A_50] : memref<32x102400xi32, #tpu.memory_space<hbm>> -> memref<1x25600xi32, #tpu.memory_space<hbm>>
      %dma_start3A_52 = tpu.memref_squeeze %dma_start3A_51 : memref<1x25600xi32, #tpu.memory_space<hbm>> -> memref<25600xi32, #tpu.memory_space<hbm>>
      tpu.enqueue_dma source(%arg10 : memref<25600xi32, #tpu.memory_space<vmem>>) target(%dma_start3A_52 : memref<25600xi32, #tpu.memory_space<hbm>>) target_semaphore(%run_scoped3A : memref<!tpu.dma_semaphore, #tpu.memory_space<semaphore_mem>>)
      %dma_wait3A = arith.constant 76800 : i32
      %dma_wait3A_53 = tpu.memref_slice %arg7[%add3A, %dma_wait3A] : memref<32x102400xi32, #tpu.memory_space<hbm>> -> memref<1x25600xi32, #tpu.memory_space<hbm>>
      %dma_wait3A_54 = tpu.memref_squeeze %dma_wait3A_53 : memref<1x25600xi32, #tpu.memory_space<hbm>> -> memref<25600xi32, #tpu.memory_space<hbm>>
      %dma_wait3A_55 = arith.constant 76800 : i32
      %dma_wait3A_56 = tpu.memref_slice %arg7[%add3A, %dma_wait3A_55] : memref<32x102400xi32, #tpu.memory_space<hbm>> -> memref<1x25600xi32, #tpu.memory_space<hbm>>
      %dma_wait3A_57 = tpu.memref_squeeze %dma_wait3A_56 : memref<1x25600xi32, #tpu.memory_space<hbm>> -> memref<25600xi32, #tpu.memory_space<hbm>>
      tpu.wait_dma2 semaphore(%run_scoped3A : memref<!tpu.dma_semaphore, #tpu.memory_space<semaphore_mem>>) src(%arg10 : memref<25600xi32, #tpu.memory_space<vmem>>) dst(%dma_wait3A_57 : memref<25600xi32, #tpu.memory_space<hbm>>)
      tpu.yield
    }) : () -> ()
    "tpu.trace_stop"() : () -> ()
    return
  }
}

#map = affine_map<(d0, d1) -> (0, 0)>
module attributes {stable_mosaic.version = 14 : i64} {
  func.func @body(%arg0: i32, %arg1: i32, %arg2: memref<32x102400xi32, #tpu.memory_space<hbm>>, %arg3: memref<32x102400xi32, #tpu.memory_space<hbm>>, %arg4: memref<32x102400xi32, #tpu.memory_space<hbm>>, %arg5: memref<208896x128xf32, #tpu.memory_space<hbm>>, %arg6: memref<100000x128xf32, #tpu.memory_space<hbm>>, %arg7: memref<3200xi32, #tpu.memory_space<vmem>>, %arg8: memref<3200xi32, #tpu.memory_space<vmem>>, %arg9: memref<32x640xi32, #tpu.memory_space<vmem>>, %arg10: memref<32x640xi32, #tpu.memory_space<vmem>>, %arg11: memref<32x640xi32, #tpu.memory_space<vmem>>, %arg12: memref<!tpu.dma_semaphore, #tpu.memory_space<semaphore_mem>>, %arg13: memref<80x128xf32, #tpu.memory_space<vmem>>, %arg14: memref<80x128xf32, #tpu.memory_space<vmem>>, %arg15: memref<80x128xf32, #tpu.memory_space<vmem>>, %arg16: memref<80x128xf32, #tpu.memory_space<vmem>>, %arg17: memref<!tpu.dma_semaphore, #tpu.memory_space<semaphore_mem>>, %arg18: memref<!tpu.dma_semaphore, #tpu.memory_space<semaphore_mem>>, %arg19: memref<!tpu.dma_semaphore, #tpu.memory_space<semaphore_mem>>, %arg20: memref<!tpu.dma_semaphore, #tpu.memory_space<semaphore_mem>>, %arg21: memref<!tpu.dma_semaphore, #tpu.memory_space<semaphore_mem>>, %arg22: memref<!tpu.dma_semaphore, #tpu.memory_space<semaphore_mem>>, %arg23: memref<!tpu.dma_semaphore, #tpu.memory_space<semaphore_mem>>, %arg24: memref<!tpu.dma_semaphore, #tpu.memory_space<semaphore_mem>>) attributes {dimension_semantics = [#tpu.dimension_semantics<core_parallel>, #tpu.dimension_semantics<subcore_parallel>], iteration_bounds = array<i64: 2, 16>, scalar_prefetch = 0 : i64, scratch_operands = 18 : i64, tpu.core_type = #tpu.core_type<sc_vector_subcore>, window_params = [{transform_indices = #map}, {transform_indices = #map}, {transform_indices = #map}, {transform_indices = #map}, {transform_indices = #map}]} {
    %mul3A = arith.constant 2 : i32
    %mul3A_0 = arith.muli %arg1, %mul3A : i32
    %add3A = arith.addi %mul3A_0, %arg0 : i32
    %mul3A_1 = arith.constant 3200 : i32
    %mul3A_2 = arith.muli %add3A, %mul3A_1 : i32
    %iota3A = tpu.iota {dimensions = array<i32: 0>} : vector<16xi32>
    "tpu.trace_start"() <{level = 10 : i32, message = "ph_merge"}> : () -> ()
    %add3A_3 = arith.constant 0 : i32
    %add3A_4 = arith.addi %mul3A_2, %add3A_3 : i32
    %add3A_5 = arith.constant 0 : i32
    %add3A_6 = arith.addi %mul3A_2, %add3A_5 : i32
    %add3A_7 = arith.constant 0 : i32
    %add3A_8 = arith.addi %mul3A_2, %add3A_7 : i32
    %dma_start3A = arith.constant 0 : i32
    %dma_start3A_9 = tpu.memref_slice %arg2[%dma_start3A, %add3A_4] : memref<32x102400xi32, #tpu.memory_space<hbm>> -> memref<32x640xi32, #tpu.memory_space<hbm>>
    %dma_start3A_10 = arith.constant 0 : i32
    %dma_start3A_11 = tpu.memref_slice %arg2[%dma_start3A_10, %add3A_4] : memref<32x102400xi32, #tpu.memory_space<hbm>> -> memref<32x640xi32, #tpu.memory_space<hbm>>
    tpu.enqueue_dma source(%dma_start3A_11 : memref<32x640xi32, #tpu.memory_space<hbm>>) target(%arg9 : memref<32x640xi32, #tpu.memory_space<vmem>>) target_semaphore(%arg12 : memref<!tpu.dma_semaphore, #tpu.memory_space<semaphore_mem>>)
    %dma_start3A_12 = arith.constant 0 : i32
    %dma_start3A_13 = tpu.memref_slice %arg3[%dma_start3A_12, %add3A_6] : memref<32x102400xi32, #tpu.memory_space<hbm>> -> memref<32x640xi32, #tpu.memory_space<hbm>>
    %dma_start3A_14 = arith.constant 0 : i32
    %dma_start3A_15 = tpu.memref_slice %arg3[%dma_start3A_14, %add3A_6] : memref<32x102400xi32, #tpu.memory_space<hbm>> -> memref<32x640xi32, #tpu.memory_space<hbm>>
    tpu.enqueue_dma source(%dma_start3A_15 : memref<32x640xi32, #tpu.memory_space<hbm>>) target(%arg10 : memref<32x640xi32, #tpu.memory_space<vmem>>) target_semaphore(%arg12 : memref<!tpu.dma_semaphore, #tpu.memory_space<semaphore_mem>>)
    %dma_start3A_16 = arith.constant 0 : i32
    %dma_start3A_17 = tpu.memref_slice %arg4[%dma_start3A_16, %add3A_8] : memref<32x102400xi32, #tpu.memory_space<hbm>> -> memref<32x640xi32, #tpu.memory_space<hbm>>
    %dma_start3A_18 = arith.constant 0 : i32
    %dma_start3A_19 = tpu.memref_slice %arg4[%dma_start3A_18, %add3A_8] : memref<32x102400xi32, #tpu.memory_space<hbm>> -> memref<32x640xi32, #tpu.memory_space<hbm>>
    tpu.enqueue_dma source(%dma_start3A_19 : memref<32x640xi32, #tpu.memory_space<hbm>>) target(%arg11 : memref<32x640xi32, #tpu.memory_space<vmem>>) target_semaphore(%arg12 : memref<!tpu.dma_semaphore, #tpu.memory_space<semaphore_mem>>)
    %dma_wait3A = arith.constant 0 : i32
    %dma_wait3A_20 = tpu.memref_slice %arg2[%dma_wait3A, %add3A_4] : memref<32x102400xi32, #tpu.memory_space<hbm>> -> memref<32x640xi32, #tpu.memory_space<hbm>>
    %dma_wait3A_21 = arith.constant 0 : i32
    %dma_wait3A_22 = tpu.memref_slice %arg2[%dma_wait3A_21, %add3A_4] : memref<32x102400xi32, #tpu.memory_space<hbm>> -> memref<32x640xi32, #tpu.memory_space<hbm>>
    tpu.wait_dma2 semaphore(%arg12 : memref<!tpu.dma_semaphore, #tpu.memory_space<semaphore_mem>>) src(%dma_wait3A_22 : memref<32x640xi32, #tpu.memory_space<hbm>>) dst(%arg9 : memref<32x640xi32, #tpu.memory_space<vmem>>)
    %dma_wait3A_23 = arith.constant 0 : i32
    %dma_wait3A_24 = tpu.memref_slice %arg3[%dma_wait3A_23, %add3A_6] : memref<32x102400xi32, #tpu.memory_space<hbm>> -> memref<32x640xi32, #tpu.memory_space<hbm>>
    %dma_wait3A_25 = arith.constant 0 : i32
    %dma_wait3A_26 = tpu.memref_slice %arg3[%dma_wait3A_25, %add3A_6] : memref<32x102400xi32, #tpu.memory_space<hbm>> -> memref<32x640xi32, #tpu.memory_space<hbm>>
    tpu.wait_dma2 semaphore(%arg12 : memref<!tpu.dma_semaphore, #tpu.memory_space<semaphore_mem>>) src(%dma_wait3A_26 : memref<32x640xi32, #tpu.memory_space<hbm>>) dst(%arg10 : memref<32x640xi32, #tpu.memory_space<vmem>>)
    %dma_wait3A_27 = arith.constant 0 : i32
    %dma_wait3A_28 = tpu.memref_slice %arg4[%dma_wait3A_27, %add3A_8] : memref<32x102400xi32, #tpu.memory_space<hbm>> -> memref<32x640xi32, #tpu.memory_space<hbm>>
    %dma_wait3A_29 = arith.constant 0 : i32
    %dma_wait3A_30 = tpu.memref_slice %arg4[%dma_wait3A_29, %add3A_8] : memref<32x102400xi32, #tpu.memory_space<hbm>> -> memref<32x640xi32, #tpu.memory_space<hbm>>
    tpu.wait_dma2 semaphore(%arg12 : memref<!tpu.dma_semaphore, #tpu.memory_space<semaphore_mem>>) src(%dma_wait3A_30 : memref<32x640xi32, #tpu.memory_space<hbm>>) dst(%arg11 : memref<32x640xi32, #tpu.memory_space<vmem>>)
    %scan3A = arith.constant 0 : i32
    %scan3A_31 = arith.constant 40 : i32
    %scan3A_32 = arith.addi %scan3A, %scan3A_31 : i32
    %scan3A_33 = arith.constant 1 : i32
    scf.for %scan3A_200 = %scan3A to %scan3A_32 step %scan3A_33  : i32 {
      %mul3A_201 = arith.constant 1 : i32
      %mul3A_202 = arith.muli %scan3A_200, %mul3A_201 : i32
      %add3A_203 = arith.constant 0 : i32
      %add3A_204 = arith.addi %add3A_203, %mul3A_202 : i32
      %mul3A_205 = arith.constant 16 : i32
      %mul3A_206 = arith.muli %add3A_204, %mul3A_205 : i32
      %get3A = arith.constant 0 : i32
      %get3A_207 = arith.index_cast %get3A : i32 to index
      %get3A_208 = arith.index_cast %mul3A_206 : i32 to index
      %get3A_209 = tpu.vector_load %arg9[%get3A_207, %get3A_208] {strides = array<i32>} : memref<32x640xi32, #tpu.memory_space<vmem>>, vector<16xi32>,
      %get3A_210 = arith.constant 0 : i32
      %get3A_211 = arith.index_cast %get3A_210 : i32 to index
      %get3A_212 = arith.index_cast %mul3A_206 : i32 to index
      %get3A_213 = tpu.vector_load %arg10[%get3A_211, %get3A_212] {strides = array<i32>} : memref<32x640xi32, #tpu.memory_space<vmem>>, vector<16xi32>,
      %get3A_214 = arith.constant 0 : i32
      %get3A_215 = arith.index_cast %get3A_214 : i32 to index
      %get3A_216 = arith.index_cast %mul3A_206 : i32 to index
      %get3A_217 = tpu.vector_load %arg11[%get3A_215, %get3A_216] {strides = array<i32>} : memref<32x640xi32, #tpu.memory_space<vmem>>, vector<16xi32>,
      %get3A_218 = arith.constant 1 : i32
      %get3A_219 = arith.index_cast %get3A_218 : i32 to index
      %get3A_220 = arith.index_cast %mul3A_206 : i32 to index
      %get3A_221 = tpu.vector_load %arg9[%get3A_219, %get3A_220] {strides = array<i32>} : memref<32x640xi32, #tpu.memory_space<vmem>>, vector<16xi32>,
      %gt3A = arith.cmpi sgt, %get3A_221, %get3A_209 : vector<16xi32>
      %select_n3A = arith.select %gt3A, %get3A_221, %get3A_209 : vector<16xi1>, vector<16xi32>
      %get3A_222 = arith.constant 1 : i32
      %get3A_223 = arith.index_cast %get3A_222 : i32 to index
      %get3A_224 = arith.index_cast %mul3A_206 : i32 to index
      %get3A_225 = tpu.vector_load %arg10[%get3A_223, %get3A_224] {strides = array<i32>} : memref<32x640xi32, #tpu.memory_space<vmem>>, vector<16xi32>,
      %select_n3A_226 = arith.select %gt3A, %get3A_225, %get3A_213 : vector<16xi1>, vector<16xi32>
      %get3A_227 = arith.constant 1 : i32
      %get3A_228 = arith.index_cast %get3A_227 : i32 to index
      %get3A_229 = arith.index_cast %mul3A_206 : i32 to index
      %get3A_230 = tpu.vector_load %arg11[%get3A_228, %get3A_229] {strides = array<i32>} : memref<32x640xi32, #tpu.memory_space<vmem>>, vector<16xi32>,
      %select_n3A_231 = arith.select %gt3A, %get3A_230, %get3A_217 : vector<16xi1>, vector<16xi32>
      %get3A_232 = arith.constant 2 : i32
      %get3A_233 = arith.index_cast %get3A_232 : i32 to index
      %get3A_234 = arith.index_cast %mul3A_206 : i32 to index
      %get3A_235 = tpu.vector_load %arg9[%get3A_233, %get3A_234] {strides = array<i32>} : memref<32x640xi32, #tpu.memory_space<vmem>>, vector<16xi32>,
      %gt3A_236 = arith.cmpi sgt, %get3A_235, %select_n3A : vector<16xi32>
      %select_n3A_237 = arith.select %gt3A_236, %get3A_235, %select_n3A : vector<16xi1>, vector<16xi32>
      %get3A_238 = arith.constant 2 : i32
      %get3A_239 = arith.index_cast %get3A_238 : i32 to index
      %get3A_240 = arith.index_cast %mul3A_206 : i32 to index
      %get3A_241 = tpu.vector_load %arg10[%get3A_239, %get3A_240] {strides = array<i32>} : memref<32x640xi32, #tpu.memory_space<vmem>>, vector<16xi32>,
      %select_n3A_242 = arith.select %gt3A_236, %get3A_241, %select_n3A_226 : vector<16xi1>, vector<16xi32>
      %get3A_243 = arith.constant 2 : i32
      %get3A_244 = arith.index_cast %get3A_243 : i32 to index
      %get3A_245 = arith.index_cast %mul3A_206 : i32 to index
      %get3A_246 = tpu.vector_load %arg11[%get3A_244, %get3A_245] {strides = array<i32>} : memref<32x640xi32, #tpu.memory_space<vmem>>, vector<16xi32>,
      %select_n3A_247 = arith.select %gt3A_236, %get3A_246, %select_n3A_231 : vector<16xi1>, vector<16xi32>
      %get3A_248 = arith.constant 3 : i32
      %get3A_249 = arith.index_cast %get3A_248 : i32 to index
      %get3A_250 = arith.index_cast %mul3A_206 : i32 to index
      %get3A_251 = tpu.vector_load %arg9[%get3A_249, %get3A_250] {strides = array<i32>} : memref<32x640xi32, #tpu.memory_space<vmem>>, vector<16xi32>,
      %gt3A_252 = arith.cmpi sgt, %get3A_251, %select_n3A_237 : vector<16xi32>
      %select_n3A_253 = arith.select %gt3A_252, %get3A_251, %select_n3A_237 : vector<16xi1>, vector<16xi32>
      %get3A_254 = arith.constant 3 : i32
      %get3A_255 = arith.index_cast %get3A_254 : i32 to index
      %get3A_256 = arith.index_cast %mul3A_206 : i32 to index
      %get3A_257 = tpu.vector_load %arg10[%get3A_255, %get3A_256] {strides = array<i32>} : memref<32x640xi32, #tpu.memory_space<vmem>>, vector<16xi32>,
      %select_n3A_258 = arith.select %gt3A_252, %get3A_257, %select_n3A_242 : vector<16xi1>, vector<16xi32>
      %get3A_259 = arith.constant 3 : i32
      %get3A_260 = arith.index_cast %get3A_259 : i32 to index
      %get3A_261 = arith.index_cast %mul3A_206 : i32 to index
      %get3A_262 = tpu.vector_load %arg11[%get3A_260, %get3A_261] {strides = array<i32>} : memref<32x640xi32, #tpu.memory_space<vmem>>, vector<16xi32>,
      %select_n3A_263 = arith.select %gt3A_252, %get3A_262, %select_n3A_247 : vector<16xi1>, vector<16xi32>
      %get3A_264 = arith.constant 4 : i32
      %get3A_265 = arith.index_cast %get3A_264 : i32 to index
      %get3A_266 = arith.index_cast %mul3A_206 : i32 to index
      %get3A_267 = tpu.vector_load %arg9[%get3A_265, %get3A_266] {strides = array<i32>} : memref<32x640xi32, #tpu.memory_space<vmem>>, vector<16xi32>,
      %gt3A_268 = arith.cmpi sgt, %get3A_267, %select_n3A_253 : vector<16xi32>
      %select_n3A_269 = arith.select %gt3A_268, %get3A_267, %select_n3A_253 : vector<16xi1>, vector<16xi32>
      %get3A_270 = arith.constant 4 : i32
      %get3A_271 = arith.index_cast %get3A_270 : i32 to index
      %get3A_272 = arith.index_cast %mul3A_206 : i32 to index
      %get3A_273 = tpu.vector_load %arg10[%get3A_271, %get3A_272] {strides = array<i32>} : memref<32x640xi32, #tpu.memory_space<vmem>>, vector<16xi32>,
      %select_n3A_274 = arith.select %gt3A_268, %get3A_273, %select_n3A_258 : vector<16xi1>, vector<16xi32>
      %get3A_275 = arith.constant 4 : i32
      %get3A_276 = arith.index_cast %get3A_275 : i32 to index
      %get3A_277 = arith.index_cast %mul3A_206 : i32 to index
      %get3A_278 = tpu.vector_load %arg11[%get3A_276, %get3A_277] {strides = array<i32>} : memref<32x640xi32, #tpu.memory_space<vmem>>, vector<16xi32>,
      %select_n3A_279 = arith.select %gt3A_268, %get3A_278, %select_n3A_263 : vector<16xi1>, vector<16xi32>
      %get3A_280 = arith.constant 5 : i32
      %get3A_281 = arith.index_cast %get3A_280 : i32 to index
      %get3A_282 = arith.index_cast %mul3A_206 : i32 to index
      %get3A_283 = tpu.vector_load %arg9[%get3A_281, %get3A_282] {strides = array<i32>} : memref<32x640xi32, #tpu.memory_space<vmem>>, vector<16xi32>,
      %gt3A_284 = arith.cmpi sgt, %get3A_283, %select_n3A_269 : vector<16xi32>
      %select_n3A_285 = arith.select %gt3A_284, %get3A_283, %select_n3A_269 : vector<16xi1>, vector<16xi32>
      %get3A_286 = arith.constant 5 : i32
      %get3A_287 = arith.index_cast %get3A_286 : i32 to index
      %get3A_288 = arith.index_cast %mul3A_206 : i32 to index
      %get3A_289 = tpu.vector_load %arg10[%get3A_287, %get3A_288] {strides = array<i32>} : memref<32x640xi32, #tpu.memory_space<vmem>>, vector<16xi32>,
      %select_n3A_290 = arith.select %gt3A_284, %get3A_289, %select_n3A_274 : vector<16xi1>, vector<16xi32>
      %get3A_291 = arith.constant 5 : i32
      %get3A_292 = arith.index_cast %get3A_291 : i32 to index
      %get3A_293 = arith.index_cast %mul3A_206 : i32 to index
      %get3A_294 = tpu.vector_load %arg11[%get3A_292, %get3A_293] {strides = array<i32>} : memref<32x640xi32, #tpu.memory_space<vmem>>, vector<16xi32>,
      %select_n3A_295 = arith.select %gt3A_284, %get3A_294, %select_n3A_279 : vector<16xi1>, vector<16xi32>
      %get3A_296 = arith.constant 6 : i32
      %get3A_297 = arith.index_cast %get3A_296 : i32 to index
      %get3A_298 = arith.index_cast %mul3A_206 : i32 to index
      %get3A_299 = tpu.vector_load %arg9[%get3A_297, %get3A_298] {strides = array<i32>} : memref<32x640xi32, #tpu.memory_space<vmem>>, vector<16xi32>,
      %gt3A_300 = arith.cmpi sgt, %get3A_299, %select_n3A_285 : vector<16xi32>
      %select_n3A_301 = arith.select %gt3A_300, %get3A_299, %select_n3A_285 : vector<16xi1>, vector<16xi32>
      %get3A_302 = arith.constant 6 : i32
      %get3A_303 = arith.index_cast %get3A_302 : i32 to index
      %get3A_304 = arith.index_cast %mul3A_206 : i32 to index
      %get3A_305 = tpu.vector_load %arg10[%get3A_303, %get3A_304] {strides = array<i32>} : memref<32x640xi32, #tpu.memory_space<vmem>>, vector<16xi32>,
      %select_n3A_306 = arith.select %gt3A_300, %get3A_305, %select_n3A_290 : vector<16xi1>, vector<16xi32>
      %get3A_307 = arith.constant 6 : i32
      %get3A_308 = arith.index_cast %get3A_307 : i32 to index
      %get3A_309 = arith.index_cast %mul3A_206 : i32 to index
      %get3A_310 = tpu.vector_load %arg11[%get3A_308, %get3A_309] {strides = array<i32>} : memref<32x640xi32, #tpu.memory_space<vmem>>, vector<16xi32>,
      %select_n3A_311 = arith.select %gt3A_300, %get3A_310, %select_n3A_295 : vector<16xi1>, vector<16xi32>
      %get3A_312 = arith.constant 7 : i32
      %get3A_313 = arith.index_cast %get3A_312 : i32 to index
      %get3A_314 = arith.index_cast %mul3A_206 : i32 to index
      %get3A_315 = tpu.vector_load %arg9[%get3A_313, %get3A_314] {strides = array<i32>} : memref<32x640xi32, #tpu.memory_space<vmem>>, vector<16xi32>,
      %gt3A_316 = arith.cmpi sgt, %get3A_315, %select_n3A_301 : vector<16xi32>
      %select_n3A_317 = arith.select %gt3A_316, %get3A_315, %select_n3A_301 : vector<16xi1>, vector<16xi32>
      %get3A_318 = arith.constant 7 : i32
      %get3A_319 = arith.index_cast %get3A_318 : i32 to index
      %get3A_320 = arith.index_cast %mul3A_206 : i32 to index
      %get3A_321 = tpu.vector_load %arg10[%get3A_319, %get3A_320] {strides = array<i32>} : memref<32x640xi32, #tpu.memory_space<vmem>>, vector<16xi32>,
      %select_n3A_322 = arith.select %gt3A_316, %get3A_321, %select_n3A_306 : vector<16xi1>, vector<16xi32>
      %get3A_323 = arith.constant 7 : i32
      %get3A_324 = arith.index_cast %get3A_323 : i32 to index
      %get3A_325 = arith.index_cast %mul3A_206 : i32 to index
      %get3A_326 = tpu.vector_load %arg11[%get3A_324, %get3A_325] {strides = array<i32>} : memref<32x640xi32, #tpu.memory_space<vmem>>, vector<16xi32>,
      %select_n3A_327 = arith.select %gt3A_316, %get3A_326, %select_n3A_311 : vector<16xi1>, vector<16xi32>
      %get3A_328 = arith.constant 8 : i32
      %get3A_329 = arith.index_cast %get3A_328 : i32 to index
      %get3A_330 = arith.index_cast %mul3A_206 : i32 to index
      %get3A_331 = tpu.vector_load %arg9[%get3A_329, %get3A_330] {strides = array<i32>} : memref<32x640xi32, #tpu.memory_space<vmem>>, vector<16xi32>,
      %gt3A_332 = arith.cmpi sgt, %get3A_331, %select_n3A_317 : vector<16xi32>
      %select_n3A_333 = arith.select %gt3A_332, %get3A_331, %select_n3A_317 : vector<16xi1>, vector<16xi32>
      %get3A_334 = arith.constant 8 : i32
      %get3A_335 = arith.index_cast %get3A_334 : i32 to index
      %get3A_336 = arith.index_cast %mul3A_206 : i32 to index
      %get3A_337 = tpu.vector_load %arg10[%get3A_335, %get3A_336] {strides = array<i32>} : memref<32x640xi32, #tpu.memory_space<vmem>>, vector<16xi32>,
      %select_n3A_338 = arith.select %gt3A_332, %get3A_337, %select_n3A_322 : vector<16xi1>, vector<16xi32>
      %get3A_339 = arith.constant 8 : i32
      %get3A_340 = arith.index_cast %get3A_339 : i32 to index
      %get3A_341 = arith.index_cast %mul3A_206 : i32 to index
      %get3A_342 = tpu.vector_load %arg11[%get3A_340, %get3A_341] {strides = array<i32>} : memref<32x640xi32, #tpu.memory_space<vmem>>, vector<16xi32>,
      %select_n3A_343 = arith.select %gt3A_332, %get3A_342, %select_n3A_327 : vector<16xi1>, vector<16xi32>
      %get3A_344 = arith.constant 9 : i32
      %get3A_345 = arith.index_cast %get3A_344 : i32 to index
      %get3A_346 = arith.index_cast %mul3A_206 : i32 to index
      %get3A_347 = tpu.vector_load %arg9[%get3A_345, %get3A_346] {strides = array<i32>} : memref<32x640xi32, #tpu.memory_space<vmem>>, vector<16xi32>,
      %gt3A_348 = arith.cmpi sgt, %get3A_347, %select_n3A_333 : vector<16xi32>
      %select_n3A_349 = arith.select %gt3A_348, %get3A_347, %select_n3A_333 : vector<16xi1>, vector<16xi32>
      %get3A_350 = arith.constant 9 : i32
      %get3A_351 = arith.index_cast %get3A_350 : i32 to index
      %get3A_352 = arith.index_cast %mul3A_206 : i32 to index
      %get3A_353 = tpu.vector_load %arg10[%get3A_351, %get3A_352] {strides = array<i32>} : memref<32x640xi32, #tpu.memory_space<vmem>>, vector<16xi32>,
      %select_n3A_354 = arith.select %gt3A_348, %get3A_353, %select_n3A_338 : vector<16xi1>, vector<16xi32>
      %get3A_355 = arith.constant 9 : i32
      %get3A_356 = arith.index_cast %get3A_355 : i32 to index
      %get3A_357 = arith.index_cast %mul3A_206 : i32 to index
      %get3A_358 = tpu.vector_load %arg11[%get3A_356, %get3A_357] {strides = array<i32>} : memref<32x640xi32, #tpu.memory_space<vmem>>, vector<16xi32>,
      %select_n3A_359 = arith.select %gt3A_348, %get3A_358, %select_n3A_343 : vector<16xi1>, vector<16xi32>
      %get3A_360 = arith.constant 10 : i32
      %get3A_361 = arith.index_cast %get3A_360 : i32 to index
      %get3A_362 = arith.index_cast %mul3A_206 : i32 to index
      %get3A_363 = tpu.vector_load %arg9[%get3A_361, %get3A_362] {strides = array<i32>} : memref<32x640xi32, #tpu.memory_space<vmem>>, vector<16xi32>,
      %gt3A_364 = arith.cmpi sgt, %get3A_363, %select_n3A_349 : vector<16xi32>
      %select_n3A_365 = arith.select %gt3A_364, %get3A_363, %select_n3A_349 : vector<16xi1>, vector<16xi32>
      %get3A_366 = arith.constant 10 : i32
      %get3A_367 = arith.index_cast %get3A_366 : i32 to index
      %get3A_368 = arith.index_cast %mul3A_206 : i32 to index
      %get3A_369 = tpu.vector_load %arg10[%get3A_367, %get3A_368] {strides = array<i32>} : memref<32x640xi32, #tpu.memory_space<vmem>>, vector<16xi32>,
      %select_n3A_370 = arith.select %gt3A_364, %get3A_369, %select_n3A_354 : vector<16xi1>, vector<16xi32>
      %get3A_371 = arith.constant 10 : i32
      %get3A_372 = arith.index_cast %get3A_371 : i32 to index
      %get3A_373 = arith.index_cast %mul3A_206 : i32 to index
      %get3A_374 = tpu.vector_load %arg11[%get3A_372, %get3A_373] {strides = array<i32>} : memref<32x640xi32, #tpu.memory_space<vmem>>, vector<16xi32>,
      %select_n3A_375 = arith.select %gt3A_364, %get3A_374, %select_n3A_359 : vector<16xi1>, vector<16xi32>
      %get3A_376 = arith.constant 11 : i32
      %get3A_377 = arith.index_cast %get3A_376 : i32 to index
      %get3A_378 = arith.index_cast %mul3A_206 : i32 to index
      %get3A_379 = tpu.vector_load %arg9[%get3A_377, %get3A_378] {strides = array<i32>} : memref<32x640xi32, #tpu.memory_space<vmem>>, vector<16xi32>,
      %gt3A_380 = arith.cmpi sgt, %get3A_379, %select_n3A_365 : vector<16xi32>
      %select_n3A_381 = arith.select %gt3A_380, %get3A_379, %select_n3A_365 : vector<16xi1>, vector<16xi32>
      %get3A_382 = arith.constant 11 : i32
      %get3A_383 = arith.index_cast %get3A_382 : i32 to index
      %get3A_384 = arith.index_cast %mul3A_206 : i32 to index
      %get3A_385 = tpu.vector_load %arg10[%get3A_383, %get3A_384] {strides = array<i32>} : memref<32x640xi32, #tpu.memory_space<vmem>>, vector<16xi32>,
      %select_n3A_386 = arith.select %gt3A_380, %get3A_385, %select_n3A_370 : vector<16xi1>, vector<16xi32>
      %get3A_387 = arith.constant 11 : i32
      %get3A_388 = arith.index_cast %get3A_387 : i32 to index
      %get3A_389 = arith.index_cast %mul3A_206 : i32 to index
      %get3A_390 = tpu.vector_load %arg11[%get3A_388, %get3A_389] {strides = array<i32>} : memref<32x640xi32, #tpu.memory_space<vmem>>, vector<16xi32>,
      %select_n3A_391 = arith.select %gt3A_380, %get3A_390, %select_n3A_375 : vector<16xi1>, vector<16xi32>
      %get3A_392 = arith.constant 12 : i32
      %get3A_393 = arith.index_cast %get3A_392 : i32 to index
      %get3A_394 = arith.index_cast %mul3A_206 : i32 to index
      %get3A_395 = tpu.vector_load %arg9[%get3A_393, %get3A_394] {strides = array<i32>} : memref<32x640xi32, #tpu.memory_space<vmem>>, vector<16xi32>,
      %gt3A_396 = arith.cmpi sgt, %get3A_395, %select_n3A_381 : vector<16xi32>
      %select_n3A_397 = arith.select %gt3A_396, %get3A_395, %select_n3A_381 : vector<16xi1>, vector<16xi32>
      %get3A_398 = arith.constant 12 : i32
      %get3A_399 = arith.index_cast %get3A_398 : i32 to index
      %get3A_400 = arith.index_cast %mul3A_206 : i32 to index
      %get3A_401 = tpu.vector_load %arg10[%get3A_399, %get3A_400] {strides = array<i32>} : memref<32x640xi32, #tpu.memory_space<vmem>>, vector<16xi32>,
      %select_n3A_402 = arith.select %gt3A_396, %get3A_401, %select_n3A_386 : vector<16xi1>, vector<16xi32>
      %get3A_403 = arith.constant 12 : i32
      %get3A_404 = arith.index_cast %get3A_403 : i32 to index
      %get3A_405 = arith.index_cast %mul3A_206 : i32 to index
      %get3A_406 = tpu.vector_load %arg11[%get3A_404, %get3A_405] {strides = array<i32>} : memref<32x640xi32, #tpu.memory_space<vmem>>, vector<16xi32>,
      %select_n3A_407 = arith.select %gt3A_396, %get3A_406, %select_n3A_391 : vector<16xi1>, vector<16xi32>
      %get3A_408 = arith.constant 13 : i32
      %get3A_409 = arith.index_cast %get3A_408 : i32 to index
      %get3A_410 = arith.index_cast %mul3A_206 : i32 to index
      %get3A_411 = tpu.vector_load %arg9[%get3A_409, %get3A_410] {strides = array<i32>} : memref<32x640xi32, #tpu.memory_space<vmem>>, vector<16xi32>,
      %gt3A_412 = arith.cmpi sgt, %get3A_411, %select_n3A_397 : vector<16xi32>
      %select_n3A_413 = arith.select %gt3A_412, %get3A_411, %select_n3A_397 : vector<16xi1>, vector<16xi32>
      %get3A_414 = arith.constant 13 : i32
      %get3A_415 = arith.index_cast %get3A_414 : i32 to index
      %get3A_416 = arith.index_cast %mul3A_206 : i32 to index
      %get3A_417 = tpu.vector_load %arg10[%get3A_415, %get3A_416] {strides = array<i32>} : memref<32x640xi32, #tpu.memory_space<vmem>>, vector<16xi32>,
      %select_n3A_418 = arith.select %gt3A_412, %get3A_417, %select_n3A_402 : vector<16xi1>, vector<16xi32>
      %get3A_419 = arith.constant 13 : i32
      %get3A_420 = arith.index_cast %get3A_419 : i32 to index
      %get3A_421 = arith.index_cast %mul3A_206 : i32 to index
      %get3A_422 = tpu.vector_load %arg11[%get3A_420, %get3A_421] {strides = array<i32>} : memref<32x640xi32, #tpu.memory_space<vmem>>, vector<16xi32>,
      %select_n3A_423 = arith.select %gt3A_412, %get3A_422, %select_n3A_407 : vector<16xi1>, vector<16xi32>
      %get3A_424 = arith.constant 14 : i32
      %get3A_425 = arith.index_cast %get3A_424 : i32 to index
      %get3A_426 = arith.index_cast %mul3A_206 : i32 to index
      %get3A_427 = tpu.vector_load %arg9[%get3A_425, %get3A_426] {strides = array<i32>} : memref<32x640xi32, #tpu.memory_space<vmem>>, vector<16xi32>,
      %gt3A_428 = arith.cmpi sgt, %get3A_427, %select_n3A_413 : vector<16xi32>
      %select_n3A_429 = arith.select %gt3A_428, %get3A_427, %select_n3A_413 : vector<16xi1>, vector<16xi32>
      %get3A_430 = arith.constant 14 : i32
      %get3A_431 = arith.index_cast %get3A_430 : i32 to index
      %get3A_432 = arith.index_cast %mul3A_206 : i32 to index
      %get3A_433 = tpu.vector_load %arg10[%get3A_431, %get3A_432] {strides = array<i32>} : memref<32x640xi32, #tpu.memory_space<vmem>>, vector<16xi32>,
      %select_n3A_434 = arith.select %gt3A_428, %get3A_433, %select_n3A_418 : vector<16xi1>, vector<16xi32>
      %get3A_435 = arith.constant 14 : i32
      %get3A_436 = arith.index_cast %get3A_435 : i32 to index
      %get3A_437 = arith.index_cast %mul3A_206 : i32 to index
      %get3A_438 = tpu.vector_load %arg11[%get3A_436, %get3A_437] {strides = array<i32>} : memref<32x640xi32, #tpu.memory_space<vmem>>, vector<16xi32>,
      %select_n3A_439 = arith.select %gt3A_428, %get3A_438, %select_n3A_423 : vector<16xi1>, vector<16xi32>
      %get3A_440 = arith.constant 15 : i32
      %get3A_441 = arith.index_cast %get3A_440 : i32 to index
      %get3A_442 = arith.index_cast %mul3A_206 : i32 to index
      %get3A_443 = tpu.vector_load %arg9[%get3A_441, %get3A_442] {strides = array<i32>} : memref<32x640xi32, #tpu.memory_space<vmem>>, vector<16xi32>,
      %gt3A_444 = arith.cmpi sgt, %get3A_443, %select_n3A_429 : vector<16xi32>
      %select_n3A_445 = arith.select %gt3A_444, %get3A_443, %select_n3A_429 : vector<16xi1>, vector<16xi32>
      %get3A_446 = arith.constant 15 : i32
      %get3A_447 = arith.index_cast %get3A_446 : i32 to index
      %get3A_448 = arith.index_cast %mul3A_206 : i32 to index
      %get3A_449 = tpu.vector_load %arg10[%get3A_447, %get3A_448] {strides = array<i32>} : memref<32x640xi32, #tpu.memory_space<vmem>>, vector<16xi32>,
      %select_n3A_450 = arith.select %gt3A_444, %get3A_449, %select_n3A_434 : vector<16xi1>, vector<16xi32>
      %get3A_451 = arith.constant 15 : i32
      %get3A_452 = arith.index_cast %get3A_451 : i32 to index
      %get3A_453 = arith.index_cast %mul3A_206 : i32 to index
      %get3A_454 = tpu.vector_load %arg11[%get3A_452, %get3A_453] {strides = array<i32>} : memref<32x640xi32, #tpu.memory_space<vmem>>, vector<16xi32>,
      %select_n3A_455 = arith.select %gt3A_444, %get3A_454, %select_n3A_439 : vector<16xi1>, vector<16xi32>
      %get3A_456 = arith.constant 16 : i32
      %get3A_457 = arith.index_cast %get3A_456 : i32 to index
      %get3A_458 = arith.index_cast %mul3A_206 : i32 to index
      %get3A_459 = tpu.vector_load %arg9[%get3A_457, %get3A_458] {strides = array<i32>} : memref<32x640xi32, #tpu.memory_space<vmem>>, vector<16xi32>,
      %gt3A_460 = arith.cmpi sgt, %get3A_459, %select_n3A_445 : vector<16xi32>
      %select_n3A_461 = arith.select %gt3A_460, %get3A_459, %select_n3A_445 : vector<16xi1>, vector<16xi32>
      %get3A_462 = arith.constant 16 : i32
      %get3A_463 = arith.index_cast %get3A_462 : i32 to index
      %get3A_464 = arith.index_cast %mul3A_206 : i32 to index
      %get3A_465 = tpu.vector_load %arg10[%get3A_463, %get3A_464] {strides = array<i32>} : memref<32x640xi32, #tpu.memory_space<vmem>>, vector<16xi32>,
      %select_n3A_466 = arith.select %gt3A_460, %get3A_465, %select_n3A_450 : vector<16xi1>, vector<16xi32>
      %get3A_467 = arith.constant 16 : i32
      %get3A_468 = arith.index_cast %get3A_467 : i32 to index
      %get3A_469 = arith.index_cast %mul3A_206 : i32 to index
      %get3A_470 = tpu.vector_load %arg11[%get3A_468, %get3A_469] {strides = array<i32>} : memref<32x640xi32, #tpu.memory_space<vmem>>, vector<16xi32>,
      %select_n3A_471 = arith.select %gt3A_460, %get3A_470, %select_n3A_455 : vector<16xi1>, vector<16xi32>
      %get3A_472 = arith.constant 17 : i32
      %get3A_473 = arith.index_cast %get3A_472 : i32 to index
      %get3A_474 = arith.index_cast %mul3A_206 : i32 to index
      %get3A_475 = tpu.vector_load %arg9[%get3A_473, %get3A_474] {strides = array<i32>} : memref<32x640xi32, #tpu.memory_space<vmem>>, vector<16xi32>,
      %gt3A_476 = arith.cmpi sgt, %get3A_475, %select_n3A_461 : vector<16xi32>
      %select_n3A_477 = arith.select %gt3A_476, %get3A_475, %select_n3A_461 : vector<16xi1>, vector<16xi32>
      %get3A_478 = arith.constant 17 : i32
      %get3A_479 = arith.index_cast %get3A_478 : i32 to index
      %get3A_480 = arith.index_cast %mul3A_206 : i32 to index
      %get3A_481 = tpu.vector_load %arg10[%get3A_479, %get3A_480] {strides = array<i32>} : memref<32x640xi32, #tpu.memory_space<vmem>>, vector<16xi32>,
      %select_n3A_482 = arith.select %gt3A_476, %get3A_481, %select_n3A_466 : vector<16xi1>, vector<16xi32>
      %get3A_483 = arith.constant 17 : i32
      %get3A_484 = arith.index_cast %get3A_483 : i32 to index
      %get3A_485 = arith.index_cast %mul3A_206 : i32 to index
      %get3A_486 = tpu.vector_load %arg11[%get3A_484, %get3A_485] {strides = array<i32>} : memref<32x640xi32, #tpu.memory_space<vmem>>, vector<16xi32>,
      %select_n3A_487 = arith.select %gt3A_476, %get3A_486, %select_n3A_471 : vector<16xi1>, vector<16xi32>
      %get3A_488 = arith.constant 18 : i32
      %get3A_489 = arith.index_cast %get3A_488 : i32 to index
      %get3A_490 = arith.index_cast %mul3A_206 : i32 to index
      %get3A_491 = tpu.vector_load %arg9[%get3A_489, %get3A_490] {strides = array<i32>} : memref<32x640xi32, #tpu.memory_space<vmem>>, vector<16xi32>,
      %gt3A_492 = arith.cmpi sgt, %get3A_491, %select_n3A_477 : vector<16xi32>
      %select_n3A_493 = arith.select %gt3A_492, %get3A_491, %select_n3A_477 : vector<16xi1>, vector<16xi32>
      %get3A_494 = arith.constant 18 : i32
      %get3A_495 = arith.index_cast %get3A_494 : i32 to index
      %get3A_496 = arith.index_cast %mul3A_206 : i32 to index
      %get3A_497 = tpu.vector_load %arg10[%get3A_495, %get3A_496] {strides = array<i32>} : memref<32x640xi32, #tpu.memory_space<vmem>>, vector<16xi32>,
      %select_n3A_498 = arith.select %gt3A_492, %get3A_497, %select_n3A_482 : vector<16xi1>, vector<16xi32>
      %get3A_499 = arith.constant 18 : i32
      %get3A_500 = arith.index_cast %get3A_499 : i32 to index
      %get3A_501 = arith.index_cast %mul3A_206 : i32 to index
      %get3A_502 = tpu.vector_load %arg11[%get3A_500, %get3A_501] {strides = array<i32>} : memref<32x640xi32, #tpu.memory_space<vmem>>, vector<16xi32>,
      %select_n3A_503 = arith.select %gt3A_492, %get3A_502, %select_n3A_487 : vector<16xi1>, vector<16xi32>
      %get3A_504 = arith.constant 19 : i32
      %get3A_505 = arith.index_cast %get3A_504 : i32 to index
      %get3A_506 = arith.index_cast %mul3A_206 : i32 to index
      %get3A_507 = tpu.vector_load %arg9[%get3A_505, %get3A_506] {strides = array<i32>} : memref<32x640xi32, #tpu.memory_space<vmem>>, vector<16xi32>,
      %gt3A_508 = arith.cmpi sgt, %get3A_507, %select_n3A_493 : vector<16xi32>
      %select_n3A_509 = arith.select %gt3A_508, %get3A_507, %select_n3A_493 : vector<16xi1>, vector<16xi32>
      %get3A_510 = arith.constant 19 : i32
      %get3A_511 = arith.index_cast %get3A_510 : i32 to index
      %get3A_512 = arith.index_cast %mul3A_206 : i32 to index
      %get3A_513 = tpu.vector_load %arg10[%get3A_511, %get3A_512] {strides = array<i32>} : memref<32x640xi32, #tpu.memory_space<vmem>>, vector<16xi32>,
      %select_n3A_514 = arith.select %gt3A_508, %get3A_513, %select_n3A_498 : vector<16xi1>, vector<16xi32>
      %get3A_515 = arith.constant 19 : i32
      %get3A_516 = arith.index_cast %get3A_515 : i32 to index
      %get3A_517 = arith.index_cast %mul3A_206 : i32 to index
      %get3A_518 = tpu.vector_load %arg11[%get3A_516, %get3A_517] {strides = array<i32>} : memref<32x640xi32, #tpu.memory_space<vmem>>, vector<16xi32>,
      %select_n3A_519 = arith.select %gt3A_508, %get3A_518, %select_n3A_503 : vector<16xi1>, vector<16xi32>
      %get3A_520 = arith.constant 20 : i32
      %get3A_521 = arith.index_cast %get3A_520 : i32 to index
      %get3A_522 = arith.index_cast %mul3A_206 : i32 to index
      %get3A_523 = tpu.vector_load %arg9[%get3A_521, %get3A_522] {strides = array<i32>} : memref<32x640xi32, #tpu.memory_space<vmem>>, vector<16xi32>,
      %gt3A_524 = arith.cmpi sgt, %get3A_523, %select_n3A_509 : vector<16xi32>
      %select_n3A_525 = arith.select %gt3A_524, %get3A_523, %select_n3A_509 : vector<16xi1>, vector<16xi32>
      %get3A_526 = arith.constant 20 : i32
      %get3A_527 = arith.index_cast %get3A_526 : i32 to index
      %get3A_528 = arith.index_cast %mul3A_206 : i32 to index
      %get3A_529 = tpu.vector_load %arg10[%get3A_527, %get3A_528] {strides = array<i32>} : memref<32x640xi32, #tpu.memory_space<vmem>>, vector<16xi32>,
      %select_n3A_530 = arith.select %gt3A_524, %get3A_529, %select_n3A_514 : vector<16xi1>, vector<16xi32>
      %get3A_531 = arith.constant 20 : i32
      %get3A_532 = arith.index_cast %get3A_531 : i32 to index
      %get3A_533 = arith.index_cast %mul3A_206 : i32 to index
      %get3A_534 = tpu.vector_load %arg11[%get3A_532, %get3A_533] {strides = array<i32>} : memref<32x640xi32, #tpu.memory_space<vmem>>, vector<16xi32>,
      %select_n3A_535 = arith.select %gt3A_524, %get3A_534, %select_n3A_519 : vector<16xi1>, vector<16xi32>
      %get3A_536 = arith.constant 21 : i32
      %get3A_537 = arith.index_cast %get3A_536 : i32 to index
      %get3A_538 = arith.index_cast %mul3A_206 : i32 to index
      %get3A_539 = tpu.vector_load %arg9[%get3A_537, %get3A_538] {strides = array<i32>} : memref<32x640xi32, #tpu.memory_space<vmem>>, vector<16xi32>,
      %gt3A_540 = arith.cmpi sgt, %get3A_539, %select_n3A_525 : vector<16xi32>
      %select_n3A_541 = arith.select %gt3A_540, %get3A_539, %select_n3A_525 : vector<16xi1>, vector<16xi32>
      %get3A_542 = arith.constant 21 : i32
      %get3A_543 = arith.index_cast %get3A_542 : i32 to index
      %get3A_544 = arith.index_cast %mul3A_206 : i32 to index
      %get3A_545 = tpu.vector_load %arg10[%get3A_543, %get3A_544] {strides = array<i32>} : memref<32x640xi32, #tpu.memory_space<vmem>>, vector<16xi32>,
      %select_n3A_546 = arith.select %gt3A_540, %get3A_545, %select_n3A_530 : vector<16xi1>, vector<16xi32>
      %get3A_547 = arith.constant 21 : i32
      %get3A_548 = arith.index_cast %get3A_547 : i32 to index
      %get3A_549 = arith.index_cast %mul3A_206 : i32 to index
      %get3A_550 = tpu.vector_load %arg11[%get3A_548, %get3A_549] {strides = array<i32>} : memref<32x640xi32, #tpu.memory_space<vmem>>, vector<16xi32>,
      %select_n3A_551 = arith.select %gt3A_540, %get3A_550, %select_n3A_535 : vector<16xi1>, vector<16xi32>
      %get3A_552 = arith.constant 22 : i32
      %get3A_553 = arith.index_cast %get3A_552 : i32 to index
      %get3A_554 = arith.index_cast %mul3A_206 : i32 to index
      %get3A_555 = tpu.vector_load %arg9[%get3A_553, %get3A_554] {strides = array<i32>} : memref<32x640xi32, #tpu.memory_space<vmem>>, vector<16xi32>,
      %gt3A_556 = arith.cmpi sgt, %get3A_555, %select_n3A_541 : vector<16xi32>
      %select_n3A_557 = arith.select %gt3A_556, %get3A_555, %select_n3A_541 : vector<16xi1>, vector<16xi32>
      %get3A_558 = arith.constant 22 : i32
      %get3A_559 = arith.index_cast %get3A_558 : i32 to index
      %get3A_560 = arith.index_cast %mul3A_206 : i32 to index
      %get3A_561 = tpu.vector_load %arg10[%get3A_559, %get3A_560] {strides = array<i32>} : memref<32x640xi32, #tpu.memory_space<vmem>>, vector<16xi32>,
      %select_n3A_562 = arith.select %gt3A_556, %get3A_561, %select_n3A_546 : vector<16xi1>, vector<16xi32>
      %get3A_563 = arith.constant 22 : i32
      %get3A_564 = arith.index_cast %get3A_563 : i32 to index
      %get3A_565 = arith.index_cast %mul3A_206 : i32 to index
      %get3A_566 = tpu.vector_load %arg11[%get3A_564, %get3A_565] {strides = array<i32>} : memref<32x640xi32, #tpu.memory_space<vmem>>, vector<16xi32>,
      %select_n3A_567 = arith.select %gt3A_556, %get3A_566, %select_n3A_551 : vector<16xi1>, vector<16xi32>
      %get3A_568 = arith.constant 23 : i32
      %get3A_569 = arith.index_cast %get3A_568 : i32 to index
      %get3A_570 = arith.index_cast %mul3A_206 : i32 to index
      %get3A_571 = tpu.vector_load %arg9[%get3A_569, %get3A_570] {strides = array<i32>} : memref<32x640xi32, #tpu.memory_space<vmem>>, vector<16xi32>,
      %gt3A_572 = arith.cmpi sgt, %get3A_571, %select_n3A_557 : vector<16xi32>
      %select_n3A_573 = arith.select %gt3A_572, %get3A_571, %select_n3A_557 : vector<16xi1>, vector<16xi32>
      %get3A_574 = arith.constant 23 : i32
      %get3A_575 = arith.index_cast %get3A_574 : i32 to index
      %get3A_576 = arith.index_cast %mul3A_206 : i32 to index
      %get3A_577 = tpu.vector_load %arg10[%get3A_575, %get3A_576] {strides = array<i32>} : memref<32x640xi32, #tpu.memory_space<vmem>>, vector<16xi32>,
      %select_n3A_578 = arith.select %gt3A_572, %get3A_577, %select_n3A_562 : vector<16xi1>, vector<16xi32>
      %get3A_579 = arith.constant 23 : i32
      %get3A_580 = arith.index_cast %get3A_579 : i32 to index
      %get3A_581 = arith.index_cast %mul3A_206 : i32 to index
      %get3A_582 = tpu.vector_load %arg11[%get3A_580, %get3A_581] {strides = array<i32>} : memref<32x640xi32, #tpu.memory_space<vmem>>, vector<16xi32>,
      %select_n3A_583 = arith.select %gt3A_572, %get3A_582, %select_n3A_567 : vector<16xi1>, vector<16xi32>
      %get3A_584 = arith.constant 24 : i32
      %get3A_585 = arith.index_cast %get3A_584 : i32 to index
      %get3A_586 = arith.index_cast %mul3A_206 : i32 to index
      %get3A_587 = tpu.vector_load %arg9[%get3A_585, %get3A_586] {strides = array<i32>} : memref<32x640xi32, #tpu.memory_space<vmem>>, vector<16xi32>,
      %gt3A_588 = arith.cmpi sgt, %get3A_587, %select_n3A_573 : vector<16xi32>
      %select_n3A_589 = arith.select %gt3A_588, %get3A_587, %select_n3A_573 : vector<16xi1>, vector<16xi32>
      %get3A_590 = arith.constant 24 : i32
      %get3A_591 = arith.index_cast %get3A_590 : i32 to index
      %get3A_592 = arith.index_cast %mul3A_206 : i32 to index
      %get3A_593 = tpu.vector_load %arg10[%get3A_591, %get3A_592] {strides = array<i32>} : memref<32x640xi32, #tpu.memory_space<vmem>>, vector<16xi32>,
      %select_n3A_594 = arith.select %gt3A_588, %get3A_593, %select_n3A_578 : vector<16xi1>, vector<16xi32>
      %get3A_595 = arith.constant 24 : i32
      %get3A_596 = arith.index_cast %get3A_595 : i32 to index
      %get3A_597 = arith.index_cast %mul3A_206 : i32 to index
      %get3A_598 = tpu.vector_load %arg11[%get3A_596, %get3A_597] {strides = array<i32>} : memref<32x640xi32, #tpu.memory_space<vmem>>, vector<16xi32>,
      %select_n3A_599 = arith.select %gt3A_588, %get3A_598, %select_n3A_583 : vector<16xi1>, vector<16xi32>
      %get3A_600 = arith.constant 25 : i32
      %get3A_601 = arith.index_cast %get3A_600 : i32 to index
      %get3A_602 = arith.index_cast %mul3A_206 : i32 to index
      %get3A_603 = tpu.vector_load %arg9[%get3A_601, %get3A_602] {strides = array<i32>} : memref<32x640xi32, #tpu.memory_space<vmem>>, vector<16xi32>,
      %gt3A_604 = arith.cmpi sgt, %get3A_603, %select_n3A_589 : vector<16xi32>
      %select_n3A_605 = arith.select %gt3A_604, %get3A_603, %select_n3A_589 : vector<16xi1>, vector<16xi32>
      %get3A_606 = arith.constant 25 : i32
      %get3A_607 = arith.index_cast %get3A_606 : i32 to index
      %get3A_608 = arith.index_cast %mul3A_206 : i32 to index
      %get3A_609 = tpu.vector_load %arg10[%get3A_607, %get3A_608] {strides = array<i32>} : memref<32x640xi32, #tpu.memory_space<vmem>>, vector<16xi32>,
      %select_n3A_610 = arith.select %gt3A_604, %get3A_609, %select_n3A_594 : vector<16xi1>, vector<16xi32>
      %get3A_611 = arith.constant 25 : i32
      %get3A_612 = arith.index_cast %get3A_611 : i32 to index
      %get3A_613 = arith.index_cast %mul3A_206 : i32 to index
      %get3A_614 = tpu.vector_load %arg11[%get3A_612, %get3A_613] {strides = array<i32>} : memref<32x640xi32, #tpu.memory_space<vmem>>, vector<16xi32>,
      %select_n3A_615 = arith.select %gt3A_604, %get3A_614, %select_n3A_599 : vector<16xi1>, vector<16xi32>
      %get3A_616 = arith.constant 26 : i32
      %get3A_617 = arith.index_cast %get3A_616 : i32 to index
      %get3A_618 = arith.index_cast %mul3A_206 : i32 to index
      %get3A_619 = tpu.vector_load %arg9[%get3A_617, %get3A_618] {strides = array<i32>} : memref<32x640xi32, #tpu.memory_space<vmem>>, vector<16xi32>,
      %gt3A_620 = arith.cmpi sgt, %get3A_619, %select_n3A_605 : vector<16xi32>
      %select_n3A_621 = arith.select %gt3A_620, %get3A_619, %select_n3A_605 : vector<16xi1>, vector<16xi32>
      %get3A_622 = arith.constant 26 : i32
      %get3A_623 = arith.index_cast %get3A_622 : i32 to index
      %get3A_624 = arith.index_cast %mul3A_206 : i32 to index
      %get3A_625 = tpu.vector_load %arg10[%get3A_623, %get3A_624] {strides = array<i32>} : memref<32x640xi32, #tpu.memory_space<vmem>>, vector<16xi32>,
      %select_n3A_626 = arith.select %gt3A_620, %get3A_625, %select_n3A_610 : vector<16xi1>, vector<16xi32>
      %get3A_627 = arith.constant 26 : i32
      %get3A_628 = arith.index_cast %get3A_627 : i32 to index
      %get3A_629 = arith.index_cast %mul3A_206 : i32 to index
      %get3A_630 = tpu.vector_load %arg11[%get3A_628, %get3A_629] {strides = array<i32>} : memref<32x640xi32, #tpu.memory_space<vmem>>, vector<16xi32>,
      %select_n3A_631 = arith.select %gt3A_620, %get3A_630, %select_n3A_615 : vector<16xi1>, vector<16xi32>
      %get3A_632 = arith.constant 27 : i32
      %get3A_633 = arith.index_cast %get3A_632 : i32 to index
      %get3A_634 = arith.index_cast %mul3A_206 : i32 to index
      %get3A_635 = tpu.vector_load %arg9[%get3A_633, %get3A_634] {strides = array<i32>} : memref<32x640xi32, #tpu.memory_space<vmem>>, vector<16xi32>,
      %gt3A_636 = arith.cmpi sgt, %get3A_635, %select_n3A_621 : vector<16xi32>
      %select_n3A_637 = arith.select %gt3A_636, %get3A_635, %select_n3A_621 : vector<16xi1>, vector<16xi32>
      %get3A_638 = arith.constant 27 : i32
      %get3A_639 = arith.index_cast %get3A_638 : i32 to index
      %get3A_640 = arith.index_cast %mul3A_206 : i32 to index
      %get3A_641 = tpu.vector_load %arg10[%get3A_639, %get3A_640] {strides = array<i32>} : memref<32x640xi32, #tpu.memory_space<vmem>>, vector<16xi32>,
      %select_n3A_642 = arith.select %gt3A_636, %get3A_641, %select_n3A_626 : vector<16xi1>, vector<16xi32>
      %get3A_643 = arith.constant 27 : i32
      %get3A_644 = arith.index_cast %get3A_643 : i32 to index
      %get3A_645 = arith.index_cast %mul3A_206 : i32 to index
      %get3A_646 = tpu.vector_load %arg11[%get3A_644, %get3A_645] {strides = array<i32>} : memref<32x640xi32, #tpu.memory_space<vmem>>, vector<16xi32>,
      %select_n3A_647 = arith.select %gt3A_636, %get3A_646, %select_n3A_631 : vector<16xi1>, vector<16xi32>
      %get3A_648 = arith.constant 28 : i32
      %get3A_649 = arith.index_cast %get3A_648 : i32 to index
      %get3A_650 = arith.index_cast %mul3A_206 : i32 to index
      %get3A_651 = tpu.vector_load %arg9[%get3A_649, %get3A_650] {strides = array<i32>} : memref<32x640xi32, #tpu.memory_space<vmem>>, vector<16xi32>,
      %gt3A_652 = arith.cmpi sgt, %get3A_651, %select_n3A_637 : vector<16xi32>
      %select_n3A_653 = arith.select %gt3A_652, %get3A_651, %select_n3A_637 : vector<16xi1>, vector<16xi32>
      %get3A_654 = arith.constant 28 : i32
      %get3A_655 = arith.index_cast %get3A_654 : i32 to index
      %get3A_656 = arith.index_cast %mul3A_206 : i32 to index
      %get3A_657 = tpu.vector_load %arg10[%get3A_655, %get3A_656] {strides = array<i32>} : memref<32x640xi32, #tpu.memory_space<vmem>>, vector<16xi32>,
      %select_n3A_658 = arith.select %gt3A_652, %get3A_657, %select_n3A_642 : vector<16xi1>, vector<16xi32>
      %get3A_659 = arith.constant 28 : i32
      %get3A_660 = arith.index_cast %get3A_659 : i32 to index
      %get3A_661 = arith.index_cast %mul3A_206 : i32 to index
      %get3A_662 = tpu.vector_load %arg11[%get3A_660, %get3A_661] {strides = array<i32>} : memref<32x640xi32, #tpu.memory_space<vmem>>, vector<16xi32>,
      %select_n3A_663 = arith.select %gt3A_652, %get3A_662, %select_n3A_647 : vector<16xi1>, vector<16xi32>
      %get3A_664 = arith.constant 29 : i32
      %get3A_665 = arith.index_cast %get3A_664 : i32 to index
      %get3A_666 = arith.index_cast %mul3A_206 : i32 to index
      %get3A_667 = tpu.vector_load %arg9[%get3A_665, %get3A_666] {strides = array<i32>} : memref<32x640xi32, #tpu.memory_space<vmem>>, vector<16xi32>,
      %gt3A_668 = arith.cmpi sgt, %get3A_667, %select_n3A_653 : vector<16xi32>
      %select_n3A_669 = arith.select %gt3A_668, %get3A_667, %select_n3A_653 : vector<16xi1>, vector<16xi32>
      %get3A_670 = arith.constant 29 : i32
      %get3A_671 = arith.index_cast %get3A_670 : i32 to index
      %get3A_672 = arith.index_cast %mul3A_206 : i32 to index
      %get3A_673 = tpu.vector_load %arg10[%get3A_671, %get3A_672] {strides = array<i32>} : memref<32x640xi32, #tpu.memory_space<vmem>>, vector<16xi32>,
      %select_n3A_674 = arith.select %gt3A_668, %get3A_673, %select_n3A_658 : vector<16xi1>, vector<16xi32>
      %get3A_675 = arith.constant 29 : i32
      %get3A_676 = arith.index_cast %get3A_675 : i32 to index
      %get3A_677 = arith.index_cast %mul3A_206 : i32 to index
      %get3A_678 = tpu.vector_load %arg11[%get3A_676, %get3A_677] {strides = array<i32>} : memref<32x640xi32, #tpu.memory_space<vmem>>, vector<16xi32>,
      %select_n3A_679 = arith.select %gt3A_668, %get3A_678, %select_n3A_663 : vector<16xi1>, vector<16xi32>
      %get3A_680 = arith.constant 30 : i32
      %get3A_681 = arith.index_cast %get3A_680 : i32 to index
      %get3A_682 = arith.index_cast %mul3A_206 : i32 to index
      %get3A_683 = tpu.vector_load %arg9[%get3A_681, %get3A_682] {strides = array<i32>} : memref<32x640xi32, #tpu.memory_space<vmem>>, vector<16xi32>,
      %gt3A_684 = arith.cmpi sgt, %get3A_683, %select_n3A_669 : vector<16xi32>
      %select_n3A_685 = arith.select %gt3A_684, %get3A_683, %select_n3A_669 : vector<16xi1>, vector<16xi32>
      %get3A_686 = arith.constant 30 : i32
      %get3A_687 = arith.index_cast %get3A_686 : i32 to index
      %get3A_688 = arith.index_cast %mul3A_206 : i32 to index
      %get3A_689 = tpu.vector_load %arg10[%get3A_687, %get3A_688] {strides = array<i32>} : memref<32x640xi32, #tpu.memory_space<vmem>>, vector<16xi32>,
      %select_n3A_690 = arith.select %gt3A_684, %get3A_689, %select_n3A_674 : vector<16xi1>, vector<16xi32>
      %get3A_691 = arith.constant 30 : i32
      %get3A_692 = arith.index_cast %get3A_691 : i32 to index
      %get3A_693 = arith.index_cast %mul3A_206 : i32 to index
      %get3A_694 = tpu.vector_load %arg11[%get3A_692, %get3A_693] {strides = array<i32>} : memref<32x640xi32, #tpu.memory_space<vmem>>, vector<16xi32>,
      %select_n3A_695 = arith.select %gt3A_684, %get3A_694, %select_n3A_679 : vector<16xi1>, vector<16xi32>
      %get3A_696 = arith.constant 31 : i32
      %get3A_697 = arith.index_cast %get3A_696 : i32 to index
      %get3A_698 = arith.index_cast %mul3A_206 : i32 to index
      %get3A_699 = tpu.vector_load %arg9[%get3A_697, %get3A_698] {strides = array<i32>} : memref<32x640xi32, #tpu.memory_space<vmem>>, vector<16xi32>,
      %gt3A_700 = arith.cmpi sgt, %get3A_699, %select_n3A_685 : vector<16xi32>
      %select_n3A_701 = arith.select %gt3A_700, %get3A_699, %select_n3A_685 : vector<16xi1>, vector<16xi32>
      %get3A_702 = arith.constant 31 : i32
      %get3A_703 = arith.index_cast %get3A_702 : i32 to index
      %get3A_704 = arith.index_cast %mul3A_206 : i32 to index
      %get3A_705 = tpu.vector_load %arg10[%get3A_703, %get3A_704] {strides = array<i32>} : memref<32x640xi32, #tpu.memory_space<vmem>>, vector<16xi32>,
      %select_n3A_706 = arith.select %gt3A_700, %get3A_705, %select_n3A_690 : vector<16xi1>, vector<16xi32>
      %get3A_707 = arith.constant 31 : i32
      %get3A_708 = arith.index_cast %get3A_707 : i32 to index
      %get3A_709 = arith.index_cast %mul3A_206 : i32 to index
      %get3A_710 = tpu.vector_load %arg11[%get3A_708, %get3A_709] {strides = array<i32>} : memref<32x640xi32, #tpu.memory_space<vmem>>, vector<16xi32>,
      %select_n3A_711 = arith.select %gt3A_700, %get3A_710, %select_n3A_695 : vector<16xi1>, vector<16xi32>
      %add3A_712 = arith.constant 0 : i32
      %add3A_713 = arith.addi %mul3A_2, %add3A_712 : i32
      %mul3A_714 = arith.constant 16 : i32
      %mul3A_715 = arith.muli %add3A_204, %mul3A_714 : i32
      %add3A_716 = arith.addi %add3A_713, %mul3A_715 : i32
      %add3A_717 = vector.broadcast %add3A_716 : i32 to vector<16xi32>
      %add3A_718 = arith.addi %add3A_717, %iota3A : vector<16xi32>
      %lt3A = arith.constant 0 : i32
      %lt3A_719 = vector.broadcast %lt3A : i32 to vector<16xi32>
      %lt3A_720 = arith.cmpi slt, %select_n3A_701, %lt3A_719 : vector<16xi32>
      %add3A_721 = arith.constant 106496 : i32
      %add3A_722 = vector.broadcast %add3A_721 : i32 to vector<16xi32>
      %add3A_723 = arith.addi %add3A_722, %add3A_718 : vector<16xi32>
      %select_n3A_724 = arith.select %lt3A_720, %add3A_723, %select_n3A_706 : vector<16xi1>, vector<16xi32>
      %mul3A_725 = arith.constant 16 : i32
      %mul3A_726 = arith.muli %add3A_204, %mul3A_725 : i32
      %add3A_727 = arith.constant 0 : i32
      %add3A_728 = arith.addi %add3A_727, %mul3A_726 : i32
      %swap3A = arith.index_cast %add3A_728 : i32 to index
      %swap3A_729 = tpu.vector_load %arg7[%swap3A] {strides = array<i32>} : memref<3200xi32, #tpu.memory_space<vmem>>, vector<16xi32>,
      tpu.vector_store %arg7[%swap3A], %select_n3A_724 {strides = array<i32>} : memref<3200xi32, #tpu.memory_space<vmem>>, vector<16xi32>,
      %lt3A_730 = arith.constant 0 : i32
      %lt3A_731 = vector.broadcast %lt3A_730 : i32 to vector<16xi32>
      %lt3A_732 = arith.cmpi slt, %select_n3A_701, %lt3A_731 : vector<16xi32>
      %and3A = arith.constant 4095 : i32
      %and3A_733 = vector.broadcast %and3A : i32 to vector<16xi32>
      %and3A_734 = arith.andi %add3A_718, %and3A_733 : vector<16xi32>
      %add3A_735 = arith.constant 102400 : i32
      %add3A_736 = vector.broadcast %add3A_735 : i32 to vector<16xi32>
      %add3A_737 = arith.addi %add3A_736, %and3A_734 : vector<16xi32>
      %select_n3A_738 = arith.select %lt3A_732, %add3A_737, %select_n3A_711 : vector<16xi1>, vector<16xi32>
      %mul3A_739 = arith.constant 16 : i32
      %mul3A_740 = arith.muli %add3A_204, %mul3A_739 : i32
      %add3A_741 = arith.constant 0 : i32
      %add3A_742 = arith.addi %add3A_741, %mul3A_740 : i32
      %swap3A_743 = arith.index_cast %add3A_742 : i32 to index
      %swap3A_744 = tpu.vector_load %arg8[%swap3A_743] {strides = array<i32>} : memref<3200xi32, #tpu.memory_space<vmem>>, vector<16xi32>,
      tpu.vector_store %arg8[%swap3A_743], %select_n3A_738 {strides = array<i32>} : memref<3200xi32, #tpu.memory_space<vmem>>, vector<16xi32>,
    }
    %scan3A_34 = arith.constant 40 : i32
    %add3A_35 = arith.constant 640 : i32
    %add3A_36 = arith.addi %mul3A_2, %add3A_35 : i32
    %add3A_37 = arith.constant 640 : i32
    %add3A_38 = arith.addi %mul3A_2, %add3A_37 : i32
    %add3A_39 = arith.constant 640 : i32
    %add3A_40 = arith.addi %mul3A_2, %add3A_39 : i32
    %dma_start3A_41 = arith.constant 0 : i32
    %dma_start3A_42 = tpu.memref_slice %arg2[%dma_start3A_41, %add3A_36] : memref<32x102400xi32, #tpu.memory_space<hbm>> -> memref<32x640xi32, #tpu.memory_space<hbm>>
    %dma_start3A_43 = arith.constant 0 : i32
    %dma_start3A_44 = tpu.memref_slice %arg2[%dma_start3A_43, %add3A_36] : memref<32x102400xi32, #tpu.memory_space<hbm>> -> memref<32x640xi32, #tpu.memory_space<hbm>>
    tpu.enqueue_dma source(%dma_start3A_44 : memref<32x640xi32, #tpu.memory_space<hbm>>) target(%arg9 : memref<32x640xi32, #tpu.memory_space<vmem>>) target_semaphore(%arg12 : memref<!tpu.dma_semaphore, #tpu.memory_space<semaphore_mem>>)
    %dma_start3A_45 = arith.constant 0 : i32
    %dma_start3A_46 = tpu.memref_slice %arg3[%dma_start3A_45, %add3A_38] : memref<32x102400xi32, #tpu.memory_space<hbm>> -> memref<32x640xi32, #tpu.memory_space<hbm>>
    %dma_start3A_47 = arith.constant 0 : i32
    %dma_start3A_48 = tpu.memref_slice %arg3[%dma_start3A_47, %add3A_38] : memref<32x102400xi32, #tpu.memory_space<hbm>> -> memref<32x640xi32, #tpu.memory_space<hbm>>
    tpu.enqueue_dma source(%dma_start3A_48 : memref<32x640xi32, #tpu.memory_space<hbm>>) target(%arg10 : memref<32x640xi32, #tpu.memory_space<vmem>>) target_semaphore(%arg12 : memref<!tpu.dma_semaphore, #tpu.memory_space<semaphore_mem>>)
    %dma_start3A_49 = arith.constant 0 : i32
    %dma_start3A_50 = tpu.memref_slice %arg4[%dma_start3A_49, %add3A_40] : memref<32x102400xi32, #tpu.memory_space<hbm>> -> memref<32x640xi32, #tpu.memory_space<hbm>>
    %dma_start3A_51 = arith.constant 0 : i32
    %dma_start3A_52 = tpu.memref_slice %arg4[%dma_start3A_51, %add3A_40] : memref<32x102400xi32, #tpu.memory_space<hbm>> -> memref<32x640xi32, #tpu.memory_space<hbm>>
    tpu.enqueue_dma source(%dma_start3A_52 : memref<32x640xi32, #tpu.memory_space<hbm>>) target(%arg11 : memref<32x640xi32, #tpu.memory_space<vmem>>) target_semaphore(%arg12 : memref<!tpu.dma_semaphore, #tpu.memory_space<semaphore_mem>>)
    %dma_wait3A_53 = arith.constant 0 : i32
    %dma_wait3A_54 = tpu.memref_slice %arg2[%dma_wait3A_53, %add3A_36] : memref<32x102400xi32, #tpu.memory_space<hbm>> -> memref<32x640xi32, #tpu.memory_space<hbm>>
    %dma_wait3A_55 = arith.constant 0 : i32
    %dma_wait3A_56 = tpu.memref_slice %arg2[%dma_wait3A_55, %add3A_36] : memref<32x102400xi32, #tpu.memory_space<hbm>> -> memref<32x640xi32, #tpu.memory_space<hbm>>
    tpu.wait_dma2 semaphore(%arg12 : memref<!tpu.dma_semaphore, #tpu.memory_space<semaphore_mem>>) src(%dma_wait3A_56 : memref<32x640xi32, #tpu.memory_space<hbm>>) dst(%arg9 : memref<32x640xi32, #tpu.memory_space<vmem>>)
    %dma_wait3A_57 = arith.constant 0 : i32
    %dma_wait3A_58 = tpu.memref_slice %arg3[%dma_wait3A_57, %add3A_38] : memref<32x102400xi32, #tpu.memory_space<hbm>> -> memref<32x640xi32, #tpu.memory_space<hbm>>
    %dma_wait3A_59 = arith.constant 0 : i32
    %dma_wait3A_60 = tpu.memref_slice %arg3[%dma_wait3A_59, %add3A_38] : memref<32x102400xi32, #tpu.memory_space<hbm>> -> memref<32x640xi32, #tpu.memory_space<hbm>>
    tpu.wait_dma2 semaphore(%arg12 : memref<!tpu.dma_semaphore, #tpu.memory_space<semaphore_mem>>) src(%dma_wait3A_60 : memref<32x640xi32, #tpu.memory_space<hbm>>) dst(%arg10 : memref<32x640xi32, #tpu.memory_space<vmem>>)
    %dma_wait3A_61 = arith.constant 0 : i32
    %dma_wait3A_62 = tpu.memref_slice %arg4[%dma_wait3A_61, %add3A_40] : memref<32x102400xi32, #tpu.memory_space<hbm>> -> memref<32x640xi32, #tpu.memory_space<hbm>>
    %dma_wait3A_63 = arith.constant 0 : i32
    %dma_wait3A_64 = tpu.memref_slice %arg4[%dma_wait3A_63, %add3A_40] : memref<32x102400xi32, #tpu.memory_space<hbm>> -> memref<32x640xi32, #tpu.memory_space<hbm>>
    tpu.wait_dma2 semaphore(%arg12 : memref<!tpu.dma_semaphore, #tpu.memory_space<semaphore_mem>>) src(%dma_wait3A_64 : memref<32x640xi32, #tpu.memory_space<hbm>>) dst(%arg11 : memref<32x640xi32, #tpu.memory_space<vmem>>)
    %scan3A_65 = arith.constant 0 : i32
    %scan3A_66 = arith.constant 40 : i32
    %scan3A_67 = arith.addi %scan3A_65, %scan3A_66 : i32
    %scan3A_68 = arith.constant 1 : i32
    scf.for %scan3A_200 = %scan3A_65 to %scan3A_67 step %scan3A_68  : i32 {
      %mul3A_201 = arith.constant 1 : i32
      %mul3A_202 = arith.muli %scan3A_200, %mul3A_201 : i32
      %add3A_203 = arith.constant 0 : i32
      %add3A_204 = arith.addi %add3A_203, %mul3A_202 : i32
      %mul3A_205 = arith.constant 16 : i32
      %mul3A_206 = arith.muli %add3A_204, %mul3A_205 : i32
      %get3A = arith.constant 0 : i32
      %get3A_207 = arith.index_cast %get3A : i32 to index
      %get3A_208 = arith.index_cast %mul3A_206 : i32 to index
      %get3A_209 = tpu.vector_load %arg9[%get3A_207, %get3A_208] {strides = array<i32>} : memref<32x640xi32, #tpu.memory_space<vmem>>, vector<16xi32>,
      %get3A_210 = arith.constant 0 : i32
      %get3A_211 = arith.index_cast %get3A_210 : i32 to index
      %get3A_212 = arith.index_cast %mul3A_206 : i32 to index
      %get3A_213 = tpu.vector_load %arg10[%get3A_211, %get3A_212] {strides = array<i32>} : memref<32x640xi32, #tpu.memory_space<vmem>>, vector<16xi32>,
      %get3A_214 = arith.constant 0 : i32
      %get3A_215 = arith.index_cast %get3A_214 : i32 to index
      %get3A_216 = arith.index_cast %mul3A_206 : i32 to index
      %get3A_217 = tpu.vector_load %arg11[%get3A_215, %get3A_216] {strides = array<i32>} : memref<32x640xi32, #tpu.memory_space<vmem>>, vector<16xi32>,
      %get3A_218 = arith.constant 1 : i32
      %get3A_219 = arith.index_cast %get3A_218 : i32 to index
      %get3A_220 = arith.index_cast %mul3A_206 : i32 to index
      %get3A_221 = tpu.vector_load %arg9[%get3A_219, %get3A_220] {strides = array<i32>} : memref<32x640xi32, #tpu.memory_space<vmem>>, vector<16xi32>,
      %gt3A = arith.cmpi sgt, %get3A_221, %get3A_209 : vector<16xi32>
      %select_n3A = arith.select %gt3A, %get3A_221, %get3A_209 : vector<16xi1>, vector<16xi32>
      %get3A_222 = arith.constant 1 : i32
      %get3A_223 = arith.index_cast %get3A_222 : i32 to index
      %get3A_224 = arith.index_cast %mul3A_206 : i32 to index
      %get3A_225 = tpu.vector_load %arg10[%get3A_223, %get3A_224] {strides = array<i32>} : memref<32x640xi32, #tpu.memory_space<vmem>>, vector<16xi32>,
      %select_n3A_226 = arith.select %gt3A, %get3A_225, %get3A_213 : vector<16xi1>, vector<16xi32>
      %get3A_227 = arith.constant 1 : i32
      %get3A_228 = arith.index_cast %get3A_227 : i32 to index
      %get3A_229 = arith.index_cast %mul3A_206 : i32 to index
      %get3A_230 = tpu.vector_load %arg11[%get3A_228, %get3A_229] {strides = array<i32>} : memref<32x640xi32, #tpu.memory_space<vmem>>, vector<16xi32>,
      %select_n3A_231 = arith.select %gt3A, %get3A_230, %get3A_217 : vector<16xi1>, vector<16xi32>
      %get3A_232 = arith.constant 2 : i32
      %get3A_233 = arith.index_cast %get3A_232 : i32 to index
      %get3A_234 = arith.index_cast %mul3A_206 : i32 to index
      %get3A_235 = tpu.vector_load %arg9[%get3A_233, %get3A_234] {strides = array<i32>} : memref<32x640xi32, #tpu.memory_space<vmem>>, vector<16xi32>,
      %gt3A_236 = arith.cmpi sgt, %get3A_235, %select_n3A : vector<16xi32>
      %select_n3A_237 = arith.select %gt3A_236, %get3A_235, %select_n3A : vector<16xi1>, vector<16xi32>
      %get3A_238 = arith.constant 2 : i32
      %get3A_239 = arith.index_cast %get3A_238 : i32 to index
      %get3A_240 = arith.index_cast %mul3A_206 : i32 to index
      %get3A_241 = tpu.vector_load %arg10[%get3A_239, %get3A_240] {strides = array<i32>} : memref<32x640xi32, #tpu.memory_space<vmem>>, vector<16xi32>,
      %select_n3A_242 = arith.select %gt3A_236, %get3A_241, %select_n3A_226 : vector<16xi1>, vector<16xi32>
      %get3A_243 = arith.constant 2 : i32
      %get3A_244 = arith.index_cast %get3A_243 : i32 to index
      %get3A_245 = arith.index_cast %mul3A_206 : i32 to index
      %get3A_246 = tpu.vector_load %arg11[%get3A_244, %get3A_245] {strides = array<i32>} : memref<32x640xi32, #tpu.memory_space<vmem>>, vector<16xi32>,
      %select_n3A_247 = arith.select %gt3A_236, %get3A_246, %select_n3A_231 : vector<16xi1>, vector<16xi32>
      %get3A_248 = arith.constant 3 : i32
      %get3A_249 = arith.index_cast %get3A_248 : i32 to index
      %get3A_250 = arith.index_cast %mul3A_206 : i32 to index
      %get3A_251 = tpu.vector_load %arg9[%get3A_249, %get3A_250] {strides = array<i32>} : memref<32x640xi32, #tpu.memory_space<vmem>>, vector<16xi32>,
      %gt3A_252 = arith.cmpi sgt, %get3A_251, %select_n3A_237 : vector<16xi32>
      %select_n3A_253 = arith.select %gt3A_252, %get3A_251, %select_n3A_237 : vector<16xi1>, vector<16xi32>
      %get3A_254 = arith.constant 3 : i32
      %get3A_255 = arith.index_cast %get3A_254 : i32 to index
      %get3A_256 = arith.index_cast %mul3A_206 : i32 to index
      %get3A_257 = tpu.vector_load %arg10[%get3A_255, %get3A_256] {strides = array<i32>} : memref<32x640xi32, #tpu.memory_space<vmem>>, vector<16xi32>,
      %select_n3A_258 = arith.select %gt3A_252, %get3A_257, %select_n3A_242 : vector<16xi1>, vector<16xi32>
      %get3A_259 = arith.constant 3 : i32
      %get3A_260 = arith.index_cast %get3A_259 : i32 to index
      %get3A_261 = arith.index_cast %mul3A_206 : i32 to index
      %get3A_262 = tpu.vector_load %arg11[%get3A_260, %get3A_261] {strides = array<i32>} : memref<32x640xi32, #tpu.memory_space<vmem>>, vector<16xi32>,
      %select_n3A_263 = arith.select %gt3A_252, %get3A_262, %select_n3A_247 : vector<16xi1>, vector<16xi32>
      %get3A_264 = arith.constant 4 : i32
      %get3A_265 = arith.index_cast %get3A_264 : i32 to index
      %get3A_266 = arith.index_cast %mul3A_206 : i32 to index
      %get3A_267 = tpu.vector_load %arg9[%get3A_265, %get3A_266] {strides = array<i32>} : memref<32x640xi32, #tpu.memory_space<vmem>>, vector<16xi32>,
      %gt3A_268 = arith.cmpi sgt, %get3A_267, %select_n3A_253 : vector<16xi32>
      %select_n3A_269 = arith.select %gt3A_268, %get3A_267, %select_n3A_253 : vector<16xi1>, vector<16xi32>
      %get3A_270 = arith.constant 4 : i32
      %get3A_271 = arith.index_cast %get3A_270 : i32 to index
      %get3A_272 = arith.index_cast %mul3A_206 : i32 to index
      %get3A_273 = tpu.vector_load %arg10[%get3A_271, %get3A_272] {strides = array<i32>} : memref<32x640xi32, #tpu.memory_space<vmem>>, vector<16xi32>,
      %select_n3A_274 = arith.select %gt3A_268, %get3A_273, %select_n3A_258 : vector<16xi1>, vector<16xi32>
      %get3A_275 = arith.constant 4 : i32
      %get3A_276 = arith.index_cast %get3A_275 : i32 to index
      %get3A_277 = arith.index_cast %mul3A_206 : i32 to index
      %get3A_278 = tpu.vector_load %arg11[%get3A_276, %get3A_277] {strides = array<i32>} : memref<32x640xi32, #tpu.memory_space<vmem>>, vector<16xi32>,
      %select_n3A_279 = arith.select %gt3A_268, %get3A_278, %select_n3A_263 : vector<16xi1>, vector<16xi32>
      %get3A_280 = arith.constant 5 : i32
      %get3A_281 = arith.index_cast %get3A_280 : i32 to index
      %get3A_282 = arith.index_cast %mul3A_206 : i32 to index
      %get3A_283 = tpu.vector_load %arg9[%get3A_281, %get3A_282] {strides = array<i32>} : memref<32x640xi32, #tpu.memory_space<vmem>>, vector<16xi32>,
      %gt3A_284 = arith.cmpi sgt, %get3A_283, %select_n3A_269 : vector<16xi32>
      %select_n3A_285 = arith.select %gt3A_284, %get3A_283, %select_n3A_269 : vector<16xi1>, vector<16xi32>
      %get3A_286 = arith.constant 5 : i32
      %get3A_287 = arith.index_cast %get3A_286 : i32 to index
      %get3A_288 = arith.index_cast %mul3A_206 : i32 to index
      %get3A_289 = tpu.vector_load %arg10[%get3A_287, %get3A_288] {strides = array<i32>} : memref<32x640xi32, #tpu.memory_space<vmem>>, vector<16xi32>,
      %select_n3A_290 = arith.select %gt3A_284, %get3A_289, %select_n3A_274 : vector<16xi1>, vector<16xi32>
      %get3A_291 = arith.constant 5 : i32
      %get3A_292 = arith.index_cast %get3A_291 : i32 to index
      %get3A_293 = arith.index_cast %mul3A_206 : i32 to index
      %get3A_294 = tpu.vector_load %arg11[%get3A_292, %get3A_293] {strides = array<i32>} : memref<32x640xi32, #tpu.memory_space<vmem>>, vector<16xi32>,
      %select_n3A_295 = arith.select %gt3A_284, %get3A_294, %select_n3A_279 : vector<16xi1>, vector<16xi32>
      %get3A_296 = arith.constant 6 : i32
      %get3A_297 = arith.index_cast %get3A_296 : i32 to index
      %get3A_298 = arith.index_cast %mul3A_206 : i32 to index
      %get3A_299 = tpu.vector_load %arg9[%get3A_297, %get3A_298] {strides = array<i32>} : memref<32x640xi32, #tpu.memory_space<vmem>>, vector<16xi32>,
      %gt3A_300 = arith.cmpi sgt, %get3A_299, %select_n3A_285 : vector<16xi32>
      %select_n3A_301 = arith.select %gt3A_300, %get3A_299, %select_n3A_285 : vector<16xi1>, vector<16xi32>
      %get3A_302 = arith.constant 6 : i32
      %get3A_303 = arith.index_cast %get3A_302 : i32 to index
      %get3A_304 = arith.index_cast %mul3A_206 : i32 to index
      %get3A_305 = tpu.vector_load %arg10[%get3A_303, %get3A_304] {strides = array<i32>} : memref<32x640xi32, #tpu.memory_space<vmem>>, vector<16xi32>,
      %select_n3A_306 = arith.select %gt3A_300, %get3A_305, %select_n3A_290 : vector<16xi1>, vector<16xi32>
      %get3A_307 = arith.constant 6 : i32
      %get3A_308 = arith.index_cast %get3A_307 : i32 to index
      %get3A_309 = arith.index_cast %mul3A_206 : i32 to index
      %get3A_310 = tpu.vector_load %arg11[%get3A_308, %get3A_309] {strides = array<i32>} : memref<32x640xi32, #tpu.memory_space<vmem>>, vector<16xi32>,
      %select_n3A_311 = arith.select %gt3A_300, %get3A_310, %select_n3A_295 : vector<16xi1>, vector<16xi32>
      %get3A_312 = arith.constant 7 : i32
      %get3A_313 = arith.index_cast %get3A_312 : i32 to index
      %get3A_314 = arith.index_cast %mul3A_206 : i32 to index
      %get3A_315 = tpu.vector_load %arg9[%get3A_313, %get3A_314] {strides = array<i32>} : memref<32x640xi32, #tpu.memory_space<vmem>>, vector<16xi32>,
      %gt3A_316 = arith.cmpi sgt, %get3A_315, %select_n3A_301 : vector<16xi32>
      %select_n3A_317 = arith.select %gt3A_316, %get3A_315, %select_n3A_301 : vector<16xi1>, vector<16xi32>
      %get3A_318 = arith.constant 7 : i32
      %get3A_319 = arith.index_cast %get3A_318 : i32 to index
      %get3A_320 = arith.index_cast %mul3A_206 : i32 to index
      %get3A_321 = tpu.vector_load %arg10[%get3A_319, %get3A_320] {strides = array<i32>} : memref<32x640xi32, #tpu.memory_space<vmem>>, vector<16xi32>,
      %select_n3A_322 = arith.select %gt3A_316, %get3A_321, %select_n3A_306 : vector<16xi1>, vector<16xi32>
      %get3A_323 = arith.constant 7 : i32
      %get3A_324 = arith.index_cast %get3A_323 : i32 to index
      %get3A_325 = arith.index_cast %mul3A_206 : i32 to index
      %get3A_326 = tpu.vector_load %arg11[%get3A_324, %get3A_325] {strides = array<i32>} : memref<32x640xi32, #tpu.memory_space<vmem>>, vector<16xi32>,
      %select_n3A_327 = arith.select %gt3A_316, %get3A_326, %select_n3A_311 : vector<16xi1>, vector<16xi32>
      %get3A_328 = arith.constant 8 : i32
      %get3A_329 = arith.index_cast %get3A_328 : i32 to index
      %get3A_330 = arith.index_cast %mul3A_206 : i32 to index
      %get3A_331 = tpu.vector_load %arg9[%get3A_329, %get3A_330] {strides = array<i32>} : memref<32x640xi32, #tpu.memory_space<vmem>>, vector<16xi32>,
      %gt3A_332 = arith.cmpi sgt, %get3A_331, %select_n3A_317 : vector<16xi32>
      %select_n3A_333 = arith.select %gt3A_332, %get3A_331, %select_n3A_317 : vector<16xi1>, vector<16xi32>
      %get3A_334 = arith.constant 8 : i32
      %get3A_335 = arith.index_cast %get3A_334 : i32 to index
      %get3A_336 = arith.index_cast %mul3A_206 : i32 to index
      %get3A_337 = tpu.vector_load %arg10[%get3A_335, %get3A_336] {strides = array<i32>} : memref<32x640xi32, #tpu.memory_space<vmem>>, vector<16xi32>,
      %select_n3A_338 = arith.select %gt3A_332, %get3A_337, %select_n3A_322 : vector<16xi1>, vector<16xi32>
      %get3A_339 = arith.constant 8 : i32
      %get3A_340 = arith.index_cast %get3A_339 : i32 to index
      %get3A_341 = arith.index_cast %mul3A_206 : i32 to index
      %get3A_342 = tpu.vector_load %arg11[%get3A_340, %get3A_341] {strides = array<i32>} : memref<32x640xi32, #tpu.memory_space<vmem>>, vector<16xi32>,
      %select_n3A_343 = arith.select %gt3A_332, %get3A_342, %select_n3A_327 : vector<16xi1>, vector<16xi32>
      %get3A_344 = arith.constant 9 : i32
      %get3A_345 = arith.index_cast %get3A_344 : i32 to index
      %get3A_346 = arith.index_cast %mul3A_206 : i32 to index
      %get3A_347 = tpu.vector_load %arg9[%get3A_345, %get3A_346] {strides = array<i32>} : memref<32x640xi32, #tpu.memory_space<vmem>>, vector<16xi32>,
      %gt3A_348 = arith.cmpi sgt, %get3A_347, %select_n3A_333 : vector<16xi32>
      %select_n3A_349 = arith.select %gt3A_348, %get3A_347, %select_n3A_333 : vector<16xi1>, vector<16xi32>
      %get3A_350 = arith.constant 9 : i32
      %get3A_351 = arith.index_cast %get3A_350 : i32 to index
      %get3A_352 = arith.index_cast %mul3A_206 : i32 to index
      %get3A_353 = tpu.vector_load %arg10[%get3A_351, %get3A_352] {strides = array<i32>} : memref<32x640xi32, #tpu.memory_space<vmem>>, vector<16xi32>,
      %select_n3A_354 = arith.select %gt3A_348, %get3A_353, %select_n3A_338 : vector<16xi1>, vector<16xi32>
      %get3A_355 = arith.constant 9 : i32
      %get3A_356 = arith.index_cast %get3A_355 : i32 to index
      %get3A_357 = arith.index_cast %mul3A_206 : i32 to index
      %get3A_358 = tpu.vector_load %arg11[%get3A_356, %get3A_357] {strides = array<i32>} : memref<32x640xi32, #tpu.memory_space<vmem>>, vector<16xi32>,
      %select_n3A_359 = arith.select %gt3A_348, %get3A_358, %select_n3A_343 : vector<16xi1>, vector<16xi32>
      %get3A_360 = arith.constant 10 : i32
      %get3A_361 = arith.index_cast %get3A_360 : i32 to index
      %get3A_362 = arith.index_cast %mul3A_206 : i32 to index
      %get3A_363 = tpu.vector_load %arg9[%get3A_361, %get3A_362] {strides = array<i32>} : memref<32x640xi32, #tpu.memory_space<vmem>>, vector<16xi32>,
      %gt3A_364 = arith.cmpi sgt, %get3A_363, %select_n3A_349 : vector<16xi32>
      %select_n3A_365 = arith.select %gt3A_364, %get3A_363, %select_n3A_349 : vector<16xi1>, vector<16xi32>
      %get3A_366 = arith.constant 10 : i32
      %get3A_367 = arith.index_cast %get3A_366 : i32 to index
      %get3A_368 = arith.index_cast %mul3A_206 : i32 to index
      %get3A_369 = tpu.vector_load %arg10[%get3A_367, %get3A_368] {strides = array<i32>} : memref<32x640xi32, #tpu.memory_space<vmem>>, vector<16xi32>,
      %select_n3A_370 = arith.select %gt3A_364, %get3A_369, %select_n3A_354 : vector<16xi1>, vector<16xi32>
      %get3A_371 = arith.constant 10 : i32
      %get3A_372 = arith.index_cast %get3A_371 : i32 to index
      %get3A_373 = arith.index_cast %mul3A_206 : i32 to index
      %get3A_374 = tpu.vector_load %arg11[%get3A_372, %get3A_373] {strides = array<i32>} : memref<32x640xi32, #tpu.memory_space<vmem>>, vector<16xi32>,
      %select_n3A_375 = arith.select %gt3A_364, %get3A_374, %select_n3A_359 : vector<16xi1>, vector<16xi32>
      %get3A_376 = arith.constant 11 : i32
      %get3A_377 = arith.index_cast %get3A_376 : i32 to index
      %get3A_378 = arith.index_cast %mul3A_206 : i32 to index
      %get3A_379 = tpu.vector_load %arg9[%get3A_377, %get3A_378] {strides = array<i32>} : memref<32x640xi32, #tpu.memory_space<vmem>>, vector<16xi32>,
      %gt3A_380 = arith.cmpi sgt, %get3A_379, %select_n3A_365 : vector<16xi32>
      %select_n3A_381 = arith.select %gt3A_380, %get3A_379, %select_n3A_365 : vector<16xi1>, vector<16xi32>
      %get3A_382 = arith.constant 11 : i32
      %get3A_383 = arith.index_cast %get3A_382 : i32 to index
      %get3A_384 = arith.index_cast %mul3A_206 : i32 to index
      %get3A_385 = tpu.vector_load %arg10[%get3A_383, %get3A_384] {strides = array<i32>} : memref<32x640xi32, #tpu.memory_space<vmem>>, vector<16xi32>,
      %select_n3A_386 = arith.select %gt3A_380, %get3A_385, %select_n3A_370 : vector<16xi1>, vector<16xi32>
      %get3A_387 = arith.constant 11 : i32
      %get3A_388 = arith.index_cast %get3A_387 : i32 to index
      %get3A_389 = arith.index_cast %mul3A_206 : i32 to index
      %get3A_390 = tpu.vector_load %arg11[%get3A_388, %get3A_389] {strides = array<i32>} : memref<32x640xi32, #tpu.memory_space<vmem>>, vector<16xi32>,
      %select_n3A_391 = arith.select %gt3A_380, %get3A_390, %select_n3A_375 : vector<16xi1>, vector<16xi32>
      %get3A_392 = arith.constant 12 : i32
      %get3A_393 = arith.index_cast %get3A_392 : i32 to index
      %get3A_394 = arith.index_cast %mul3A_206 : i32 to index
      %get3A_395 = tpu.vector_load %arg9[%get3A_393, %get3A_394] {strides = array<i32>} : memref<32x640xi32, #tpu.memory_space<vmem>>, vector<16xi32>,
      %gt3A_396 = arith.cmpi sgt, %get3A_395, %select_n3A_381 : vector<16xi32>
      %select_n3A_397 = arith.select %gt3A_396, %get3A_395, %select_n3A_381 : vector<16xi1>, vector<16xi32>
      %get3A_398 = arith.constant 12 : i32
      %get3A_399 = arith.index_cast %get3A_398 : i32 to index
      %get3A_400 = arith.index_cast %mul3A_206 : i32 to index
      %get3A_401 = tpu.vector_load %arg10[%get3A_399, %get3A_400] {strides = array<i32>} : memref<32x640xi32, #tpu.memory_space<vmem>>, vector<16xi32>,
      %select_n3A_402 = arith.select %gt3A_396, %get3A_401, %select_n3A_386 : vector<16xi1>, vector<16xi32>
      %get3A_403 = arith.constant 12 : i32
      %get3A_404 = arith.index_cast %get3A_403 : i32 to index
      %get3A_405 = arith.index_cast %mul3A_206 : i32 to index
      %get3A_406 = tpu.vector_load %arg11[%get3A_404, %get3A_405] {strides = array<i32>} : memref<32x640xi32, #tpu.memory_space<vmem>>, vector<16xi32>,
      %select_n3A_407 = arith.select %gt3A_396, %get3A_406, %select_n3A_391 : vector<16xi1>, vector<16xi32>
      %get3A_408 = arith.constant 13 : i32
      %get3A_409 = arith.index_cast %get3A_408 : i32 to index
      %get3A_410 = arith.index_cast %mul3A_206 : i32 to index
      %get3A_411 = tpu.vector_load %arg9[%get3A_409, %get3A_410] {strides = array<i32>} : memref<32x640xi32, #tpu.memory_space<vmem>>, vector<16xi32>,
      %gt3A_412 = arith.cmpi sgt, %get3A_411, %select_n3A_397 : vector<16xi32>
      %select_n3A_413 = arith.select %gt3A_412, %get3A_411, %select_n3A_397 : vector<16xi1>, vector<16xi32>
      %get3A_414 = arith.constant 13 : i32
      %get3A_415 = arith.index_cast %get3A_414 : i32 to index
      %get3A_416 = arith.index_cast %mul3A_206 : i32 to index
      %get3A_417 = tpu.vector_load %arg10[%get3A_415, %get3A_416] {strides = array<i32>} : memref<32x640xi32, #tpu.memory_space<vmem>>, vector<16xi32>,
      %select_n3A_418 = arith.select %gt3A_412, %get3A_417, %select_n3A_402 : vector<16xi1>, vector<16xi32>
      %get3A_419 = arith.constant 13 : i32
      %get3A_420 = arith.index_cast %get3A_419 : i32 to index
      %get3A_421 = arith.index_cast %mul3A_206 : i32 to index
      %get3A_422 = tpu.vector_load %arg11[%get3A_420, %get3A_421] {strides = array<i32>} : memref<32x640xi32, #tpu.memory_space<vmem>>, vector<16xi32>,
      %select_n3A_423 = arith.select %gt3A_412, %get3A_422, %select_n3A_407 : vector<16xi1>, vector<16xi32>
      %get3A_424 = arith.constant 14 : i32
      %get3A_425 = arith.index_cast %get3A_424 : i32 to index
      %get3A_426 = arith.index_cast %mul3A_206 : i32 to index
      %get3A_427 = tpu.vector_load %arg9[%get3A_425, %get3A_426] {strides = array<i32>} : memref<32x640xi32, #tpu.memory_space<vmem>>, vector<16xi32>,
      %gt3A_428 = arith.cmpi sgt, %get3A_427, %select_n3A_413 : vector<16xi32>
      %select_n3A_429 = arith.select %gt3A_428, %get3A_427, %select_n3A_413 : vector<16xi1>, vector<16xi32>
      %get3A_430 = arith.constant 14 : i32
      %get3A_431 = arith.index_cast %get3A_430 : i32 to index
      %get3A_432 = arith.index_cast %mul3A_206 : i32 to index
      %get3A_433 = tpu.vector_load %arg10[%get3A_431, %get3A_432] {strides = array<i32>} : memref<32x640xi32, #tpu.memory_space<vmem>>, vector<16xi32>,
      %select_n3A_434 = arith.select %gt3A_428, %get3A_433, %select_n3A_418 : vector<16xi1>, vector<16xi32>
      %get3A_435 = arith.constant 14 : i32
      %get3A_436 = arith.index_cast %get3A_435 : i32 to index
      %get3A_437 = arith.index_cast %mul3A_206 : i32 to index
      %get3A_438 = tpu.vector_load %arg11[%get3A_436, %get3A_437] {strides = array<i32>} : memref<32x640xi32, #tpu.memory_space<vmem>>, vector<16xi32>,
      %select_n3A_439 = arith.select %gt3A_428, %get3A_438, %select_n3A_423 : vector<16xi1>, vector<16xi32>
      %get3A_440 = arith.constant 15 : i32
      %get3A_441 = arith.index_cast %get3A_440 : i32 to index
      %get3A_442 = arith.index_cast %mul3A_206 : i32 to index
      %get3A_443 = tpu.vector_load %arg9[%get3A_441, %get3A_442] {strides = array<i32>} : memref<32x640xi32, #tpu.memory_space<vmem>>, vector<16xi32>,
      %gt3A_444 = arith.cmpi sgt, %get3A_443, %select_n3A_429 : vector<16xi32>
      %select_n3A_445 = arith.select %gt3A_444, %get3A_443, %select_n3A_429 : vector<16xi1>, vector<16xi32>
      %get3A_446 = arith.constant 15 : i32
      %get3A_447 = arith.index_cast %get3A_446 : i32 to index
      %get3A_448 = arith.index_cast %mul3A_206 : i32 to index
      %get3A_449 = tpu.vector_load %arg10[%get3A_447, %get3A_448] {strides = array<i32>} : memref<32x640xi32, #tpu.memory_space<vmem>>, vector<16xi32>,
      %select_n3A_450 = arith.select %gt3A_444, %get3A_449, %select_n3A_434 : vector<16xi1>, vector<16xi32>
      %get3A_451 = arith.constant 15 : i32
      %get3A_452 = arith.index_cast %get3A_451 : i32 to index
      %get3A_453 = arith.index_cast %mul3A_206 : i32 to index
      %get3A_454 = tpu.vector_load %arg11[%get3A_452, %get3A_453] {strides = array<i32>} : memref<32x640xi32, #tpu.memory_space<vmem>>, vector<16xi32>,
      %select_n3A_455 = arith.select %gt3A_444, %get3A_454, %select_n3A_439 : vector<16xi1>, vector<16xi32>
      %get3A_456 = arith.constant 16 : i32
      %get3A_457 = arith.index_cast %get3A_456 : i32 to index
      %get3A_458 = arith.index_cast %mul3A_206 : i32 to index
      %get3A_459 = tpu.vector_load %arg9[%get3A_457, %get3A_458] {strides = array<i32>} : memref<32x640xi32, #tpu.memory_space<vmem>>, vector<16xi32>,
      %gt3A_460 = arith.cmpi sgt, %get3A_459, %select_n3A_445 : vector<16xi32>
      %select_n3A_461 = arith.select %gt3A_460, %get3A_459, %select_n3A_445 : vector<16xi1>, vector<16xi32>
      %get3A_462 = arith.constant 16 : i32
      %get3A_463 = arith.index_cast %get3A_462 : i32 to index
      %get3A_464 = arith.index_cast %mul3A_206 : i32 to index
      %get3A_465 = tpu.vector_load %arg10[%get3A_463, %get3A_464] {strides = array<i32>} : memref<32x640xi32, #tpu.memory_space<vmem>>, vector<16xi32>,
      %select_n3A_466 = arith.select %gt3A_460, %get3A_465, %select_n3A_450 : vector<16xi1>, vector<16xi32>
      %get3A_467 = arith.constant 16 : i32
      %get3A_468 = arith.index_cast %get3A_467 : i32 to index
      %get3A_469 = arith.index_cast %mul3A_206 : i32 to index
      %get3A_470 = tpu.vector_load %arg11[%get3A_468, %get3A_469] {strides = array<i32>} : memref<32x640xi32, #tpu.memory_space<vmem>>, vector<16xi32>,
      %select_n3A_471 = arith.select %gt3A_460, %get3A_470, %select_n3A_455 : vector<16xi1>, vector<16xi32>
      %get3A_472 = arith.constant 17 : i32
      %get3A_473 = arith.index_cast %get3A_472 : i32 to index
      %get3A_474 = arith.index_cast %mul3A_206 : i32 to index
      %get3A_475 = tpu.vector_load %arg9[%get3A_473, %get3A_474] {strides = array<i32>} : memref<32x640xi32, #tpu.memory_space<vmem>>, vector<16xi32>,
      %gt3A_476 = arith.cmpi sgt, %get3A_475, %select_n3A_461 : vector<16xi32>
      %select_n3A_477 = arith.select %gt3A_476, %get3A_475, %select_n3A_461 : vector<16xi1>, vector<16xi32>
      %get3A_478 = arith.constant 17 : i32
      %get3A_479 = arith.index_cast %get3A_478 : i32 to index
      %get3A_480 = arith.index_cast %mul3A_206 : i32 to index
      %get3A_481 = tpu.vector_load %arg10[%get3A_479, %get3A_480] {strides = array<i32>} : memref<32x640xi32, #tpu.memory_space<vmem>>, vector<16xi32>,
      %select_n3A_482 = arith.select %gt3A_476, %get3A_481, %select_n3A_466 : vector<16xi1>, vector<16xi32>
      %get3A_483 = arith.constant 17 : i32
      %get3A_484 = arith.index_cast %get3A_483 : i32 to index
      %get3A_485 = arith.index_cast %mul3A_206 : i32 to index
      %get3A_486 = tpu.vector_load %arg11[%get3A_484, %get3A_485] {strides = array<i32>} : memref<32x640xi32, #tpu.memory_space<vmem>>, vector<16xi32>,
      %select_n3A_487 = arith.select %gt3A_476, %get3A_486, %select_n3A_471 : vector<16xi1>, vector<16xi32>
      %get3A_488 = arith.constant 18 : i32
      %get3A_489 = arith.index_cast %get3A_488 : i32 to index
      %get3A_490 = arith.index_cast %mul3A_206 : i32 to index
      %get3A_491 = tpu.vector_load %arg9[%get3A_489, %get3A_490] {strides = array<i32>} : memref<32x640xi32, #tpu.memory_space<vmem>>, vector<16xi32>,
      %gt3A_492 = arith.cmpi sgt, %get3A_491, %select_n3A_477 : vector<16xi32>
      %select_n3A_493 = arith.select %gt3A_492, %get3A_491, %select_n3A_477 : vector<16xi1>, vector<16xi32>
      %get3A_494 = arith.constant 18 : i32
      %get3A_495 = arith.index_cast %get3A_494 : i32 to index
      %get3A_496 = arith.index_cast %mul3A_206 : i32 to index
      %get3A_497 = tpu.vector_load %arg10[%get3A_495, %get3A_496] {strides = array<i32>} : memref<32x640xi32, #tpu.memory_space<vmem>>, vector<16xi32>,
      %select_n3A_498 = arith.select %gt3A_492, %get3A_497, %select_n3A_482 : vector<16xi1>, vector<16xi32>
      %get3A_499 = arith.constant 18 : i32
      %get3A_500 = arith.index_cast %get3A_499 : i32 to index
      %get3A_501 = arith.index_cast %mul3A_206 : i32 to index
      %get3A_502 = tpu.vector_load %arg11[%get3A_500, %get3A_501] {strides = array<i32>} : memref<32x640xi32, #tpu.memory_space<vmem>>, vector<16xi32>,
      %select_n3A_503 = arith.select %gt3A_492, %get3A_502, %select_n3A_487 : vector<16xi1>, vector<16xi32>
      %get3A_504 = arith.constant 19 : i32
      %get3A_505 = arith.index_cast %get3A_504 : i32 to index
      %get3A_506 = arith.index_cast %mul3A_206 : i32 to index
      %get3A_507 = tpu.vector_load %arg9[%get3A_505, %get3A_506] {strides = array<i32>} : memref<32x640xi32, #tpu.memory_space<vmem>>, vector<16xi32>,
      %gt3A_508 = arith.cmpi sgt, %get3A_507, %select_n3A_493 : vector<16xi32>
      %select_n3A_509 = arith.select %gt3A_508, %get3A_507, %select_n3A_493 : vector<16xi1>, vector<16xi32>
      %get3A_510 = arith.constant 19 : i32
      %get3A_511 = arith.index_cast %get3A_510 : i32 to index
      %get3A_512 = arith.index_cast %mul3A_206 : i32 to index
      %get3A_513 = tpu.vector_load %arg10[%get3A_511, %get3A_512] {strides = array<i32>} : memref<32x640xi32, #tpu.memory_space<vmem>>, vector<16xi32>,
      %select_n3A_514 = arith.select %gt3A_508, %get3A_513, %select_n3A_498 : vector<16xi1>, vector<16xi32>
      %get3A_515 = arith.constant 19 : i32
      %get3A_516 = arith.index_cast %get3A_515 : i32 to index
      %get3A_517 = arith.index_cast %mul3A_206 : i32 to index
      %get3A_518 = tpu.vector_load %arg11[%get3A_516, %get3A_517] {strides = array<i32>} : memref<32x640xi32, #tpu.memory_space<vmem>>, vector<16xi32>,
      %select_n3A_519 = arith.select %gt3A_508, %get3A_518, %select_n3A_503 : vector<16xi1>, vector<16xi32>
      %get3A_520 = arith.constant 20 : i32
      %get3A_521 = arith.index_cast %get3A_520 : i32 to index
      %get3A_522 = arith.index_cast %mul3A_206 : i32 to index
      %get3A_523 = tpu.vector_load %arg9[%get3A_521, %get3A_522] {strides = array<i32>} : memref<32x640xi32, #tpu.memory_space<vmem>>, vector<16xi32>,
      %gt3A_524 = arith.cmpi sgt, %get3A_523, %select_n3A_509 : vector<16xi32>
      %select_n3A_525 = arith.select %gt3A_524, %get3A_523, %select_n3A_509 : vector<16xi1>, vector<16xi32>
      %get3A_526 = arith.constant 20 : i32
      %get3A_527 = arith.index_cast %get3A_526 : i32 to index
      %get3A_528 = arith.index_cast %mul3A_206 : i32 to index
      %get3A_529 = tpu.vector_load %arg10[%get3A_527, %get3A_528] {strides = array<i32>} : memref<32x640xi32, #tpu.memory_space<vmem>>, vector<16xi32>,
      %select_n3A_530 = arith.select %gt3A_524, %get3A_529, %select_n3A_514 : vector<16xi1>, vector<16xi32>
      %get3A_531 = arith.constant 20 : i32
      %get3A_532 = arith.index_cast %get3A_531 : i32 to index
      %get3A_533 = arith.index_cast %mul3A_206 : i32 to index
      %get3A_534 = tpu.vector_load %arg11[%get3A_532, %get3A_533] {strides = array<i32>} : memref<32x640xi32, #tpu.memory_space<vmem>>, vector<16xi32>,
      %select_n3A_535 = arith.select %gt3A_524, %get3A_534, %select_n3A_519 : vector<16xi1>, vector<16xi32>
      %get3A_536 = arith.constant 21 : i32
      %get3A_537 = arith.index_cast %get3A_536 : i32 to index
      %get3A_538 = arith.index_cast %mul3A_206 : i32 to index
      %get3A_539 = tpu.vector_load %arg9[%get3A_537, %get3A_538] {strides = array<i32>} : memref<32x640xi32, #tpu.memory_space<vmem>>, vector<16xi32>,
      %gt3A_540 = arith.cmpi sgt, %get3A_539, %select_n3A_525 : vector<16xi32>
      %select_n3A_541 = arith.select %gt3A_540, %get3A_539, %select_n3A_525 : vector<16xi1>, vector<16xi32>
      %get3A_542 = arith.constant 21 : i32
      %get3A_543 = arith.index_cast %get3A_542 : i32 to index
      %get3A_544 = arith.index_cast %mul3A_206 : i32 to index
      %get3A_545 = tpu.vector_load %arg10[%get3A_543, %get3A_544] {strides = array<i32>} : memref<32x640xi32, #tpu.memory_space<vmem>>, vector<16xi32>,
      %select_n3A_546 = arith.select %gt3A_540, %get3A_545, %select_n3A_530 : vector<16xi1>, vector<16xi32>
      %get3A_547 = arith.constant 21 : i32
      %get3A_548 = arith.index_cast %get3A_547 : i32 to index
      %get3A_549 = arith.index_cast %mul3A_206 : i32 to index
      %get3A_550 = tpu.vector_load %arg11[%get3A_548, %get3A_549] {strides = array<i32>} : memref<32x640xi32, #tpu.memory_space<vmem>>, vector<16xi32>,
      %select_n3A_551 = arith.select %gt3A_540, %get3A_550, %select_n3A_535 : vector<16xi1>, vector<16xi32>
      %get3A_552 = arith.constant 22 : i32
      %get3A_553 = arith.index_cast %get3A_552 : i32 to index
      %get3A_554 = arith.index_cast %mul3A_206 : i32 to index
      %get3A_555 = tpu.vector_load %arg9[%get3A_553, %get3A_554] {strides = array<i32>} : memref<32x640xi32, #tpu.memory_space<vmem>>, vector<16xi32>,
      %gt3A_556 = arith.cmpi sgt, %get3A_555, %select_n3A_541 : vector<16xi32>
      %select_n3A_557 = arith.select %gt3A_556, %get3A_555, %select_n3A_541 : vector<16xi1>, vector<16xi32>
      %get3A_558 = arith.constant 22 : i32
      %get3A_559 = arith.index_cast %get3A_558 : i32 to index
      %get3A_560 = arith.index_cast %mul3A_206 : i32 to index
      %get3A_561 = tpu.vector_load %arg10[%get3A_559, %get3A_560] {strides = array<i32>} : memref<32x640xi32, #tpu.memory_space<vmem>>, vector<16xi32>,
      %select_n3A_562 = arith.select %gt3A_556, %get3A_561, %select_n3A_546 : vector<16xi1>, vector<16xi32>
      %get3A_563 = arith.constant 22 : i32
      %get3A_564 = arith.index_cast %get3A_563 : i32 to index
      %get3A_565 = arith.index_cast %mul3A_206 : i32 to index
      %get3A_566 = tpu.vector_load %arg11[%get3A_564, %get3A_565] {strides = array<i32>} : memref<32x640xi32, #tpu.memory_space<vmem>>, vector<16xi32>,
      %select_n3A_567 = arith.select %gt3A_556, %get3A_566, %select_n3A_551 : vector<16xi1>, vector<16xi32>
      %get3A_568 = arith.constant 23 : i32
      %get3A_569 = arith.index_cast %get3A_568 : i32 to index
      %get3A_570 = arith.index_cast %mul3A_206 : i32 to index
      %get3A_571 = tpu.vector_load %arg9[%get3A_569, %get3A_570] {strides = array<i32>} : memref<32x640xi32, #tpu.memory_space<vmem>>, vector<16xi32>,
      %gt3A_572 = arith.cmpi sgt, %get3A_571, %select_n3A_557 : vector<16xi32>
      %select_n3A_573 = arith.select %gt3A_572, %get3A_571, %select_n3A_557 : vector<16xi1>, vector<16xi32>
      %get3A_574 = arith.constant 23 : i32
      %get3A_575 = arith.index_cast %get3A_574 : i32 to index
      %get3A_576 = arith.index_cast %mul3A_206 : i32 to index
      %get3A_577 = tpu.vector_load %arg10[%get3A_575, %get3A_576] {strides = array<i32>} : memref<32x640xi32, #tpu.memory_space<vmem>>, vector<16xi32>,
      %select_n3A_578 = arith.select %gt3A_572, %get3A_577, %select_n3A_562 : vector<16xi1>, vector<16xi32>
      %get3A_579 = arith.constant 23 : i32
      %get3A_580 = arith.index_cast %get3A_579 : i32 to index
      %get3A_581 = arith.index_cast %mul3A_206 : i32 to index
      %get3A_582 = tpu.vector_load %arg11[%get3A_580, %get3A_581] {strides = array<i32>} : memref<32x640xi32, #tpu.memory_space<vmem>>, vector<16xi32>,
      %select_n3A_583 = arith.select %gt3A_572, %get3A_582, %select_n3A_567 : vector<16xi1>, vector<16xi32>
      %get3A_584 = arith.constant 24 : i32
      %get3A_585 = arith.index_cast %get3A_584 : i32 to index
      %get3A_586 = arith.index_cast %mul3A_206 : i32 to index
      %get3A_587 = tpu.vector_load %arg9[%get3A_585, %get3A_586] {strides = array<i32>} : memref<32x640xi32, #tpu.memory_space<vmem>>, vector<16xi32>,
      %gt3A_588 = arith.cmpi sgt, %get3A_587, %select_n3A_573 : vector<16xi32>
      %select_n3A_589 = arith.select %gt3A_588, %get3A_587, %select_n3A_573 : vector<16xi1>, vector<16xi32>
      %get3A_590 = arith.constant 24 : i32
      %get3A_591 = arith.index_cast %get3A_590 : i32 to index
      %get3A_592 = arith.index_cast %mul3A_206 : i32 to index
      %get3A_593 = tpu.vector_load %arg10[%get3A_591, %get3A_592] {strides = array<i32>} : memref<32x640xi32, #tpu.memory_space<vmem>>, vector<16xi32>,
      %select_n3A_594 = arith.select %gt3A_588, %get3A_593, %select_n3A_578 : vector<16xi1>, vector<16xi32>
      %get3A_595 = arith.constant 24 : i32
      %get3A_596 = arith.index_cast %get3A_595 : i32 to index
      %get3A_597 = arith.index_cast %mul3A_206 : i32 to index
      %get3A_598 = tpu.vector_load %arg11[%get3A_596, %get3A_597] {strides = array<i32>} : memref<32x640xi32, #tpu.memory_space<vmem>>, vector<16xi32>,
      %select_n3A_599 = arith.select %gt3A_588, %get3A_598, %select_n3A_583 : vector<16xi1>, vector<16xi32>
      %get3A_600 = arith.constant 25 : i32
      %get3A_601 = arith.index_cast %get3A_600 : i32 to index
      %get3A_602 = arith.index_cast %mul3A_206 : i32 to index
      %get3A_603 = tpu.vector_load %arg9[%get3A_601, %get3A_602] {strides = array<i32>} : memref<32x640xi32, #tpu.memory_space<vmem>>, vector<16xi32>,
      %gt3A_604 = arith.cmpi sgt, %get3A_603, %select_n3A_589 : vector<16xi32>
      %select_n3A_605 = arith.select %gt3A_604, %get3A_603, %select_n3A_589 : vector<16xi1>, vector<16xi32>
      %get3A_606 = arith.constant 25 : i32
      %get3A_607 = arith.index_cast %get3A_606 : i32 to index
      %get3A_608 = arith.index_cast %mul3A_206 : i32 to index
      %get3A_609 = tpu.vector_load %arg10[%get3A_607, %get3A_608] {strides = array<i32>} : memref<32x640xi32, #tpu.memory_space<vmem>>, vector<16xi32>,
      %select_n3A_610 = arith.select %gt3A_604, %get3A_609, %select_n3A_594 : vector<16xi1>, vector<16xi32>
      %get3A_611 = arith.constant 25 : i32
      %get3A_612 = arith.index_cast %get3A_611 : i32 to index
      %get3A_613 = arith.index_cast %mul3A_206 : i32 to index
      %get3A_614 = tpu.vector_load %arg11[%get3A_612, %get3A_613] {strides = array<i32>} : memref<32x640xi32, #tpu.memory_space<vmem>>, vector<16xi32>,
      %select_n3A_615 = arith.select %gt3A_604, %get3A_614, %select_n3A_599 : vector<16xi1>, vector<16xi32>
      %get3A_616 = arith.constant 26 : i32
      %get3A_617 = arith.index_cast %get3A_616 : i32 to index
      %get3A_618 = arith.index_cast %mul3A_206 : i32 to index
      %get3A_619 = tpu.vector_load %arg9[%get3A_617, %get3A_618] {strides = array<i32>} : memref<32x640xi32, #tpu.memory_space<vmem>>, vector<16xi32>,
      %gt3A_620 = arith.cmpi sgt, %get3A_619, %select_n3A_605 : vector<16xi32>
      %select_n3A_621 = arith.select %gt3A_620, %get3A_619, %select_n3A_605 : vector<16xi1>, vector<16xi32>
      %get3A_622 = arith.constant 26 : i32
      %get3A_623 = arith.index_cast %get3A_622 : i32 to index
      %get3A_624 = arith.index_cast %mul3A_206 : i32 to index
      %get3A_625 = tpu.vector_load %arg10[%get3A_623, %get3A_624] {strides = array<i32>} : memref<32x640xi32, #tpu.memory_space<vmem>>, vector<16xi32>,
      %select_n3A_626 = arith.select %gt3A_620, %get3A_625, %select_n3A_610 : vector<16xi1>, vector<16xi32>
      %get3A_627 = arith.constant 26 : i32
      %get3A_628 = arith.index_cast %get3A_627 : i32 to index
      %get3A_629 = arith.index_cast %mul3A_206 : i32 to index
      %get3A_630 = tpu.vector_load %arg11[%get3A_628, %get3A_629] {strides = array<i32>} : memref<32x640xi32, #tpu.memory_space<vmem>>, vector<16xi32>,
      %select_n3A_631 = arith.select %gt3A_620, %get3A_630, %select_n3A_615 : vector<16xi1>, vector<16xi32>
      %get3A_632 = arith.constant 27 : i32
      %get3A_633 = arith.index_cast %get3A_632 : i32 to index
      %get3A_634 = arith.index_cast %mul3A_206 : i32 to index
      %get3A_635 = tpu.vector_load %arg9[%get3A_633, %get3A_634] {strides = array<i32>} : memref<32x640xi32, #tpu.memory_space<vmem>>, vector<16xi32>,
      %gt3A_636 = arith.cmpi sgt, %get3A_635, %select_n3A_621 : vector<16xi32>
      %select_n3A_637 = arith.select %gt3A_636, %get3A_635, %select_n3A_621 : vector<16xi1>, vector<16xi32>
      %get3A_638 = arith.constant 27 : i32
      %get3A_639 = arith.index_cast %get3A_638 : i32 to index
      %get3A_640 = arith.index_cast %mul3A_206 : i32 to index
      %get3A_641 = tpu.vector_load %arg10[%get3A_639, %get3A_640] {strides = array<i32>} : memref<32x640xi32, #tpu.memory_space<vmem>>, vector<16xi32>,
      %select_n3A_642 = arith.select %gt3A_636, %get3A_641, %select_n3A_626 : vector<16xi1>, vector<16xi32>
      %get3A_643 = arith.constant 27 : i32
      %get3A_644 = arith.index_cast %get3A_643 : i32 to index
      %get3A_645 = arith.index_cast %mul3A_206 : i32 to index
      %get3A_646 = tpu.vector_load %arg11[%get3A_644, %get3A_645] {strides = array<i32>} : memref<32x640xi32, #tpu.memory_space<vmem>>, vector<16xi32>,
      %select_n3A_647 = arith.select %gt3A_636, %get3A_646, %select_n3A_631 : vector<16xi1>, vector<16xi32>
      %get3A_648 = arith.constant 28 : i32
      %get3A_649 = arith.index_cast %get3A_648 : i32 to index
      %get3A_650 = arith.index_cast %mul3A_206 : i32 to index
      %get3A_651 = tpu.vector_load %arg9[%get3A_649, %get3A_650] {strides = array<i32>} : memref<32x640xi32, #tpu.memory_space<vmem>>, vector<16xi32>,
      %gt3A_652 = arith.cmpi sgt, %get3A_651, %select_n3A_637 : vector<16xi32>
      %select_n3A_653 = arith.select %gt3A_652, %get3A_651, %select_n3A_637 : vector<16xi1>, vector<16xi32>
      %get3A_654 = arith.constant 28 : i32
      %get3A_655 = arith.index_cast %get3A_654 : i32 to index
      %get3A_656 = arith.index_cast %mul3A_206 : i32 to index
      %get3A_657 = tpu.vector_load %arg10[%get3A_655, %get3A_656] {strides = array<i32>} : memref<32x640xi32, #tpu.memory_space<vmem>>, vector<16xi32>,
      %select_n3A_658 = arith.select %gt3A_652, %get3A_657, %select_n3A_642 : vector<16xi1>, vector<16xi32>
      %get3A_659 = arith.constant 28 : i32
      %get3A_660 = arith.index_cast %get3A_659 : i32 to index
      %get3A_661 = arith.index_cast %mul3A_206 : i32 to index
      %get3A_662 = tpu.vector_load %arg11[%get3A_660, %get3A_661] {strides = array<i32>} : memref<32x640xi32, #tpu.memory_space<vmem>>, vector<16xi32>,
      %select_n3A_663 = arith.select %gt3A_652, %get3A_662, %select_n3A_647 : vector<16xi1>, vector<16xi32>
      %get3A_664 = arith.constant 29 : i32
      %get3A_665 = arith.index_cast %get3A_664 : i32 to index
      %get3A_666 = arith.index_cast %mul3A_206 : i32 to index
      %get3A_667 = tpu.vector_load %arg9[%get3A_665, %get3A_666] {strides = array<i32>} : memref<32x640xi32, #tpu.memory_space<vmem>>, vector<16xi32>,
      %gt3A_668 = arith.cmpi sgt, %get3A_667, %select_n3A_653 : vector<16xi32>
      %select_n3A_669 = arith.select %gt3A_668, %get3A_667, %select_n3A_653 : vector<16xi1>, vector<16xi32>
      %get3A_670 = arith.constant 29 : i32
      %get3A_671 = arith.index_cast %get3A_670 : i32 to index
      %get3A_672 = arith.index_cast %mul3A_206 : i32 to index
      %get3A_673 = tpu.vector_load %arg10[%get3A_671, %get3A_672] {strides = array<i32>} : memref<32x640xi32, #tpu.memory_space<vmem>>, vector<16xi32>,
      %select_n3A_674 = arith.select %gt3A_668, %get3A_673, %select_n3A_658 : vector<16xi1>, vector<16xi32>
      %get3A_675 = arith.constant 29 : i32
      %get3A_676 = arith.index_cast %get3A_675 : i32 to index
      %get3A_677 = arith.index_cast %mul3A_206 : i32 to index
      %get3A_678 = tpu.vector_load %arg11[%get3A_676, %get3A_677] {strides = array<i32>} : memref<32x640xi32, #tpu.memory_space<vmem>>, vector<16xi32>,
      %select_n3A_679 = arith.select %gt3A_668, %get3A_678, %select_n3A_663 : vector<16xi1>, vector<16xi32>
      %get3A_680 = arith.constant 30 : i32
      %get3A_681 = arith.index_cast %get3A_680 : i32 to index
      %get3A_682 = arith.index_cast %mul3A_206 : i32 to index
      %get3A_683 = tpu.vector_load %arg9[%get3A_681, %get3A_682] {strides = array<i32>} : memref<32x640xi32, #tpu.memory_space<vmem>>, vector<16xi32>,
      %gt3A_684 = arith.cmpi sgt, %get3A_683, %select_n3A_669 : vector<16xi32>
      %select_n3A_685 = arith.select %gt3A_684, %get3A_683, %select_n3A_669 : vector<16xi1>, vector<16xi32>
      %get3A_686 = arith.constant 30 : i32
      %get3A_687 = arith.index_cast %get3A_686 : i32 to index
      %get3A_688 = arith.index_cast %mul3A_206 : i32 to index
      %get3A_689 = tpu.vector_load %arg10[%get3A_687, %get3A_688] {strides = array<i32>} : memref<32x640xi32, #tpu.memory_space<vmem>>, vector<16xi32>,
      %select_n3A_690 = arith.select %gt3A_684, %get3A_689, %select_n3A_674 : vector<16xi1>, vector<16xi32>
      %get3A_691 = arith.constant 30 : i32
      %get3A_692 = arith.index_cast %get3A_691 : i32 to index
      %get3A_693 = arith.index_cast %mul3A_206 : i32 to index
      %get3A_694 = tpu.vector_load %arg11[%get3A_692, %get3A_693] {strides = array<i32>} : memref<32x640xi32, #tpu.memory_space<vmem>>, vector<16xi32>,
      %select_n3A_695 = arith.select %gt3A_684, %get3A_694, %select_n3A_679 : vector<16xi1>, vector<16xi32>
      %get3A_696 = arith.constant 31 : i32
      %get3A_697 = arith.index_cast %get3A_696 : i32 to index
      %get3A_698 = arith.index_cast %mul3A_206 : i32 to index
      %get3A_699 = tpu.vector_load %arg9[%get3A_697, %get3A_698] {strides = array<i32>} : memref<32x640xi32, #tpu.memory_space<vmem>>, vector<16xi32>,
      %gt3A_700 = arith.cmpi sgt, %get3A_699, %select_n3A_685 : vector<16xi32>
      %select_n3A_701 = arith.select %gt3A_700, %get3A_699, %select_n3A_685 : vector<16xi1>, vector<16xi32>
      %get3A_702 = arith.constant 31 : i32
      %get3A_703 = arith.index_cast %get3A_702 : i32 to index
      %get3A_704 = arith.index_cast %mul3A_206 : i32 to index
      %get3A_705 = tpu.vector_load %arg10[%get3A_703, %get3A_704] {strides = array<i32>} : memref<32x640xi32, #tpu.memory_space<vmem>>, vector<16xi32>,
      %select_n3A_706 = arith.select %gt3A_700, %get3A_705, %select_n3A_690 : vector<16xi1>, vector<16xi32>
      %get3A_707 = arith.constant 31 : i32
      %get3A_708 = arith.index_cast %get3A_707 : i32 to index
      %get3A_709 = arith.index_cast %mul3A_206 : i32 to index
      %get3A_710 = tpu.vector_load %arg11[%get3A_708, %get3A_709] {strides = array<i32>} : memref<32x640xi32, #tpu.memory_space<vmem>>, vector<16xi32>,
      %select_n3A_711 = arith.select %gt3A_700, %get3A_710, %select_n3A_695 : vector<16xi1>, vector<16xi32>
      %add3A_712 = arith.constant 640 : i32
      %add3A_713 = arith.addi %mul3A_2, %add3A_712 : i32
      %mul3A_714 = arith.constant 16 : i32
      %mul3A_715 = arith.muli %add3A_204, %mul3A_714 : i32
      %add3A_716 = arith.addi %add3A_713, %mul3A_715 : i32
      %add3A_717 = vector.broadcast %add3A_716 : i32 to vector<16xi32>
      %add3A_718 = arith.addi %add3A_717, %iota3A : vector<16xi32>
      %lt3A = arith.constant 0 : i32
      %lt3A_719 = vector.broadcast %lt3A : i32 to vector<16xi32>
      %lt3A_720 = arith.cmpi slt, %select_n3A_701, %lt3A_719 : vector<16xi32>
      %add3A_721 = arith.constant 106496 : i32
      %add3A_722 = vector.broadcast %add3A_721 : i32 to vector<16xi32>
      %add3A_723 = arith.addi %add3A_722, %add3A_718 : vector<16xi32>
      %select_n3A_724 = arith.select %lt3A_720, %add3A_723, %select_n3A_706 : vector<16xi1>, vector<16xi32>
      %mul3A_725 = arith.constant 16 : i32
      %mul3A_726 = arith.muli %add3A_204, %mul3A_725 : i32
      %add3A_727 = arith.constant 640 : i32
      %add3A_728 = arith.addi %add3A_727, %mul3A_726 : i32
      %swap3A = arith.index_cast %add3A_728 : i32 to index
      %swap3A_729 = tpu.vector_load %arg7[%swap3A] {strides = array<i32>} : memref<3200xi32, #tpu.memory_space<vmem>>, vector<16xi32>,
      tpu.vector_store %arg7[%swap3A], %select_n3A_724 {strides = array<i32>} : memref<3200xi32, #tpu.memory_space<vmem>>, vector<16xi32>,
      %lt3A_730 = arith.constant 0 : i32
      %lt3A_731 = vector.broadcast %lt3A_730 : i32 to vector<16xi32>
      %lt3A_732 = arith.cmpi slt, %select_n3A_701, %lt3A_731 : vector<16xi32>
      %and3A = arith.constant 4095 : i32
      %and3A_733 = vector.broadcast %and3A : i32 to vector<16xi32>
      %and3A_734 = arith.andi %add3A_718, %and3A_733 : vector<16xi32>
      %add3A_735 = arith.constant 102400 : i32
      %add3A_736 = vector.broadcast %add3A_735 : i32 to vector<16xi32>
      %add3A_737 = arith.addi %add3A_736, %and3A_734 : vector<16xi32>
      %select_n3A_738 = arith.select %lt3A_732, %add3A_737, %select_n3A_711 : vector<16xi1>, vector<16xi32>
      %mul3A_739 = arith.constant 16 : i32
      %mul3A_740 = arith.muli %add3A_204, %mul3A_739 : i32
      %add3A_741 = arith.constant 640 : i32
      %add3A_742 = arith.addi %add3A_741, %mul3A_740 : i32
      %swap3A_743 = arith.index_cast %add3A_742 : i32 to index
      %swap3A_744 = tpu.vector_load %arg8[%swap3A_743] {strides = array<i32>} : memref<3200xi32, #tpu.memory_space<vmem>>, vector<16xi32>,
      tpu.vector_store %arg8[%swap3A_743], %select_n3A_738 {strides = array<i32>} : memref<3200xi32, #tpu.memory_space<vmem>>, vector<16xi32>,
    }
    %scan3A_69 = arith.constant 40 : i32
    %add3A_70 = arith.constant 1280 : i32
    %add3A_71 = arith.addi %mul3A_2, %add3A_70 : i32
    %add3A_72 = arith.constant 1280 : i32
    %add3A_73 = arith.addi %mul3A_2, %add3A_72 : i32
    %add3A_74 = arith.constant 1280 : i32
    %add3A_75 = arith.addi %mul3A_2, %add3A_74 : i32
    %dma_start3A_76 = arith.constant 0 : i32
    %dma_start3A_77 = tpu.memref_slice %arg2[%dma_start3A_76, %add3A_71] : memref<32x102400xi32, #tpu.memory_space<hbm>> -> memref<32x640xi32, #tpu.memory_space<hbm>>
    %dma_start3A_78 = arith.constant 0 : i32
    %dma_start3A_79 = tpu.memref_slice %arg2[%dma_start3A_78, %add3A_71] : memref<32x102400xi32, #tpu.memory_space<hbm>> -> memref<32x640xi32, #tpu.memory_space<hbm>>
    tpu.enqueue_dma source(%dma_start3A_79 : memref<32x640xi32, #tpu.memory_space<hbm>>) target(%arg9 : memref<32x640xi32, #tpu.memory_space<vmem>>) target_semaphore(%arg12 : memref<!tpu.dma_semaphore, #tpu.memory_space<semaphore_mem>>)
    %dma_start3A_80 = arith.constant 0 : i32
    %dma_start3A_81 = tpu.memref_slice %arg3[%dma_start3A_80, %add3A_73] : memref<32x102400xi32, #tpu.memory_space<hbm>> -> memref<32x640xi32, #tpu.memory_space<hbm>>
    %dma_start3A_82 = arith.constant 0 : i32
    %dma_start3A_83 = tpu.memref_slice %arg3[%dma_start3A_82, %add3A_73] : memref<32x102400xi32, #tpu.memory_space<hbm>> -> memref<32x640xi32, #tpu.memory_space<hbm>>
    tpu.enqueue_dma source(%dma_start3A_83 : memref<32x640xi32, #tpu.memory_space<hbm>>) target(%arg10 : memref<32x640xi32, #tpu.memory_space<vmem>>) target_semaphore(%arg12 : memref<!tpu.dma_semaphore, #tpu.memory_space<semaphore_mem>>)
    %dma_start3A_84 = arith.constant 0 : i32
    %dma_start3A_85 = tpu.memref_slice %arg4[%dma_start3A_84, %add3A_75] : memref<32x102400xi32, #tpu.memory_space<hbm>> -> memref<32x640xi32, #tpu.memory_space<hbm>>
    %dma_start3A_86 = arith.constant 0 : i32
    %dma_start3A_87 = tpu.memref_slice %arg4[%dma_start3A_86, %add3A_75] : memref<32x102400xi32, #tpu.memory_space<hbm>> -> memref<32x640xi32, #tpu.memory_space<hbm>>
    tpu.enqueue_dma source(%dma_start3A_87 : memref<32x640xi32, #tpu.memory_space<hbm>>) target(%arg11 : memref<32x640xi32, #tpu.memory_space<vmem>>) target_semaphore(%arg12 : memref<!tpu.dma_semaphore, #tpu.memory_space<semaphore_mem>>)
    %dma_wait3A_88 = arith.constant 0 : i32
    %dma_wait3A_89 = tpu.memref_slice %arg2[%dma_wait3A_88, %add3A_71] : memref<32x102400xi32, #tpu.memory_space<hbm>> -> memref<32x640xi32, #tpu.memory_space<hbm>>
    %dma_wait3A_90 = arith.constant 0 : i32
    %dma_wait3A_91 = tpu.memref_slice %arg2[%dma_wait3A_90, %add3A_71] : memref<32x102400xi32, #tpu.memory_space<hbm>> -> memref<32x640xi32, #tpu.memory_space<hbm>>
    tpu.wait_dma2 semaphore(%arg12 : memref<!tpu.dma_semaphore, #tpu.memory_space<semaphore_mem>>) src(%dma_wait3A_91 : memref<32x640xi32, #tpu.memory_space<hbm>>) dst(%arg9 : memref<32x640xi32, #tpu.memory_space<vmem>>)
    %dma_wait3A_92 = arith.constant 0 : i32
    %dma_wait3A_93 = tpu.memref_slice %arg3[%dma_wait3A_92, %add3A_73] : memref<32x102400xi32, #tpu.memory_space<hbm>> -> memref<32x640xi32, #tpu.memory_space<hbm>>
    %dma_wait3A_94 = arith.constant 0 : i32
    %dma_wait3A_95 = tpu.memref_slice %arg3[%dma_wait3A_94, %add3A_73] : memref<32x102400xi32, #tpu.memory_space<hbm>> -> memref<32x640xi32, #tpu.memory_space<hbm>>
    tpu.wait_dma2 semaphore(%arg12 : memref<!tpu.dma_semaphore, #tpu.memory_space<semaphore_mem>>) src(%dma_wait3A_95 : memref<32x640xi32, #tpu.memory_space<hbm>>) dst(%arg10 : memref<32x640xi32, #tpu.memory_space<vmem>>)
    %dma_wait3A_96 = arith.constant 0 : i32
    %dma_wait3A_97 = tpu.memref_slice %arg4[%dma_wait3A_96, %add3A_75] : memref<32x102400xi32, #tpu.memory_space<hbm>> -> memref<32x640xi32, #tpu.memory_space<hbm>>
    %dma_wait3A_98 = arith.constant 0 : i32
    %dma_wait3A_99 = tpu.memref_slice %arg4[%dma_wait3A_98, %add3A_75] : memref<32x102400xi32, #tpu.memory_space<hbm>> -> memref<32x640xi32, #tpu.memory_space<hbm>>
    tpu.wait_dma2 semaphore(%arg12 : memref<!tpu.dma_semaphore, #tpu.memory_space<semaphore_mem>>) src(%dma_wait3A_99 : memref<32x640xi32, #tpu.memory_space<hbm>>) dst(%arg11 : memref<32x640xi32, #tpu.memory_space<vmem>>)
    %scan3A_100 = arith.constant 0 : i32
    %scan3A_101 = arith.constant 40 : i32
    %scan3A_102 = arith.addi %scan3A_100, %scan3A_101 : i32
    %scan3A_103 = arith.constant 1 : i32
    scf.for %scan3A_200 = %scan3A_100 to %scan3A_102 step %scan3A_103  : i32 {
      %mul3A_201 = arith.constant 1 : i32
      %mul3A_202 = arith.muli %scan3A_200, %mul3A_201 : i32
      %add3A_203 = arith.constant 0 : i32
      %add3A_204 = arith.addi %add3A_203, %mul3A_202 : i32
      %mul3A_205 = arith.constant 16 : i32
      %mul3A_206 = arith.muli %add3A_204, %mul3A_205 : i32
      %get3A = arith.constant 0 : i32
      %get3A_207 = arith.index_cast %get3A : i32 to index
      %get3A_208 = arith.index_cast %mul3A_206 : i32 to index
      %get3A_209 = tpu.vector_load %arg9[%get3A_207, %get3A_208] {strides = array<i32>} : memref<32x640xi32, #tpu.memory_space<vmem>>, vector<16xi32>,
      %get3A_210 = arith.constant 0 : i32
      %get3A_211 = arith.index_cast %get3A_210 : i32 to index
      %get3A_212 = arith.index_cast %mul3A_206 : i32 to index
      %get3A_213 = tpu.vector_load %arg10[%get3A_211, %get3A_212] {strides = array<i32>} : memref<32x640xi32, #tpu.memory_space<vmem>>, vector<16xi32>,
      %get3A_214 = arith.constant 0 : i32
      %get3A_215 = arith.index_cast %get3A_214 : i32 to index
      %get3A_216 = arith.index_cast %mul3A_206 : i32 to index
      %get3A_217 = tpu.vector_load %arg11[%get3A_215, %get3A_216] {strides = array<i32>} : memref<32x640xi32, #tpu.memory_space<vmem>>, vector<16xi32>,
      %get3A_218 = arith.constant 1 : i32
      %get3A_219 = arith.index_cast %get3A_218 : i32 to index
      %get3A_220 = arith.index_cast %mul3A_206 : i32 to index
      %get3A_221 = tpu.vector_load %arg9[%get3A_219, %get3A_220] {strides = array<i32>} : memref<32x640xi32, #tpu.memory_space<vmem>>, vector<16xi32>,
      %gt3A = arith.cmpi sgt, %get3A_221, %get3A_209 : vector<16xi32>
      %select_n3A = arith.select %gt3A, %get3A_221, %get3A_209 : vector<16xi1>, vector<16xi32>
      %get3A_222 = arith.constant 1 : i32
      %get3A_223 = arith.index_cast %get3A_222 : i32 to index
      %get3A_224 = arith.index_cast %mul3A_206 : i32 to index
      %get3A_225 = tpu.vector_load %arg10[%get3A_223, %get3A_224] {strides = array<i32>} : memref<32x640xi32, #tpu.memory_space<vmem>>, vector<16xi32>,
      %select_n3A_226 = arith.select %gt3A, %get3A_225, %get3A_213 : vector<16xi1>, vector<16xi32>
      %get3A_227 = arith.constant 1 : i32
      %get3A_228 = arith.index_cast %get3A_227 : i32 to index
      %get3A_229 = arith.index_cast %mul3A_206 : i32 to index
      %get3A_230 = tpu.vector_load %arg11[%get3A_228, %get3A_229] {strides = array<i32>} : memref<32x640xi32, #tpu.memory_space<vmem>>, vector<16xi32>,
      %select_n3A_231 = arith.select %gt3A, %get3A_230, %get3A_217 : vector<16xi1>, vector<16xi32>
      %get3A_232 = arith.constant 2 : i32
      %get3A_233 = arith.index_cast %get3A_232 : i32 to index
      %get3A_234 = arith.index_cast %mul3A_206 : i32 to index
      %get3A_235 = tpu.vector_load %arg9[%get3A_233, %get3A_234] {strides = array<i32>} : memref<32x640xi32, #tpu.memory_space<vmem>>, vector<16xi32>,
      %gt3A_236 = arith.cmpi sgt, %get3A_235, %select_n3A : vector<16xi32>
      %select_n3A_237 = arith.select %gt3A_236, %get3A_235, %select_n3A : vector<16xi1>, vector<16xi32>
      %get3A_238 = arith.constant 2 : i32
      %get3A_239 = arith.index_cast %get3A_238 : i32 to index
      %get3A_240 = arith.index_cast %mul3A_206 : i32 to index
      %get3A_241 = tpu.vector_load %arg10[%get3A_239, %get3A_240] {strides = array<i32>} : memref<32x640xi32, #tpu.memory_space<vmem>>, vector<16xi32>,
      %select_n3A_242 = arith.select %gt3A_236, %get3A_241, %select_n3A_226 : vector<16xi1>, vector<16xi32>
      %get3A_243 = arith.constant 2 : i32
      %get3A_244 = arith.index_cast %get3A_243 : i32 to index
      %get3A_245 = arith.index_cast %mul3A_206 : i32 to index
      %get3A_246 = tpu.vector_load %arg11[%get3A_244, %get3A_245] {strides = array<i32>} : memref<32x640xi32, #tpu.memory_space<vmem>>, vector<16xi32>,
      %select_n3A_247 = arith.select %gt3A_236, %get3A_246, %select_n3A_231 : vector<16xi1>, vector<16xi32>
      %get3A_248 = arith.constant 3 : i32
      %get3A_249 = arith.index_cast %get3A_248 : i32 to index
      %get3A_250 = arith.index_cast %mul3A_206 : i32 to index
      %get3A_251 = tpu.vector_load %arg9[%get3A_249, %get3A_250] {strides = array<i32>} : memref<32x640xi32, #tpu.memory_space<vmem>>, vector<16xi32>,
      %gt3A_252 = arith.cmpi sgt, %get3A_251, %select_n3A_237 : vector<16xi32>
      %select_n3A_253 = arith.select %gt3A_252, %get3A_251, %select_n3A_237 : vector<16xi1>, vector<16xi32>
      %get3A_254 = arith.constant 3 : i32
      %get3A_255 = arith.index_cast %get3A_254 : i32 to index
      %get3A_256 = arith.index_cast %mul3A_206 : i32 to index
      %get3A_257 = tpu.vector_load %arg10[%get3A_255, %get3A_256] {strides = array<i32>} : memref<32x640xi32, #tpu.memory_space<vmem>>, vector<16xi32>,
      %select_n3A_258 = arith.select %gt3A_252, %get3A_257, %select_n3A_242 : vector<16xi1>, vector<16xi32>
      %get3A_259 = arith.constant 3 : i32
      %get3A_260 = arith.index_cast %get3A_259 : i32 to index
      %get3A_261 = arith.index_cast %mul3A_206 : i32 to index
      %get3A_262 = tpu.vector_load %arg11[%get3A_260, %get3A_261] {strides = array<i32>} : memref<32x640xi32, #tpu.memory_space<vmem>>, vector<16xi32>,
      %select_n3A_263 = arith.select %gt3A_252, %get3A_262, %select_n3A_247 : vector<16xi1>, vector<16xi32>
      %get3A_264 = arith.constant 4 : i32
      %get3A_265 = arith.index_cast %get3A_264 : i32 to index
      %get3A_266 = arith.index_cast %mul3A_206 : i32 to index
      %get3A_267 = tpu.vector_load %arg9[%get3A_265, %get3A_266] {strides = array<i32>} : memref<32x640xi32, #tpu.memory_space<vmem>>, vector<16xi32>,
      %gt3A_268 = arith.cmpi sgt, %get3A_267, %select_n3A_253 : vector<16xi32>
      %select_n3A_269 = arith.select %gt3A_268, %get3A_267, %select_n3A_253 : vector<16xi1>, vector<16xi32>
      %get3A_270 = arith.constant 4 : i32
      %get3A_271 = arith.index_cast %get3A_270 : i32 to index
      %get3A_272 = arith.index_cast %mul3A_206 : i32 to index
      %get3A_273 = tpu.vector_load %arg10[%get3A_271, %get3A_272] {strides = array<i32>} : memref<32x640xi32, #tpu.memory_space<vmem>>, vector<16xi32>,
      %select_n3A_274 = arith.select %gt3A_268, %get3A_273, %select_n3A_258 : vector<16xi1>, vector<16xi32>
      %get3A_275 = arith.constant 4 : i32
      %get3A_276 = arith.index_cast %get3A_275 : i32 to index
      %get3A_277 = arith.index_cast %mul3A_206 : i32 to index
      %get3A_278 = tpu.vector_load %arg11[%get3A_276, %get3A_277] {strides = array<i32>} : memref<32x640xi32, #tpu.memory_space<vmem>>, vector<16xi32>,
      %select_n3A_279 = arith.select %gt3A_268, %get3A_278, %select_n3A_263 : vector<16xi1>, vector<16xi32>
      %get3A_280 = arith.constant 5 : i32
      %get3A_281 = arith.index_cast %get3A_280 : i32 to index
      %get3A_282 = arith.index_cast %mul3A_206 : i32 to index
      %get3A_283 = tpu.vector_load %arg9[%get3A_281, %get3A_282] {strides = array<i32>} : memref<32x640xi32, #tpu.memory_space<vmem>>, vector<16xi32>,
      %gt3A_284 = arith.cmpi sgt, %get3A_283, %select_n3A_269 : vector<16xi32>
      %select_n3A_285 = arith.select %gt3A_284, %get3A_283, %select_n3A_269 : vector<16xi1>, vector<16xi32>
      %get3A_286 = arith.constant 5 : i32
      %get3A_287 = arith.index_cast %get3A_286 : i32 to index
      %get3A_288 = arith.index_cast %mul3A_206 : i32 to index
      %get3A_289 = tpu.vector_load %arg10[%get3A_287, %get3A_288] {strides = array<i32>} : memref<32x640xi32, #tpu.memory_space<vmem>>, vector<16xi32>,
      %select_n3A_290 = arith.select %gt3A_284, %get3A_289, %select_n3A_274 : vector<16xi1>, vector<16xi32>
      %get3A_291 = arith.constant 5 : i32
      %get3A_292 = arith.index_cast %get3A_291 : i32 to index
      %get3A_293 = arith.index_cast %mul3A_206 : i32 to index
      %get3A_294 = tpu.vector_load %arg11[%get3A_292, %get3A_293] {strides = array<i32>} : memref<32x640xi32, #tpu.memory_space<vmem>>, vector<16xi32>,
      %select_n3A_295 = arith.select %gt3A_284, %get3A_294, %select_n3A_279 : vector<16xi1>, vector<16xi32>
      %get3A_296 = arith.constant 6 : i32
      %get3A_297 = arith.index_cast %get3A_296 : i32 to index
      %get3A_298 = arith.index_cast %mul3A_206 : i32 to index
      %get3A_299 = tpu.vector_load %arg9[%get3A_297, %get3A_298] {strides = array<i32>} : memref<32x640xi32, #tpu.memory_space<vmem>>, vector<16xi32>,
      %gt3A_300 = arith.cmpi sgt, %get3A_299, %select_n3A_285 : vector<16xi32>
      %select_n3A_301 = arith.select %gt3A_300, %get3A_299, %select_n3A_285 : vector<16xi1>, vector<16xi32>
      %get3A_302 = arith.constant 6 : i32
      %get3A_303 = arith.index_cast %get3A_302 : i32 to index
      %get3A_304 = arith.index_cast %mul3A_206 : i32 to index
      %get3A_305 = tpu.vector_load %arg10[%get3A_303, %get3A_304] {strides = array<i32>} : memref<32x640xi32, #tpu.memory_space<vmem>>, vector<16xi32>,
      %select_n3A_306 = arith.select %gt3A_300, %get3A_305, %select_n3A_290 : vector<16xi1>, vector<16xi32>
      %get3A_307 = arith.constant 6 : i32
      %get3A_308 = arith.index_cast %get3A_307 : i32 to index
      %get3A_309 = arith.index_cast %mul3A_206 : i32 to index
      %get3A_310 = tpu.vector_load %arg11[%get3A_308, %get3A_309] {strides = array<i32>} : memref<32x640xi32, #tpu.memory_space<vmem>>, vector<16xi32>,
      %select_n3A_311 = arith.select %gt3A_300, %get3A_310, %select_n3A_295 : vector<16xi1>, vector<16xi32>
      %get3A_312 = arith.constant 7 : i32
      %get3A_313 = arith.index_cast %get3A_312 : i32 to index
      %get3A_314 = arith.index_cast %mul3A_206 : i32 to index
      %get3A_315 = tpu.vector_load %arg9[%get3A_313, %get3A_314] {strides = array<i32>} : memref<32x640xi32, #tpu.memory_space<vmem>>, vector<16xi32>,
      %gt3A_316 = arith.cmpi sgt, %get3A_315, %select_n3A_301 : vector<16xi32>
      %select_n3A_317 = arith.select %gt3A_316, %get3A_315, %select_n3A_301 : vector<16xi1>, vector<16xi32>
      %get3A_318 = arith.constant 7 : i32
      %get3A_319 = arith.index_cast %get3A_318 : i32 to index
      %get3A_320 = arith.index_cast %mul3A_206 : i32 to index
      %get3A_321 = tpu.vector_load %arg10[%get3A_319, %get3A_320] {strides = array<i32>} : memref<32x640xi32, #tpu.memory_space<vmem>>, vector<16xi32>,
      %select_n3A_322 = arith.select %gt3A_316, %get3A_321, %select_n3A_306 : vector<16xi1>, vector<16xi32>
      %get3A_323 = arith.constant 7 : i32
      %get3A_324 = arith.index_cast %get3A_323 : i32 to index
      %get3A_325 = arith.index_cast %mul3A_206 : i32 to index
      %get3A_326 = tpu.vector_load %arg11[%get3A_324, %get3A_325] {strides = array<i32>} : memref<32x640xi32, #tpu.memory_space<vmem>>, vector<16xi32>,
      %select_n3A_327 = arith.select %gt3A_316, %get3A_326, %select_n3A_311 : vector<16xi1>, vector<16xi32>
      %get3A_328 = arith.constant 8 : i32
      %get3A_329 = arith.index_cast %get3A_328 : i32 to index
      %get3A_330 = arith.index_cast %mul3A_206 : i32 to index
      %get3A_331 = tpu.vector_load %arg9[%get3A_329, %get3A_330] {strides = array<i32>} : memref<32x640xi32, #tpu.memory_space<vmem>>, vector<16xi32>,
      %gt3A_332 = arith.cmpi sgt, %get3A_331, %select_n3A_317 : vector<16xi32>
      %select_n3A_333 = arith.select %gt3A_332, %get3A_331, %select_n3A_317 : vector<16xi1>, vector<16xi32>
      %get3A_334 = arith.constant 8 : i32
      %get3A_335 = arith.index_cast %get3A_334 : i32 to index
      %get3A_336 = arith.index_cast %mul3A_206 : i32 to index
      %get3A_337 = tpu.vector_load %arg10[%get3A_335, %get3A_336] {strides = array<i32>} : memref<32x640xi32, #tpu.memory_space<vmem>>, vector<16xi32>,
      %select_n3A_338 = arith.select %gt3A_332, %get3A_337, %select_n3A_322 : vector<16xi1>, vector<16xi32>
      %get3A_339 = arith.constant 8 : i32
      %get3A_340 = arith.index_cast %get3A_339 : i32 to index
      %get3A_341 = arith.index_cast %mul3A_206 : i32 to index
      %get3A_342 = tpu.vector_load %arg11[%get3A_340, %get3A_341] {strides = array<i32>} : memref<32x640xi32, #tpu.memory_space<vmem>>, vector<16xi32>,
      %select_n3A_343 = arith.select %gt3A_332, %get3A_342, %select_n3A_327 : vector<16xi1>, vector<16xi32>
      %get3A_344 = arith.constant 9 : i32
      %get3A_345 = arith.index_cast %get3A_344 : i32 to index
      %get3A_346 = arith.index_cast %mul3A_206 : i32 to index
      %get3A_347 = tpu.vector_load %arg9[%get3A_345, %get3A_346] {strides = array<i32>} : memref<32x640xi32, #tpu.memory_space<vmem>>, vector<16xi32>,
      %gt3A_348 = arith.cmpi sgt, %get3A_347, %select_n3A_333 : vector<16xi32>
      %select_n3A_349 = arith.select %gt3A_348, %get3A_347, %select_n3A_333 : vector<16xi1>, vector<16xi32>
      %get3A_350 = arith.constant 9 : i32
      %get3A_351 = arith.index_cast %get3A_350 : i32 to index
      %get3A_352 = arith.index_cast %mul3A_206 : i32 to index
      %get3A_353 = tpu.vector_load %arg10[%get3A_351, %get3A_352] {strides = array<i32>} : memref<32x640xi32, #tpu.memory_space<vmem>>, vector<16xi32>,
      %select_n3A_354 = arith.select %gt3A_348, %get3A_353, %select_n3A_338 : vector<16xi1>, vector<16xi32>
      %get3A_355 = arith.constant 9 : i32
      %get3A_356 = arith.index_cast %get3A_355 : i32 to index
      %get3A_357 = arith.index_cast %mul3A_206 : i32 to index
      %get3A_358 = tpu.vector_load %arg11[%get3A_356, %get3A_357] {strides = array<i32>} : memref<32x640xi32, #tpu.memory_space<vmem>>, vector<16xi32>,
      %select_n3A_359 = arith.select %gt3A_348, %get3A_358, %select_n3A_343 : vector<16xi1>, vector<16xi32>
      %get3A_360 = arith.constant 10 : i32
      %get3A_361 = arith.index_cast %get3A_360 : i32 to index
      %get3A_362 = arith.index_cast %mul3A_206 : i32 to index
      %get3A_363 = tpu.vector_load %arg9[%get3A_361, %get3A_362] {strides = array<i32>} : memref<32x640xi32, #tpu.memory_space<vmem>>, vector<16xi32>,
      %gt3A_364 = arith.cmpi sgt, %get3A_363, %select_n3A_349 : vector<16xi32>
      %select_n3A_365 = arith.select %gt3A_364, %get3A_363, %select_n3A_349 : vector<16xi1>, vector<16xi32>
      %get3A_366 = arith.constant 10 : i32
      %get3A_367 = arith.index_cast %get3A_366 : i32 to index
      %get3A_368 = arith.index_cast %mul3A_206 : i32 to index
      %get3A_369 = tpu.vector_load %arg10[%get3A_367, %get3A_368] {strides = array<i32>} : memref<32x640xi32, #tpu.memory_space<vmem>>, vector<16xi32>,
      %select_n3A_370 = arith.select %gt3A_364, %get3A_369, %select_n3A_354 : vector<16xi1>, vector<16xi32>
      %get3A_371 = arith.constant 10 : i32
      %get3A_372 = arith.index_cast %get3A_371 : i32 to index
      %get3A_373 = arith.index_cast %mul3A_206 : i32 to index
      %get3A_374 = tpu.vector_load %arg11[%get3A_372, %get3A_373] {strides = array<i32>} : memref<32x640xi32, #tpu.memory_space<vmem>>, vector<16xi32>,
      %select_n3A_375 = arith.select %gt3A_364, %get3A_374, %select_n3A_359 : vector<16xi1>, vector<16xi32>
      %get3A_376 = arith.constant 11 : i32
      %get3A_377 = arith.index_cast %get3A_376 : i32 to index
      %get3A_378 = arith.index_cast %mul3A_206 : i32 to index
      %get3A_379 = tpu.vector_load %arg9[%get3A_377, %get3A_378] {strides = array<i32>} : memref<32x640xi32, #tpu.memory_space<vmem>>, vector<16xi32>,
      %gt3A_380 = arith.cmpi sgt, %get3A_379, %select_n3A_365 : vector<16xi32>
      %select_n3A_381 = arith.select %gt3A_380, %get3A_379, %select_n3A_365 : vector<16xi1>, vector<16xi32>
      %get3A_382 = arith.constant 11 : i32
      %get3A_383 = arith.index_cast %get3A_382 : i32 to index
      %get3A_384 = arith.index_cast %mul3A_206 : i32 to index
      %get3A_385 = tpu.vector_load %arg10[%get3A_383, %get3A_384] {strides = array<i32>} : memref<32x640xi32, #tpu.memory_space<vmem>>, vector<16xi32>,
      %select_n3A_386 = arith.select %gt3A_380, %get3A_385, %select_n3A_370 : vector<16xi1>, vector<16xi32>
      %get3A_387 = arith.constant 11 : i32
      %get3A_388 = arith.index_cast %get3A_387 : i32 to index
      %get3A_389 = arith.index_cast %mul3A_206 : i32 to index
      %get3A_390 = tpu.vector_load %arg11[%get3A_388, %get3A_389] {strides = array<i32>} : memref<32x640xi32, #tpu.memory_space<vmem>>, vector<16xi32>,
      %select_n3A_391 = arith.select %gt3A_380, %get3A_390, %select_n3A_375 : vector<16xi1>, vector<16xi32>
      %get3A_392 = arith.constant 12 : i32
      %get3A_393 = arith.index_cast %get3A_392 : i32 to index
      %get3A_394 = arith.index_cast %mul3A_206 : i32 to index
      %get3A_395 = tpu.vector_load %arg9[%get3A_393, %get3A_394] {strides = array<i32>} : memref<32x640xi32, #tpu.memory_space<vmem>>, vector<16xi32>,
      %gt3A_396 = arith.cmpi sgt, %get3A_395, %select_n3A_381 : vector<16xi32>
      %select_n3A_397 = arith.select %gt3A_396, %get3A_395, %select_n3A_381 : vector<16xi1>, vector<16xi32>
      %get3A_398 = arith.constant 12 : i32
      %get3A_399 = arith.index_cast %get3A_398 : i32 to index
      %get3A_400 = arith.index_cast %mul3A_206 : i32 to index
      %get3A_401 = tpu.vector_load %arg10[%get3A_399, %get3A_400] {strides = array<i32>} : memref<32x640xi32, #tpu.memory_space<vmem>>, vector<16xi32>,
      %select_n3A_402 = arith.select %gt3A_396, %get3A_401, %select_n3A_386 : vector<16xi1>, vector<16xi32>
      %get3A_403 = arith.constant 12 : i32
      %get3A_404 = arith.index_cast %get3A_403 : i32 to index
      %get3A_405 = arith.index_cast %mul3A_206 : i32 to index
      %get3A_406 = tpu.vector_load %arg11[%get3A_404, %get3A_405] {strides = array<i32>} : memref<32x640xi32, #tpu.memory_space<vmem>>, vector<16xi32>,
      %select_n3A_407 = arith.select %gt3A_396, %get3A_406, %select_n3A_391 : vector<16xi1>, vector<16xi32>
      %get3A_408 = arith.constant 13 : i32
      %get3A_409 = arith.index_cast %get3A_408 : i32 to index
      %get3A_410 = arith.index_cast %mul3A_206 : i32 to index
      %get3A_411 = tpu.vector_load %arg9[%get3A_409, %get3A_410] {strides = array<i32>} : memref<32x640xi32, #tpu.memory_space<vmem>>, vector<16xi32>,
      %gt3A_412 = arith.cmpi sgt, %get3A_411, %select_n3A_397 : vector<16xi32>
      %select_n3A_413 = arith.select %gt3A_412, %get3A_411, %select_n3A_397 : vector<16xi1>, vector<16xi32>
      %get3A_414 = arith.constant 13 : i32
      %get3A_415 = arith.index_cast %get3A_414 : i32 to index
      %get3A_416 = arith.index_cast %mul3A_206 : i32 to index
      %get3A_417 = tpu.vector_load %arg10[%get3A_415, %get3A_416] {strides = array<i32>} : memref<32x640xi32, #tpu.memory_space<vmem>>, vector<16xi32>,
      %select_n3A_418 = arith.select %gt3A_412, %get3A_417, %select_n3A_402 : vector<16xi1>, vector<16xi32>
      %get3A_419 = arith.constant 13 : i32
      %get3A_420 = arith.index_cast %get3A_419 : i32 to index
      %get3A_421 = arith.index_cast %mul3A_206 : i32 to index
      %get3A_422 = tpu.vector_load %arg11[%get3A_420, %get3A_421] {strides = array<i32>} : memref<32x640xi32, #tpu.memory_space<vmem>>, vector<16xi32>,
      %select_n3A_423 = arith.select %gt3A_412, %get3A_422, %select_n3A_407 : vector<16xi1>, vector<16xi32>
      %get3A_424 = arith.constant 14 : i32
      %get3A_425 = arith.index_cast %get3A_424 : i32 to index
      %get3A_426 = arith.index_cast %mul3A_206 : i32 to index
      %get3A_427 = tpu.vector_load %arg9[%get3A_425, %get3A_426] {strides = array<i32>} : memref<32x640xi32, #tpu.memory_space<vmem>>, vector<16xi32>,
      %gt3A_428 = arith.cmpi sgt, %get3A_427, %select_n3A_413 : vector<16xi32>
      %select_n3A_429 = arith.select %gt3A_428, %get3A_427, %select_n3A_413 : vector<16xi1>, vector<16xi32>
      %get3A_430 = arith.constant 14 : i32
      %get3A_431 = arith.index_cast %get3A_430 : i32 to index
      %get3A_432 = arith.index_cast %mul3A_206 : i32 to index
      %get3A_433 = tpu.vector_load %arg10[%get3A_431, %get3A_432] {strides = array<i32>} : memref<32x640xi32, #tpu.memory_space<vmem>>, vector<16xi32>,
      %select_n3A_434 = arith.select %gt3A_428, %get3A_433, %select_n3A_418 : vector<16xi1>, vector<16xi32>
      %get3A_435 = arith.constant 14 : i32
      %get3A_436 = arith.index_cast %get3A_435 : i32 to index
      %get3A_437 = arith.index_cast %mul3A_206 : i32 to index
      %get3A_438 = tpu.vector_load %arg11[%get3A_436, %get3A_437] {strides = array<i32>} : memref<32x640xi32, #tpu.memory_space<vmem>>, vector<16xi32>,
      %select_n3A_439 = arith.select %gt3A_428, %get3A_438, %select_n3A_423 : vector<16xi1>, vector<16xi32>
      %get3A_440 = arith.constant 15 : i32
      %get3A_441 = arith.index_cast %get3A_440 : i32 to index
      %get3A_442 = arith.index_cast %mul3A_206 : i32 to index
      %get3A_443 = tpu.vector_load %arg9[%get3A_441, %get3A_442] {strides = array<i32>} : memref<32x640xi32, #tpu.memory_space<vmem>>, vector<16xi32>,
      %gt3A_444 = arith.cmpi sgt, %get3A_443, %select_n3A_429 : vector<16xi32>
      %select_n3A_445 = arith.select %gt3A_444, %get3A_443, %select_n3A_429 : vector<16xi1>, vector<16xi32>
      %get3A_446 = arith.constant 15 : i32
      %get3A_447 = arith.index_cast %get3A_446 : i32 to index
      %get3A_448 = arith.index_cast %mul3A_206 : i32 to index
      %get3A_449 = tpu.vector_load %arg10[%get3A_447, %get3A_448] {strides = array<i32>} : memref<32x640xi32, #tpu.memory_space<vmem>>, vector<16xi32>,
      %select_n3A_450 = arith.select %gt3A_444, %get3A_449, %select_n3A_434 : vector<16xi1>, vector<16xi32>
      %get3A_451 = arith.constant 15 : i32
      %get3A_452 = arith.index_cast %get3A_451 : i32 to index
      %get3A_453 = arith.index_cast %mul3A_206 : i32 to index
      %get3A_454 = tpu.vector_load %arg11[%get3A_452, %get3A_453] {strides = array<i32>} : memref<32x640xi32, #tpu.memory_space<vmem>>, vector<16xi32>,
      %select_n3A_455 = arith.select %gt3A_444, %get3A_454, %select_n3A_439 : vector<16xi1>, vector<16xi32>
      %get3A_456 = arith.constant 16 : i32
      %get3A_457 = arith.index_cast %get3A_456 : i32 to index
      %get3A_458 = arith.index_cast %mul3A_206 : i32 to index
      %get3A_459 = tpu.vector_load %arg9[%get3A_457, %get3A_458] {strides = array<i32>} : memref<32x640xi32, #tpu.memory_space<vmem>>, vector<16xi32>,
      %gt3A_460 = arith.cmpi sgt, %get3A_459, %select_n3A_445 : vector<16xi32>
      %select_n3A_461 = arith.select %gt3A_460, %get3A_459, %select_n3A_445 : vector<16xi1>, vector<16xi32>
      %get3A_462 = arith.constant 16 : i32
      %get3A_463 = arith.index_cast %get3A_462 : i32 to index
      %get3A_464 = arith.index_cast %mul3A_206 : i32 to index
      %get3A_465 = tpu.vector_load %arg10[%get3A_463, %get3A_464] {strides = array<i32>} : memref<32x640xi32, #tpu.memory_space<vmem>>, vector<16xi32>,
      %select_n3A_466 = arith.select %gt3A_460, %get3A_465, %select_n3A_450 : vector<16xi1>, vector<16xi32>
      %get3A_467 = arith.constant 16 : i32
      %get3A_468 = arith.index_cast %get3A_467 : i32 to index
      %get3A_469 = arith.index_cast %mul3A_206 : i32 to index
      %get3A_470 = tpu.vector_load %arg11[%get3A_468, %get3A_469] {strides = array<i32>} : memref<32x640xi32, #tpu.memory_space<vmem>>, vector<16xi32>,
      %select_n3A_471 = arith.select %gt3A_460, %get3A_470, %select_n3A_455 : vector<16xi1>, vector<16xi32>
      %get3A_472 = arith.constant 17 : i32
      %get3A_473 = arith.index_cast %get3A_472 : i32 to index
      %get3A_474 = arith.index_cast %mul3A_206 : i32 to index
      %get3A_475 = tpu.vector_load %arg9[%get3A_473, %get3A_474] {strides = array<i32>} : memref<32x640xi32, #tpu.memory_space<vmem>>, vector<16xi32>,
      %gt3A_476 = arith.cmpi sgt, %get3A_475, %select_n3A_461 : vector<16xi32>
      %select_n3A_477 = arith.select %gt3A_476, %get3A_475, %select_n3A_461 : vector<16xi1>, vector<16xi32>
      %get3A_478 = arith.constant 17 : i32
      %get3A_479 = arith.index_cast %get3A_478 : i32 to index
      %get3A_480 = arith.index_cast %mul3A_206 : i32 to index
      %get3A_481 = tpu.vector_load %arg10[%get3A_479, %get3A_480] {strides = array<i32>} : memref<32x640xi32, #tpu.memory_space<vmem>>, vector<16xi32>,
      %select_n3A_482 = arith.select %gt3A_476, %get3A_481, %select_n3A_466 : vector<16xi1>, vector<16xi32>
      %get3A_483 = arith.constant 17 : i32
      %get3A_484 = arith.index_cast %get3A_483 : i32 to index
      %get3A_485 = arith.index_cast %mul3A_206 : i32 to index
      %get3A_486 = tpu.vector_load %arg11[%get3A_484, %get3A_485] {strides = array<i32>} : memref<32x640xi32, #tpu.memory_space<vmem>>, vector<16xi32>,
      %select_n3A_487 = arith.select %gt3A_476, %get3A_486, %select_n3A_471 : vector<16xi1>, vector<16xi32>
      %get3A_488 = arith.constant 18 : i32
      %get3A_489 = arith.index_cast %get3A_488 : i32 to index
      %get3A_490 = arith.index_cast %mul3A_206 : i32 to index
      %get3A_491 = tpu.vector_load %arg9[%get3A_489, %get3A_490] {strides = array<i32>} : memref<32x640xi32, #tpu.memory_space<vmem>>, vector<16xi32>,
      %gt3A_492 = arith.cmpi sgt, %get3A_491, %select_n3A_477 : vector<16xi32>
      %select_n3A_493 = arith.select %gt3A_492, %get3A_491, %select_n3A_477 : vector<16xi1>, vector<16xi32>
      %get3A_494 = arith.constant 18 : i32
      %get3A_495 = arith.index_cast %get3A_494 : i32 to index
      %get3A_496 = arith.index_cast %mul3A_206 : i32 to index
      %get3A_497 = tpu.vector_load %arg10[%get3A_495, %get3A_496] {strides = array<i32>} : memref<32x640xi32, #tpu.memory_space<vmem>>, vector<16xi32>,
      %select_n3A_498 = arith.select %gt3A_492, %get3A_497, %select_n3A_482 : vector<16xi1>, vector<16xi32>
      %get3A_499 = arith.constant 18 : i32
      %get3A_500 = arith.index_cast %get3A_499 : i32 to index
      %get3A_501 = arith.index_cast %mul3A_206 : i32 to index
      %get3A_502 = tpu.vector_load %arg11[%get3A_500, %get3A_501] {strides = array<i32>} : memref<32x640xi32, #tpu.memory_space<vmem>>, vector<16xi32>,
      %select_n3A_503 = arith.select %gt3A_492, %get3A_502, %select_n3A_487 : vector<16xi1>, vector<16xi32>
      %get3A_504 = arith.constant 19 : i32
      %get3A_505 = arith.index_cast %get3A_504 : i32 to index
      %get3A_506 = arith.index_cast %mul3A_206 : i32 to index
      %get3A_507 = tpu.vector_load %arg9[%get3A_505, %get3A_506] {strides = array<i32>} : memref<32x640xi32, #tpu.memory_space<vmem>>, vector<16xi32>,
      %gt3A_508 = arith.cmpi sgt, %get3A_507, %select_n3A_493 : vector<16xi32>
      %select_n3A_509 = arith.select %gt3A_508, %get3A_507, %select_n3A_493 : vector<16xi1>, vector<16xi32>
      %get3A_510 = arith.constant 19 : i32
      %get3A_511 = arith.index_cast %get3A_510 : i32 to index
      %get3A_512 = arith.index_cast %mul3A_206 : i32 to index
      %get3A_513 = tpu.vector_load %arg10[%get3A_511, %get3A_512] {strides = array<i32>} : memref<32x640xi32, #tpu.memory_space<vmem>>, vector<16xi32>,
      %select_n3A_514 = arith.select %gt3A_508, %get3A_513, %select_n3A_498 : vector<16xi1>, vector<16xi32>
      %get3A_515 = arith.constant 19 : i32
      %get3A_516 = arith.index_cast %get3A_515 : i32 to index
      %get3A_517 = arith.index_cast %mul3A_206 : i32 to index
      %get3A_518 = tpu.vector_load %arg11[%get3A_516, %get3A_517] {strides = array<i32>} : memref<32x640xi32, #tpu.memory_space<vmem>>, vector<16xi32>,
      %select_n3A_519 = arith.select %gt3A_508, %get3A_518, %select_n3A_503 : vector<16xi1>, vector<16xi32>
      %get3A_520 = arith.constant 20 : i32
      %get3A_521 = arith.index_cast %get3A_520 : i32 to index
      %get3A_522 = arith.index_cast %mul3A_206 : i32 to index
      %get3A_523 = tpu.vector_load %arg9[%get3A_521, %get3A_522] {strides = array<i32>} : memref<32x640xi32, #tpu.memory_space<vmem>>, vector<16xi32>,
      %gt3A_524 = arith.cmpi sgt, %get3A_523, %select_n3A_509 : vector<16xi32>
      %select_n3A_525 = arith.select %gt3A_524, %get3A_523, %select_n3A_509 : vector<16xi1>, vector<16xi32>
      %get3A_526 = arith.constant 20 : i32
      %get3A_527 = arith.index_cast %get3A_526 : i32 to index
      %get3A_528 = arith.index_cast %mul3A_206 : i32 to index
      %get3A_529 = tpu.vector_load %arg10[%get3A_527, %get3A_528] {strides = array<i32>} : memref<32x640xi32, #tpu.memory_space<vmem>>, vector<16xi32>,
      %select_n3A_530 = arith.select %gt3A_524, %get3A_529, %select_n3A_514 : vector<16xi1>, vector<16xi32>
      %get3A_531 = arith.constant 20 : i32
      %get3A_532 = arith.index_cast %get3A_531 : i32 to index
      %get3A_533 = arith.index_cast %mul3A_206 : i32 to index
      %get3A_534 = tpu.vector_load %arg11[%get3A_532, %get3A_533] {strides = array<i32>} : memref<32x640xi32, #tpu.memory_space<vmem>>, vector<16xi32>,
      %select_n3A_535 = arith.select %gt3A_524, %get3A_534, %select_n3A_519 : vector<16xi1>, vector<16xi32>
      %get3A_536 = arith.constant 21 : i32
      %get3A_537 = arith.index_cast %get3A_536 : i32 to index
      %get3A_538 = arith.index_cast %mul3A_206 : i32 to index
      %get3A_539 = tpu.vector_load %arg9[%get3A_537, %get3A_538] {strides = array<i32>} : memref<32x640xi32, #tpu.memory_space<vmem>>, vector<16xi32>,
      %gt3A_540 = arith.cmpi sgt, %get3A_539, %select_n3A_525 : vector<16xi32>
      %select_n3A_541 = arith.select %gt3A_540, %get3A_539, %select_n3A_525 : vector<16xi1>, vector<16xi32>
      %get3A_542 = arith.constant 21 : i32
      %get3A_543 = arith.index_cast %get3A_542 : i32 to index
      %get3A_544 = arith.index_cast %mul3A_206 : i32 to index
      %get3A_545 = tpu.vector_load %arg10[%get3A_543, %get3A_544] {strides = array<i32>} : memref<32x640xi32, #tpu.memory_space<vmem>>, vector<16xi32>,
      %select_n3A_546 = arith.select %gt3A_540, %get3A_545, %select_n3A_530 : vector<16xi1>, vector<16xi32>
      %get3A_547 = arith.constant 21 : i32
      %get3A_548 = arith.index_cast %get3A_547 : i32 to index
      %get3A_549 = arith.index_cast %mul3A_206 : i32 to index
      %get3A_550 = tpu.vector_load %arg11[%get3A_548, %get3A_549] {strides = array<i32>} : memref<32x640xi32, #tpu.memory_space<vmem>>, vector<16xi32>,
      %select_n3A_551 = arith.select %gt3A_540, %get3A_550, %select_n3A_535 : vector<16xi1>, vector<16xi32>
      %get3A_552 = arith.constant 22 : i32
      %get3A_553 = arith.index_cast %get3A_552 : i32 to index
      %get3A_554 = arith.index_cast %mul3A_206 : i32 to index
      %get3A_555 = tpu.vector_load %arg9[%get3A_553, %get3A_554] {strides = array<i32>} : memref<32x640xi32, #tpu.memory_space<vmem>>, vector<16xi32>,
      %gt3A_556 = arith.cmpi sgt, %get3A_555, %select_n3A_541 : vector<16xi32>
      %select_n3A_557 = arith.select %gt3A_556, %get3A_555, %select_n3A_541 : vector<16xi1>, vector<16xi32>
      %get3A_558 = arith.constant 22 : i32
      %get3A_559 = arith.index_cast %get3A_558 : i32 to index
      %get3A_560 = arith.index_cast %mul3A_206 : i32 to index
      %get3A_561 = tpu.vector_load %arg10[%get3A_559, %get3A_560] {strides = array<i32>} : memref<32x640xi32, #tpu.memory_space<vmem>>, vector<16xi32>,
      %select_n3A_562 = arith.select %gt3A_556, %get3A_561, %select_n3A_546 : vector<16xi1>, vector<16xi32>
      %get3A_563 = arith.constant 22 : i32
      %get3A_564 = arith.index_cast %get3A_563 : i32 to index
      %get3A_565 = arith.index_cast %mul3A_206 : i32 to index
      %get3A_566 = tpu.vector_load %arg11[%get3A_564, %get3A_565] {strides = array<i32>} : memref<32x640xi32, #tpu.memory_space<vmem>>, vector<16xi32>,
      %select_n3A_567 = arith.select %gt3A_556, %get3A_566, %select_n3A_551 : vector<16xi1>, vector<16xi32>
      %get3A_568 = arith.constant 23 : i32
      %get3A_569 = arith.index_cast %get3A_568 : i32 to index
      %get3A_570 = arith.index_cast %mul3A_206 : i32 to index
      %get3A_571 = tpu.vector_load %arg9[%get3A_569, %get3A_570] {strides = array<i32>} : memref<32x640xi32, #tpu.memory_space<vmem>>, vector<16xi32>,
      %gt3A_572 = arith.cmpi sgt, %get3A_571, %select_n3A_557 : vector<16xi32>
      %select_n3A_573 = arith.select %gt3A_572, %get3A_571, %select_n3A_557 : vector<16xi1>, vector<16xi32>
      %get3A_574 = arith.constant 23 : i32
      %get3A_575 = arith.index_cast %get3A_574 : i32 to index
      %get3A_576 = arith.index_cast %mul3A_206 : i32 to index
      %get3A_577 = tpu.vector_load %arg10[%get3A_575, %get3A_576] {strides = array<i32>} : memref<32x640xi32, #tpu.memory_space<vmem>>, vector<16xi32>,
      %select_n3A_578 = arith.select %gt3A_572, %get3A_577, %select_n3A_562 : vector<16xi1>, vector<16xi32>
      %get3A_579 = arith.constant 23 : i32
      %get3A_580 = arith.index_cast %get3A_579 : i32 to index
      %get3A_581 = arith.index_cast %mul3A_206 : i32 to index
      %get3A_582 = tpu.vector_load %arg11[%get3A_580, %get3A_581] {strides = array<i32>} : memref<32x640xi32, #tpu.memory_space<vmem>>, vector<16xi32>,
      %select_n3A_583 = arith.select %gt3A_572, %get3A_582, %select_n3A_567 : vector<16xi1>, vector<16xi32>
      %get3A_584 = arith.constant 24 : i32
      %get3A_585 = arith.index_cast %get3A_584 : i32 to index
      %get3A_586 = arith.index_cast %mul3A_206 : i32 to index
      %get3A_587 = tpu.vector_load %arg9[%get3A_585, %get3A_586] {strides = array<i32>} : memref<32x640xi32, #tpu.memory_space<vmem>>, vector<16xi32>,
      %gt3A_588 = arith.cmpi sgt, %get3A_587, %select_n3A_573 : vector<16xi32>
      %select_n3A_589 = arith.select %gt3A_588, %get3A_587, %select_n3A_573 : vector<16xi1>, vector<16xi32>
      %get3A_590 = arith.constant 24 : i32
      %get3A_591 = arith.index_cast %get3A_590 : i32 to index
      %get3A_592 = arith.index_cast %mul3A_206 : i32 to index
      %get3A_593 = tpu.vector_load %arg10[%get3A_591, %get3A_592] {strides = array<i32>} : memref<32x640xi32, #tpu.memory_space<vmem>>, vector<16xi32>,
      %select_n3A_594 = arith.select %gt3A_588, %get3A_593, %select_n3A_578 : vector<16xi1>, vector<16xi32>
      %get3A_595 = arith.constant 24 : i32
      %get3A_596 = arith.index_cast %get3A_595 : i32 to index
      %get3A_597 = arith.index_cast %mul3A_206 : i32 to index
      %get3A_598 = tpu.vector_load %arg11[%get3A_596, %get3A_597] {strides = array<i32>} : memref<32x640xi32, #tpu.memory_space<vmem>>, vector<16xi32>,
      %select_n3A_599 = arith.select %gt3A_588, %get3A_598, %select_n3A_583 : vector<16xi1>, vector<16xi32>
      %get3A_600 = arith.constant 25 : i32
      %get3A_601 = arith.index_cast %get3A_600 : i32 to index
      %get3A_602 = arith.index_cast %mul3A_206 : i32 to index
      %get3A_603 = tpu.vector_load %arg9[%get3A_601, %get3A_602] {strides = array<i32>} : memref<32x640xi32, #tpu.memory_space<vmem>>, vector<16xi32>,
      %gt3A_604 = arith.cmpi sgt, %get3A_603, %select_n3A_589 : vector<16xi32>
      %select_n3A_605 = arith.select %gt3A_604, %get3A_603, %select_n3A_589 : vector<16xi1>, vector<16xi32>
      %get3A_606 = arith.constant 25 : i32
      %get3A_607 = arith.index_cast %get3A_606 : i32 to index
      %get3A_608 = arith.index_cast %mul3A_206 : i32 to index
      %get3A_609 = tpu.vector_load %arg10[%get3A_607, %get3A_608] {strides = array<i32>} : memref<32x640xi32, #tpu.memory_space<vmem>>, vector<16xi32>,
      %select_n3A_610 = arith.select %gt3A_604, %get3A_609, %select_n3A_594 : vector<16xi1>, vector<16xi32>
      %get3A_611 = arith.constant 25 : i32
      %get3A_612 = arith.index_cast %get3A_611 : i32 to index
      %get3A_613 = arith.index_cast %mul3A_206 : i32 to index
      %get3A_614 = tpu.vector_load %arg11[%get3A_612, %get3A_613] {strides = array<i32>} : memref<32x640xi32, #tpu.memory_space<vmem>>, vector<16xi32>,
      %select_n3A_615 = arith.select %gt3A_604, %get3A_614, %select_n3A_599 : vector<16xi1>, vector<16xi32>
      %get3A_616 = arith.constant 26 : i32
      %get3A_617 = arith.index_cast %get3A_616 : i32 to index
      %get3A_618 = arith.index_cast %mul3A_206 : i32 to index
      %get3A_619 = tpu.vector_load %arg9[%get3A_617, %get3A_618] {strides = array<i32>} : memref<32x640xi32, #tpu.memory_space<vmem>>, vector<16xi32>,
      %gt3A_620 = arith.cmpi sgt, %get3A_619, %select_n3A_605 : vector<16xi32>
      %select_n3A_621 = arith.select %gt3A_620, %get3A_619, %select_n3A_605 : vector<16xi1>, vector<16xi32>
      %get3A_622 = arith.constant 26 : i32
      %get3A_623 = arith.index_cast %get3A_622 : i32 to index
      %get3A_624 = arith.index_cast %mul3A_206 : i32 to index
      %get3A_625 = tpu.vector_load %arg10[%get3A_623, %get3A_624] {strides = array<i32>} : memref<32x640xi32, #tpu.memory_space<vmem>>, vector<16xi32>,
      %select_n3A_626 = arith.select %gt3A_620, %get3A_625, %select_n3A_610 : vector<16xi1>, vector<16xi32>
      %get3A_627 = arith.constant 26 : i32
      %get3A_628 = arith.index_cast %get3A_627 : i32 to index
      %get3A_629 = arith.index_cast %mul3A_206 : i32 to index
      %get3A_630 = tpu.vector_load %arg11[%get3A_628, %get3A_629] {strides = array<i32>} : memref<32x640xi32, #tpu.memory_space<vmem>>, vector<16xi32>,
      %select_n3A_631 = arith.select %gt3A_620, %get3A_630, %select_n3A_615 : vector<16xi1>, vector<16xi32>
      %get3A_632 = arith.constant 27 : i32
      %get3A_633 = arith.index_cast %get3A_632 : i32 to index
      %get3A_634 = arith.index_cast %mul3A_206 : i32 to index
      %get3A_635 = tpu.vector_load %arg9[%get3A_633, %get3A_634] {strides = array<i32>} : memref<32x640xi32, #tpu.memory_space<vmem>>, vector<16xi32>,
      %gt3A_636 = arith.cmpi sgt, %get3A_635, %select_n3A_621 : vector<16xi32>
      %select_n3A_637 = arith.select %gt3A_636, %get3A_635, %select_n3A_621 : vector<16xi1>, vector<16xi32>
      %get3A_638 = arith.constant 27 : i32
      %get3A_639 = arith.index_cast %get3A_638 : i32 to index
      %get3A_640 = arith.index_cast %mul3A_206 : i32 to index
      %get3A_641 = tpu.vector_load %arg10[%get3A_639, %get3A_640] {strides = array<i32>} : memref<32x640xi32, #tpu.memory_space<vmem>>, vector<16xi32>,
      %select_n3A_642 = arith.select %gt3A_636, %get3A_641, %select_n3A_626 : vector<16xi1>, vector<16xi32>
      %get3A_643 = arith.constant 27 : i32
      %get3A_644 = arith.index_cast %get3A_643 : i32 to index
      %get3A_645 = arith.index_cast %mul3A_206 : i32 to index
      %get3A_646 = tpu.vector_load %arg11[%get3A_644, %get3A_645] {strides = array<i32>} : memref<32x640xi32, #tpu.memory_space<vmem>>, vector<16xi32>,
      %select_n3A_647 = arith.select %gt3A_636, %get3A_646, %select_n3A_631 : vector<16xi1>, vector<16xi32>
      %get3A_648 = arith.constant 28 : i32
      %get3A_649 = arith.index_cast %get3A_648 : i32 to index
      %get3A_650 = arith.index_cast %mul3A_206 : i32 to index
      %get3A_651 = tpu.vector_load %arg9[%get3A_649, %get3A_650] {strides = array<i32>} : memref<32x640xi32, #tpu.memory_space<vmem>>, vector<16xi32>,
      %gt3A_652 = arith.cmpi sgt, %get3A_651, %select_n3A_637 : vector<16xi32>
      %select_n3A_653 = arith.select %gt3A_652, %get3A_651, %select_n3A_637 : vector<16xi1>, vector<16xi32>
      %get3A_654 = arith.constant 28 : i32
      %get3A_655 = arith.index_cast %get3A_654 : i32 to index
      %get3A_656 = arith.index_cast %mul3A_206 : i32 to index
      %get3A_657 = tpu.vector_load %arg10[%get3A_655, %get3A_656] {strides = array<i32>} : memref<32x640xi32, #tpu.memory_space<vmem>>, vector<16xi32>,
      %select_n3A_658 = arith.select %gt3A_652, %get3A_657, %select_n3A_642 : vector<16xi1>, vector<16xi32>
      %get3A_659 = arith.constant 28 : i32
      %get3A_660 = arith.index_cast %get3A_659 : i32 to index
      %get3A_661 = arith.index_cast %mul3A_206 : i32 to index
      %get3A_662 = tpu.vector_load %arg11[%get3A_660, %get3A_661] {strides = array<i32>} : memref<32x640xi32, #tpu.memory_space<vmem>>, vector<16xi32>,
      %select_n3A_663 = arith.select %gt3A_652, %get3A_662, %select_n3A_647 : vector<16xi1>, vector<16xi32>
      %get3A_664 = arith.constant 29 : i32
      %get3A_665 = arith.index_cast %get3A_664 : i32 to index
      %get3A_666 = arith.index_cast %mul3A_206 : i32 to index
      %get3A_667 = tpu.vector_load %arg9[%get3A_665, %get3A_666] {strides = array<i32>} : memref<32x640xi32, #tpu.memory_space<vmem>>, vector<16xi32>,
      %gt3A_668 = arith.cmpi sgt, %get3A_667, %select_n3A_653 : vector<16xi32>
      %select_n3A_669 = arith.select %gt3A_668, %get3A_667, %select_n3A_653 : vector<16xi1>, vector<16xi32>
      %get3A_670 = arith.constant 29 : i32
      %get3A_671 = arith.index_cast %get3A_670 : i32 to index
      %get3A_672 = arith.index_cast %mul3A_206 : i32 to index
      %get3A_673 = tpu.vector_load %arg10[%get3A_671, %get3A_672] {strides = array<i32>} : memref<32x640xi32, #tpu.memory_space<vmem>>, vector<16xi32>,
      %select_n3A_674 = arith.select %gt3A_668, %get3A_673, %select_n3A_658 : vector<16xi1>, vector<16xi32>
      %get3A_675 = arith.constant 29 : i32
      %get3A_676 = arith.index_cast %get3A_675 : i32 to index
      %get3A_677 = arith.index_cast %mul3A_206 : i32 to index
      %get3A_678 = tpu.vector_load %arg11[%get3A_676, %get3A_677] {strides = array<i32>} : memref<32x640xi32, #tpu.memory_space<vmem>>, vector<16xi32>,
      %select_n3A_679 = arith.select %gt3A_668, %get3A_678, %select_n3A_663 : vector<16xi1>, vector<16xi32>
      %get3A_680 = arith.constant 30 : i32
      %get3A_681 = arith.index_cast %get3A_680 : i32 to index
      %get3A_682 = arith.index_cast %mul3A_206 : i32 to index
      %get3A_683 = tpu.vector_load %arg9[%get3A_681, %get3A_682] {strides = array<i32>} : memref<32x640xi32, #tpu.memory_space<vmem>>, vector<16xi32>,
      %gt3A_684 = arith.cmpi sgt, %get3A_683, %select_n3A_669 : vector<16xi32>
      %select_n3A_685 = arith.select %gt3A_684, %get3A_683, %select_n3A_669 : vector<16xi1>, vector<16xi32>
      %get3A_686 = arith.constant 30 : i32
      %get3A_687 = arith.index_cast %get3A_686 : i32 to index
      %get3A_688 = arith.index_cast %mul3A_206 : i32 to index
      %get3A_689 = tpu.vector_load %arg10[%get3A_687, %get3A_688] {strides = array<i32>} : memref<32x640xi32, #tpu.memory_space<vmem>>, vector<16xi32>,
      %select_n3A_690 = arith.select %gt3A_684, %get3A_689, %select_n3A_674 : vector<16xi1>, vector<16xi32>
      %get3A_691 = arith.constant 30 : i32
      %get3A_692 = arith.index_cast %get3A_691 : i32 to index
      %get3A_693 = arith.index_cast %mul3A_206 : i32 to index
      %get3A_694 = tpu.vector_load %arg11[%get3A_692, %get3A_693] {strides = array<i32>} : memref<32x640xi32, #tpu.memory_space<vmem>>, vector<16xi32>,
      %select_n3A_695 = arith.select %gt3A_684, %get3A_694, %select_n3A_679 : vector<16xi1>, vector<16xi32>
      %get3A_696 = arith.constant 31 : i32
      %get3A_697 = arith.index_cast %get3A_696 : i32 to index
      %get3A_698 = arith.index_cast %mul3A_206 : i32 to index
      %get3A_699 = tpu.vector_load %arg9[%get3A_697, %get3A_698] {strides = array<i32>} : memref<32x640xi32, #tpu.memory_space<vmem>>, vector<16xi32>,
      %gt3A_700 = arith.cmpi sgt, %get3A_699, %select_n3A_685 : vector<16xi32>
      %select_n3A_701 = arith.select %gt3A_700, %get3A_699, %select_n3A_685 : vector<16xi1>, vector<16xi32>
      %get3A_702 = arith.constant 31 : i32
      %get3A_703 = arith.index_cast %get3A_702 : i32 to index
      %get3A_704 = arith.index_cast %mul3A_206 : i32 to index
      %get3A_705 = tpu.vector_load %arg10[%get3A_703, %get3A_704] {strides = array<i32>} : memref<32x640xi32, #tpu.memory_space<vmem>>, vector<16xi32>,
      %select_n3A_706 = arith.select %gt3A_700, %get3A_705, %select_n3A_690 : vector<16xi1>, vector<16xi32>
      %get3A_707 = arith.constant 31 : i32
      %get3A_708 = arith.index_cast %get3A_707 : i32 to index
      %get3A_709 = arith.index_cast %mul3A_206 : i32 to index
      %get3A_710 = tpu.vector_load %arg11[%get3A_708, %get3A_709] {strides = array<i32>} : memref<32x640xi32, #tpu.memory_space<vmem>>, vector<16xi32>,
      %select_n3A_711 = arith.select %gt3A_700, %get3A_710, %select_n3A_695 : vector<16xi1>, vector<16xi32>
      %add3A_712 = arith.constant 1280 : i32
      %add3A_713 = arith.addi %mul3A_2, %add3A_712 : i32
      %mul3A_714 = arith.constant 16 : i32
      %mul3A_715 = arith.muli %add3A_204, %mul3A_714 : i32
      %add3A_716 = arith.addi %add3A_713, %mul3A_715 : i32
      %add3A_717 = vector.broadcast %add3A_716 : i32 to vector<16xi32>
      %add3A_718 = arith.addi %add3A_717, %iota3A : vector<16xi32>
      %lt3A = arith.constant 0 : i32
      %lt3A_719 = vector.broadcast %lt3A : i32 to vector<16xi32>
      %lt3A_720 = arith.cmpi slt, %select_n3A_701, %lt3A_719 : vector<16xi32>
      %add3A_721 = arith.constant 106496 : i32
      %add3A_722 = vector.broadcast %add3A_721 : i32 to vector<16xi32>
      %add3A_723 = arith.addi %add3A_722, %add3A_718 : vector<16xi32>
      %select_n3A_724 = arith.select %lt3A_720, %add3A_723, %select_n3A_706 : vector<16xi1>, vector<16xi32>
      %mul3A_725 = arith.constant 16 : i32
      %mul3A_726 = arith.muli %add3A_204, %mul3A_725 : i32
      %add3A_727 = arith.constant 1280 : i32
      %add3A_728 = arith.addi %add3A_727, %mul3A_726 : i32
      %swap3A = arith.index_cast %add3A_728 : i32 to index
      %swap3A_729 = tpu.vector_load %arg7[%swap3A] {strides = array<i32>} : memref<3200xi32, #tpu.memory_space<vmem>>, vector<16xi32>,
      tpu.vector_store %arg7[%swap3A], %select_n3A_724 {strides = array<i32>} : memref<3200xi32, #tpu.memory_space<vmem>>, vector<16xi32>,
      %lt3A_730 = arith.constant 0 : i32
      %lt3A_731 = vector.broadcast %lt3A_730 : i32 to vector<16xi32>
      %lt3A_732 = arith.cmpi slt, %select_n3A_701, %lt3A_731 : vector<16xi32>
      %and3A = arith.constant 4095 : i32
      %and3A_733 = vector.broadcast %and3A : i32 to vector<16xi32>
      %and3A_734 = arith.andi %add3A_718, %and3A_733 : vector<16xi32>
      %add3A_735 = arith.constant 102400 : i32
      %add3A_736 = vector.broadcast %add3A_735 : i32 to vector<16xi32>
      %add3A_737 = arith.addi %add3A_736, %and3A_734 : vector<16xi32>
      %select_n3A_738 = arith.select %lt3A_732, %add3A_737, %select_n3A_711 : vector<16xi1>, vector<16xi32>
      %mul3A_739 = arith.constant 16 : i32
      %mul3A_740 = arith.muli %add3A_204, %mul3A_739 : i32
      %add3A_741 = arith.constant 1280 : i32
      %add3A_742 = arith.addi %add3A_741, %mul3A_740 : i32
      %swap3A_743 = arith.index_cast %add3A_742 : i32 to index
      %swap3A_744 = tpu.vector_load %arg8[%swap3A_743] {strides = array<i32>} : memref<3200xi32, #tpu.memory_space<vmem>>, vector<16xi32>,
      tpu.vector_store %arg8[%swap3A_743], %select_n3A_738 {strides = array<i32>} : memref<3200xi32, #tpu.memory_space<vmem>>, vector<16xi32>,
    }
    %scan3A_104 = arith.constant 40 : i32
    %add3A_105 = arith.constant 1920 : i32
    %add3A_106 = arith.addi %mul3A_2, %add3A_105 : i32
    %add3A_107 = arith.constant 1920 : i32
    %add3A_108 = arith.addi %mul3A_2, %add3A_107 : i32
    %add3A_109 = arith.constant 1920 : i32
    %add3A_110 = arith.addi %mul3A_2, %add3A_109 : i32
    %dma_start3A_111 = arith.constant 0 : i32
    %dma_start3A_112 = tpu.memref_slice %arg2[%dma_start3A_111, %add3A_106] : memref<32x102400xi32, #tpu.memory_space<hbm>> -> memref<32x640xi32, #tpu.memory_space<hbm>>
    %dma_start3A_113 = arith.constant 0 : i32
    %dma_start3A_114 = tpu.memref_slice %arg2[%dma_start3A_113, %add3A_106] : memref<32x102400xi32, #tpu.memory_space<hbm>> -> memref<32x640xi32, #tpu.memory_space<hbm>>
    tpu.enqueue_dma source(%dma_start3A_114 : memref<32x640xi32, #tpu.memory_space<hbm>>) target(%arg9 : memref<32x640xi32, #tpu.memory_space<vmem>>) target_semaphore(%arg12 : memref<!tpu.dma_semaphore, #tpu.memory_space<semaphore_mem>>)
    %dma_start3A_115 = arith.constant 0 : i32
    %dma_start3A_116 = tpu.memref_slice %arg3[%dma_start3A_115, %add3A_108] : memref<32x102400xi32, #tpu.memory_space<hbm>> -> memref<32x640xi32, #tpu.memory_space<hbm>>
    %dma_start3A_117 = arith.constant 0 : i32
    %dma_start3A_118 = tpu.memref_slice %arg3[%dma_start3A_117, %add3A_108] : memref<32x102400xi32, #tpu.memory_space<hbm>> -> memref<32x640xi32, #tpu.memory_space<hbm>>
    tpu.enqueue_dma source(%dma_start3A_118 : memref<32x640xi32, #tpu.memory_space<hbm>>) target(%arg10 : memref<32x640xi32, #tpu.memory_space<vmem>>) target_semaphore(%arg12 : memref<!tpu.dma_semaphore, #tpu.memory_space<semaphore_mem>>)
    %dma_start3A_119 = arith.constant 0 : i32
    %dma_start3A_120 = tpu.memref_slice %arg4[%dma_start3A_119, %add3A_110] : memref<32x102400xi32, #tpu.memory_space<hbm>> -> memref<32x640xi32, #tpu.memory_space<hbm>>
    %dma_start3A_121 = arith.constant 0 : i32
    %dma_start3A_122 = tpu.memref_slice %arg4[%dma_start3A_121, %add3A_110] : memref<32x102400xi32, #tpu.memory_space<hbm>> -> memref<32x640xi32, #tpu.memory_space<hbm>>
    tpu.enqueue_dma source(%dma_start3A_122 : memref<32x640xi32, #tpu.memory_space<hbm>>) target(%arg11 : memref<32x640xi32, #tpu.memory_space<vmem>>) target_semaphore(%arg12 : memref<!tpu.dma_semaphore, #tpu.memory_space<semaphore_mem>>)
    %dma_wait3A_123 = arith.constant 0 : i32
    %dma_wait3A_124 = tpu.memref_slice %arg2[%dma_wait3A_123, %add3A_106] : memref<32x102400xi32, #tpu.memory_space<hbm>> -> memref<32x640xi32, #tpu.memory_space<hbm>>
    %dma_wait3A_125 = arith.constant 0 : i32
    %dma_wait3A_126 = tpu.memref_slice %arg2[%dma_wait3A_125, %add3A_106] : memref<32x102400xi32, #tpu.memory_space<hbm>> -> memref<32x640xi32, #tpu.memory_space<hbm>>
    tpu.wait_dma2 semaphore(%arg12 : memref<!tpu.dma_semaphore, #tpu.memory_space<semaphore_mem>>) src(%dma_wait3A_126 : memref<32x640xi32, #tpu.memory_space<hbm>>) dst(%arg9 : memref<32x640xi32, #tpu.memory_space<vmem>>)
    %dma_wait3A_127 = arith.constant 0 : i32
    %dma_wait3A_128 = tpu.memref_slice %arg3[%dma_wait3A_127, %add3A_108] : memref<32x102400xi32, #tpu.memory_space<hbm>> -> memref<32x640xi32, #tpu.memory_space<hbm>>
    %dma_wait3A_129 = arith.constant 0 : i32
    %dma_wait3A_130 = tpu.memref_slice %arg3[%dma_wait3A_129, %add3A_108] : memref<32x102400xi32, #tpu.memory_space<hbm>> -> memref<32x640xi32, #tpu.memory_space<hbm>>
    tpu.wait_dma2 semaphore(%arg12 : memref<!tpu.dma_semaphore, #tpu.memory_space<semaphore_mem>>) src(%dma_wait3A_130 : memref<32x640xi32, #tpu.memory_space<hbm>>) dst(%arg10 : memref<32x640xi32, #tpu.memory_space<vmem>>)
    %dma_wait3A_131 = arith.constant 0 : i32
    %dma_wait3A_132 = tpu.memref_slice %arg4[%dma_wait3A_131, %add3A_110] : memref<32x102400xi32, #tpu.memory_space<hbm>> -> memref<32x640xi32, #tpu.memory_space<hbm>>
    %dma_wait3A_133 = arith.constant 0 : i32
    %dma_wait3A_134 = tpu.memref_slice %arg4[%dma_wait3A_133, %add3A_110] : memref<32x102400xi32, #tpu.memory_space<hbm>> -> memref<32x640xi32, #tpu.memory_space<hbm>>
    tpu.wait_dma2 semaphore(%arg12 : memref<!tpu.dma_semaphore, #tpu.memory_space<semaphore_mem>>) src(%dma_wait3A_134 : memref<32x640xi32, #tpu.memory_space<hbm>>) dst(%arg11 : memref<32x640xi32, #tpu.memory_space<vmem>>)
    %scan3A_135 = arith.constant 0 : i32
    %scan3A_136 = arith.constant 40 : i32
    %scan3A_137 = arith.addi %scan3A_135, %scan3A_136 : i32
    %scan3A_138 = arith.constant 1 : i32
    scf.for %scan3A_200 = %scan3A_135 to %scan3A_137 step %scan3A_138  : i32 {
      %mul3A_201 = arith.constant 1 : i32
      %mul3A_202 = arith.muli %scan3A_200, %mul3A_201 : i32
      %add3A_203 = arith.constant 0 : i32
      %add3A_204 = arith.addi %add3A_203, %mul3A_202 : i32
      %mul3A_205 = arith.constant 16 : i32
      %mul3A_206 = arith.muli %add3A_204, %mul3A_205 : i32
      %get3A = arith.constant 0 : i32
      %get3A_207 = arith.index_cast %get3A : i32 to index
      %get3A_208 = arith.index_cast %mul3A_206 : i32 to index
      %get3A_209 = tpu.vector_load %arg9[%get3A_207, %get3A_208] {strides = array<i32>} : memref<32x640xi32, #tpu.memory_space<vmem>>, vector<16xi32>,
      %get3A_210 = arith.constant 0 : i32
      %get3A_211 = arith.index_cast %get3A_210 : i32 to index
      %get3A_212 = arith.index_cast %mul3A_206 : i32 to index
      %get3A_213 = tpu.vector_load %arg10[%get3A_211, %get3A_212] {strides = array<i32>} : memref<32x640xi32, #tpu.memory_space<vmem>>, vector<16xi32>,
      %get3A_214 = arith.constant 0 : i32
      %get3A_215 = arith.index_cast %get3A_214 : i32 to index
      %get3A_216 = arith.index_cast %mul3A_206 : i32 to index
      %get3A_217 = tpu.vector_load %arg11[%get3A_215, %get3A_216] {strides = array<i32>} : memref<32x640xi32, #tpu.memory_space<vmem>>, vector<16xi32>,
      %get3A_218 = arith.constant 1 : i32
      %get3A_219 = arith.index_cast %get3A_218 : i32 to index
      %get3A_220 = arith.index_cast %mul3A_206 : i32 to index
      %get3A_221 = tpu.vector_load %arg9[%get3A_219, %get3A_220] {strides = array<i32>} : memref<32x640xi32, #tpu.memory_space<vmem>>, vector<16xi32>,
      %gt3A = arith.cmpi sgt, %get3A_221, %get3A_209 : vector<16xi32>
      %select_n3A = arith.select %gt3A, %get3A_221, %get3A_209 : vector<16xi1>, vector<16xi32>
      %get3A_222 = arith.constant 1 : i32
      %get3A_223 = arith.index_cast %get3A_222 : i32 to index
      %get3A_224 = arith.index_cast %mul3A_206 : i32 to index
      %get3A_225 = tpu.vector_load %arg10[%get3A_223, %get3A_224] {strides = array<i32>} : memref<32x640xi32, #tpu.memory_space<vmem>>, vector<16xi32>,
      %select_n3A_226 = arith.select %gt3A, %get3A_225, %get3A_213 : vector<16xi1>, vector<16xi32>
      %get3A_227 = arith.constant 1 : i32
      %get3A_228 = arith.index_cast %get3A_227 : i32 to index
      %get3A_229 = arith.index_cast %mul3A_206 : i32 to index
      %get3A_230 = tpu.vector_load %arg11[%get3A_228, %get3A_229] {strides = array<i32>} : memref<32x640xi32, #tpu.memory_space<vmem>>, vector<16xi32>,
      %select_n3A_231 = arith.select %gt3A, %get3A_230, %get3A_217 : vector<16xi1>, vector<16xi32>
      %get3A_232 = arith.constant 2 : i32
      %get3A_233 = arith.index_cast %get3A_232 : i32 to index
      %get3A_234 = arith.index_cast %mul3A_206 : i32 to index
      %get3A_235 = tpu.vector_load %arg9[%get3A_233, %get3A_234] {strides = array<i32>} : memref<32x640xi32, #tpu.memory_space<vmem>>, vector<16xi32>,
      %gt3A_236 = arith.cmpi sgt, %get3A_235, %select_n3A : vector<16xi32>
      %select_n3A_237 = arith.select %gt3A_236, %get3A_235, %select_n3A : vector<16xi1>, vector<16xi32>
      %get3A_238 = arith.constant 2 : i32
      %get3A_239 = arith.index_cast %get3A_238 : i32 to index
      %get3A_240 = arith.index_cast %mul3A_206 : i32 to index
      %get3A_241 = tpu.vector_load %arg10[%get3A_239, %get3A_240] {strides = array<i32>} : memref<32x640xi32, #tpu.memory_space<vmem>>, vector<16xi32>,
      %select_n3A_242 = arith.select %gt3A_236, %get3A_241, %select_n3A_226 : vector<16xi1>, vector<16xi32>
      %get3A_243 = arith.constant 2 : i32
      %get3A_244 = arith.index_cast %get3A_243 : i32 to index
      %get3A_245 = arith.index_cast %mul3A_206 : i32 to index
      %get3A_246 = tpu.vector_load %arg11[%get3A_244, %get3A_245] {strides = array<i32>} : memref<32x640xi32, #tpu.memory_space<vmem>>, vector<16xi32>,
      %select_n3A_247 = arith.select %gt3A_236, %get3A_246, %select_n3A_231 : vector<16xi1>, vector<16xi32>
      %get3A_248 = arith.constant 3 : i32
      %get3A_249 = arith.index_cast %get3A_248 : i32 to index
      %get3A_250 = arith.index_cast %mul3A_206 : i32 to index
      %get3A_251 = tpu.vector_load %arg9[%get3A_249, %get3A_250] {strides = array<i32>} : memref<32x640xi32, #tpu.memory_space<vmem>>, vector<16xi32>,
      %gt3A_252 = arith.cmpi sgt, %get3A_251, %select_n3A_237 : vector<16xi32>
      %select_n3A_253 = arith.select %gt3A_252, %get3A_251, %select_n3A_237 : vector<16xi1>, vector<16xi32>
      %get3A_254 = arith.constant 3 : i32
      %get3A_255 = arith.index_cast %get3A_254 : i32 to index
      %get3A_256 = arith.index_cast %mul3A_206 : i32 to index
      %get3A_257 = tpu.vector_load %arg10[%get3A_255, %get3A_256] {strides = array<i32>} : memref<32x640xi32, #tpu.memory_space<vmem>>, vector<16xi32>,
      %select_n3A_258 = arith.select %gt3A_252, %get3A_257, %select_n3A_242 : vector<16xi1>, vector<16xi32>
      %get3A_259 = arith.constant 3 : i32
      %get3A_260 = arith.index_cast %get3A_259 : i32 to index
      %get3A_261 = arith.index_cast %mul3A_206 : i32 to index
      %get3A_262 = tpu.vector_load %arg11[%get3A_260, %get3A_261] {strides = array<i32>} : memref<32x640xi32, #tpu.memory_space<vmem>>, vector<16xi32>,
      %select_n3A_263 = arith.select %gt3A_252, %get3A_262, %select_n3A_247 : vector<16xi1>, vector<16xi32>
      %get3A_264 = arith.constant 4 : i32
      %get3A_265 = arith.index_cast %get3A_264 : i32 to index
      %get3A_266 = arith.index_cast %mul3A_206 : i32 to index
      %get3A_267 = tpu.vector_load %arg9[%get3A_265, %get3A_266] {strides = array<i32>} : memref<32x640xi32, #tpu.memory_space<vmem>>, vector<16xi32>,
      %gt3A_268 = arith.cmpi sgt, %get3A_267, %select_n3A_253 : vector<16xi32>
      %select_n3A_269 = arith.select %gt3A_268, %get3A_267, %select_n3A_253 : vector<16xi1>, vector<16xi32>
      %get3A_270 = arith.constant 4 : i32
      %get3A_271 = arith.index_cast %get3A_270 : i32 to index
      %get3A_272 = arith.index_cast %mul3A_206 : i32 to index
      %get3A_273 = tpu.vector_load %arg10[%get3A_271, %get3A_272] {strides = array<i32>} : memref<32x640xi32, #tpu.memory_space<vmem>>, vector<16xi32>,
      %select_n3A_274 = arith.select %gt3A_268, %get3A_273, %select_n3A_258 : vector<16xi1>, vector<16xi32>
      %get3A_275 = arith.constant 4 : i32
      %get3A_276 = arith.index_cast %get3A_275 : i32 to index
      %get3A_277 = arith.index_cast %mul3A_206 : i32 to index
      %get3A_278 = tpu.vector_load %arg11[%get3A_276, %get3A_277] {strides = array<i32>} : memref<32x640xi32, #tpu.memory_space<vmem>>, vector<16xi32>,
      %select_n3A_279 = arith.select %gt3A_268, %get3A_278, %select_n3A_263 : vector<16xi1>, vector<16xi32>
      %get3A_280 = arith.constant 5 : i32
      %get3A_281 = arith.index_cast %get3A_280 : i32 to index
      %get3A_282 = arith.index_cast %mul3A_206 : i32 to index
      %get3A_283 = tpu.vector_load %arg9[%get3A_281, %get3A_282] {strides = array<i32>} : memref<32x640xi32, #tpu.memory_space<vmem>>, vector<16xi32>,
      %gt3A_284 = arith.cmpi sgt, %get3A_283, %select_n3A_269 : vector<16xi32>
      %select_n3A_285 = arith.select %gt3A_284, %get3A_283, %select_n3A_269 : vector<16xi1>, vector<16xi32>
      %get3A_286 = arith.constant 5 : i32
      %get3A_287 = arith.index_cast %get3A_286 : i32 to index
      %get3A_288 = arith.index_cast %mul3A_206 : i32 to index
      %get3A_289 = tpu.vector_load %arg10[%get3A_287, %get3A_288] {strides = array<i32>} : memref<32x640xi32, #tpu.memory_space<vmem>>, vector<16xi32>,
      %select_n3A_290 = arith.select %gt3A_284, %get3A_289, %select_n3A_274 : vector<16xi1>, vector<16xi32>
      %get3A_291 = arith.constant 5 : i32
      %get3A_292 = arith.index_cast %get3A_291 : i32 to index
      %get3A_293 = arith.index_cast %mul3A_206 : i32 to index
      %get3A_294 = tpu.vector_load %arg11[%get3A_292, %get3A_293] {strides = array<i32>} : memref<32x640xi32, #tpu.memory_space<vmem>>, vector<16xi32>,
      %select_n3A_295 = arith.select %gt3A_284, %get3A_294, %select_n3A_279 : vector<16xi1>, vector<16xi32>
      %get3A_296 = arith.constant 6 : i32
      %get3A_297 = arith.index_cast %get3A_296 : i32 to index
      %get3A_298 = arith.index_cast %mul3A_206 : i32 to index
      %get3A_299 = tpu.vector_load %arg9[%get3A_297, %get3A_298] {strides = array<i32>} : memref<32x640xi32, #tpu.memory_space<vmem>>, vector<16xi32>,
      %gt3A_300 = arith.cmpi sgt, %get3A_299, %select_n3A_285 : vector<16xi32>
      %select_n3A_301 = arith.select %gt3A_300, %get3A_299, %select_n3A_285 : vector<16xi1>, vector<16xi32>
      %get3A_302 = arith.constant 6 : i32
      %get3A_303 = arith.index_cast %get3A_302 : i32 to index
      %get3A_304 = arith.index_cast %mul3A_206 : i32 to index
      %get3A_305 = tpu.vector_load %arg10[%get3A_303, %get3A_304] {strides = array<i32>} : memref<32x640xi32, #tpu.memory_space<vmem>>, vector<16xi32>,
      %select_n3A_306 = arith.select %gt3A_300, %get3A_305, %select_n3A_290 : vector<16xi1>, vector<16xi32>
      %get3A_307 = arith.constant 6 : i32
      %get3A_308 = arith.index_cast %get3A_307 : i32 to index
      %get3A_309 = arith.index_cast %mul3A_206 : i32 to index
      %get3A_310 = tpu.vector_load %arg11[%get3A_308, %get3A_309] {strides = array<i32>} : memref<32x640xi32, #tpu.memory_space<vmem>>, vector<16xi32>,
      %select_n3A_311 = arith.select %gt3A_300, %get3A_310, %select_n3A_295 : vector<16xi1>, vector<16xi32>
      %get3A_312 = arith.constant 7 : i32
      %get3A_313 = arith.index_cast %get3A_312 : i32 to index
      %get3A_314 = arith.index_cast %mul3A_206 : i32 to index
      %get3A_315 = tpu.vector_load %arg9[%get3A_313, %get3A_314] {strides = array<i32>} : memref<32x640xi32, #tpu.memory_space<vmem>>, vector<16xi32>,
      %gt3A_316 = arith.cmpi sgt, %get3A_315, %select_n3A_301 : vector<16xi32>
      %select_n3A_317 = arith.select %gt3A_316, %get3A_315, %select_n3A_301 : vector<16xi1>, vector<16xi32>
      %get3A_318 = arith.constant 7 : i32
      %get3A_319 = arith.index_cast %get3A_318 : i32 to index
      %get3A_320 = arith.index_cast %mul3A_206 : i32 to index
      %get3A_321 = tpu.vector_load %arg10[%get3A_319, %get3A_320] {strides = array<i32>} : memref<32x640xi32, #tpu.memory_space<vmem>>, vector<16xi32>,
      %select_n3A_322 = arith.select %gt3A_316, %get3A_321, %select_n3A_306 : vector<16xi1>, vector<16xi32>
      %get3A_323 = arith.constant 7 : i32
      %get3A_324 = arith.index_cast %get3A_323 : i32 to index
      %get3A_325 = arith.index_cast %mul3A_206 : i32 to index
      %get3A_326 = tpu.vector_load %arg11[%get3A_324, %get3A_325] {strides = array<i32>} : memref<32x640xi32, #tpu.memory_space<vmem>>, vector<16xi32>,
      %select_n3A_327 = arith.select %gt3A_316, %get3A_326, %select_n3A_311 : vector<16xi1>, vector<16xi32>
      %get3A_328 = arith.constant 8 : i32
      %get3A_329 = arith.index_cast %get3A_328 : i32 to index
      %get3A_330 = arith.index_cast %mul3A_206 : i32 to index
      %get3A_331 = tpu.vector_load %arg9[%get3A_329, %get3A_330] {strides = array<i32>} : memref<32x640xi32, #tpu.memory_space<vmem>>, vector<16xi32>,
      %gt3A_332 = arith.cmpi sgt, %get3A_331, %select_n3A_317 : vector<16xi32>
      %select_n3A_333 = arith.select %gt3A_332, %get3A_331, %select_n3A_317 : vector<16xi1>, vector<16xi32>
      %get3A_334 = arith.constant 8 : i32
      %get3A_335 = arith.index_cast %get3A_334 : i32 to index
      %get3A_336 = arith.index_cast %mul3A_206 : i32 to index
      %get3A_337 = tpu.vector_load %arg10[%get3A_335, %get3A_336] {strides = array<i32>} : memref<32x640xi32, #tpu.memory_space<vmem>>, vector<16xi32>,
      %select_n3A_338 = arith.select %gt3A_332, %get3A_337, %select_n3A_322 : vector<16xi1>, vector<16xi32>
      %get3A_339 = arith.constant 8 : i32
      %get3A_340 = arith.index_cast %get3A_339 : i32 to index
      %get3A_341 = arith.index_cast %mul3A_206 : i32 to index
      %get3A_342 = tpu.vector_load %arg11[%get3A_340, %get3A_341] {strides = array<i32>} : memref<32x640xi32, #tpu.memory_space<vmem>>, vector<16xi32>,
      %select_n3A_343 = arith.select %gt3A_332, %get3A_342, %select_n3A_327 : vector<16xi1>, vector<16xi32>
      %get3A_344 = arith.constant 9 : i32
      %get3A_345 = arith.index_cast %get3A_344 : i32 to index
      %get3A_346 = arith.index_cast %mul3A_206 : i32 to index
      %get3A_347 = tpu.vector_load %arg9[%get3A_345, %get3A_346] {strides = array<i32>} : memref<32x640xi32, #tpu.memory_space<vmem>>, vector<16xi32>,
      %gt3A_348 = arith.cmpi sgt, %get3A_347, %select_n3A_333 : vector<16xi32>
      %select_n3A_349 = arith.select %gt3A_348, %get3A_347, %select_n3A_333 : vector<16xi1>, vector<16xi32>
      %get3A_350 = arith.constant 9 : i32
      %get3A_351 = arith.index_cast %get3A_350 : i32 to index
      %get3A_352 = arith.index_cast %mul3A_206 : i32 to index
      %get3A_353 = tpu.vector_load %arg10[%get3A_351, %get3A_352] {strides = array<i32>} : memref<32x640xi32, #tpu.memory_space<vmem>>, vector<16xi32>,
      %select_n3A_354 = arith.select %gt3A_348, %get3A_353, %select_n3A_338 : vector<16xi1>, vector<16xi32>
      %get3A_355 = arith.constant 9 : i32
      %get3A_356 = arith.index_cast %get3A_355 : i32 to index
      %get3A_357 = arith.index_cast %mul3A_206 : i32 to index
      %get3A_358 = tpu.vector_load %arg11[%get3A_356, %get3A_357] {strides = array<i32>} : memref<32x640xi32, #tpu.memory_space<vmem>>, vector<16xi32>,
      %select_n3A_359 = arith.select %gt3A_348, %get3A_358, %select_n3A_343 : vector<16xi1>, vector<16xi32>
      %get3A_360 = arith.constant 10 : i32
      %get3A_361 = arith.index_cast %get3A_360 : i32 to index
      %get3A_362 = arith.index_cast %mul3A_206 : i32 to index
      %get3A_363 = tpu.vector_load %arg9[%get3A_361, %get3A_362] {strides = array<i32>} : memref<32x640xi32, #tpu.memory_space<vmem>>, vector<16xi32>,
      %gt3A_364 = arith.cmpi sgt, %get3A_363, %select_n3A_349 : vector<16xi32>
      %select_n3A_365 = arith.select %gt3A_364, %get3A_363, %select_n3A_349 : vector<16xi1>, vector<16xi32>
      %get3A_366 = arith.constant 10 : i32
      %get3A_367 = arith.index_cast %get3A_366 : i32 to index
      %get3A_368 = arith.index_cast %mul3A_206 : i32 to index
      %get3A_369 = tpu.vector_load %arg10[%get3A_367, %get3A_368] {strides = array<i32>} : memref<32x640xi32, #tpu.memory_space<vmem>>, vector<16xi32>,
      %select_n3A_370 = arith.select %gt3A_364, %get3A_369, %select_n3A_354 : vector<16xi1>, vector<16xi32>
      %get3A_371 = arith.constant 10 : i32
      %get3A_372 = arith.index_cast %get3A_371 : i32 to index
      %get3A_373 = arith.index_cast %mul3A_206 : i32 to index
      %get3A_374 = tpu.vector_load %arg11[%get3A_372, %get3A_373] {strides = array<i32>} : memref<32x640xi32, #tpu.memory_space<vmem>>, vector<16xi32>,
      %select_n3A_375 = arith.select %gt3A_364, %get3A_374, %select_n3A_359 : vector<16xi1>, vector<16xi32>
      %get3A_376 = arith.constant 11 : i32
      %get3A_377 = arith.index_cast %get3A_376 : i32 to index
      %get3A_378 = arith.index_cast %mul3A_206 : i32 to index
      %get3A_379 = tpu.vector_load %arg9[%get3A_377, %get3A_378] {strides = array<i32>} : memref<32x640xi32, #tpu.memory_space<vmem>>, vector<16xi32>,
      %gt3A_380 = arith.cmpi sgt, %get3A_379, %select_n3A_365 : vector<16xi32>
      %select_n3A_381 = arith.select %gt3A_380, %get3A_379, %select_n3A_365 : vector<16xi1>, vector<16xi32>
      %get3A_382 = arith.constant 11 : i32
      %get3A_383 = arith.index_cast %get3A_382 : i32 to index
      %get3A_384 = arith.index_cast %mul3A_206 : i32 to index
      %get3A_385 = tpu.vector_load %arg10[%get3A_383, %get3A_384] {strides = array<i32>} : memref<32x640xi32, #tpu.memory_space<vmem>>, vector<16xi32>,
      %select_n3A_386 = arith.select %gt3A_380, %get3A_385, %select_n3A_370 : vector<16xi1>, vector<16xi32>
      %get3A_387 = arith.constant 11 : i32
      %get3A_388 = arith.index_cast %get3A_387 : i32 to index
      %get3A_389 = arith.index_cast %mul3A_206 : i32 to index
      %get3A_390 = tpu.vector_load %arg11[%get3A_388, %get3A_389] {strides = array<i32>} : memref<32x640xi32, #tpu.memory_space<vmem>>, vector<16xi32>,
      %select_n3A_391 = arith.select %gt3A_380, %get3A_390, %select_n3A_375 : vector<16xi1>, vector<16xi32>
      %get3A_392 = arith.constant 12 : i32
      %get3A_393 = arith.index_cast %get3A_392 : i32 to index
      %get3A_394 = arith.index_cast %mul3A_206 : i32 to index
      %get3A_395 = tpu.vector_load %arg9[%get3A_393, %get3A_394] {strides = array<i32>} : memref<32x640xi32, #tpu.memory_space<vmem>>, vector<16xi32>,
      %gt3A_396 = arith.cmpi sgt, %get3A_395, %select_n3A_381 : vector<16xi32>
      %select_n3A_397 = arith.select %gt3A_396, %get3A_395, %select_n3A_381 : vector<16xi1>, vector<16xi32>
      %get3A_398 = arith.constant 12 : i32
      %get3A_399 = arith.index_cast %get3A_398 : i32 to index
      %get3A_400 = arith.index_cast %mul3A_206 : i32 to index
      %get3A_401 = tpu.vector_load %arg10[%get3A_399, %get3A_400] {strides = array<i32>} : memref<32x640xi32, #tpu.memory_space<vmem>>, vector<16xi32>,
      %select_n3A_402 = arith.select %gt3A_396, %get3A_401, %select_n3A_386 : vector<16xi1>, vector<16xi32>
      %get3A_403 = arith.constant 12 : i32
      %get3A_404 = arith.index_cast %get3A_403 : i32 to index
      %get3A_405 = arith.index_cast %mul3A_206 : i32 to index
      %get3A_406 = tpu.vector_load %arg11[%get3A_404, %get3A_405] {strides = array<i32>} : memref<32x640xi32, #tpu.memory_space<vmem>>, vector<16xi32>,
      %select_n3A_407 = arith.select %gt3A_396, %get3A_406, %select_n3A_391 : vector<16xi1>, vector<16xi32>
      %get3A_408 = arith.constant 13 : i32
      %get3A_409 = arith.index_cast %get3A_408 : i32 to index
      %get3A_410 = arith.index_cast %mul3A_206 : i32 to index
      %get3A_411 = tpu.vector_load %arg9[%get3A_409, %get3A_410] {strides = array<i32>} : memref<32x640xi32, #tpu.memory_space<vmem>>, vector<16xi32>,
      %gt3A_412 = arith.cmpi sgt, %get3A_411, %select_n3A_397 : vector<16xi32>
      %select_n3A_413 = arith.select %gt3A_412, %get3A_411, %select_n3A_397 : vector<16xi1>, vector<16xi32>
      %get3A_414 = arith.constant 13 : i32
      %get3A_415 = arith.index_cast %get3A_414 : i32 to index
      %get3A_416 = arith.index_cast %mul3A_206 : i32 to index
      %get3A_417 = tpu.vector_load %arg10[%get3A_415, %get3A_416] {strides = array<i32>} : memref<32x640xi32, #tpu.memory_space<vmem>>, vector<16xi32>,
      %select_n3A_418 = arith.select %gt3A_412, %get3A_417, %select_n3A_402 : vector<16xi1>, vector<16xi32>
      %get3A_419 = arith.constant 13 : i32
      %get3A_420 = arith.index_cast %get3A_419 : i32 to index
      %get3A_421 = arith.index_cast %mul3A_206 : i32 to index
      %get3A_422 = tpu.vector_load %arg11[%get3A_420, %get3A_421] {strides = array<i32>} : memref<32x640xi32, #tpu.memory_space<vmem>>, vector<16xi32>,
      %select_n3A_423 = arith.select %gt3A_412, %get3A_422, %select_n3A_407 : vector<16xi1>, vector<16xi32>
      %get3A_424 = arith.constant 14 : i32
      %get3A_425 = arith.index_cast %get3A_424 : i32 to index
      %get3A_426 = arith.index_cast %mul3A_206 : i32 to index
      %get3A_427 = tpu.vector_load %arg9[%get3A_425, %get3A_426] {strides = array<i32>} : memref<32x640xi32, #tpu.memory_space<vmem>>, vector<16xi32>,
      %gt3A_428 = arith.cmpi sgt, %get3A_427, %select_n3A_413 : vector<16xi32>
      %select_n3A_429 = arith.select %gt3A_428, %get3A_427, %select_n3A_413 : vector<16xi1>, vector<16xi32>
      %get3A_430 = arith.constant 14 : i32
      %get3A_431 = arith.index_cast %get3A_430 : i32 to index
      %get3A_432 = arith.index_cast %mul3A_206 : i32 to index
      %get3A_433 = tpu.vector_load %arg10[%get3A_431, %get3A_432] {strides = array<i32>} : memref<32x640xi32, #tpu.memory_space<vmem>>, vector<16xi32>,
      %select_n3A_434 = arith.select %gt3A_428, %get3A_433, %select_n3A_418 : vector<16xi1>, vector<16xi32>
      %get3A_435 = arith.constant 14 : i32
      %get3A_436 = arith.index_cast %get3A_435 : i32 to index
      %get3A_437 = arith.index_cast %mul3A_206 : i32 to index
      %get3A_438 = tpu.vector_load %arg11[%get3A_436, %get3A_437] {strides = array<i32>} : memref<32x640xi32, #tpu.memory_space<vmem>>, vector<16xi32>,
      %select_n3A_439 = arith.select %gt3A_428, %get3A_438, %select_n3A_423 : vector<16xi1>, vector<16xi32>
      %get3A_440 = arith.constant 15 : i32
      %get3A_441 = arith.index_cast %get3A_440 : i32 to index
      %get3A_442 = arith.index_cast %mul3A_206 : i32 to index
      %get3A_443 = tpu.vector_load %arg9[%get3A_441, %get3A_442] {strides = array<i32>} : memref<32x640xi32, #tpu.memory_space<vmem>>, vector<16xi32>,
      %gt3A_444 = arith.cmpi sgt, %get3A_443, %select_n3A_429 : vector<16xi32>
      %select_n3A_445 = arith.select %gt3A_444, %get3A_443, %select_n3A_429 : vector<16xi1>, vector<16xi32>
      %get3A_446 = arith.constant 15 : i32
      %get3A_447 = arith.index_cast %get3A_446 : i32 to index
      %get3A_448 = arith.index_cast %mul3A_206 : i32 to index
      %get3A_449 = tpu.vector_load %arg10[%get3A_447, %get3A_448] {strides = array<i32>} : memref<32x640xi32, #tpu.memory_space<vmem>>, vector<16xi32>,
      %select_n3A_450 = arith.select %gt3A_444, %get3A_449, %select_n3A_434 : vector<16xi1>, vector<16xi32>
      %get3A_451 = arith.constant 15 : i32
      %get3A_452 = arith.index_cast %get3A_451 : i32 to index
      %get3A_453 = arith.index_cast %mul3A_206 : i32 to index
      %get3A_454 = tpu.vector_load %arg11[%get3A_452, %get3A_453] {strides = array<i32>} : memref<32x640xi32, #tpu.memory_space<vmem>>, vector<16xi32>,
      %select_n3A_455 = arith.select %gt3A_444, %get3A_454, %select_n3A_439 : vector<16xi1>, vector<16xi32>
      %get3A_456 = arith.constant 16 : i32
      %get3A_457 = arith.index_cast %get3A_456 : i32 to index
      %get3A_458 = arith.index_cast %mul3A_206 : i32 to index
      %get3A_459 = tpu.vector_load %arg9[%get3A_457, %get3A_458] {strides = array<i32>} : memref<32x640xi32, #tpu.memory_space<vmem>>, vector<16xi32>,
      %gt3A_460 = arith.cmpi sgt, %get3A_459, %select_n3A_445 : vector<16xi32>
      %select_n3A_461 = arith.select %gt3A_460, %get3A_459, %select_n3A_445 : vector<16xi1>, vector<16xi32>
      %get3A_462 = arith.constant 16 : i32
      %get3A_463 = arith.index_cast %get3A_462 : i32 to index
      %get3A_464 = arith.index_cast %mul3A_206 : i32 to index
      %get3A_465 = tpu.vector_load %arg10[%get3A_463, %get3A_464] {strides = array<i32>} : memref<32x640xi32, #tpu.memory_space<vmem>>, vector<16xi32>,
      %select_n3A_466 = arith.select %gt3A_460, %get3A_465, %select_n3A_450 : vector<16xi1>, vector<16xi32>
      %get3A_467 = arith.constant 16 : i32
      %get3A_468 = arith.index_cast %get3A_467 : i32 to index
      %get3A_469 = arith.index_cast %mul3A_206 : i32 to index
      %get3A_470 = tpu.vector_load %arg11[%get3A_468, %get3A_469] {strides = array<i32>} : memref<32x640xi32, #tpu.memory_space<vmem>>, vector<16xi32>,
      %select_n3A_471 = arith.select %gt3A_460, %get3A_470, %select_n3A_455 : vector<16xi1>, vector<16xi32>
      %get3A_472 = arith.constant 17 : i32
      %get3A_473 = arith.index_cast %get3A_472 : i32 to index
      %get3A_474 = arith.index_cast %mul3A_206 : i32 to index
      %get3A_475 = tpu.vector_load %arg9[%get3A_473, %get3A_474] {strides = array<i32>} : memref<32x640xi32, #tpu.memory_space<vmem>>, vector<16xi32>,
      %gt3A_476 = arith.cmpi sgt, %get3A_475, %select_n3A_461 : vector<16xi32>
      %select_n3A_477 = arith.select %gt3A_476, %get3A_475, %select_n3A_461 : vector<16xi1>, vector<16xi32>
      %get3A_478 = arith.constant 17 : i32
      %get3A_479 = arith.index_cast %get3A_478 : i32 to index
      %get3A_480 = arith.index_cast %mul3A_206 : i32 to index
      %get3A_481 = tpu.vector_load %arg10[%get3A_479, %get3A_480] {strides = array<i32>} : memref<32x640xi32, #tpu.memory_space<vmem>>, vector<16xi32>,
      %select_n3A_482 = arith.select %gt3A_476, %get3A_481, %select_n3A_466 : vector<16xi1>, vector<16xi32>
      %get3A_483 = arith.constant 17 : i32
      %get3A_484 = arith.index_cast %get3A_483 : i32 to index
      %get3A_485 = arith.index_cast %mul3A_206 : i32 to index
      %get3A_486 = tpu.vector_load %arg11[%get3A_484, %get3A_485] {strides = array<i32>} : memref<32x640xi32, #tpu.memory_space<vmem>>, vector<16xi32>,
      %select_n3A_487 = arith.select %gt3A_476, %get3A_486, %select_n3A_471 : vector<16xi1>, vector<16xi32>
      %get3A_488 = arith.constant 18 : i32
      %get3A_489 = arith.index_cast %get3A_488 : i32 to index
      %get3A_490 = arith.index_cast %mul3A_206 : i32 to index
      %get3A_491 = tpu.vector_load %arg9[%get3A_489, %get3A_490] {strides = array<i32>} : memref<32x640xi32, #tpu.memory_space<vmem>>, vector<16xi32>,
      %gt3A_492 = arith.cmpi sgt, %get3A_491, %select_n3A_477 : vector<16xi32>
      %select_n3A_493 = arith.select %gt3A_492, %get3A_491, %select_n3A_477 : vector<16xi1>, vector<16xi32>
      %get3A_494 = arith.constant 18 : i32
      %get3A_495 = arith.index_cast %get3A_494 : i32 to index
      %get3A_496 = arith.index_cast %mul3A_206 : i32 to index
      %get3A_497 = tpu.vector_load %arg10[%get3A_495, %get3A_496] {strides = array<i32>} : memref<32x640xi32, #tpu.memory_space<vmem>>, vector<16xi32>,
      %select_n3A_498 = arith.select %gt3A_492, %get3A_497, %select_n3A_482 : vector<16xi1>, vector<16xi32>
      %get3A_499 = arith.constant 18 : i32
      %get3A_500 = arith.index_cast %get3A_499 : i32 to index
      %get3A_501 = arith.index_cast %mul3A_206 : i32 to index
      %get3A_502 = tpu.vector_load %arg11[%get3A_500, %get3A_501] {strides = array<i32>} : memref<32x640xi32, #tpu.memory_space<vmem>>, vector<16xi32>,
      %select_n3A_503 = arith.select %gt3A_492, %get3A_502, %select_n3A_487 : vector<16xi1>, vector<16xi32>
      %get3A_504 = arith.constant 19 : i32
      %get3A_505 = arith.index_cast %get3A_504 : i32 to index
      %get3A_506 = arith.index_cast %mul3A_206 : i32 to index
      %get3A_507 = tpu.vector_load %arg9[%get3A_505, %get3A_506] {strides = array<i32>} : memref<32x640xi32, #tpu.memory_space<vmem>>, vector<16xi32>,
      %gt3A_508 = arith.cmpi sgt, %get3A_507, %select_n3A_493 : vector<16xi32>
      %select_n3A_509 = arith.select %gt3A_508, %get3A_507, %select_n3A_493 : vector<16xi1>, vector<16xi32>
      %get3A_510 = arith.constant 19 : i32
      %get3A_511 = arith.index_cast %get3A_510 : i32 to index
      %get3A_512 = arith.index_cast %mul3A_206 : i32 to index
      %get3A_513 = tpu.vector_load %arg10[%get3A_511, %get3A_512] {strides = array<i32>} : memref<32x640xi32, #tpu.memory_space<vmem>>, vector<16xi32>,
      %select_n3A_514 = arith.select %gt3A_508, %get3A_513, %select_n3A_498 : vector<16xi1>, vector<16xi32>
      %get3A_515 = arith.constant 19 : i32
      %get3A_516 = arith.index_cast %get3A_515 : i32 to index
      %get3A_517 = arith.index_cast %mul3A_206 : i32 to index
      %get3A_518 = tpu.vector_load %arg11[%get3A_516, %get3A_517] {strides = array<i32>} : memref<32x640xi32, #tpu.memory_space<vmem>>, vector<16xi32>,
      %select_n3A_519 = arith.select %gt3A_508, %get3A_518, %select_n3A_503 : vector<16xi1>, vector<16xi32>
      %get3A_520 = arith.constant 20 : i32
      %get3A_521 = arith.index_cast %get3A_520 : i32 to index
      %get3A_522 = arith.index_cast %mul3A_206 : i32 to index
      %get3A_523 = tpu.vector_load %arg9[%get3A_521, %get3A_522] {strides = array<i32>} : memref<32x640xi32, #tpu.memory_space<vmem>>, vector<16xi32>,
      %gt3A_524 = arith.cmpi sgt, %get3A_523, %select_n3A_509 : vector<16xi32>
      %select_n3A_525 = arith.select %gt3A_524, %get3A_523, %select_n3A_509 : vector<16xi1>, vector<16xi32>
      %get3A_526 = arith.constant 20 : i32
      %get3A_527 = arith.index_cast %get3A_526 : i32 to index
      %get3A_528 = arith.index_cast %mul3A_206 : i32 to index
      %get3A_529 = tpu.vector_load %arg10[%get3A_527, %get3A_528] {strides = array<i32>} : memref<32x640xi32, #tpu.memory_space<vmem>>, vector<16xi32>,
      %select_n3A_530 = arith.select %gt3A_524, %get3A_529, %select_n3A_514 : vector<16xi1>, vector<16xi32>
      %get3A_531 = arith.constant 20 : i32
      %get3A_532 = arith.index_cast %get3A_531 : i32 to index
      %get3A_533 = arith.index_cast %mul3A_206 : i32 to index
      %get3A_534 = tpu.vector_load %arg11[%get3A_532, %get3A_533] {strides = array<i32>} : memref<32x640xi32, #tpu.memory_space<vmem>>, vector<16xi32>,
      %select_n3A_535 = arith.select %gt3A_524, %get3A_534, %select_n3A_519 : vector<16xi1>, vector<16xi32>
      %get3A_536 = arith.constant 21 : i32
      %get3A_537 = arith.index_cast %get3A_536 : i32 to index
      %get3A_538 = arith.index_cast %mul3A_206 : i32 to index
      %get3A_539 = tpu.vector_load %arg9[%get3A_537, %get3A_538] {strides = array<i32>} : memref<32x640xi32, #tpu.memory_space<vmem>>, vector<16xi32>,
      %gt3A_540 = arith.cmpi sgt, %get3A_539, %select_n3A_525 : vector<16xi32>
      %select_n3A_541 = arith.select %gt3A_540, %get3A_539, %select_n3A_525 : vector<16xi1>, vector<16xi32>
      %get3A_542 = arith.constant 21 : i32
      %get3A_543 = arith.index_cast %get3A_542 : i32 to index
      %get3A_544 = arith.index_cast %mul3A_206 : i32 to index
      %get3A_545 = tpu.vector_load %arg10[%get3A_543, %get3A_544] {strides = array<i32>} : memref<32x640xi32, #tpu.memory_space<vmem>>, vector<16xi32>,
      %select_n3A_546 = arith.select %gt3A_540, %get3A_545, %select_n3A_530 : vector<16xi1>, vector<16xi32>
      %get3A_547 = arith.constant 21 : i32
      %get3A_548 = arith.index_cast %get3A_547 : i32 to index
      %get3A_549 = arith.index_cast %mul3A_206 : i32 to index
      %get3A_550 = tpu.vector_load %arg11[%get3A_548, %get3A_549] {strides = array<i32>} : memref<32x640xi32, #tpu.memory_space<vmem>>, vector<16xi32>,
      %select_n3A_551 = arith.select %gt3A_540, %get3A_550, %select_n3A_535 : vector<16xi1>, vector<16xi32>
      %get3A_552 = arith.constant 22 : i32
      %get3A_553 = arith.index_cast %get3A_552 : i32 to index
      %get3A_554 = arith.index_cast %mul3A_206 : i32 to index
      %get3A_555 = tpu.vector_load %arg9[%get3A_553, %get3A_554] {strides = array<i32>} : memref<32x640xi32, #tpu.memory_space<vmem>>, vector<16xi32>,
      %gt3A_556 = arith.cmpi sgt, %get3A_555, %select_n3A_541 : vector<16xi32>
      %select_n3A_557 = arith.select %gt3A_556, %get3A_555, %select_n3A_541 : vector<16xi1>, vector<16xi32>
      %get3A_558 = arith.constant 22 : i32
      %get3A_559 = arith.index_cast %get3A_558 : i32 to index
      %get3A_560 = arith.index_cast %mul3A_206 : i32 to index
      %get3A_561 = tpu.vector_load %arg10[%get3A_559, %get3A_560] {strides = array<i32>} : memref<32x640xi32, #tpu.memory_space<vmem>>, vector<16xi32>,
      %select_n3A_562 = arith.select %gt3A_556, %get3A_561, %select_n3A_546 : vector<16xi1>, vector<16xi32>
      %get3A_563 = arith.constant 22 : i32
      %get3A_564 = arith.index_cast %get3A_563 : i32 to index
      %get3A_565 = arith.index_cast %mul3A_206 : i32 to index
      %get3A_566 = tpu.vector_load %arg11[%get3A_564, %get3A_565] {strides = array<i32>} : memref<32x640xi32, #tpu.memory_space<vmem>>, vector<16xi32>,
      %select_n3A_567 = arith.select %gt3A_556, %get3A_566, %select_n3A_551 : vector<16xi1>, vector<16xi32>
      %get3A_568 = arith.constant 23 : i32
      %get3A_569 = arith.index_cast %get3A_568 : i32 to index
      %get3A_570 = arith.index_cast %mul3A_206 : i32 to index
      %get3A_571 = tpu.vector_load %arg9[%get3A_569, %get3A_570] {strides = array<i32>} : memref<32x640xi32, #tpu.memory_space<vmem>>, vector<16xi32>,
      %gt3A_572 = arith.cmpi sgt, %get3A_571, %select_n3A_557 : vector<16xi32>
      %select_n3A_573 = arith.select %gt3A_572, %get3A_571, %select_n3A_557 : vector<16xi1>, vector<16xi32>
      %get3A_574 = arith.constant 23 : i32
      %get3A_575 = arith.index_cast %get3A_574 : i32 to index
      %get3A_576 = arith.index_cast %mul3A_206 : i32 to index
      %get3A_577 = tpu.vector_load %arg10[%get3A_575, %get3A_576] {strides = array<i32>} : memref<32x640xi32, #tpu.memory_space<vmem>>, vector<16xi32>,
      %select_n3A_578 = arith.select %gt3A_572, %get3A_577, %select_n3A_562 : vector<16xi1>, vector<16xi32>
      %get3A_579 = arith.constant 23 : i32
      %get3A_580 = arith.index_cast %get3A_579 : i32 to index
      %get3A_581 = arith.index_cast %mul3A_206 : i32 to index
      %get3A_582 = tpu.vector_load %arg11[%get3A_580, %get3A_581] {strides = array<i32>} : memref<32x640xi32, #tpu.memory_space<vmem>>, vector<16xi32>,
      %select_n3A_583 = arith.select %gt3A_572, %get3A_582, %select_n3A_567 : vector<16xi1>, vector<16xi32>
      %get3A_584 = arith.constant 24 : i32
      %get3A_585 = arith.index_cast %get3A_584 : i32 to index
      %get3A_586 = arith.index_cast %mul3A_206 : i32 to index
      %get3A_587 = tpu.vector_load %arg9[%get3A_585, %get3A_586] {strides = array<i32>} : memref<32x640xi32, #tpu.memory_space<vmem>>, vector<16xi32>,
      %gt3A_588 = arith.cmpi sgt, %get3A_587, %select_n3A_573 : vector<16xi32>
      %select_n3A_589 = arith.select %gt3A_588, %get3A_587, %select_n3A_573 : vector<16xi1>, vector<16xi32>
      %get3A_590 = arith.constant 24 : i32
      %get3A_591 = arith.index_cast %get3A_590 : i32 to index
      %get3A_592 = arith.index_cast %mul3A_206 : i32 to index
      %get3A_593 = tpu.vector_load %arg10[%get3A_591, %get3A_592] {strides = array<i32>} : memref<32x640xi32, #tpu.memory_space<vmem>>, vector<16xi32>,
      %select_n3A_594 = arith.select %gt3A_588, %get3A_593, %select_n3A_578 : vector<16xi1>, vector<16xi32>
      %get3A_595 = arith.constant 24 : i32
      %get3A_596 = arith.index_cast %get3A_595 : i32 to index
      %get3A_597 = arith.index_cast %mul3A_206 : i32 to index
      %get3A_598 = tpu.vector_load %arg11[%get3A_596, %get3A_597] {strides = array<i32>} : memref<32x640xi32, #tpu.memory_space<vmem>>, vector<16xi32>,
      %select_n3A_599 = arith.select %gt3A_588, %get3A_598, %select_n3A_583 : vector<16xi1>, vector<16xi32>
      %get3A_600 = arith.constant 25 : i32
      %get3A_601 = arith.index_cast %get3A_600 : i32 to index
      %get3A_602 = arith.index_cast %mul3A_206 : i32 to index
      %get3A_603 = tpu.vector_load %arg9[%get3A_601, %get3A_602] {strides = array<i32>} : memref<32x640xi32, #tpu.memory_space<vmem>>, vector<16xi32>,
      %gt3A_604 = arith.cmpi sgt, %get3A_603, %select_n3A_589 : vector<16xi32>
      %select_n3A_605 = arith.select %gt3A_604, %get3A_603, %select_n3A_589 : vector<16xi1>, vector<16xi32>
      %get3A_606 = arith.constant 25 : i32
      %get3A_607 = arith.index_cast %get3A_606 : i32 to index
      %get3A_608 = arith.index_cast %mul3A_206 : i32 to index
      %get3A_609 = tpu.vector_load %arg10[%get3A_607, %get3A_608] {strides = array<i32>} : memref<32x640xi32, #tpu.memory_space<vmem>>, vector<16xi32>,
      %select_n3A_610 = arith.select %gt3A_604, %get3A_609, %select_n3A_594 : vector<16xi1>, vector<16xi32>
      %get3A_611 = arith.constant 25 : i32
      %get3A_612 = arith.index_cast %get3A_611 : i32 to index
      %get3A_613 = arith.index_cast %mul3A_206 : i32 to index
      %get3A_614 = tpu.vector_load %arg11[%get3A_612, %get3A_613] {strides = array<i32>} : memref<32x640xi32, #tpu.memory_space<vmem>>, vector<16xi32>,
      %select_n3A_615 = arith.select %gt3A_604, %get3A_614, %select_n3A_599 : vector<16xi1>, vector<16xi32>
      %get3A_616 = arith.constant 26 : i32
      %get3A_617 = arith.index_cast %get3A_616 : i32 to index
      %get3A_618 = arith.index_cast %mul3A_206 : i32 to index
      %get3A_619 = tpu.vector_load %arg9[%get3A_617, %get3A_618] {strides = array<i32>} : memref<32x640xi32, #tpu.memory_space<vmem>>, vector<16xi32>,
      %gt3A_620 = arith.cmpi sgt, %get3A_619, %select_n3A_605 : vector<16xi32>
      %select_n3A_621 = arith.select %gt3A_620, %get3A_619, %select_n3A_605 : vector<16xi1>, vector<16xi32>
      %get3A_622 = arith.constant 26 : i32
      %get3A_623 = arith.index_cast %get3A_622 : i32 to index
      %get3A_624 = arith.index_cast %mul3A_206 : i32 to index
      %get3A_625 = tpu.vector_load %arg10[%get3A_623, %get3A_624] {strides = array<i32>} : memref<32x640xi32, #tpu.memory_space<vmem>>, vector<16xi32>,
      %select_n3A_626 = arith.select %gt3A_620, %get3A_625, %select_n3A_610 : vector<16xi1>, vector<16xi32>
      %get3A_627 = arith.constant 26 : i32
      %get3A_628 = arith.index_cast %get3A_627 : i32 to index
      %get3A_629 = arith.index_cast %mul3A_206 : i32 to index
      %get3A_630 = tpu.vector_load %arg11[%get3A_628, %get3A_629] {strides = array<i32>} : memref<32x640xi32, #tpu.memory_space<vmem>>, vector<16xi32>,
      %select_n3A_631 = arith.select %gt3A_620, %get3A_630, %select_n3A_615 : vector<16xi1>, vector<16xi32>
      %get3A_632 = arith.constant 27 : i32
      %get3A_633 = arith.index_cast %get3A_632 : i32 to index
      %get3A_634 = arith.index_cast %mul3A_206 : i32 to index
      %get3A_635 = tpu.vector_load %arg9[%get3A_633, %get3A_634] {strides = array<i32>} : memref<32x640xi32, #tpu.memory_space<vmem>>, vector<16xi32>,
      %gt3A_636 = arith.cmpi sgt, %get3A_635, %select_n3A_621 : vector<16xi32>
      %select_n3A_637 = arith.select %gt3A_636, %get3A_635, %select_n3A_621 : vector<16xi1>, vector<16xi32>
      %get3A_638 = arith.constant 27 : i32
      %get3A_639 = arith.index_cast %get3A_638 : i32 to index
      %get3A_640 = arith.index_cast %mul3A_206 : i32 to index
      %get3A_641 = tpu.vector_load %arg10[%get3A_639, %get3A_640] {strides = array<i32>} : memref<32x640xi32, #tpu.memory_space<vmem>>, vector<16xi32>,
      %select_n3A_642 = arith.select %gt3A_636, %get3A_641, %select_n3A_626 : vector<16xi1>, vector<16xi32>
      %get3A_643 = arith.constant 27 : i32
      %get3A_644 = arith.index_cast %get3A_643 : i32 to index
      %get3A_645 = arith.index_cast %mul3A_206 : i32 to index
      %get3A_646 = tpu.vector_load %arg11[%get3A_644, %get3A_645] {strides = array<i32>} : memref<32x640xi32, #tpu.memory_space<vmem>>, vector<16xi32>,
      %select_n3A_647 = arith.select %gt3A_636, %get3A_646, %select_n3A_631 : vector<16xi1>, vector<16xi32>
      %get3A_648 = arith.constant 28 : i32
      %get3A_649 = arith.index_cast %get3A_648 : i32 to index
      %get3A_650 = arith.index_cast %mul3A_206 : i32 to index
      %get3A_651 = tpu.vector_load %arg9[%get3A_649, %get3A_650] {strides = array<i32>} : memref<32x640xi32, #tpu.memory_space<vmem>>, vector<16xi32>,
      %gt3A_652 = arith.cmpi sgt, %get3A_651, %select_n3A_637 : vector<16xi32>
      %select_n3A_653 = arith.select %gt3A_652, %get3A_651, %select_n3A_637 : vector<16xi1>, vector<16xi32>
      %get3A_654 = arith.constant 28 : i32
      %get3A_655 = arith.index_cast %get3A_654 : i32 to index
      %get3A_656 = arith.index_cast %mul3A_206 : i32 to index
      %get3A_657 = tpu.vector_load %arg10[%get3A_655, %get3A_656] {strides = array<i32>} : memref<32x640xi32, #tpu.memory_space<vmem>>, vector<16xi32>,
      %select_n3A_658 = arith.select %gt3A_652, %get3A_657, %select_n3A_642 : vector<16xi1>, vector<16xi32>
      %get3A_659 = arith.constant 28 : i32
      %get3A_660 = arith.index_cast %get3A_659 : i32 to index
      %get3A_661 = arith.index_cast %mul3A_206 : i32 to index
      %get3A_662 = tpu.vector_load %arg11[%get3A_660, %get3A_661] {strides = array<i32>} : memref<32x640xi32, #tpu.memory_space<vmem>>, vector<16xi32>,
      %select_n3A_663 = arith.select %gt3A_652, %get3A_662, %select_n3A_647 : vector<16xi1>, vector<16xi32>
      %get3A_664 = arith.constant 29 : i32
      %get3A_665 = arith.index_cast %get3A_664 : i32 to index
      %get3A_666 = arith.index_cast %mul3A_206 : i32 to index
      %get3A_667 = tpu.vector_load %arg9[%get3A_665, %get3A_666] {strides = array<i32>} : memref<32x640xi32, #tpu.memory_space<vmem>>, vector<16xi32>,
      %gt3A_668 = arith.cmpi sgt, %get3A_667, %select_n3A_653 : vector<16xi32>
      %select_n3A_669 = arith.select %gt3A_668, %get3A_667, %select_n3A_653 : vector<16xi1>, vector<16xi32>
      %get3A_670 = arith.constant 29 : i32
      %get3A_671 = arith.index_cast %get3A_670 : i32 to index
      %get3A_672 = arith.index_cast %mul3A_206 : i32 to index
      %get3A_673 = tpu.vector_load %arg10[%get3A_671, %get3A_672] {strides = array<i32>} : memref<32x640xi32, #tpu.memory_space<vmem>>, vector<16xi32>,
      %select_n3A_674 = arith.select %gt3A_668, %get3A_673, %select_n3A_658 : vector<16xi1>, vector<16xi32>
      %get3A_675 = arith.constant 29 : i32
      %get3A_676 = arith.index_cast %get3A_675 : i32 to index
      %get3A_677 = arith.index_cast %mul3A_206 : i32 to index
      %get3A_678 = tpu.vector_load %arg11[%get3A_676, %get3A_677] {strides = array<i32>} : memref<32x640xi32, #tpu.memory_space<vmem>>, vector<16xi32>,
      %select_n3A_679 = arith.select %gt3A_668, %get3A_678, %select_n3A_663 : vector<16xi1>, vector<16xi32>
      %get3A_680 = arith.constant 30 : i32
      %get3A_681 = arith.index_cast %get3A_680 : i32 to index
      %get3A_682 = arith.index_cast %mul3A_206 : i32 to index
      %get3A_683 = tpu.vector_load %arg9[%get3A_681, %get3A_682] {strides = array<i32>} : memref<32x640xi32, #tpu.memory_space<vmem>>, vector<16xi32>,
      %gt3A_684 = arith.cmpi sgt, %get3A_683, %select_n3A_669 : vector<16xi32>
      %select_n3A_685 = arith.select %gt3A_684, %get3A_683, %select_n3A_669 : vector<16xi1>, vector<16xi32>
      %get3A_686 = arith.constant 30 : i32
      %get3A_687 = arith.index_cast %get3A_686 : i32 to index
      %get3A_688 = arith.index_cast %mul3A_206 : i32 to index
      %get3A_689 = tpu.vector_load %arg10[%get3A_687, %get3A_688] {strides = array<i32>} : memref<32x640xi32, #tpu.memory_space<vmem>>, vector<16xi32>,
      %select_n3A_690 = arith.select %gt3A_684, %get3A_689, %select_n3A_674 : vector<16xi1>, vector<16xi32>
      %get3A_691 = arith.constant 30 : i32
      %get3A_692 = arith.index_cast %get3A_691 : i32 to index
      %get3A_693 = arith.index_cast %mul3A_206 : i32 to index
      %get3A_694 = tpu.vector_load %arg11[%get3A_692, %get3A_693] {strides = array<i32>} : memref<32x640xi32, #tpu.memory_space<vmem>>, vector<16xi32>,
      %select_n3A_695 = arith.select %gt3A_684, %get3A_694, %select_n3A_679 : vector<16xi1>, vector<16xi32>
      %get3A_696 = arith.constant 31 : i32
      %get3A_697 = arith.index_cast %get3A_696 : i32 to index
      %get3A_698 = arith.index_cast %mul3A_206 : i32 to index
      %get3A_699 = tpu.vector_load %arg9[%get3A_697, %get3A_698] {strides = array<i32>} : memref<32x640xi32, #tpu.memory_space<vmem>>, vector<16xi32>,
      %gt3A_700 = arith.cmpi sgt, %get3A_699, %select_n3A_685 : vector<16xi32>
      %select_n3A_701 = arith.select %gt3A_700, %get3A_699, %select_n3A_685 : vector<16xi1>, vector<16xi32>
      %get3A_702 = arith.constant 31 : i32
      %get3A_703 = arith.index_cast %get3A_702 : i32 to index
      %get3A_704 = arith.index_cast %mul3A_206 : i32 to index
      %get3A_705 = tpu.vector_load %arg10[%get3A_703, %get3A_704] {strides = array<i32>} : memref<32x640xi32, #tpu.memory_space<vmem>>, vector<16xi32>,
      %select_n3A_706 = arith.select %gt3A_700, %get3A_705, %select_n3A_690 : vector<16xi1>, vector<16xi32>
      %get3A_707 = arith.constant 31 : i32
      %get3A_708 = arith.index_cast %get3A_707 : i32 to index
      %get3A_709 = arith.index_cast %mul3A_206 : i32 to index
      %get3A_710 = tpu.vector_load %arg11[%get3A_708, %get3A_709] {strides = array<i32>} : memref<32x640xi32, #tpu.memory_space<vmem>>, vector<16xi32>,
      %select_n3A_711 = arith.select %gt3A_700, %get3A_710, %select_n3A_695 : vector<16xi1>, vector<16xi32>
      %add3A_712 = arith.constant 1920 : i32
      %add3A_713 = arith.addi %mul3A_2, %add3A_712 : i32
      %mul3A_714 = arith.constant 16 : i32
      %mul3A_715 = arith.muli %add3A_204, %mul3A_714 : i32
      %add3A_716 = arith.addi %add3A_713, %mul3A_715 : i32
      %add3A_717 = vector.broadcast %add3A_716 : i32 to vector<16xi32>
      %add3A_718 = arith.addi %add3A_717, %iota3A : vector<16xi32>
      %lt3A = arith.constant 0 : i32
      %lt3A_719 = vector.broadcast %lt3A : i32 to vector<16xi32>
      %lt3A_720 = arith.cmpi slt, %select_n3A_701, %lt3A_719 : vector<16xi32>
      %add3A_721 = arith.constant 106496 : i32
      %add3A_722 = vector.broadcast %add3A_721 : i32 to vector<16xi32>
      %add3A_723 = arith.addi %add3A_722, %add3A_718 : vector<16xi32>
      %select_n3A_724 = arith.select %lt3A_720, %add3A_723, %select_n3A_706 : vector<16xi1>, vector<16xi32>
      %mul3A_725 = arith.constant 16 : i32
      %mul3A_726 = arith.muli %add3A_204, %mul3A_725 : i32
      %add3A_727 = arith.constant 1920 : i32
      %add3A_728 = arith.addi %add3A_727, %mul3A_726 : i32
      %swap3A = arith.index_cast %add3A_728 : i32 to index
      %swap3A_729 = tpu.vector_load %arg7[%swap3A] {strides = array<i32>} : memref<3200xi32, #tpu.memory_space<vmem>>, vector<16xi32>,
      tpu.vector_store %arg7[%swap3A], %select_n3A_724 {strides = array<i32>} : memref<3200xi32, #tpu.memory_space<vmem>>, vector<16xi32>,
      %lt3A_730 = arith.constant 0 : i32
      %lt3A_731 = vector.broadcast %lt3A_730 : i32 to vector<16xi32>
      %lt3A_732 = arith.cmpi slt, %select_n3A_701, %lt3A_731 : vector<16xi32>
      %and3A = arith.constant 4095 : i32
      %and3A_733 = vector.broadcast %and3A : i32 to vector<16xi32>
      %and3A_734 = arith.andi %add3A_718, %and3A_733 : vector<16xi32>
      %add3A_735 = arith.constant 102400 : i32
      %add3A_736 = vector.broadcast %add3A_735 : i32 to vector<16xi32>
      %add3A_737 = arith.addi %add3A_736, %and3A_734 : vector<16xi32>
      %select_n3A_738 = arith.select %lt3A_732, %add3A_737, %select_n3A_711 : vector<16xi1>, vector<16xi32>
      %mul3A_739 = arith.constant 16 : i32
      %mul3A_740 = arith.muli %add3A_204, %mul3A_739 : i32
      %add3A_741 = arith.constant 1920 : i32
      %add3A_742 = arith.addi %add3A_741, %mul3A_740 : i32
      %swap3A_743 = arith.index_cast %add3A_742 : i32 to index
      %swap3A_744 = tpu.vector_load %arg8[%swap3A_743] {strides = array<i32>} : memref<3200xi32, #tpu.memory_space<vmem>>, vector<16xi32>,
      tpu.vector_store %arg8[%swap3A_743], %select_n3A_738 {strides = array<i32>} : memref<3200xi32, #tpu.memory_space<vmem>>, vector<16xi32>,
    }
    %scan3A_139 = arith.constant 40 : i32
    %add3A_140 = arith.constant 2560 : i32
    %add3A_141 = arith.addi %mul3A_2, %add3A_140 : i32
    %add3A_142 = arith.constant 2560 : i32
    %add3A_143 = arith.addi %mul3A_2, %add3A_142 : i32
    %add3A_144 = arith.constant 2560 : i32
    %add3A_145 = arith.addi %mul3A_2, %add3A_144 : i32
    %dma_start3A_146 = arith.constant 0 : i32
    %dma_start3A_147 = tpu.memref_slice %arg2[%dma_start3A_146, %add3A_141] : memref<32x102400xi32, #tpu.memory_space<hbm>> -> memref<32x640xi32, #tpu.memory_space<hbm>>
    %dma_start3A_148 = arith.constant 0 : i32
    %dma_start3A_149 = tpu.memref_slice %arg2[%dma_start3A_148, %add3A_141] : memref<32x102400xi32, #tpu.memory_space<hbm>> -> memref<32x640xi32, #tpu.memory_space<hbm>>
    tpu.enqueue_dma source(%dma_start3A_149 : memref<32x640xi32, #tpu.memory_space<hbm>>) target(%arg9 : memref<32x640xi32, #tpu.memory_space<vmem>>) target_semaphore(%arg12 : memref<!tpu.dma_semaphore, #tpu.memory_space<semaphore_mem>>)
    %dma_start3A_150 = arith.constant 0 : i32
    %dma_start3A_151 = tpu.memref_slice %arg3[%dma_start3A_150, %add3A_143] : memref<32x102400xi32, #tpu.memory_space<hbm>> -> memref<32x640xi32, #tpu.memory_space<hbm>>
    %dma_start3A_152 = arith.constant 0 : i32
    %dma_start3A_153 = tpu.memref_slice %arg3[%dma_start3A_152, %add3A_143] : memref<32x102400xi32, #tpu.memory_space<hbm>> -> memref<32x640xi32, #tpu.memory_space<hbm>>
    tpu.enqueue_dma source(%dma_start3A_153 : memref<32x640xi32, #tpu.memory_space<hbm>>) target(%arg10 : memref<32x640xi32, #tpu.memory_space<vmem>>) target_semaphore(%arg12 : memref<!tpu.dma_semaphore, #tpu.memory_space<semaphore_mem>>)
    %dma_start3A_154 = arith.constant 0 : i32
    %dma_start3A_155 = tpu.memref_slice %arg4[%dma_start3A_154, %add3A_145] : memref<32x102400xi32, #tpu.memory_space<hbm>> -> memref<32x640xi32, #tpu.memory_space<hbm>>
    %dma_start3A_156 = arith.constant 0 : i32
    %dma_start3A_157 = tpu.memref_slice %arg4[%dma_start3A_156, %add3A_145] : memref<32x102400xi32, #tpu.memory_space<hbm>> -> memref<32x640xi32, #tpu.memory_space<hbm>>
    tpu.enqueue_dma source(%dma_start3A_157 : memref<32x640xi32, #tpu.memory_space<hbm>>) target(%arg11 : memref<32x640xi32, #tpu.memory_space<vmem>>) target_semaphore(%arg12 : memref<!tpu.dma_semaphore, #tpu.memory_space<semaphore_mem>>)
    %dma_wait3A_158 = arith.constant 0 : i32
    %dma_wait3A_159 = tpu.memref_slice %arg2[%dma_wait3A_158, %add3A_141] : memref<32x102400xi32, #tpu.memory_space<hbm>> -> memref<32x640xi32, #tpu.memory_space<hbm>>
    %dma_wait3A_160 = arith.constant 0 : i32
    %dma_wait3A_161 = tpu.memref_slice %arg2[%dma_wait3A_160, %add3A_141] : memref<32x102400xi32, #tpu.memory_space<hbm>> -> memref<32x640xi32, #tpu.memory_space<hbm>>
    tpu.wait_dma2 semaphore(%arg12 : memref<!tpu.dma_semaphore, #tpu.memory_space<semaphore_mem>>) src(%dma_wait3A_161 : memref<32x640xi32, #tpu.memory_space<hbm>>) dst(%arg9 : memref<32x640xi32, #tpu.memory_space<vmem>>)
    %dma_wait3A_162 = arith.constant 0 : i32
    %dma_wait3A_163 = tpu.memref_slice %arg3[%dma_wait3A_162, %add3A_143] : memref<32x102400xi32, #tpu.memory_space<hbm>> -> memref<32x640xi32, #tpu.memory_space<hbm>>
    %dma_wait3A_164 = arith.constant 0 : i32
    %dma_wait3A_165 = tpu.memref_slice %arg3[%dma_wait3A_164, %add3A_143] : memref<32x102400xi32, #tpu.memory_space<hbm>> -> memref<32x640xi32, #tpu.memory_space<hbm>>
    tpu.wait_dma2 semaphore(%arg12 : memref<!tpu.dma_semaphore, #tpu.memory_space<semaphore_mem>>) src(%dma_wait3A_165 : memref<32x640xi32, #tpu.memory_space<hbm>>) dst(%arg10 : memref<32x640xi32, #tpu.memory_space<vmem>>)
    %dma_wait3A_166 = arith.constant 0 : i32
    %dma_wait3A_167 = tpu.memref_slice %arg4[%dma_wait3A_166, %add3A_145] : memref<32x102400xi32, #tpu.memory_space<hbm>> -> memref<32x640xi32, #tpu.memory_space<hbm>>
    %dma_wait3A_168 = arith.constant 0 : i32
    %dma_wait3A_169 = tpu.memref_slice %arg4[%dma_wait3A_168, %add3A_145] : memref<32x102400xi32, #tpu.memory_space<hbm>> -> memref<32x640xi32, #tpu.memory_space<hbm>>
    tpu.wait_dma2 semaphore(%arg12 : memref<!tpu.dma_semaphore, #tpu.memory_space<semaphore_mem>>) src(%dma_wait3A_169 : memref<32x640xi32, #tpu.memory_space<hbm>>) dst(%arg11 : memref<32x640xi32, #tpu.memory_space<vmem>>)
    %scan3A_170 = arith.constant 0 : i32
    %scan3A_171 = arith.constant 40 : i32
    %scan3A_172 = arith.addi %scan3A_170, %scan3A_171 : i32
    %scan3A_173 = arith.constant 1 : i32
    scf.for %scan3A_200 = %scan3A_170 to %scan3A_172 step %scan3A_173  : i32 {
      %mul3A_201 = arith.constant 1 : i32
      %mul3A_202 = arith.muli %scan3A_200, %mul3A_201 : i32
      %add3A_203 = arith.constant 0 : i32
      %add3A_204 = arith.addi %add3A_203, %mul3A_202 : i32
      %mul3A_205 = arith.constant 16 : i32
      %mul3A_206 = arith.muli %add3A_204, %mul3A_205 : i32
      %get3A = arith.constant 0 : i32
      %get3A_207 = arith.index_cast %get3A : i32 to index
      %get3A_208 = arith.index_cast %mul3A_206 : i32 to index
      %get3A_209 = tpu.vector_load %arg9[%get3A_207, %get3A_208] {strides = array<i32>} : memref<32x640xi32, #tpu.memory_space<vmem>>, vector<16xi32>,
      %get3A_210 = arith.constant 0 : i32
      %get3A_211 = arith.index_cast %get3A_210 : i32 to index
      %get3A_212 = arith.index_cast %mul3A_206 : i32 to index
      %get3A_213 = tpu.vector_load %arg10[%get3A_211, %get3A_212] {strides = array<i32>} : memref<32x640xi32, #tpu.memory_space<vmem>>, vector<16xi32>,
      %get3A_214 = arith.constant 0 : i32
      %get3A_215 = arith.index_cast %get3A_214 : i32 to index
      %get3A_216 = arith.index_cast %mul3A_206 : i32 to index
      %get3A_217 = tpu.vector_load %arg11[%get3A_215, %get3A_216] {strides = array<i32>} : memref<32x640xi32, #tpu.memory_space<vmem>>, vector<16xi32>,
      %get3A_218 = arith.constant 1 : i32
      %get3A_219 = arith.index_cast %get3A_218 : i32 to index
      %get3A_220 = arith.index_cast %mul3A_206 : i32 to index
      %get3A_221 = tpu.vector_load %arg9[%get3A_219, %get3A_220] {strides = array<i32>} : memref<32x640xi32, #tpu.memory_space<vmem>>, vector<16xi32>,
      %gt3A = arith.cmpi sgt, %get3A_221, %get3A_209 : vector<16xi32>
      %select_n3A = arith.select %gt3A, %get3A_221, %get3A_209 : vector<16xi1>, vector<16xi32>
      %get3A_222 = arith.constant 1 : i32
      %get3A_223 = arith.index_cast %get3A_222 : i32 to index
      %get3A_224 = arith.index_cast %mul3A_206 : i32 to index
      %get3A_225 = tpu.vector_load %arg10[%get3A_223, %get3A_224] {strides = array<i32>} : memref<32x640xi32, #tpu.memory_space<vmem>>, vector<16xi32>,
      %select_n3A_226 = arith.select %gt3A, %get3A_225, %get3A_213 : vector<16xi1>, vector<16xi32>
      %get3A_227 = arith.constant 1 : i32
      %get3A_228 = arith.index_cast %get3A_227 : i32 to index
      %get3A_229 = arith.index_cast %mul3A_206 : i32 to index
      %get3A_230 = tpu.vector_load %arg11[%get3A_228, %get3A_229] {strides = array<i32>} : memref<32x640xi32, #tpu.memory_space<vmem>>, vector<16xi32>,
      %select_n3A_231 = arith.select %gt3A, %get3A_230, %get3A_217 : vector<16xi1>, vector<16xi32>
      %get3A_232 = arith.constant 2 : i32
      %get3A_233 = arith.index_cast %get3A_232 : i32 to index
      %get3A_234 = arith.index_cast %mul3A_206 : i32 to index
      %get3A_235 = tpu.vector_load %arg9[%get3A_233, %get3A_234] {strides = array<i32>} : memref<32x640xi32, #tpu.memory_space<vmem>>, vector<16xi32>,
      %gt3A_236 = arith.cmpi sgt, %get3A_235, %select_n3A : vector<16xi32>
      %select_n3A_237 = arith.select %gt3A_236, %get3A_235, %select_n3A : vector<16xi1>, vector<16xi32>
      %get3A_238 = arith.constant 2 : i32
      %get3A_239 = arith.index_cast %get3A_238 : i32 to index
      %get3A_240 = arith.index_cast %mul3A_206 : i32 to index
      %get3A_241 = tpu.vector_load %arg10[%get3A_239, %get3A_240] {strides = array<i32>} : memref<32x640xi32, #tpu.memory_space<vmem>>, vector<16xi32>,
      %select_n3A_242 = arith.select %gt3A_236, %get3A_241, %select_n3A_226 : vector<16xi1>, vector<16xi32>
      %get3A_243 = arith.constant 2 : i32
      %get3A_244 = arith.index_cast %get3A_243 : i32 to index
      %get3A_245 = arith.index_cast %mul3A_206 : i32 to index
      %get3A_246 = tpu.vector_load %arg11[%get3A_244, %get3A_245] {strides = array<i32>} : memref<32x640xi32, #tpu.memory_space<vmem>>, vector<16xi32>,
      %select_n3A_247 = arith.select %gt3A_236, %get3A_246, %select_n3A_231 : vector<16xi1>, vector<16xi32>
      %get3A_248 = arith.constant 3 : i32
      %get3A_249 = arith.index_cast %get3A_248 : i32 to index
      %get3A_250 = arith.index_cast %mul3A_206 : i32 to index
      %get3A_251 = tpu.vector_load %arg9[%get3A_249, %get3A_250] {strides = array<i32>} : memref<32x640xi32, #tpu.memory_space<vmem>>, vector<16xi32>,
      %gt3A_252 = arith.cmpi sgt, %get3A_251, %select_n3A_237 : vector<16xi32>
      %select_n3A_253 = arith.select %gt3A_252, %get3A_251, %select_n3A_237 : vector<16xi1>, vector<16xi32>
      %get3A_254 = arith.constant 3 : i32
      %get3A_255 = arith.index_cast %get3A_254 : i32 to index
      %get3A_256 = arith.index_cast %mul3A_206 : i32 to index
      %get3A_257 = tpu.vector_load %arg10[%get3A_255, %get3A_256] {strides = array<i32>} : memref<32x640xi32, #tpu.memory_space<vmem>>, vector<16xi32>,
      %select_n3A_258 = arith.select %gt3A_252, %get3A_257, %select_n3A_242 : vector<16xi1>, vector<16xi32>
      %get3A_259 = arith.constant 3 : i32
      %get3A_260 = arith.index_cast %get3A_259 : i32 to index
      %get3A_261 = arith.index_cast %mul3A_206 : i32 to index
      %get3A_262 = tpu.vector_load %arg11[%get3A_260, %get3A_261] {strides = array<i32>} : memref<32x640xi32, #tpu.memory_space<vmem>>, vector<16xi32>,
      %select_n3A_263 = arith.select %gt3A_252, %get3A_262, %select_n3A_247 : vector<16xi1>, vector<16xi32>
      %get3A_264 = arith.constant 4 : i32
      %get3A_265 = arith.index_cast %get3A_264 : i32 to index
      %get3A_266 = arith.index_cast %mul3A_206 : i32 to index
      %get3A_267 = tpu.vector_load %arg9[%get3A_265, %get3A_266] {strides = array<i32>} : memref<32x640xi32, #tpu.memory_space<vmem>>, vector<16xi32>,
      %gt3A_268 = arith.cmpi sgt, %get3A_267, %select_n3A_253 : vector<16xi32>
      %select_n3A_269 = arith.select %gt3A_268, %get3A_267, %select_n3A_253 : vector<16xi1>, vector<16xi32>
      %get3A_270 = arith.constant 4 : i32
      %get3A_271 = arith.index_cast %get3A_270 : i32 to index
      %get3A_272 = arith.index_cast %mul3A_206 : i32 to index
      %get3A_273 = tpu.vector_load %arg10[%get3A_271, %get3A_272] {strides = array<i32>} : memref<32x640xi32, #tpu.memory_space<vmem>>, vector<16xi32>,
      %select_n3A_274 = arith.select %gt3A_268, %get3A_273, %select_n3A_258 : vector<16xi1>, vector<16xi32>
      %get3A_275 = arith.constant 4 : i32
      %get3A_276 = arith.index_cast %get3A_275 : i32 to index
      %get3A_277 = arith.index_cast %mul3A_206 : i32 to index
      %get3A_278 = tpu.vector_load %arg11[%get3A_276, %get3A_277] {strides = array<i32>} : memref<32x640xi32, #tpu.memory_space<vmem>>, vector<16xi32>,
      %select_n3A_279 = arith.select %gt3A_268, %get3A_278, %select_n3A_263 : vector<16xi1>, vector<16xi32>
      %get3A_280 = arith.constant 5 : i32
      %get3A_281 = arith.index_cast %get3A_280 : i32 to index
      %get3A_282 = arith.index_cast %mul3A_206 : i32 to index
      %get3A_283 = tpu.vector_load %arg9[%get3A_281, %get3A_282] {strides = array<i32>} : memref<32x640xi32, #tpu.memory_space<vmem>>, vector<16xi32>,
      %gt3A_284 = arith.cmpi sgt, %get3A_283, %select_n3A_269 : vector<16xi32>
      %select_n3A_285 = arith.select %gt3A_284, %get3A_283, %select_n3A_269 : vector<16xi1>, vector<16xi32>
      %get3A_286 = arith.constant 5 : i32
      %get3A_287 = arith.index_cast %get3A_286 : i32 to index
      %get3A_288 = arith.index_cast %mul3A_206 : i32 to index
      %get3A_289 = tpu.vector_load %arg10[%get3A_287, %get3A_288] {strides = array<i32>} : memref<32x640xi32, #tpu.memory_space<vmem>>, vector<16xi32>,
      %select_n3A_290 = arith.select %gt3A_284, %get3A_289, %select_n3A_274 : vector<16xi1>, vector<16xi32>
      %get3A_291 = arith.constant 5 : i32
      %get3A_292 = arith.index_cast %get3A_291 : i32 to index
      %get3A_293 = arith.index_cast %mul3A_206 : i32 to index
      %get3A_294 = tpu.vector_load %arg11[%get3A_292, %get3A_293] {strides = array<i32>} : memref<32x640xi32, #tpu.memory_space<vmem>>, vector<16xi32>,
      %select_n3A_295 = arith.select %gt3A_284, %get3A_294, %select_n3A_279 : vector<16xi1>, vector<16xi32>
      %get3A_296 = arith.constant 6 : i32
      %get3A_297 = arith.index_cast %get3A_296 : i32 to index
      %get3A_298 = arith.index_cast %mul3A_206 : i32 to index
      %get3A_299 = tpu.vector_load %arg9[%get3A_297, %get3A_298] {strides = array<i32>} : memref<32x640xi32, #tpu.memory_space<vmem>>, vector<16xi32>,
      %gt3A_300 = arith.cmpi sgt, %get3A_299, %select_n3A_285 : vector<16xi32>
      %select_n3A_301 = arith.select %gt3A_300, %get3A_299, %select_n3A_285 : vector<16xi1>, vector<16xi32>
      %get3A_302 = arith.constant 6 : i32
      %get3A_303 = arith.index_cast %get3A_302 : i32 to index
      %get3A_304 = arith.index_cast %mul3A_206 : i32 to index
      %get3A_305 = tpu.vector_load %arg10[%get3A_303, %get3A_304] {strides = array<i32>} : memref<32x640xi32, #tpu.memory_space<vmem>>, vector<16xi32>,
      %select_n3A_306 = arith.select %gt3A_300, %get3A_305, %select_n3A_290 : vector<16xi1>, vector<16xi32>
      %get3A_307 = arith.constant 6 : i32
      %get3A_308 = arith.index_cast %get3A_307 : i32 to index
      %get3A_309 = arith.index_cast %mul3A_206 : i32 to index
      %get3A_310 = tpu.vector_load %arg11[%get3A_308, %get3A_309] {strides = array<i32>} : memref<32x640xi32, #tpu.memory_space<vmem>>, vector<16xi32>,
      %select_n3A_311 = arith.select %gt3A_300, %get3A_310, %select_n3A_295 : vector<16xi1>, vector<16xi32>
      %get3A_312 = arith.constant 7 : i32
      %get3A_313 = arith.index_cast %get3A_312 : i32 to index
      %get3A_314 = arith.index_cast %mul3A_206 : i32 to index
      %get3A_315 = tpu.vector_load %arg9[%get3A_313, %get3A_314] {strides = array<i32>} : memref<32x640xi32, #tpu.memory_space<vmem>>, vector<16xi32>,
      %gt3A_316 = arith.cmpi sgt, %get3A_315, %select_n3A_301 : vector<16xi32>
      %select_n3A_317 = arith.select %gt3A_316, %get3A_315, %select_n3A_301 : vector<16xi1>, vector<16xi32>
      %get3A_318 = arith.constant 7 : i32
      %get3A_319 = arith.index_cast %get3A_318 : i32 to index
      %get3A_320 = arith.index_cast %mul3A_206 : i32 to index
      %get3A_321 = tpu.vector_load %arg10[%get3A_319, %get3A_320] {strides = array<i32>} : memref<32x640xi32, #tpu.memory_space<vmem>>, vector<16xi32>,
      %select_n3A_322 = arith.select %gt3A_316, %get3A_321, %select_n3A_306 : vector<16xi1>, vector<16xi32>
      %get3A_323 = arith.constant 7 : i32
      %get3A_324 = arith.index_cast %get3A_323 : i32 to index
      %get3A_325 = arith.index_cast %mul3A_206 : i32 to index
      %get3A_326 = tpu.vector_load %arg11[%get3A_324, %get3A_325] {strides = array<i32>} : memref<32x640xi32, #tpu.memory_space<vmem>>, vector<16xi32>,
      %select_n3A_327 = arith.select %gt3A_316, %get3A_326, %select_n3A_311 : vector<16xi1>, vector<16xi32>
      %get3A_328 = arith.constant 8 : i32
      %get3A_329 = arith.index_cast %get3A_328 : i32 to index
      %get3A_330 = arith.index_cast %mul3A_206 : i32 to index
      %get3A_331 = tpu.vector_load %arg9[%get3A_329, %get3A_330] {strides = array<i32>} : memref<32x640xi32, #tpu.memory_space<vmem>>, vector<16xi32>,
      %gt3A_332 = arith.cmpi sgt, %get3A_331, %select_n3A_317 : vector<16xi32>
      %select_n3A_333 = arith.select %gt3A_332, %get3A_331, %select_n3A_317 : vector<16xi1>, vector<16xi32>
      %get3A_334 = arith.constant 8 : i32
      %get3A_335 = arith.index_cast %get3A_334 : i32 to index
      %get3A_336 = arith.index_cast %mul3A_206 : i32 to index
      %get3A_337 = tpu.vector_load %arg10[%get3A_335, %get3A_336] {strides = array<i32>} : memref<32x640xi32, #tpu.memory_space<vmem>>, vector<16xi32>,
      %select_n3A_338 = arith.select %gt3A_332, %get3A_337, %select_n3A_322 : vector<16xi1>, vector<16xi32>
      %get3A_339 = arith.constant 8 : i32
      %get3A_340 = arith.index_cast %get3A_339 : i32 to index
      %get3A_341 = arith.index_cast %mul3A_206 : i32 to index
      %get3A_342 = tpu.vector_load %arg11[%get3A_340, %get3A_341] {strides = array<i32>} : memref<32x640xi32, #tpu.memory_space<vmem>>, vector<16xi32>,
      %select_n3A_343 = arith.select %gt3A_332, %get3A_342, %select_n3A_327 : vector<16xi1>, vector<16xi32>
      %get3A_344 = arith.constant 9 : i32
      %get3A_345 = arith.index_cast %get3A_344 : i32 to index
      %get3A_346 = arith.index_cast %mul3A_206 : i32 to index
      %get3A_347 = tpu.vector_load %arg9[%get3A_345, %get3A_346] {strides = array<i32>} : memref<32x640xi32, #tpu.memory_space<vmem>>, vector<16xi32>,
      %gt3A_348 = arith.cmpi sgt, %get3A_347, %select_n3A_333 : vector<16xi32>
      %select_n3A_349 = arith.select %gt3A_348, %get3A_347, %select_n3A_333 : vector<16xi1>, vector<16xi32>
      %get3A_350 = arith.constant 9 : i32
      %get3A_351 = arith.index_cast %get3A_350 : i32 to index
      %get3A_352 = arith.index_cast %mul3A_206 : i32 to index
      %get3A_353 = tpu.vector_load %arg10[%get3A_351, %get3A_352] {strides = array<i32>} : memref<32x640xi32, #tpu.memory_space<vmem>>, vector<16xi32>,
      %select_n3A_354 = arith.select %gt3A_348, %get3A_353, %select_n3A_338 : vector<16xi1>, vector<16xi32>
      %get3A_355 = arith.constant 9 : i32
      %get3A_356 = arith.index_cast %get3A_355 : i32 to index
      %get3A_357 = arith.index_cast %mul3A_206 : i32 to index
      %get3A_358 = tpu.vector_load %arg11[%get3A_356, %get3A_357] {strides = array<i32>} : memref<32x640xi32, #tpu.memory_space<vmem>>, vector<16xi32>,
      %select_n3A_359 = arith.select %gt3A_348, %get3A_358, %select_n3A_343 : vector<16xi1>, vector<16xi32>
      %get3A_360 = arith.constant 10 : i32
      %get3A_361 = arith.index_cast %get3A_360 : i32 to index
      %get3A_362 = arith.index_cast %mul3A_206 : i32 to index
      %get3A_363 = tpu.vector_load %arg9[%get3A_361, %get3A_362] {strides = array<i32>} : memref<32x640xi32, #tpu.memory_space<vmem>>, vector<16xi32>,
      %gt3A_364 = arith.cmpi sgt, %get3A_363, %select_n3A_349 : vector<16xi32>
      %select_n3A_365 = arith.select %gt3A_364, %get3A_363, %select_n3A_349 : vector<16xi1>, vector<16xi32>
      %get3A_366 = arith.constant 10 : i32
      %get3A_367 = arith.index_cast %get3A_366 : i32 to index
      %get3A_368 = arith.index_cast %mul3A_206 : i32 to index
      %get3A_369 = tpu.vector_load %arg10[%get3A_367, %get3A_368] {strides = array<i32>} : memref<32x640xi32, #tpu.memory_space<vmem>>, vector<16xi32>,
      %select_n3A_370 = arith.select %gt3A_364, %get3A_369, %select_n3A_354 : vector<16xi1>, vector<16xi32>
      %get3A_371 = arith.constant 10 : i32
      %get3A_372 = arith.index_cast %get3A_371 : i32 to index
      %get3A_373 = arith.index_cast %mul3A_206 : i32 to index
      %get3A_374 = tpu.vector_load %arg11[%get3A_372, %get3A_373] {strides = array<i32>} : memref<32x640xi32, #tpu.memory_space<vmem>>, vector<16xi32>,
      %select_n3A_375 = arith.select %gt3A_364, %get3A_374, %select_n3A_359 : vector<16xi1>, vector<16xi32>
      %get3A_376 = arith.constant 11 : i32
      %get3A_377 = arith.index_cast %get3A_376 : i32 to index
      %get3A_378 = arith.index_cast %mul3A_206 : i32 to index
      %get3A_379 = tpu.vector_load %arg9[%get3A_377, %get3A_378] {strides = array<i32>} : memref<32x640xi32, #tpu.memory_space<vmem>>, vector<16xi32>,
      %gt3A_380 = arith.cmpi sgt, %get3A_379, %select_n3A_365 : vector<16xi32>
      %select_n3A_381 = arith.select %gt3A_380, %get3A_379, %select_n3A_365 : vector<16xi1>, vector<16xi32>
      %get3A_382 = arith.constant 11 : i32
      %get3A_383 = arith.index_cast %get3A_382 : i32 to index
      %get3A_384 = arith.index_cast %mul3A_206 : i32 to index
      %get3A_385 = tpu.vector_load %arg10[%get3A_383, %get3A_384] {strides = array<i32>} : memref<32x640xi32, #tpu.memory_space<vmem>>, vector<16xi32>,
      %select_n3A_386 = arith.select %gt3A_380, %get3A_385, %select_n3A_370 : vector<16xi1>, vector<16xi32>
      %get3A_387 = arith.constant 11 : i32
      %get3A_388 = arith.index_cast %get3A_387 : i32 to index
      %get3A_389 = arith.index_cast %mul3A_206 : i32 to index
      %get3A_390 = tpu.vector_load %arg11[%get3A_388, %get3A_389] {strides = array<i32>} : memref<32x640xi32, #tpu.memory_space<vmem>>, vector<16xi32>,
      %select_n3A_391 = arith.select %gt3A_380, %get3A_390, %select_n3A_375 : vector<16xi1>, vector<16xi32>
      %get3A_392 = arith.constant 12 : i32
      %get3A_393 = arith.index_cast %get3A_392 : i32 to index
      %get3A_394 = arith.index_cast %mul3A_206 : i32 to index
      %get3A_395 = tpu.vector_load %arg9[%get3A_393, %get3A_394] {strides = array<i32>} : memref<32x640xi32, #tpu.memory_space<vmem>>, vector<16xi32>,
      %gt3A_396 = arith.cmpi sgt, %get3A_395, %select_n3A_381 : vector<16xi32>
      %select_n3A_397 = arith.select %gt3A_396, %get3A_395, %select_n3A_381 : vector<16xi1>, vector<16xi32>
      %get3A_398 = arith.constant 12 : i32
      %get3A_399 = arith.index_cast %get3A_398 : i32 to index
      %get3A_400 = arith.index_cast %mul3A_206 : i32 to index
      %get3A_401 = tpu.vector_load %arg10[%get3A_399, %get3A_400] {strides = array<i32>} : memref<32x640xi32, #tpu.memory_space<vmem>>, vector<16xi32>,
      %select_n3A_402 = arith.select %gt3A_396, %get3A_401, %select_n3A_386 : vector<16xi1>, vector<16xi32>
      %get3A_403 = arith.constant 12 : i32
      %get3A_404 = arith.index_cast %get3A_403 : i32 to index
      %get3A_405 = arith.index_cast %mul3A_206 : i32 to index
      %get3A_406 = tpu.vector_load %arg11[%get3A_404, %get3A_405] {strides = array<i32>} : memref<32x640xi32, #tpu.memory_space<vmem>>, vector<16xi32>,
      %select_n3A_407 = arith.select %gt3A_396, %get3A_406, %select_n3A_391 : vector<16xi1>, vector<16xi32>
      %get3A_408 = arith.constant 13 : i32
      %get3A_409 = arith.index_cast %get3A_408 : i32 to index
      %get3A_410 = arith.index_cast %mul3A_206 : i32 to index
      %get3A_411 = tpu.vector_load %arg9[%get3A_409, %get3A_410] {strides = array<i32>} : memref<32x640xi32, #tpu.memory_space<vmem>>, vector<16xi32>,
      %gt3A_412 = arith.cmpi sgt, %get3A_411, %select_n3A_397 : vector<16xi32>
      %select_n3A_413 = arith.select %gt3A_412, %get3A_411, %select_n3A_397 : vector<16xi1>, vector<16xi32>
      %get3A_414 = arith.constant 13 : i32
      %get3A_415 = arith.index_cast %get3A_414 : i32 to index
      %get3A_416 = arith.index_cast %mul3A_206 : i32 to index
      %get3A_417 = tpu.vector_load %arg10[%get3A_415, %get3A_416] {strides = array<i32>} : memref<32x640xi32, #tpu.memory_space<vmem>>, vector<16xi32>,
      %select_n3A_418 = arith.select %gt3A_412, %get3A_417, %select_n3A_402 : vector<16xi1>, vector<16xi32>
      %get3A_419 = arith.constant 13 : i32
      %get3A_420 = arith.index_cast %get3A_419 : i32 to index
      %get3A_421 = arith.index_cast %mul3A_206 : i32 to index
      %get3A_422 = tpu.vector_load %arg11[%get3A_420, %get3A_421] {strides = array<i32>} : memref<32x640xi32, #tpu.memory_space<vmem>>, vector<16xi32>,
      %select_n3A_423 = arith.select %gt3A_412, %get3A_422, %select_n3A_407 : vector<16xi1>, vector<16xi32>
      %get3A_424 = arith.constant 14 : i32
      %get3A_425 = arith.index_cast %get3A_424 : i32 to index
      %get3A_426 = arith.index_cast %mul3A_206 : i32 to index
      %get3A_427 = tpu.vector_load %arg9[%get3A_425, %get3A_426] {strides = array<i32>} : memref<32x640xi32, #tpu.memory_space<vmem>>, vector<16xi32>,
      %gt3A_428 = arith.cmpi sgt, %get3A_427, %select_n3A_413 : vector<16xi32>
      %select_n3A_429 = arith.select %gt3A_428, %get3A_427, %select_n3A_413 : vector<16xi1>, vector<16xi32>
      %get3A_430 = arith.constant 14 : i32
      %get3A_431 = arith.index_cast %get3A_430 : i32 to index
      %get3A_432 = arith.index_cast %mul3A_206 : i32 to index
      %get3A_433 = tpu.vector_load %arg10[%get3A_431, %get3A_432] {strides = array<i32>} : memref<32x640xi32, #tpu.memory_space<vmem>>, vector<16xi32>,
      %select_n3A_434 = arith.select %gt3A_428, %get3A_433, %select_n3A_418 : vector<16xi1>, vector<16xi32>
      %get3A_435 = arith.constant 14 : i32
      %get3A_436 = arith.index_cast %get3A_435 : i32 to index
      %get3A_437 = arith.index_cast %mul3A_206 : i32 to index
      %get3A_438 = tpu.vector_load %arg11[%get3A_436, %get3A_437] {strides = array<i32>} : memref<32x640xi32, #tpu.memory_space<vmem>>, vector<16xi32>,
      %select_n3A_439 = arith.select %gt3A_428, %get3A_438, %select_n3A_423 : vector<16xi1>, vector<16xi32>
      %get3A_440 = arith.constant 15 : i32
      %get3A_441 = arith.index_cast %get3A_440 : i32 to index
      %get3A_442 = arith.index_cast %mul3A_206 : i32 to index
      %get3A_443 = tpu.vector_load %arg9[%get3A_441, %get3A_442] {strides = array<i32>} : memref<32x640xi32, #tpu.memory_space<vmem>>, vector<16xi32>,
      %gt3A_444 = arith.cmpi sgt, %get3A_443, %select_n3A_429 : vector<16xi32>
      %select_n3A_445 = arith.select %gt3A_444, %get3A_443, %select_n3A_429 : vector<16xi1>, vector<16xi32>
      %get3A_446 = arith.constant 15 : i32
      %get3A_447 = arith.index_cast %get3A_446 : i32 to index
      %get3A_448 = arith.index_cast %mul3A_206 : i32 to index
      %get3A_449 = tpu.vector_load %arg10[%get3A_447, %get3A_448] {strides = array<i32>} : memref<32x640xi32, #tpu.memory_space<vmem>>, vector<16xi32>,
      %select_n3A_450 = arith.select %gt3A_444, %get3A_449, %select_n3A_434 : vector<16xi1>, vector<16xi32>
      %get3A_451 = arith.constant 15 : i32
      %get3A_452 = arith.index_cast %get3A_451 : i32 to index
      %get3A_453 = arith.index_cast %mul3A_206 : i32 to index
      %get3A_454 = tpu.vector_load %arg11[%get3A_452, %get3A_453] {strides = array<i32>} : memref<32x640xi32, #tpu.memory_space<vmem>>, vector<16xi32>,
      %select_n3A_455 = arith.select %gt3A_444, %get3A_454, %select_n3A_439 : vector<16xi1>, vector<16xi32>
      %get3A_456 = arith.constant 16 : i32
      %get3A_457 = arith.index_cast %get3A_456 : i32 to index
      %get3A_458 = arith.index_cast %mul3A_206 : i32 to index
      %get3A_459 = tpu.vector_load %arg9[%get3A_457, %get3A_458] {strides = array<i32>} : memref<32x640xi32, #tpu.memory_space<vmem>>, vector<16xi32>,
      %gt3A_460 = arith.cmpi sgt, %get3A_459, %select_n3A_445 : vector<16xi32>
      %select_n3A_461 = arith.select %gt3A_460, %get3A_459, %select_n3A_445 : vector<16xi1>, vector<16xi32>
      %get3A_462 = arith.constant 16 : i32
      %get3A_463 = arith.index_cast %get3A_462 : i32 to index
      %get3A_464 = arith.index_cast %mul3A_206 : i32 to index
      %get3A_465 = tpu.vector_load %arg10[%get3A_463, %get3A_464] {strides = array<i32>} : memref<32x640xi32, #tpu.memory_space<vmem>>, vector<16xi32>,
      %select_n3A_466 = arith.select %gt3A_460, %get3A_465, %select_n3A_450 : vector<16xi1>, vector<16xi32>
      %get3A_467 = arith.constant 16 : i32
      %get3A_468 = arith.index_cast %get3A_467 : i32 to index
      %get3A_469 = arith.index_cast %mul3A_206 : i32 to index
      %get3A_470 = tpu.vector_load %arg11[%get3A_468, %get3A_469] {strides = array<i32>} : memref<32x640xi32, #tpu.memory_space<vmem>>, vector<16xi32>,
      %select_n3A_471 = arith.select %gt3A_460, %get3A_470, %select_n3A_455 : vector<16xi1>, vector<16xi32>
      %get3A_472 = arith.constant 17 : i32
      %get3A_473 = arith.index_cast %get3A_472 : i32 to index
      %get3A_474 = arith.index_cast %mul3A_206 : i32 to index
      %get3A_475 = tpu.vector_load %arg9[%get3A_473, %get3A_474] {strides = array<i32>} : memref<32x640xi32, #tpu.memory_space<vmem>>, vector<16xi32>,
      %gt3A_476 = arith.cmpi sgt, %get3A_475, %select_n3A_461 : vector<16xi32>
      %select_n3A_477 = arith.select %gt3A_476, %get3A_475, %select_n3A_461 : vector<16xi1>, vector<16xi32>
      %get3A_478 = arith.constant 17 : i32
      %get3A_479 = arith.index_cast %get3A_478 : i32 to index
      %get3A_480 = arith.index_cast %mul3A_206 : i32 to index
      %get3A_481 = tpu.vector_load %arg10[%get3A_479, %get3A_480] {strides = array<i32>} : memref<32x640xi32, #tpu.memory_space<vmem>>, vector<16xi32>,
      %select_n3A_482 = arith.select %gt3A_476, %get3A_481, %select_n3A_466 : vector<16xi1>, vector<16xi32>
      %get3A_483 = arith.constant 17 : i32
      %get3A_484 = arith.index_cast %get3A_483 : i32 to index
      %get3A_485 = arith.index_cast %mul3A_206 : i32 to index
      %get3A_486 = tpu.vector_load %arg11[%get3A_484, %get3A_485] {strides = array<i32>} : memref<32x640xi32, #tpu.memory_space<vmem>>, vector<16xi32>,
      %select_n3A_487 = arith.select %gt3A_476, %get3A_486, %select_n3A_471 : vector<16xi1>, vector<16xi32>
      %get3A_488 = arith.constant 18 : i32
      %get3A_489 = arith.index_cast %get3A_488 : i32 to index
      %get3A_490 = arith.index_cast %mul3A_206 : i32 to index
      %get3A_491 = tpu.vector_load %arg9[%get3A_489, %get3A_490] {strides = array<i32>} : memref<32x640xi32, #tpu.memory_space<vmem>>, vector<16xi32>,
      %gt3A_492 = arith.cmpi sgt, %get3A_491, %select_n3A_477 : vector<16xi32>
      %select_n3A_493 = arith.select %gt3A_492, %get3A_491, %select_n3A_477 : vector<16xi1>, vector<16xi32>
      %get3A_494 = arith.constant 18 : i32
      %get3A_495 = arith.index_cast %get3A_494 : i32 to index
      %get3A_496 = arith.index_cast %mul3A_206 : i32 to index
      %get3A_497 = tpu.vector_load %arg10[%get3A_495, %get3A_496] {strides = array<i32>} : memref<32x640xi32, #tpu.memory_space<vmem>>, vector<16xi32>,
      %select_n3A_498 = arith.select %gt3A_492, %get3A_497, %select_n3A_482 : vector<16xi1>, vector<16xi32>
      %get3A_499 = arith.constant 18 : i32
      %get3A_500 = arith.index_cast %get3A_499 : i32 to index
      %get3A_501 = arith.index_cast %mul3A_206 : i32 to index
      %get3A_502 = tpu.vector_load %arg11[%get3A_500, %get3A_501] {strides = array<i32>} : memref<32x640xi32, #tpu.memory_space<vmem>>, vector<16xi32>,
      %select_n3A_503 = arith.select %gt3A_492, %get3A_502, %select_n3A_487 : vector<16xi1>, vector<16xi32>
      %get3A_504 = arith.constant 19 : i32
      %get3A_505 = arith.index_cast %get3A_504 : i32 to index
      %get3A_506 = arith.index_cast %mul3A_206 : i32 to index
      %get3A_507 = tpu.vector_load %arg9[%get3A_505, %get3A_506] {strides = array<i32>} : memref<32x640xi32, #tpu.memory_space<vmem>>, vector<16xi32>,
      %gt3A_508 = arith.cmpi sgt, %get3A_507, %select_n3A_493 : vector<16xi32>
      %select_n3A_509 = arith.select %gt3A_508, %get3A_507, %select_n3A_493 : vector<16xi1>, vector<16xi32>
      %get3A_510 = arith.constant 19 : i32
      %get3A_511 = arith.index_cast %get3A_510 : i32 to index
      %get3A_512 = arith.index_cast %mul3A_206 : i32 to index
      %get3A_513 = tpu.vector_load %arg10[%get3A_511, %get3A_512] {strides = array<i32>} : memref<32x640xi32, #tpu.memory_space<vmem>>, vector<16xi32>,
      %select_n3A_514 = arith.select %gt3A_508, %get3A_513, %select_n3A_498 : vector<16xi1>, vector<16xi32>
      %get3A_515 = arith.constant 19 : i32
      %get3A_516 = arith.index_cast %get3A_515 : i32 to index
      %get3A_517 = arith.index_cast %mul3A_206 : i32 to index
      %get3A_518 = tpu.vector_load %arg11[%get3A_516, %get3A_517] {strides = array<i32>} : memref<32x640xi32, #tpu.memory_space<vmem>>, vector<16xi32>,
      %select_n3A_519 = arith.select %gt3A_508, %get3A_518, %select_n3A_503 : vector<16xi1>, vector<16xi32>
      %get3A_520 = arith.constant 20 : i32
      %get3A_521 = arith.index_cast %get3A_520 : i32 to index
      %get3A_522 = arith.index_cast %mul3A_206 : i32 to index
      %get3A_523 = tpu.vector_load %arg9[%get3A_521, %get3A_522] {strides = array<i32>} : memref<32x640xi32, #tpu.memory_space<vmem>>, vector<16xi32>,
      %gt3A_524 = arith.cmpi sgt, %get3A_523, %select_n3A_509 : vector<16xi32>
      %select_n3A_525 = arith.select %gt3A_524, %get3A_523, %select_n3A_509 : vector<16xi1>, vector<16xi32>
      %get3A_526 = arith.constant 20 : i32
      %get3A_527 = arith.index_cast %get3A_526 : i32 to index
      %get3A_528 = arith.index_cast %mul3A_206 : i32 to index
      %get3A_529 = tpu.vector_load %arg10[%get3A_527, %get3A_528] {strides = array<i32>} : memref<32x640xi32, #tpu.memory_space<vmem>>, vector<16xi32>,
      %select_n3A_530 = arith.select %gt3A_524, %get3A_529, %select_n3A_514 : vector<16xi1>, vector<16xi32>
      %get3A_531 = arith.constant 20 : i32
      %get3A_532 = arith.index_cast %get3A_531 : i32 to index
      %get3A_533 = arith.index_cast %mul3A_206 : i32 to index
      %get3A_534 = tpu.vector_load %arg11[%get3A_532, %get3A_533] {strides = array<i32>} : memref<32x640xi32, #tpu.memory_space<vmem>>, vector<16xi32>,
      %select_n3A_535 = arith.select %gt3A_524, %get3A_534, %select_n3A_519 : vector<16xi1>, vector<16xi32>
      %get3A_536 = arith.constant 21 : i32
      %get3A_537 = arith.index_cast %get3A_536 : i32 to index
      %get3A_538 = arith.index_cast %mul3A_206 : i32 to index
      %get3A_539 = tpu.vector_load %arg9[%get3A_537, %get3A_538] {strides = array<i32>} : memref<32x640xi32, #tpu.memory_space<vmem>>, vector<16xi32>,
      %gt3A_540 = arith.cmpi sgt, %get3A_539, %select_n3A_525 : vector<16xi32>
      %select_n3A_541 = arith.select %gt3A_540, %get3A_539, %select_n3A_525 : vector<16xi1>, vector<16xi32>
      %get3A_542 = arith.constant 21 : i32
      %get3A_543 = arith.index_cast %get3A_542 : i32 to index
      %get3A_544 = arith.index_cast %mul3A_206 : i32 to index
      %get3A_545 = tpu.vector_load %arg10[%get3A_543, %get3A_544] {strides = array<i32>} : memref<32x640xi32, #tpu.memory_space<vmem>>, vector<16xi32>,
      %select_n3A_546 = arith.select %gt3A_540, %get3A_545, %select_n3A_530 : vector<16xi1>, vector<16xi32>
      %get3A_547 = arith.constant 21 : i32
      %get3A_548 = arith.index_cast %get3A_547 : i32 to index
      %get3A_549 = arith.index_cast %mul3A_206 : i32 to index
      %get3A_550 = tpu.vector_load %arg11[%get3A_548, %get3A_549] {strides = array<i32>} : memref<32x640xi32, #tpu.memory_space<vmem>>, vector<16xi32>,
      %select_n3A_551 = arith.select %gt3A_540, %get3A_550, %select_n3A_535 : vector<16xi1>, vector<16xi32>
      %get3A_552 = arith.constant 22 : i32
      %get3A_553 = arith.index_cast %get3A_552 : i32 to index
      %get3A_554 = arith.index_cast %mul3A_206 : i32 to index
      %get3A_555 = tpu.vector_load %arg9[%get3A_553, %get3A_554] {strides = array<i32>} : memref<32x640xi32, #tpu.memory_space<vmem>>, vector<16xi32>,
      %gt3A_556 = arith.cmpi sgt, %get3A_555, %select_n3A_541 : vector<16xi32>
      %select_n3A_557 = arith.select %gt3A_556, %get3A_555, %select_n3A_541 : vector<16xi1>, vector<16xi32>
      %get3A_558 = arith.constant 22 : i32
      %get3A_559 = arith.index_cast %get3A_558 : i32 to index
      %get3A_560 = arith.index_cast %mul3A_206 : i32 to index
      %get3A_561 = tpu.vector_load %arg10[%get3A_559, %get3A_560] {strides = array<i32>} : memref<32x640xi32, #tpu.memory_space<vmem>>, vector<16xi32>,
      %select_n3A_562 = arith.select %gt3A_556, %get3A_561, %select_n3A_546 : vector<16xi1>, vector<16xi32>
      %get3A_563 = arith.constant 22 : i32
      %get3A_564 = arith.index_cast %get3A_563 : i32 to index
      %get3A_565 = arith.index_cast %mul3A_206 : i32 to index
      %get3A_566 = tpu.vector_load %arg11[%get3A_564, %get3A_565] {strides = array<i32>} : memref<32x640xi32, #tpu.memory_space<vmem>>, vector<16xi32>,
      %select_n3A_567 = arith.select %gt3A_556, %get3A_566, %select_n3A_551 : vector<16xi1>, vector<16xi32>
      %get3A_568 = arith.constant 23 : i32
      %get3A_569 = arith.index_cast %get3A_568 : i32 to index
      %get3A_570 = arith.index_cast %mul3A_206 : i32 to index
      %get3A_571 = tpu.vector_load %arg9[%get3A_569, %get3A_570] {strides = array<i32>} : memref<32x640xi32, #tpu.memory_space<vmem>>, vector<16xi32>,
      %gt3A_572 = arith.cmpi sgt, %get3A_571, %select_n3A_557 : vector<16xi32>
      %select_n3A_573 = arith.select %gt3A_572, %get3A_571, %select_n3A_557 : vector<16xi1>, vector<16xi32>
      %get3A_574 = arith.constant 23 : i32
      %get3A_575 = arith.index_cast %get3A_574 : i32 to index
      %get3A_576 = arith.index_cast %mul3A_206 : i32 to index
      %get3A_577 = tpu.vector_load %arg10[%get3A_575, %get3A_576] {strides = array<i32>} : memref<32x640xi32, #tpu.memory_space<vmem>>, vector<16xi32>,
      %select_n3A_578 = arith.select %gt3A_572, %get3A_577, %select_n3A_562 : vector<16xi1>, vector<16xi32>
      %get3A_579 = arith.constant 23 : i32
      %get3A_580 = arith.index_cast %get3A_579 : i32 to index
      %get3A_581 = arith.index_cast %mul3A_206 : i32 to index
      %get3A_582 = tpu.vector_load %arg11[%get3A_580, %get3A_581] {strides = array<i32>} : memref<32x640xi32, #tpu.memory_space<vmem>>, vector<16xi32>,
      %select_n3A_583 = arith.select %gt3A_572, %get3A_582, %select_n3A_567 : vector<16xi1>, vector<16xi32>
      %get3A_584 = arith.constant 24 : i32
      %get3A_585 = arith.index_cast %get3A_584 : i32 to index
      %get3A_586 = arith.index_cast %mul3A_206 : i32 to index
      %get3A_587 = tpu.vector_load %arg9[%get3A_585, %get3A_586] {strides = array<i32>} : memref<32x640xi32, #tpu.memory_space<vmem>>, vector<16xi32>,
      %gt3A_588 = arith.cmpi sgt, %get3A_587, %select_n3A_573 : vector<16xi32>
      %select_n3A_589 = arith.select %gt3A_588, %get3A_587, %select_n3A_573 : vector<16xi1>, vector<16xi32>
      %get3A_590 = arith.constant 24 : i32
      %get3A_591 = arith.index_cast %get3A_590 : i32 to index
      %get3A_592 = arith.index_cast %mul3A_206 : i32 to index
      %get3A_593 = tpu.vector_load %arg10[%get3A_591, %get3A_592] {strides = array<i32>} : memref<32x640xi32, #tpu.memory_space<vmem>>, vector<16xi32>,
      %select_n3A_594 = arith.select %gt3A_588, %get3A_593, %select_n3A_578 : vector<16xi1>, vector<16xi32>
      %get3A_595 = arith.constant 24 : i32
      %get3A_596 = arith.index_cast %get3A_595 : i32 to index
      %get3A_597 = arith.index_cast %mul3A_206 : i32 to index
      %get3A_598 = tpu.vector_load %arg11[%get3A_596, %get3A_597] {strides = array<i32>} : memref<32x640xi32, #tpu.memory_space<vmem>>, vector<16xi32>,
      %select_n3A_599 = arith.select %gt3A_588, %get3A_598, %select_n3A_583 : vector<16xi1>, vector<16xi32>
      %get3A_600 = arith.constant 25 : i32
      %get3A_601 = arith.index_cast %get3A_600 : i32 to index
      %get3A_602 = arith.index_cast %mul3A_206 : i32 to index
      %get3A_603 = tpu.vector_load %arg9[%get3A_601, %get3A_602] {strides = array<i32>} : memref<32x640xi32, #tpu.memory_space<vmem>>, vector<16xi32>,
      %gt3A_604 = arith.cmpi sgt, %get3A_603, %select_n3A_589 : vector<16xi32>
      %select_n3A_605 = arith.select %gt3A_604, %get3A_603, %select_n3A_589 : vector<16xi1>, vector<16xi32>
      %get3A_606 = arith.constant 25 : i32
      %get3A_607 = arith.index_cast %get3A_606 : i32 to index
      %get3A_608 = arith.index_cast %mul3A_206 : i32 to index
      %get3A_609 = tpu.vector_load %arg10[%get3A_607, %get3A_608] {strides = array<i32>} : memref<32x640xi32, #tpu.memory_space<vmem>>, vector<16xi32>,
      %select_n3A_610 = arith.select %gt3A_604, %get3A_609, %select_n3A_594 : vector<16xi1>, vector<16xi32>
      %get3A_611 = arith.constant 25 : i32
      %get3A_612 = arith.index_cast %get3A_611 : i32 to index
      %get3A_613 = arith.index_cast %mul3A_206 : i32 to index
      %get3A_614 = tpu.vector_load %arg11[%get3A_612, %get3A_613] {strides = array<i32>} : memref<32x640xi32, #tpu.memory_space<vmem>>, vector<16xi32>,
      %select_n3A_615 = arith.select %gt3A_604, %get3A_614, %select_n3A_599 : vector<16xi1>, vector<16xi32>
      %get3A_616 = arith.constant 26 : i32
      %get3A_617 = arith.index_cast %get3A_616 : i32 to index
      %get3A_618 = arith.index_cast %mul3A_206 : i32 to index
      %get3A_619 = tpu.vector_load %arg9[%get3A_617, %get3A_618] {strides = array<i32>} : memref<32x640xi32, #tpu.memory_space<vmem>>, vector<16xi32>,
      %gt3A_620 = arith.cmpi sgt, %get3A_619, %select_n3A_605 : vector<16xi32>
      %select_n3A_621 = arith.select %gt3A_620, %get3A_619, %select_n3A_605 : vector<16xi1>, vector<16xi32>
      %get3A_622 = arith.constant 26 : i32
      %get3A_623 = arith.index_cast %get3A_622 : i32 to index
      %get3A_624 = arith.index_cast %mul3A_206 : i32 to index
      %get3A_625 = tpu.vector_load %arg10[%get3A_623, %get3A_624] {strides = array<i32>} : memref<32x640xi32, #tpu.memory_space<vmem>>, vector<16xi32>,
      %select_n3A_626 = arith.select %gt3A_620, %get3A_625, %select_n3A_610 : vector<16xi1>, vector<16xi32>
      %get3A_627 = arith.constant 26 : i32
      %get3A_628 = arith.index_cast %get3A_627 : i32 to index
      %get3A_629 = arith.index_cast %mul3A_206 : i32 to index
      %get3A_630 = tpu.vector_load %arg11[%get3A_628, %get3A_629] {strides = array<i32>} : memref<32x640xi32, #tpu.memory_space<vmem>>, vector<16xi32>,
      %select_n3A_631 = arith.select %gt3A_620, %get3A_630, %select_n3A_615 : vector<16xi1>, vector<16xi32>
      %get3A_632 = arith.constant 27 : i32
      %get3A_633 = arith.index_cast %get3A_632 : i32 to index
      %get3A_634 = arith.index_cast %mul3A_206 : i32 to index
      %get3A_635 = tpu.vector_load %arg9[%get3A_633, %get3A_634] {strides = array<i32>} : memref<32x640xi32, #tpu.memory_space<vmem>>, vector<16xi32>,
      %gt3A_636 = arith.cmpi sgt, %get3A_635, %select_n3A_621 : vector<16xi32>
      %select_n3A_637 = arith.select %gt3A_636, %get3A_635, %select_n3A_621 : vector<16xi1>, vector<16xi32>
      %get3A_638 = arith.constant 27 : i32
      %get3A_639 = arith.index_cast %get3A_638 : i32 to index
      %get3A_640 = arith.index_cast %mul3A_206 : i32 to index
      %get3A_641 = tpu.vector_load %arg10[%get3A_639, %get3A_640] {strides = array<i32>} : memref<32x640xi32, #tpu.memory_space<vmem>>, vector<16xi32>,
      %select_n3A_642 = arith.select %gt3A_636, %get3A_641, %select_n3A_626 : vector<16xi1>, vector<16xi32>
      %get3A_643 = arith.constant 27 : i32
      %get3A_644 = arith.index_cast %get3A_643 : i32 to index
      %get3A_645 = arith.index_cast %mul3A_206 : i32 to index
      %get3A_646 = tpu.vector_load %arg11[%get3A_644, %get3A_645] {strides = array<i32>} : memref<32x640xi32, #tpu.memory_space<vmem>>, vector<16xi32>,
      %select_n3A_647 = arith.select %gt3A_636, %get3A_646, %select_n3A_631 : vector<16xi1>, vector<16xi32>
      %get3A_648 = arith.constant 28 : i32
      %get3A_649 = arith.index_cast %get3A_648 : i32 to index
      %get3A_650 = arith.index_cast %mul3A_206 : i32 to index
      %get3A_651 = tpu.vector_load %arg9[%get3A_649, %get3A_650] {strides = array<i32>} : memref<32x640xi32, #tpu.memory_space<vmem>>, vector<16xi32>,
      %gt3A_652 = arith.cmpi sgt, %get3A_651, %select_n3A_637 : vector<16xi32>
      %select_n3A_653 = arith.select %gt3A_652, %get3A_651, %select_n3A_637 : vector<16xi1>, vector<16xi32>
      %get3A_654 = arith.constant 28 : i32
      %get3A_655 = arith.index_cast %get3A_654 : i32 to index
      %get3A_656 = arith.index_cast %mul3A_206 : i32 to index
      %get3A_657 = tpu.vector_load %arg10[%get3A_655, %get3A_656] {strides = array<i32>} : memref<32x640xi32, #tpu.memory_space<vmem>>, vector<16xi32>,
      %select_n3A_658 = arith.select %gt3A_652, %get3A_657, %select_n3A_642 : vector<16xi1>, vector<16xi32>
      %get3A_659 = arith.constant 28 : i32
      %get3A_660 = arith.index_cast %get3A_659 : i32 to index
      %get3A_661 = arith.index_cast %mul3A_206 : i32 to index
      %get3A_662 = tpu.vector_load %arg11[%get3A_660, %get3A_661] {strides = array<i32>} : memref<32x640xi32, #tpu.memory_space<vmem>>, vector<16xi32>,
      %select_n3A_663 = arith.select %gt3A_652, %get3A_662, %select_n3A_647 : vector<16xi1>, vector<16xi32>
      %get3A_664 = arith.constant 29 : i32
      %get3A_665 = arith.index_cast %get3A_664 : i32 to index
      %get3A_666 = arith.index_cast %mul3A_206 : i32 to index
      %get3A_667 = tpu.vector_load %arg9[%get3A_665, %get3A_666] {strides = array<i32>} : memref<32x640xi32, #tpu.memory_space<vmem>>, vector<16xi32>,
      %gt3A_668 = arith.cmpi sgt, %get3A_667, %select_n3A_653 : vector<16xi32>
      %select_n3A_669 = arith.select %gt3A_668, %get3A_667, %select_n3A_653 : vector<16xi1>, vector<16xi32>
      %get3A_670 = arith.constant 29 : i32
      %get3A_671 = arith.index_cast %get3A_670 : i32 to index
      %get3A_672 = arith.index_cast %mul3A_206 : i32 to index
      %get3A_673 = tpu.vector_load %arg10[%get3A_671, %get3A_672] {strides = array<i32>} : memref<32x640xi32, #tpu.memory_space<vmem>>, vector<16xi32>,
      %select_n3A_674 = arith.select %gt3A_668, %get3A_673, %select_n3A_658 : vector<16xi1>, vector<16xi32>
      %get3A_675 = arith.constant 29 : i32
      %get3A_676 = arith.index_cast %get3A_675 : i32 to index
      %get3A_677 = arith.index_cast %mul3A_206 : i32 to index
      %get3A_678 = tpu.vector_load %arg11[%get3A_676, %get3A_677] {strides = array<i32>} : memref<32x640xi32, #tpu.memory_space<vmem>>, vector<16xi32>,
      %select_n3A_679 = arith.select %gt3A_668, %get3A_678, %select_n3A_663 : vector<16xi1>, vector<16xi32>
      %get3A_680 = arith.constant 30 : i32
      %get3A_681 = arith.index_cast %get3A_680 : i32 to index
      %get3A_682 = arith.index_cast %mul3A_206 : i32 to index
      %get3A_683 = tpu.vector_load %arg9[%get3A_681, %get3A_682] {strides = array<i32>} : memref<32x640xi32, #tpu.memory_space<vmem>>, vector<16xi32>,
      %gt3A_684 = arith.cmpi sgt, %get3A_683, %select_n3A_669 : vector<16xi32>
      %select_n3A_685 = arith.select %gt3A_684, %get3A_683, %select_n3A_669 : vector<16xi1>, vector<16xi32>
      %get3A_686 = arith.constant 30 : i32
      %get3A_687 = arith.index_cast %get3A_686 : i32 to index
      %get3A_688 = arith.index_cast %mul3A_206 : i32 to index
      %get3A_689 = tpu.vector_load %arg10[%get3A_687, %get3A_688] {strides = array<i32>} : memref<32x640xi32, #tpu.memory_space<vmem>>, vector<16xi32>,
      %select_n3A_690 = arith.select %gt3A_684, %get3A_689, %select_n3A_674 : vector<16xi1>, vector<16xi32>
      %get3A_691 = arith.constant 30 : i32
      %get3A_692 = arith.index_cast %get3A_691 : i32 to index
      %get3A_693 = arith.index_cast %mul3A_206 : i32 to index
      %get3A_694 = tpu.vector_load %arg11[%get3A_692, %get3A_693] {strides = array<i32>} : memref<32x640xi32, #tpu.memory_space<vmem>>, vector<16xi32>,
      %select_n3A_695 = arith.select %gt3A_684, %get3A_694, %select_n3A_679 : vector<16xi1>, vector<16xi32>
      %get3A_696 = arith.constant 31 : i32
      %get3A_697 = arith.index_cast %get3A_696 : i32 to index
      %get3A_698 = arith.index_cast %mul3A_206 : i32 to index
      %get3A_699 = tpu.vector_load %arg9[%get3A_697, %get3A_698] {strides = array<i32>} : memref<32x640xi32, #tpu.memory_space<vmem>>, vector<16xi32>,
      %gt3A_700 = arith.cmpi sgt, %get3A_699, %select_n3A_685 : vector<16xi32>
      %select_n3A_701 = arith.select %gt3A_700, %get3A_699, %select_n3A_685 : vector<16xi1>, vector<16xi32>
      %get3A_702 = arith.constant 31 : i32
      %get3A_703 = arith.index_cast %get3A_702 : i32 to index
      %get3A_704 = arith.index_cast %mul3A_206 : i32 to index
      %get3A_705 = tpu.vector_load %arg10[%get3A_703, %get3A_704] {strides = array<i32>} : memref<32x640xi32, #tpu.memory_space<vmem>>, vector<16xi32>,
      %select_n3A_706 = arith.select %gt3A_700, %get3A_705, %select_n3A_690 : vector<16xi1>, vector<16xi32>
      %get3A_707 = arith.constant 31 : i32
      %get3A_708 = arith.index_cast %get3A_707 : i32 to index
      %get3A_709 = arith.index_cast %mul3A_206 : i32 to index
      %get3A_710 = tpu.vector_load %arg11[%get3A_708, %get3A_709] {strides = array<i32>} : memref<32x640xi32, #tpu.memory_space<vmem>>, vector<16xi32>,
      %select_n3A_711 = arith.select %gt3A_700, %get3A_710, %select_n3A_695 : vector<16xi1>, vector<16xi32>
      %add3A_712 = arith.constant 2560 : i32
      %add3A_713 = arith.addi %mul3A_2, %add3A_712 : i32
      %mul3A_714 = arith.constant 16 : i32
      %mul3A_715 = arith.muli %add3A_204, %mul3A_714 : i32
      %add3A_716 = arith.addi %add3A_713, %mul3A_715 : i32
      %add3A_717 = vector.broadcast %add3A_716 : i32 to vector<16xi32>
      %add3A_718 = arith.addi %add3A_717, %iota3A : vector<16xi32>
      %lt3A = arith.constant 0 : i32
      %lt3A_719 = vector.broadcast %lt3A : i32 to vector<16xi32>
      %lt3A_720 = arith.cmpi slt, %select_n3A_701, %lt3A_719 : vector<16xi32>
      %add3A_721 = arith.constant 106496 : i32
      %add3A_722 = vector.broadcast %add3A_721 : i32 to vector<16xi32>
      %add3A_723 = arith.addi %add3A_722, %add3A_718 : vector<16xi32>
      %select_n3A_724 = arith.select %lt3A_720, %add3A_723, %select_n3A_706 : vector<16xi1>, vector<16xi32>
      %mul3A_725 = arith.constant 16 : i32
      %mul3A_726 = arith.muli %add3A_204, %mul3A_725 : i32
      %add3A_727 = arith.constant 2560 : i32
      %add3A_728 = arith.addi %add3A_727, %mul3A_726 : i32
      %swap3A = arith.index_cast %add3A_728 : i32 to index
      %swap3A_729 = tpu.vector_load %arg7[%swap3A] {strides = array<i32>} : memref<3200xi32, #tpu.memory_space<vmem>>, vector<16xi32>,
      tpu.vector_store %arg7[%swap3A], %select_n3A_724 {strides = array<i32>} : memref<3200xi32, #tpu.memory_space<vmem>>, vector<16xi32>,
      %lt3A_730 = arith.constant 0 : i32
      %lt3A_731 = vector.broadcast %lt3A_730 : i32 to vector<16xi32>
      %lt3A_732 = arith.cmpi slt, %select_n3A_701, %lt3A_731 : vector<16xi32>
      %and3A = arith.constant 4095 : i32
      %and3A_733 = vector.broadcast %and3A : i32 to vector<16xi32>
      %and3A_734 = arith.andi %add3A_718, %and3A_733 : vector<16xi32>
      %add3A_735 = arith.constant 102400 : i32
      %add3A_736 = vector.broadcast %add3A_735 : i32 to vector<16xi32>
      %add3A_737 = arith.addi %add3A_736, %and3A_734 : vector<16xi32>
      %select_n3A_738 = arith.select %lt3A_732, %add3A_737, %select_n3A_711 : vector<16xi1>, vector<16xi32>
      %mul3A_739 = arith.constant 16 : i32
      %mul3A_740 = arith.muli %add3A_204, %mul3A_739 : i32
      %add3A_741 = arith.constant 2560 : i32
      %add3A_742 = arith.addi %add3A_741, %mul3A_740 : i32
      %swap3A_743 = arith.index_cast %add3A_742 : i32 to index
      %swap3A_744 = tpu.vector_load %arg8[%swap3A_743] {strides = array<i32>} : memref<3200xi32, #tpu.memory_space<vmem>>, vector<16xi32>,
      tpu.vector_store %arg8[%swap3A_743], %select_n3A_738 {strides = array<i32>} : memref<3200xi32, #tpu.memory_space<vmem>>, vector<16xi32>,
    }
    %scan3A_174 = arith.constant 40 : i32
    "tpu.trace_stop"() : () -> ()
    "tpu.trace_start"() <{level = 10 : i32, message = "ph_gather"}> : () -> ()
    %dma_start3A_175 = arith.constant 0 : i32
    %dma_start3A_176 = tpu.memref_slice %arg7[%dma_start3A_175] : memref<3200xi32, #tpu.memory_space<vmem>> -> memref<80xi32, #tpu.memory_space<vmem>>
    %dma_start3A_177 = arith.constant 0 : i32
    %dma_start3A_178 = arith.constant 0 : i32
    %dma_start3A_179 = tpu.memref_slice %arg5[%dma_start3A_177, %dma_start3A_178] : memref<208896x128xf32, #tpu.memory_space<hbm>> -> memref<208896x128xf32, #tpu.memory_space<hbm>>
    tpu.enqueue_indirect_dma source(%dma_start3A_179 : memref<208896x128xf32, #tpu.memory_space<hbm>>) target(%arg13 : memref<80x128xf32, #tpu.memory_space<vmem>>) offsets(%dma_start3A_176 : memref<80xi32, #tpu.memory_space<vmem>>) semaphore(%arg17 : memref<!tpu.dma_semaphore, #tpu.memory_space<semaphore_mem>>)
    %dma_start3A_180 = arith.constant 80 : i32
    %dma_start3A_181 = tpu.memref_slice %arg7[%dma_start3A_180] : memref<3200xi32, #tpu.memory_space<vmem>> -> memref<80xi32, #tpu.memory_space<vmem>>
    %dma_start3A_182 = arith.constant 0 : i32
    %dma_start3A_183 = arith.constant 0 : i32
    %dma_start3A_184 = tpu.memref_slice %arg5[%dma_start3A_182, %dma_start3A_183] : memref<208896x128xf32, #tpu.memory_space<hbm>> -> memref<208896x128xf32, #tpu.memory_space<hbm>>
    tpu.enqueue_indirect_dma source(%dma_start3A_184 : memref<208896x128xf32, #tpu.memory_space<hbm>>) target(%arg14 : memref<80x128xf32, #tpu.memory_space<vmem>>) offsets(%dma_start3A_181 : memref<80xi32, #tpu.memory_space<vmem>>) semaphore(%arg18 : memref<!tpu.dma_semaphore, #tpu.memory_space<semaphore_mem>>)
    %dma_start3A_185 = arith.constant 160 : i32
    %dma_start3A_186 = tpu.memref_slice %arg7[%dma_start3A_185] : memref<3200xi32, #tpu.memory_space<vmem>> -> memref<80xi32, #tpu.memory_space<vmem>>
    %dma_start3A_187 = arith.constant 0 : i32
    %dma_start3A_188 = arith.constant 0 : i32
    %dma_start3A_189 = tpu.memref_slice %arg5[%dma_start3A_187, %dma_start3A_188] : memref<208896x128xf32, #tpu.memory_space<hbm>> -> memref<208896x128xf32, #tpu.memory_space<hbm>>
    tpu.enqueue_indirect_dma source(%dma_start3A_189 : memref<208896x128xf32, #tpu.memory_space<hbm>>) target(%arg15 : memref<80x128xf32, #tpu.memory_space<vmem>>) offsets(%dma_start3A_186 : memref<80xi32, #tpu.memory_space<vmem>>) semaphore(%arg19 : memref<!tpu.dma_semaphore, #tpu.memory_space<semaphore_mem>>)
    %dma_start3A_190 = arith.constant 240 : i32
    %dma_start3A_191 = tpu.memref_slice %arg7[%dma_start3A_190] : memref<3200xi32, #tpu.memory_space<vmem>> -> memref<80xi32, #tpu.memory_space<vmem>>
    %dma_start3A_192 = arith.constant 0 : i32
    %dma_start3A_193 = arith.constant 0 : i32
    %dma_start3A_194 = tpu.memref_slice %arg5[%dma_start3A_192, %dma_start3A_193] : memref<208896x128xf32, #tpu.memory_space<hbm>> -> memref<208896x128xf32, #tpu.memory_space<hbm>>
    tpu.enqueue_indirect_dma source(%dma_start3A_194 : memref<208896x128xf32, #tpu.memory_space<hbm>>) target(%arg16 : memref<80x128xf32, #tpu.memory_space<vmem>>) offsets(%dma_start3A_191 : memref<80xi32, #tpu.memory_space<vmem>>) semaphore(%arg20 : memref<!tpu.dma_semaphore, #tpu.memory_space<semaphore_mem>>)
    %scan3A_195 = arith.constant 0 : i32
    %scan3A_196 = arith.constant 10 : i32
    %scan3A_197 = arith.addi %scan3A_195, %scan3A_196 : i32
    %scan3A_198 = arith.constant 1 : i32
    scf.for %scan3A_200 = %scan3A_195 to %scan3A_197 step %scan3A_198  : i32 {
      %mul3A_201 = arith.constant 1 : i32
      %mul3A_202 = arith.muli %scan3A_200, %mul3A_201 : i32
      %add3A_203 = arith.constant 0 : i32
      %add3A_204 = arith.addi %add3A_203, %mul3A_202 : i32
      %mul3A_205 = arith.constant 4 : i32
      %mul3A_206 = arith.muli %add3A_204, %mul3A_205 : i32
      %add3A_207 = arith.constant 0 : i32
      %add3A_208 = arith.addi %mul3A_206, %add3A_207 : i32
      %dma_wait3A_209 = arith.constant 0 : i32
      %dma_wait3A_210 = tpu.memref_slice %arg7[%dma_wait3A_209] : memref<3200xi32, #tpu.memory_space<vmem>> -> memref<80xi32, #tpu.memory_space<vmem>>
      %dma_wait3A_211 = arith.constant 0 : i32
      %dma_wait3A_212 = arith.constant 0 : i32
      %dma_wait3A_213 = tpu.memref_slice %arg5[%dma_wait3A_211, %dma_wait3A_212] : memref<208896x128xf32, #tpu.memory_space<hbm>> -> memref<208896x128xf32, #tpu.memory_space<hbm>>
      tpu.wait_indirect_dma semaphore(%arg17 : memref<!tpu.dma_semaphore, #tpu.memory_space<semaphore_mem>>) src(%dma_wait3A_213 : memref<208896x128xf32, #tpu.memory_space<hbm>>) dst(%arg13 : memref<80x128xf32, #tpu.memory_space<vmem>>)
      %mul3A_214 = arith.constant 80 : i32
      %mul3A_215 = arith.muli %add3A_208, %mul3A_214 : i32
      %dma_start3A_216 = tpu.memref_slice %arg8[%mul3A_215] : memref<3200xi32, #tpu.memory_space<vmem>> -> memref<80xi32, #tpu.memory_space<vmem>>
      %dma_start3A_217 = arith.constant 0 : i32
      %dma_start3A_218 = arith.constant 0 : i32
      %dma_start3A_219 = tpu.memref_slice %arg5[%dma_start3A_217, %dma_start3A_218] : memref<208896x128xf32, #tpu.memory_space<hbm>> -> memref<208896x128xf32, #tpu.memory_space<hbm>>
      tpu.enqueue_indirect_dma source(%dma_start3A_219 : memref<208896x128xf32, #tpu.memory_space<hbm>>) target(%arg13 : memref<80x128xf32, #tpu.memory_space<vmem>>) offsets(%dma_start3A_216 : memref<80xi32, #tpu.memory_space<vmem>>) semaphore(%arg17 : memref<!tpu.dma_semaphore, #tpu.memory_space<semaphore_mem>>) {add = true}
      %dma_wait3A_220 = arith.constant 0 : i32
      %dma_wait3A_221 = tpu.memref_slice %arg7[%dma_wait3A_220] : memref<3200xi32, #tpu.memory_space<vmem>> -> memref<80xi32, #tpu.memory_space<vmem>>
      %dma_wait3A_222 = arith.constant 0 : i32
      %dma_wait3A_223 = arith.constant 0 : i32
      %dma_wait3A_224 = tpu.memref_slice %arg5[%dma_wait3A_222, %dma_wait3A_223] : memref<208896x128xf32, #tpu.memory_space<hbm>> -> memref<208896x128xf32, #tpu.memory_space<hbm>>
      tpu.wait_indirect_dma semaphore(%arg17 : memref<!tpu.dma_semaphore, #tpu.memory_space<semaphore_mem>>) src(%dma_wait3A_224 : memref<208896x128xf32, #tpu.memory_space<hbm>>) dst(%arg13 : memref<80x128xf32, #tpu.memory_space<vmem>>)
      %mul3A_225 = arith.constant 80 : i32
      %mul3A_226 = arith.muli %add3A_208, %mul3A_225 : i32
      %add3A_227 = arith.addi %mul3A_2, %mul3A_226 : i32
      %add3A_228 = arith.constant 80 : i32
      %add3A_229 = arith.addi %add3A_227, %add3A_228 : i32
      %le3A = arith.constant 100000 : i32
      %le3A_230 = arith.cmpi sle, %add3A_229, %le3A : i32
      %convert_element_type3A = arith.extui %le3A_230 : i1 to i32
      %cond3A = arith.constant 0 : i32
      %cond3A_231 = arith.cmpi ne, %convert_element_type3A, %cond3A : i32
      scf.if %cond3A_231 {
        %mul3A_349 = arith.constant 80 : i32
        %mul3A_350 = arith.muli %add3A_208, %mul3A_349 : i32
        %add3A_351 = arith.addi %mul3A_2, %mul3A_350 : i32
        %dma_start3A_352 = arith.constant 0 : i32
        %dma_start3A_353 = tpu.memref_slice %arg6[%add3A_351, %dma_start3A_352] : memref<100000x128xf32, #tpu.memory_space<hbm>> -> memref<80x128xf32, #tpu.memory_space<hbm>>
        %dma_start3A_354 = arith.constant 0 : i32
        %dma_start3A_355 = tpu.memref_slice %arg6[%add3A_351, %dma_start3A_354] : memref<100000x128xf32, #tpu.memory_space<hbm>> -> memref<80x128xf32, #tpu.memory_space<hbm>>
        tpu.enqueue_dma source(%arg13 : memref<80x128xf32, #tpu.memory_space<vmem>>) target(%dma_start3A_355 : memref<80x128xf32, #tpu.memory_space<hbm>>) target_semaphore(%arg21 : memref<!tpu.dma_semaphore, #tpu.memory_space<semaphore_mem>>)
      } else {
      }
      %add3A_232 = arith.constant 4 : i32
      %add3A_233 = arith.addi %add3A_208, %add3A_232 : i32
      %lt3A = arith.constant 40 : i32
      %lt3A_234 = arith.cmpi slt, %add3A_233, %lt3A : i32
      %convert_element_type3A_235 = arith.extui %lt3A_234 : i1 to i32
      %cond3A_236 = arith.constant 0 : i32
      %cond3A_237 = arith.cmpi ne, %convert_element_type3A_235, %cond3A_236 : i32
      scf.if %cond3A_237 {
        %mul3A_349 = arith.constant 80 : i32
        %mul3A_350 = arith.muli %add3A_208, %mul3A_349 : i32
        %add3A_351 = arith.addi %mul3A_2, %mul3A_350 : i32
        %add3A_352 = arith.constant 80 : i32
        %add3A_353 = arith.addi %add3A_351, %add3A_352 : i32
        %le3A_354 = arith.constant 100000 : i32
        %le3A_355 = arith.cmpi sle, %add3A_353, %le3A_354 : i32
        %convert_element_type3A_356 = arith.extui %le3A_355 : i1 to i32
        %cond3A_357 = arith.constant 0 : i32
        %cond3A_358 = arith.cmpi ne, %convert_element_type3A_356, %cond3A_357 : i32
        scf.if %cond3A_358 {
          %dma_wait3A_367 = arith.constant 0 : i32
          %dma_wait3A_368 = arith.constant 0 : i32
          %dma_wait3A_369 = tpu.memref_slice %arg6[%dma_wait3A_367, %dma_wait3A_368] : memref<100000x128xf32, #tpu.memory_space<hbm>> -> memref<80x128xf32, #tpu.memory_space<hbm>>
          %dma_wait3A_370 = arith.constant 0 : i32
          %dma_wait3A_371 = arith.constant 0 : i32
          %dma_wait3A_372 = tpu.memref_slice %arg6[%dma_wait3A_370, %dma_wait3A_371] : memref<100000x128xf32, #tpu.memory_space<hbm>> -> memref<80x128xf32, #tpu.memory_space<hbm>>
          tpu.wait_dma2 semaphore(%arg21 : memref<!tpu.dma_semaphore, #tpu.memory_space<semaphore_mem>>) src(%arg13 : memref<80x128xf32, #tpu.memory_space<vmem>>) dst(%dma_wait3A_372 : memref<80x128xf32, #tpu.memory_space<hbm>>)
        } else {
        }
        %add3A_359 = arith.constant 4 : i32
        %add3A_360 = arith.addi %add3A_208, %add3A_359 : i32
        %mul3A_361 = arith.constant 80 : i32
        %mul3A_362 = arith.muli %add3A_360, %mul3A_361 : i32
        %dma_start3A_363 = tpu.memref_slice %arg7[%mul3A_362] : memref<3200xi32, #tpu.memory_space<vmem>> -> memref<80xi32, #tpu.memory_space<vmem>>
        %dma_start3A_364 = arith.constant 0 : i32
        %dma_start3A_365 = arith.constant 0 : i32
        %dma_start3A_366 = tpu.memref_slice %arg5[%dma_start3A_364, %dma_start3A_365] : memref<208896x128xf32, #tpu.memory_space<hbm>> -> memref<208896x128xf32, #tpu.memory_space<hbm>>
        tpu.enqueue_indirect_dma source(%dma_start3A_366 : memref<208896x128xf32, #tpu.memory_space<hbm>>) target(%arg13 : memref<80x128xf32, #tpu.memory_space<vmem>>) offsets(%dma_start3A_363 : memref<80xi32, #tpu.memory_space<vmem>>) semaphore(%arg17 : memref<!tpu.dma_semaphore, #tpu.memory_space<semaphore_mem>>)
      } else {
      }
      %mul3A_238 = arith.constant 4 : i32
      %mul3A_239 = arith.muli %add3A_204, %mul3A_238 : i32
      %add3A_240 = arith.constant 1 : i32
      %add3A_241 = arith.addi %mul3A_239, %add3A_240 : i32
      %dma_wait3A_242 = arith.constant 0 : i32
      %dma_wait3A_243 = tpu.memref_slice %arg7[%dma_wait3A_242] : memref<3200xi32, #tpu.memory_space<vmem>> -> memref<80xi32, #tpu.memory_space<vmem>>
      %dma_wait3A_244 = arith.constant 0 : i32
      %dma_wait3A_245 = arith.constant 0 : i32
      %dma_wait3A_246 = tpu.memref_slice %arg5[%dma_wait3A_244, %dma_wait3A_245] : memref<208896x128xf32, #tpu.memory_space<hbm>> -> memref<208896x128xf32, #tpu.memory_space<hbm>>
      tpu.wait_indirect_dma semaphore(%arg18 : memref<!tpu.dma_semaphore, #tpu.memory_space<semaphore_mem>>) src(%dma_wait3A_246 : memref<208896x128xf32, #tpu.memory_space<hbm>>) dst(%arg14 : memref<80x128xf32, #tpu.memory_space<vmem>>)
      %mul3A_247 = arith.constant 80 : i32
      %mul3A_248 = arith.muli %add3A_241, %mul3A_247 : i32
      %dma_start3A_249 = tpu.memref_slice %arg8[%mul3A_248] : memref<3200xi32, #tpu.memory_space<vmem>> -> memref<80xi32, #tpu.memory_space<vmem>>
      %dma_start3A_250 = arith.constant 0 : i32
      %dma_start3A_251 = arith.constant 0 : i32
      %dma_start3A_252 = tpu.memref_slice %arg5[%dma_start3A_250, %dma_start3A_251] : memref<208896x128xf32, #tpu.memory_space<hbm>> -> memref<208896x128xf32, #tpu.memory_space<hbm>>
      tpu.enqueue_indirect_dma source(%dma_start3A_252 : memref<208896x128xf32, #tpu.memory_space<hbm>>) target(%arg14 : memref<80x128xf32, #tpu.memory_space<vmem>>) offsets(%dma_start3A_249 : memref<80xi32, #tpu.memory_space<vmem>>) semaphore(%arg18 : memref<!tpu.dma_semaphore, #tpu.memory_space<semaphore_mem>>) {add = true}
      %dma_wait3A_253 = arith.constant 0 : i32
      %dma_wait3A_254 = tpu.memref_slice %arg7[%dma_wait3A_253] : memref<3200xi32, #tpu.memory_space<vmem>> -> memref<80xi32, #tpu.memory_space<vmem>>
      %dma_wait3A_255 = arith.constant 0 : i32
      %dma_wait3A_256 = arith.constant 0 : i32
      %dma_wait3A_257 = tpu.memref_slice %arg5[%dma_wait3A_255, %dma_wait3A_256] : memref<208896x128xf32, #tpu.memory_space<hbm>> -> memref<208896x128xf32, #tpu.memory_space<hbm>>
      tpu.wait_indirect_dma semaphore(%arg18 : memref<!tpu.dma_semaphore, #tpu.memory_space<semaphore_mem>>) src(%dma_wait3A_257 : memref<208896x128xf32, #tpu.memory_space<hbm>>) dst(%arg14 : memref<80x128xf32, #tpu.memory_space<vmem>>)
      %mul3A_258 = arith.constant 80 : i32
      %mul3A_259 = arith.muli %add3A_241, %mul3A_258 : i32
      %add3A_260 = arith.addi %mul3A_2, %mul3A_259 : i32
      %add3A_261 = arith.constant 80 : i32
      %add3A_262 = arith.addi %add3A_260, %add3A_261 : i32
      %le3A_263 = arith.constant 100000 : i32
      %le3A_264 = arith.cmpi sle, %add3A_262, %le3A_263 : i32
      %convert_element_type3A_265 = arith.extui %le3A_264 : i1 to i32
      %cond3A_266 = arith.constant 0 : i32
      %cond3A_267 = arith.cmpi ne, %convert_element_type3A_265, %cond3A_266 : i32
      scf.if %cond3A_267 {
        %mul3A_349 = arith.constant 80 : i32
        %mul3A_350 = arith.muli %add3A_241, %mul3A_349 : i32
        %add3A_351 = arith.addi %mul3A_2, %mul3A_350 : i32
        %dma_start3A_352 = arith.constant 0 : i32
        %dma_start3A_353 = tpu.memref_slice %arg6[%add3A_351, %dma_start3A_352] : memref<100000x128xf32, #tpu.memory_space<hbm>> -> memref<80x128xf32, #tpu.memory_space<hbm>>
        %dma_start3A_354 = arith.constant 0 : i32
        %dma_start3A_355 = tpu.memref_slice %arg6[%add3A_351, %dma_start3A_354] : memref<100000x128xf32, #tpu.memory_space<hbm>> -> memref<80x128xf32, #tpu.memory_space<hbm>>
        tpu.enqueue_dma source(%arg14 : memref<80x128xf32, #tpu.memory_space<vmem>>) target(%dma_start3A_355 : memref<80x128xf32, #tpu.memory_space<hbm>>) target_semaphore(%arg22 : memref<!tpu.dma_semaphore, #tpu.memory_space<semaphore_mem>>)
      } else {
      }
      %add3A_268 = arith.constant 4 : i32
      %add3A_269 = arith.addi %add3A_241, %add3A_268 : i32
      %lt3A_270 = arith.constant 40 : i32
      %lt3A_271 = arith.cmpi slt, %add3A_269, %lt3A_270 : i32
      %convert_element_type3A_272 = arith.extui %lt3A_271 : i1 to i32
      %cond3A_273 = arith.constant 0 : i32
      %cond3A_274 = arith.cmpi ne, %convert_element_type3A_272, %cond3A_273 : i32
      scf.if %cond3A_274 {
        %mul3A_349 = arith.constant 80 : i32
        %mul3A_350 = arith.muli %add3A_241, %mul3A_349 : i32
        %add3A_351 = arith.addi %mul3A_2, %mul3A_350 : i32
        %add3A_352 = arith.constant 80 : i32
        %add3A_353 = arith.addi %add3A_351, %add3A_352 : i32
        %le3A_354 = arith.constant 100000 : i32
        %le3A_355 = arith.cmpi sle, %add3A_353, %le3A_354 : i32
        %convert_element_type3A_356 = arith.extui %le3A_355 : i1 to i32
        %cond3A_357 = arith.constant 0 : i32
        %cond3A_358 = arith.cmpi ne, %convert_element_type3A_356, %cond3A_357 : i32
        scf.if %cond3A_358 {
          %dma_wait3A_367 = arith.constant 0 : i32
          %dma_wait3A_368 = arith.constant 0 : i32
          %dma_wait3A_369 = tpu.memref_slice %arg6[%dma_wait3A_367, %dma_wait3A_368] : memref<100000x128xf32, #tpu.memory_space<hbm>> -> memref<80x128xf32, #tpu.memory_space<hbm>>
          %dma_wait3A_370 = arith.constant 0 : i32
          %dma_wait3A_371 = arith.constant 0 : i32
          %dma_wait3A_372 = tpu.memref_slice %arg6[%dma_wait3A_370, %dma_wait3A_371] : memref<100000x128xf32, #tpu.memory_space<hbm>> -> memref<80x128xf32, #tpu.memory_space<hbm>>
          tpu.wait_dma2 semaphore(%arg22 : memref<!tpu.dma_semaphore, #tpu.memory_space<semaphore_mem>>) src(%arg14 : memref<80x128xf32, #tpu.memory_space<vmem>>) dst(%dma_wait3A_372 : memref<80x128xf32, #tpu.memory_space<hbm>>)
        } else {
        }
        %add3A_359 = arith.constant 4 : i32
        %add3A_360 = arith.addi %add3A_241, %add3A_359 : i32
        %mul3A_361 = arith.constant 80 : i32
        %mul3A_362 = arith.muli %add3A_360, %mul3A_361 : i32
        %dma_start3A_363 = tpu.memref_slice %arg7[%mul3A_362] : memref<3200xi32, #tpu.memory_space<vmem>> -> memref<80xi32, #tpu.memory_space<vmem>>
        %dma_start3A_364 = arith.constant 0 : i32
        %dma_start3A_365 = arith.constant 0 : i32
        %dma_start3A_366 = tpu.memref_slice %arg5[%dma_start3A_364, %dma_start3A_365] : memref<208896x128xf32, #tpu.memory_space<hbm>> -> memref<208896x128xf32, #tpu.memory_space<hbm>>
        tpu.enqueue_indirect_dma source(%dma_start3A_366 : memref<208896x128xf32, #tpu.memory_space<hbm>>) target(%arg14 : memref<80x128xf32, #tpu.memory_space<vmem>>) offsets(%dma_start3A_363 : memref<80xi32, #tpu.memory_space<vmem>>) semaphore(%arg18 : memref<!tpu.dma_semaphore, #tpu.memory_space<semaphore_mem>>)
      } else {
      }
      %mul3A_275 = arith.constant 4 : i32
      %mul3A_276 = arith.muli %add3A_204, %mul3A_275 : i32
      %add3A_277 = arith.constant 2 : i32
      %add3A_278 = arith.addi %mul3A_276, %add3A_277 : i32
      %dma_wait3A_279 = arith.constant 0 : i32
      %dma_wait3A_280 = tpu.memref_slice %arg7[%dma_wait3A_279] : memref<3200xi32, #tpu.memory_space<vmem>> -> memref<80xi32, #tpu.memory_space<vmem>>
      %dma_wait3A_281 = arith.constant 0 : i32
      %dma_wait3A_282 = arith.constant 0 : i32
      %dma_wait3A_283 = tpu.memref_slice %arg5[%dma_wait3A_281, %dma_wait3A_282] : memref<208896x128xf32, #tpu.memory_space<hbm>> -> memref<208896x128xf32, #tpu.memory_space<hbm>>
      tpu.wait_indirect_dma semaphore(%arg19 : memref<!tpu.dma_semaphore, #tpu.memory_space<semaphore_mem>>) src(%dma_wait3A_283 : memref<208896x128xf32, #tpu.memory_space<hbm>>) dst(%arg15 : memref<80x128xf32, #tpu.memory_space<vmem>>)
      %mul3A_284 = arith.constant 80 : i32
      %mul3A_285 = arith.muli %add3A_278, %mul3A_284 : i32
      %dma_start3A_286 = tpu.memref_slice %arg8[%mul3A_285] : memref<3200xi32, #tpu.memory_space<vmem>> -> memref<80xi32, #tpu.memory_space<vmem>>
      %dma_start3A_287 = arith.constant 0 : i32
      %dma_start3A_288 = arith.constant 0 : i32
      %dma_start3A_289 = tpu.memref_slice %arg5[%dma_start3A_287, %dma_start3A_288] : memref<208896x128xf32, #tpu.memory_space<hbm>> -> memref<208896x128xf32, #tpu.memory_space<hbm>>
      tpu.enqueue_indirect_dma source(%dma_start3A_289 : memref<208896x128xf32, #tpu.memory_space<hbm>>) target(%arg15 : memref<80x128xf32, #tpu.memory_space<vmem>>) offsets(%dma_start3A_286 : memref<80xi32, #tpu.memory_space<vmem>>) semaphore(%arg19 : memref<!tpu.dma_semaphore, #tpu.memory_space<semaphore_mem>>) {add = true}
      %dma_wait3A_290 = arith.constant 0 : i32
      %dma_wait3A_291 = tpu.memref_slice %arg7[%dma_wait3A_290] : memref<3200xi32, #tpu.memory_space<vmem>> -> memref<80xi32, #tpu.memory_space<vmem>>
      %dma_wait3A_292 = arith.constant 0 : i32
      %dma_wait3A_293 = arith.constant 0 : i32
      %dma_wait3A_294 = tpu.memref_slice %arg5[%dma_wait3A_292, %dma_wait3A_293] : memref<208896x128xf32, #tpu.memory_space<hbm>> -> memref<208896x128xf32, #tpu.memory_space<hbm>>
      tpu.wait_indirect_dma semaphore(%arg19 : memref<!tpu.dma_semaphore, #tpu.memory_space<semaphore_mem>>) src(%dma_wait3A_294 : memref<208896x128xf32, #tpu.memory_space<hbm>>) dst(%arg15 : memref<80x128xf32, #tpu.memory_space<vmem>>)
      %mul3A_295 = arith.constant 80 : i32
      %mul3A_296 = arith.muli %add3A_278, %mul3A_295 : i32
      %add3A_297 = arith.addi %mul3A_2, %mul3A_296 : i32
      %add3A_298 = arith.constant 80 : i32
      %add3A_299 = arith.addi %add3A_297, %add3A_298 : i32
      %le3A_300 = arith.constant 100000 : i32
      %le3A_301 = arith.cmpi sle, %add3A_299, %le3A_300 : i32
      %convert_element_type3A_302 = arith.extui %le3A_301 : i1 to i32
      %cond3A_303 = arith.constant 0 : i32
      %cond3A_304 = arith.cmpi ne, %convert_element_type3A_302, %cond3A_303 : i32
      scf.if %cond3A_304 {
        %mul3A_349 = arith.constant 80 : i32
        %mul3A_350 = arith.muli %add3A_278, %mul3A_349 : i32
        %add3A_351 = arith.addi %mul3A_2, %mul3A_350 : i32
        %dma_start3A_352 = arith.constant 0 : i32
        %dma_start3A_353 = tpu.memref_slice %arg6[%add3A_351, %dma_start3A_352] : memref<100000x128xf32, #tpu.memory_space<hbm>> -> memref<80x128xf32, #tpu.memory_space<hbm>>
        %dma_start3A_354 = arith.constant 0 : i32
        %dma_start3A_355 = tpu.memref_slice %arg6[%add3A_351, %dma_start3A_354] : memref<100000x128xf32, #tpu.memory_space<hbm>> -> memref<80x128xf32, #tpu.memory_space<hbm>>
        tpu.enqueue_dma source(%arg15 : memref<80x128xf32, #tpu.memory_space<vmem>>) target(%dma_start3A_355 : memref<80x128xf32, #tpu.memory_space<hbm>>) target_semaphore(%arg23 : memref<!tpu.dma_semaphore, #tpu.memory_space<semaphore_mem>>)
      } else {
      }
      %add3A_305 = arith.constant 4 : i32
      %add3A_306 = arith.addi %add3A_278, %add3A_305 : i32
      %lt3A_307 = arith.constant 40 : i32
      %lt3A_308 = arith.cmpi slt, %add3A_306, %lt3A_307 : i32
      %convert_element_type3A_309 = arith.extui %lt3A_308 : i1 to i32
      %cond3A_310 = arith.constant 0 : i32
      %cond3A_311 = arith.cmpi ne, %convert_element_type3A_309, %cond3A_310 : i32
      scf.if %cond3A_311 {
        %mul3A_349 = arith.constant 80 : i32
        %mul3A_350 = arith.muli %add3A_278, %mul3A_349 : i32
        %add3A_351 = arith.addi %mul3A_2, %mul3A_350 : i32
        %add3A_352 = arith.constant 80 : i32
        %add3A_353 = arith.addi %add3A_351, %add3A_352 : i32
        %le3A_354 = arith.constant 100000 : i32
        %le3A_355 = arith.cmpi sle, %add3A_353, %le3A_354 : i32
        %convert_element_type3A_356 = arith.extui %le3A_355 : i1 to i32
        %cond3A_357 = arith.constant 0 : i32
        %cond3A_358 = arith.cmpi ne, %convert_element_type3A_356, %cond3A_357 : i32
        scf.if %cond3A_358 {
          %dma_wait3A_367 = arith.constant 0 : i32
          %dma_wait3A_368 = arith.constant 0 : i32
          %dma_wait3A_369 = tpu.memref_slice %arg6[%dma_wait3A_367, %dma_wait3A_368] : memref<100000x128xf32, #tpu.memory_space<hbm>> -> memref<80x128xf32, #tpu.memory_space<hbm>>
          %dma_wait3A_370 = arith.constant 0 : i32
          %dma_wait3A_371 = arith.constant 0 : i32
          %dma_wait3A_372 = tpu.memref_slice %arg6[%dma_wait3A_370, %dma_wait3A_371] : memref<100000x128xf32, #tpu.memory_space<hbm>> -> memref<80x128xf32, #tpu.memory_space<hbm>>
          tpu.wait_dma2 semaphore(%arg23 : memref<!tpu.dma_semaphore, #tpu.memory_space<semaphore_mem>>) src(%arg15 : memref<80x128xf32, #tpu.memory_space<vmem>>) dst(%dma_wait3A_372 : memref<80x128xf32, #tpu.memory_space<hbm>>)
        } else {
        }
        %add3A_359 = arith.constant 4 : i32
        %add3A_360 = arith.addi %add3A_278, %add3A_359 : i32
        %mul3A_361 = arith.constant 80 : i32
        %mul3A_362 = arith.muli %add3A_360, %mul3A_361 : i32
        %dma_start3A_363 = tpu.memref_slice %arg7[%mul3A_362] : memref<3200xi32, #tpu.memory_space<vmem>> -> memref<80xi32, #tpu.memory_space<vmem>>
        %dma_start3A_364 = arith.constant 0 : i32
        %dma_start3A_365 = arith.constant 0 : i32
        %dma_start3A_366 = tpu.memref_slice %arg5[%dma_start3A_364, %dma_start3A_365] : memref<208896x128xf32, #tpu.memory_space<hbm>> -> memref<208896x128xf32, #tpu.memory_space<hbm>>
        tpu.enqueue_indirect_dma source(%dma_start3A_366 : memref<208896x128xf32, #tpu.memory_space<hbm>>) target(%arg15 : memref<80x128xf32, #tpu.memory_space<vmem>>) offsets(%dma_start3A_363 : memref<80xi32, #tpu.memory_space<vmem>>) semaphore(%arg19 : memref<!tpu.dma_semaphore, #tpu.memory_space<semaphore_mem>>)
      } else {
      }
      %mul3A_312 = arith.constant 4 : i32
      %mul3A_313 = arith.muli %add3A_204, %mul3A_312 : i32
      %add3A_314 = arith.constant 3 : i32
      %add3A_315 = arith.addi %mul3A_313, %add3A_314 : i32
      %dma_wait3A_316 = arith.constant 0 : i32
      %dma_wait3A_317 = tpu.memref_slice %arg7[%dma_wait3A_316] : memref<3200xi32, #tpu.memory_space<vmem>> -> memref<80xi32, #tpu.memory_space<vmem>>
      %dma_wait3A_318 = arith.constant 0 : i32
      %dma_wait3A_319 = arith.constant 0 : i32
      %dma_wait3A_320 = tpu.memref_slice %arg5[%dma_wait3A_318, %dma_wait3A_319] : memref<208896x128xf32, #tpu.memory_space<hbm>> -> memref<208896x128xf32, #tpu.memory_space<hbm>>
      tpu.wait_indirect_dma semaphore(%arg20 : memref<!tpu.dma_semaphore, #tpu.memory_space<semaphore_mem>>) src(%dma_wait3A_320 : memref<208896x128xf32, #tpu.memory_space<hbm>>) dst(%arg16 : memref<80x128xf32, #tpu.memory_space<vmem>>)
      %mul3A_321 = arith.constant 80 : i32
      %mul3A_322 = arith.muli %add3A_315, %mul3A_321 : i32
      %dma_start3A_323 = tpu.memref_slice %arg8[%mul3A_322] : memref<3200xi32, #tpu.memory_space<vmem>> -> memref<80xi32, #tpu.memory_space<vmem>>
      %dma_start3A_324 = arith.constant 0 : i32
      %dma_start3A_325 = arith.constant 0 : i32
      %dma_start3A_326 = tpu.memref_slice %arg5[%dma_start3A_324, %dma_start3A_325] : memref<208896x128xf32, #tpu.memory_space<hbm>> -> memref<208896x128xf32, #tpu.memory_space<hbm>>
      tpu.enqueue_indirect_dma source(%dma_start3A_326 : memref<208896x128xf32, #tpu.memory_space<hbm>>) target(%arg16 : memref<80x128xf32, #tpu.memory_space<vmem>>) offsets(%dma_start3A_323 : memref<80xi32, #tpu.memory_space<vmem>>) semaphore(%arg20 : memref<!tpu.dma_semaphore, #tpu.memory_space<semaphore_mem>>) {add = true}
      %dma_wait3A_327 = arith.constant 0 : i32
      %dma_wait3A_328 = tpu.memref_slice %arg7[%dma_wait3A_327] : memref<3200xi32, #tpu.memory_space<vmem>> -> memref<80xi32, #tpu.memory_space<vmem>>
      %dma_wait3A_329 = arith.constant 0 : i32
      %dma_wait3A_330 = arith.constant 0 : i32
      %dma_wait3A_331 = tpu.memref_slice %arg5[%dma_wait3A_329, %dma_wait3A_330] : memref<208896x128xf32, #tpu.memory_space<hbm>> -> memref<208896x128xf32, #tpu.memory_space<hbm>>
      tpu.wait_indirect_dma semaphore(%arg20 : memref<!tpu.dma_semaphore, #tpu.memory_space<semaphore_mem>>) src(%dma_wait3A_331 : memref<208896x128xf32, #tpu.memory_space<hbm>>) dst(%arg16 : memref<80x128xf32, #tpu.memory_space<vmem>>)
      %mul3A_332 = arith.constant 80 : i32
      %mul3A_333 = arith.muli %add3A_315, %mul3A_332 : i32
      %add3A_334 = arith.addi %mul3A_2, %mul3A_333 : i32
      %add3A_335 = arith.constant 80 : i32
      %add3A_336 = arith.addi %add3A_334, %add3A_335 : i32
      %le3A_337 = arith.constant 100000 : i32
      %le3A_338 = arith.cmpi sle, %add3A_336, %le3A_337 : i32
      %convert_element_type3A_339 = arith.extui %le3A_338 : i1 to i32
      %cond3A_340 = arith.constant 0 : i32
      %cond3A_341 = arith.cmpi ne, %convert_element_type3A_339, %cond3A_340 : i32
      scf.if %cond3A_341 {
        %mul3A_349 = arith.constant 80 : i32
        %mul3A_350 = arith.muli %add3A_315, %mul3A_349 : i32
        %add3A_351 = arith.addi %mul3A_2, %mul3A_350 : i32
        %dma_start3A_352 = arith.constant 0 : i32
        %dma_start3A_353 = tpu.memref_slice %arg6[%add3A_351, %dma_start3A_352] : memref<100000x128xf32, #tpu.memory_space<hbm>> -> memref<80x128xf32, #tpu.memory_space<hbm>>
        %dma_start3A_354 = arith.constant 0 : i32
        %dma_start3A_355 = tpu.memref_slice %arg6[%add3A_351, %dma_start3A_354] : memref<100000x128xf32, #tpu.memory_space<hbm>> -> memref<80x128xf32, #tpu.memory_space<hbm>>
        tpu.enqueue_dma source(%arg16 : memref<80x128xf32, #tpu.memory_space<vmem>>) target(%dma_start3A_355 : memref<80x128xf32, #tpu.memory_space<hbm>>) target_semaphore(%arg24 : memref<!tpu.dma_semaphore, #tpu.memory_space<semaphore_mem>>)
      } else {
      }
      %add3A_342 = arith.constant 4 : i32
      %add3A_343 = arith.addi %add3A_315, %add3A_342 : i32
      %lt3A_344 = arith.constant 40 : i32
      %lt3A_345 = arith.cmpi slt, %add3A_343, %lt3A_344 : i32
      %convert_element_type3A_346 = arith.extui %lt3A_345 : i1 to i32
      %cond3A_347 = arith.constant 0 : i32
      %cond3A_348 = arith.cmpi ne, %convert_element_type3A_346, %cond3A_347 : i32
      scf.if %cond3A_348 {
        %mul3A_349 = arith.constant 80 : i32
        %mul3A_350 = arith.muli %add3A_315, %mul3A_349 : i32
        %add3A_351 = arith.addi %mul3A_2, %mul3A_350 : i32
        %add3A_352 = arith.constant 80 : i32
        %add3A_353 = arith.addi %add3A_351, %add3A_352 : i32
        %le3A_354 = arith.constant 100000 : i32
        %le3A_355 = arith.cmpi sle, %add3A_353, %le3A_354 : i32
        %convert_element_type3A_356 = arith.extui %le3A_355 : i1 to i32
        %cond3A_357 = arith.constant 0 : i32
        %cond3A_358 = arith.cmpi ne, %convert_element_type3A_356, %cond3A_357 : i32
        scf.if %cond3A_358 {
          %dma_wait3A_367 = arith.constant 0 : i32
          %dma_wait3A_368 = arith.constant 0 : i32
          %dma_wait3A_369 = tpu.memref_slice %arg6[%dma_wait3A_367, %dma_wait3A_368] : memref<100000x128xf32, #tpu.memory_space<hbm>> -> memref<80x128xf32, #tpu.memory_space<hbm>>
          %dma_wait3A_370 = arith.constant 0 : i32
          %dma_wait3A_371 = arith.constant 0 : i32
          %dma_wait3A_372 = tpu.memref_slice %arg6[%dma_wait3A_370, %dma_wait3A_371] : memref<100000x128xf32, #tpu.memory_space<hbm>> -> memref<80x128xf32, #tpu.memory_space<hbm>>
          tpu.wait_dma2 semaphore(%arg24 : memref<!tpu.dma_semaphore, #tpu.memory_space<semaphore_mem>>) src(%arg16 : memref<80x128xf32, #tpu.memory_space<vmem>>) dst(%dma_wait3A_372 : memref<80x128xf32, #tpu.memory_space<hbm>>)
        } else {
        }
        %add3A_359 = arith.constant 4 : i32
        %add3A_360 = arith.addi %add3A_315, %add3A_359 : i32
        %mul3A_361 = arith.constant 80 : i32
        %mul3A_362 = arith.muli %add3A_360, %mul3A_361 : i32
        %dma_start3A_363 = tpu.memref_slice %arg7[%mul3A_362] : memref<3200xi32, #tpu.memory_space<vmem>> -> memref<80xi32, #tpu.memory_space<vmem>>
        %dma_start3A_364 = arith.constant 0 : i32
        %dma_start3A_365 = arith.constant 0 : i32
        %dma_start3A_366 = tpu.memref_slice %arg5[%dma_start3A_364, %dma_start3A_365] : memref<208896x128xf32, #tpu.memory_space<hbm>> -> memref<208896x128xf32, #tpu.memory_space<hbm>>
        tpu.enqueue_indirect_dma source(%dma_start3A_366 : memref<208896x128xf32, #tpu.memory_space<hbm>>) target(%arg16 : memref<80x128xf32, #tpu.memory_space<vmem>>) offsets(%dma_start3A_363 : memref<80xi32, #tpu.memory_space<vmem>>) semaphore(%arg20 : memref<!tpu.dma_semaphore, #tpu.memory_space<semaphore_mem>>)
      } else {
      }
    }
    %scan3A_199 = arith.constant 10 : i32
    "tpu.trace_stop"() : () -> ()
    return
  }
}

module attributes {stable_mosaic.version = 14 : i64} {
  func.func @_mlp_table_kernel(%arg0: i32, %arg1: memref<4096x6xf32, #tpu.memory_space<vmem>>, %arg2: memref<4096x128xf32, #tpu.memory_space<vmem>>, %arg3: memref<6x128xbf16, #tpu.memory_space<vmem>>, %arg4: memref<128x128xbf16, #tpu.memory_space<vmem>>, %arg5: memref<1x128xf32, #tpu.memory_space<vmem>>, %arg6: memref<128x128xbf16, #tpu.memory_space<vmem>>, %arg7: memref<1x128xf32, #tpu.memory_space<vmem>>, %arg8: memref<128x128xbf16, #tpu.memory_space<vmem>>, %arg9: memref<1x128xf32, #tpu.memory_space<vmem>>, %arg10: memref<4096x128xf32, #tpu.memory_space<vmem>>) attributes {dimension_semantics = [#tpu.dimension_semantics<arbitrary>], iteration_bounds = array<i64: 51>, scalar_prefetch = 0 : i64, scratch_operands = 0 : i64, tpu.core_type = #tpu.core_type<tc>, window_params = [{transform_indices = @transform_0, window_bounds = array<i64: 4096, 6>}, {transform_indices = @transform_1, window_bounds = array<i64: 4096, 128>}, {pipeline_mode = #tpu.pipeline_mode<synchronous>, transform_indices = @transform_2, window_bounds = array<i64: 6, 128>}, {pipeline_mode = #tpu.pipeline_mode<synchronous>, transform_indices = @transform_3, window_bounds = array<i64: 128, 128>}, {pipeline_mode = #tpu.pipeline_mode<synchronous>, transform_indices = @transform_4, window_bounds = array<i64: 1, 128>}, {pipeline_mode = #tpu.pipeline_mode<synchronous>, transform_indices = @transform_5, window_bounds = array<i64: 128, 128>}, {pipeline_mode = #tpu.pipeline_mode<synchronous>, transform_indices = @transform_6, window_bounds = array<i64: 1, 128>}, {pipeline_mode = #tpu.pipeline_mode<synchronous>, transform_indices = @transform_7, window_bounds = array<i64: 128, 128>}, {pipeline_mode = #tpu.pipeline_mode<synchronous>, transform_indices = @transform_8, window_bounds = array<i64: 1, 128>}, {transform_indices = @transform_9, window_bounds = array<i64: 4096, 128>}]} {
    %lt3A = arith.constant 25 : i32
    %lt3A_0 = arith.cmpi slt, %arg0, %lt3A : i32
    %convert_element_type3A = arith.extui %lt3A_0 : i1 to i32
    %cond3A = arith.constant 0 : i32
    %cond3A_1 = arith.cmpi ne, %convert_element_type3A, %cond3A : i32
    scf.if %cond3A_1 {
      %get3A = arith.constant 0 : index
      %get3A_10 = arith.constant 0 : index
      %get3A_11 = vector.load %arg1[%get3A, %get3A_10] : memref<4096x6xf32, #tpu.memory_space<vmem>>, vector<4096x6xf32>
      %convert_element_type3A_12 = arith.truncf %get3A_11 : vector<4096x6xf32> to vector<4096x6xbf16>
      %get3A_13 = arith.constant 0 : index
      %get3A_14 = arith.constant 0 : index
      %get3A_15 = vector.load %arg3[%get3A_13, %get3A_14] : memref<6x128xbf16, #tpu.memory_space<vmem>>, vector<6x128xbf16>
      %dot_general3A = arith.constant dense<0.000000e+00> : vector<4096x128xf32>
      %dot_general3A_16 = tpu.matmul %convert_element_type3A_12, %get3A_15, %dot_general3A {dimension_numbers = #tpu.dot_dimension_numbers<[1], [0], [0], [1], [0, 0, 1, 1], [], []>, transpose_lhs_hint = false} : vector<4096x6xbf16>, vector<6x128xbf16>, vector<4096x128xf32> -> vector<4096x128xf32>
      %get3A_17 = arith.constant 0 : index
      %get3A_18 = arith.constant 0 : index
      %get3A_19 = vector.load %arg2[%get3A_17, %get3A_18] : memref<4096x128xf32, #tpu.memory_space<vmem>>, vector<4096x128xf32>
      %convert_element_type3A_20 = arith.truncf %get3A_19 : vector<4096x128xf32> to vector<4096x128xbf16>
      %get3A_21 = arith.constant 0 : index
      %get3A_22 = arith.constant 0 : index
      %get3A_23 = vector.load %arg4[%get3A_21, %get3A_22] : memref<128x128xbf16, #tpu.memory_space<vmem>>, vector<128x128xbf16>
      %dot_general3A_24 = arith.constant dense<0.000000e+00> : vector<4096x128xf32>
      %dot_general3A_25 = tpu.matmul %convert_element_type3A_20, %get3A_23, %dot_general3A_24 {dimension_numbers = #tpu.dot_dimension_numbers<[1], [0], [0], [1], [0, 0, 1, 1], [], []>, transpose_lhs_hint = false} : vector<4096x128xbf16>, vector<128x128xbf16>, vector<4096x128xf32> -> vector<4096x128xf32>
      %add3A = arith.addf %dot_general3A_16, %dot_general3A_25 : vector<4096x128xf32>
      %get3A_26 = arith.constant 0 : index
      %get3A_27 = arith.constant 0 : index
      %get3A_28 = vector.load %arg5[%get3A_26, %get3A_27] : memref<1x128xf32, #tpu.memory_space<vmem>>, vector<1x128xf32>
      %add3A_29 = vector.broadcast %get3A_28 : vector<1x128xf32> to vector<4096x128xf32>
      %add3A_30 = arith.addf %add3A, %add3A_29 : vector<4096x128xf32>
      %max3A = arith.constant 0.000000e+00 : f32
      %max3A_31 = vector.broadcast %max3A : f32 to vector<4096x128xf32>
      %max3A_32 = arith.maximumf %add3A_30, %max3A_31 : vector<4096x128xf32>
      %convert_element_type3A_33 = arith.truncf %max3A_32 : vector<4096x128xf32> to vector<4096x128xbf16>
      %get3A_34 = arith.constant 0 : index
      %get3A_35 = arith.constant 0 : index
      %get3A_36 = vector.load %arg6[%get3A_34, %get3A_35] : memref<128x128xbf16, #tpu.memory_space<vmem>>, vector<128x128xbf16>
      %dot_general3A_37 = arith.constant dense<0.000000e+00> : vector<4096x128xf32>
      %dot_general3A_38 = tpu.matmul %convert_element_type3A_33, %get3A_36, %dot_general3A_37 {dimension_numbers = #tpu.dot_dimension_numbers<[1], [0], [0], [1], [0, 0, 1, 1], [], []>, transpose_lhs_hint = false} : vector<4096x128xbf16>, vector<128x128xbf16>, vector<4096x128xf32> -> vector<4096x128xf32>
      %get3A_39 = arith.constant 0 : index
      %get3A_40 = arith.constant 0 : index
      %get3A_41 = vector.load %arg7[%get3A_39, %get3A_40] : memref<1x128xf32, #tpu.memory_space<vmem>>, vector<1x128xf32>
      %add3A_42 = vector.broadcast %get3A_41 : vector<1x128xf32> to vector<4096x128xf32>
      %add3A_43 = arith.addf %dot_general3A_38, %add3A_42 : vector<4096x128xf32>
      %max3A_44 = arith.constant 0.000000e+00 : f32
      %max3A_45 = vector.broadcast %max3A_44 : f32 to vector<4096x128xf32>
      %max3A_46 = arith.maximumf %add3A_43, %max3A_45 : vector<4096x128xf32>
      %convert_element_type3A_47 = arith.truncf %max3A_46 : vector<4096x128xf32> to vector<4096x128xbf16>
      %get3A_48 = arith.constant 0 : index
      %get3A_49 = arith.constant 0 : index
      %get3A_50 = vector.load %arg8[%get3A_48, %get3A_49] : memref<128x128xbf16, #tpu.memory_space<vmem>>, vector<128x128xbf16>
      %dot_general3A_51 = arith.constant dense<0.000000e+00> : vector<4096x128xf32>
      %dot_general3A_52 = tpu.matmul %convert_element_type3A_47, %get3A_50, %dot_general3A_51 {dimension_numbers = #tpu.dot_dimension_numbers<[1], [0], [0], [1], [0, 0, 1, 1], [], []>, transpose_lhs_hint = false} : vector<4096x128xbf16>, vector<128x128xbf16>, vector<4096x128xf32> -> vector<4096x128xf32>
      %get3A_53 = arith.constant 0 : index
      %get3A_54 = arith.constant 0 : index
      %get3A_55 = vector.load %arg9[%get3A_53, %get3A_54] : memref<1x128xf32, #tpu.memory_space<vmem>>, vector<1x128xf32>
      %add3A_56 = vector.broadcast %get3A_55 : vector<1x128xf32> to vector<4096x128xf32>
      %add3A_57 = arith.addf %dot_general3A_52, %add3A_56 : vector<4096x128xf32>
      %swap3A = arith.constant 0 : index
      %swap3A_58 = arith.constant 0 : index
      %swap3A_59 = vector.load %arg10[%swap3A, %swap3A_58] : memref<4096x128xf32, #tpu.memory_space<vmem>>, vector<4096x128xf32>
      tpu.vector_store %arg10[%swap3A, %swap3A_58], %add3A_57 {strides = array<i32>} : memref<4096x128xf32, #tpu.memory_space<vmem>>, vector<4096x128xf32>,
    } else {
    }
    %eq3A = arith.constant 25 : i32
    %eq3A_2 = arith.cmpi eq, %arg0, %eq3A : i32
    %convert_element_type3A_3 = arith.extui %eq3A_2 : i1 to i32
    %cond3A_4 = arith.constant 0 : i32
    %cond3A_5 = arith.cmpi ne, %convert_element_type3A_3, %cond3A_4 : i32
    scf.if %cond3A_5 {
      %broadcast_in_dim3A = arith.constant 0.000000e+00 : f32
      %broadcast_in_dim3A_10 = vector.broadcast %broadcast_in_dim3A : f32 to vector<4096x128xf32>
      %swap3A = arith.constant 0 : index
      %swap3A_11 = arith.constant 0 : index
      %swap3A_12 = vector.load %arg10[%swap3A, %swap3A_11] : memref<4096x128xf32, #tpu.memory_space<vmem>>, vector<4096x128xf32>
      tpu.vector_store %arg10[%swap3A, %swap3A_11], %broadcast_in_dim3A_10 {strides = array<i32>} : memref<4096x128xf32, #tpu.memory_space<vmem>>, vector<4096x128xf32>,
    } else {
    }
    %gt3A = arith.constant 25 : i32
    %gt3A_6 = arith.cmpi sgt, %arg0, %gt3A : i32
    %convert_element_type3A_7 = arith.extui %gt3A_6 : i1 to i32
    %cond3A_8 = arith.constant 0 : i32
    %cond3A_9 = arith.cmpi ne, %convert_element_type3A_7, %cond3A_8 : i32
    scf.if %cond3A_9 {
      %get3A = arith.constant 0 : index
      %get3A_10 = arith.constant 0 : index
      %get3A_11 = vector.load %arg2[%get3A, %get3A_10] : memref<4096x128xf32, #tpu.memory_space<vmem>>, vector<4096x128xf32>
      %swap3A = arith.constant 0 : index
      %swap3A_12 = arith.constant 0 : index
      %swap3A_13 = vector.load %arg10[%swap3A, %swap3A_12] : memref<4096x128xf32, #tpu.memory_space<vmem>>, vector<4096x128xf32>
      tpu.vector_store %arg10[%swap3A, %swap3A_12], %get3A_11 {strides = array<i32>} : memref<4096x128xf32, #tpu.memory_space<vmem>>, vector<4096x128xf32>,
    } else {
    }
    return
  }
  func.func @transform_0(%arg0: i32) -> (i32, i32) {
    %min3A = arith.constant 24 : i32
    %min3A_0 = arith.minsi %arg0, %min3A : i32
    %c0_i32 = arith.constant 0 : i32
    %c0_i32_1 = arith.constant 0 : i32
    return %min3A_0, %c0_i32 : i32, i32
  }
  func.func @transform_1(%arg0: i32) -> (i32, i32) {
    %lt3A = arith.constant 25 : i32
    %lt3A_0 = arith.cmpi slt, %arg0, %lt3A : i32
    %sub3A = arith.constant 25 : i32
    %sub3A_1 = arith.subi %arg0, %sub3A : i32
    %sub3A_2 = arith.constant 1 : i32
    %sub3A_3 = arith.subi %sub3A_1, %sub3A_2 : i32
    %max3A = arith.constant 0 : i32
    %max3A_4 = arith.maxsi %sub3A_3, %max3A : i32
    %select_n3A = arith.select %lt3A_0, %arg0, %max3A_4 : i32
    %min3A = arith.constant 24 : i32
    %min3A_5 = arith.minsi %select_n3A, %min3A : i32
    %c0_i32 = arith.constant 0 : i32
    %c0_i32_6 = arith.constant 0 : i32
    return %min3A_5, %c0_i32 : i32, i32
  }
  func.func @transform_2(%arg0: i32) -> (i32, i32) {
    %c0_i32 = arith.constant 0 : i32
    %c0_i32_0 = arith.constant 0 : i32
    %c0_i32_1 = arith.constant 0 : i32
    return %c0_i32, %c0_i32_0 : i32, i32
  }
  func.func @transform_3(%arg0: i32) -> (i32, i32) {
    %c0_i32 = arith.constant 0 : i32
    %c0_i32_0 = arith.constant 0 : i32
    %c0_i32_1 = arith.constant 0 : i32
    return %c0_i32, %c0_i32_0 : i32, i32
  }
  func.func @transform_4(%arg0: i32) -> (i32, i32) {
    %c0_i32 = arith.constant 0 : i32
    %c0_i32_0 = arith.constant 0 : i32
    %c0_i32_1 = arith.constant 0 : i32
    return %c0_i32, %c0_i32_0 : i32, i32
  }
  func.func @transform_5(%arg0: i32) -> (i32, i32) {
    %c0_i32 = arith.constant 0 : i32
    %c0_i32_0 = arith.constant 0 : i32
    %c0_i32_1 = arith.constant 0 : i32
    return %c0_i32, %c0_i32_0 : i32, i32
  }
  func.func @transform_6(%arg0: i32) -> (i32, i32) {
    %c0_i32 = arith.constant 0 : i32
    %c0_i32_0 = arith.constant 0 : i32
    %c0_i32_1 = arith.constant 0 : i32
    return %c0_i32, %c0_i32_0 : i32, i32
  }
  func.func @transform_7(%arg0: i32) -> (i32, i32) {
    %c0_i32 = arith.constant 0 : i32
    %c0_i32_0 = arith.constant 0 : i32
    %c0_i32_1 = arith.constant 0 : i32
    return %c0_i32, %c0_i32_0 : i32, i32
  }
  func.func @transform_8(%arg0: i32) -> (i32, i32) {
    %c0_i32 = arith.constant 0 : i32
    %c0_i32_0 = arith.constant 0 : i32
    %c0_i32_1 = arith.constant 0 : i32
    return %c0_i32, %c0_i32_0 : i32, i32
  }
  func.func @transform_9(%arg0: i32) -> (i32, i32) {
    %c0_i32 = arith.constant 0 : i32
    %c0_i32_0 = arith.constant 0 : i32
    return %arg0, %c0_i32 : i32, i32
  }
}

</mosaic_0001>

<sc_bundles>
// kernel: kernel.5.cloned.1.call-start
scs
__scs_entry_jumppad:
0x0: {  	(pc) =	sbr.rel $0x88, $3  }
0x1: {  	(tag) =	ssettag $0x0;
	lr =	simm.s32 $0x1  }
0x2: {  	[smem:$0x3F98] =	sst lr;
	_ =	strace $0xD0000000  }
0x3: {  	_ = 	snop  }
0x4: {  	_ = 	snop  }
0x5: {  	_ = 	snop  }
0x6: {  	_ = 	snop  }
0x7: {  	_ = 	snop  }
__scs_overlays_trampoline_lowered:
0x8: {  	[smem:$0x3FA7] =	sst s0  }
0x9: {  	[smem:$0x3FA8] =	sst s1  }
0xa: {  	[smem:$0x3FA9] =	sst s2  }
0xb: {  	[smem:$0x3FAA] =	sst s3  }
0xc: {  	[smem:$0x3FAB] =	sst s4  }
0xd: {  	[smem:$0x3FAC] =	sst s5  }
0xe: {  	[smem:$0x3FAD] =	sst s6  }
0xf: {  	[smem:$0x3FAE] =	sst s7  }
0x10: {  	[smem:$0x3FAF] =	sst s8  }
0x11: {  	[smem:$0x3FB0] =	sst s9;
	s0 =	simm.s32 @!p0 $0x0  }
0x12: {  	s1 =	sld [smem:$0x3F96];
	s0 =	simm.s32 @p0 $0x1  }
0x13: {  	[smem:$0x3FB1] =	sst s0;
	s0 =	simm.s32 @!p1 $0x0  }
0x14: {  	s2 =	sld [smem:$0x3F95];
	s0 =	simm.s32 @p1 $0x1  }
0x15: {  	[smem:$0x3FB2] =	sst s0;
	s0 =	simm.s32 @!p2 $0x0  }
0x16: {  	s3 =	sld [smem:$0x3FDB];
	s0 =	simm.s32 @p2 $0x1  }
0x17: {  	s4 =	simm.s32 $0x1BF5;
	[smem:$0x3FB4] =	sst s0  }
0x18: {  	s0 =	sld [smem:$0x3F97];
	_ =	swait.ge [sflag:s4], $0x0  }
0x19: {  	s7 =	sld [smem:$0x3F98]  }
0x1a: {  	s8 =	sadd.s32 $0xFFFFE003, lr  }
0x1b: {  	s9 =	sadd.s32 $0xFFFFFEF7, lr;
	s5 =	simm.s32 $0xFFFFFFFF;
	p2 =	slt.u32 s8, $0xFFFFF086  }
0x1c: {  	p1 =	slt.u32 s9, $0xF7A;
	s5 =	simm.s32 @!p2 $0x0  }
0x1d: {  	s5 =	simm.s32 @p1 $0x1;
	p0 =	seq.s32 s7, s2  }
0x1e: {  	s7 =	smul.u32 @!p0 $0xF7A, s2;
	p2 =	seq.s32 @!p0 s5, $0x0  }
0x1f: {  	s9 =	smul.u32 $0xF7A, s1;
	s8 =	simm.s32 @!p0 $0x1BF5;
	p2 =	por !p2, p0  }
0x20: {  	[sflag:s8] =	ssyncset.s32 @!p0 $0xFFFFF086;
	s6 =	sadd.s32 @!p0 s3, s7;
	s7 =	simm.s32 @!p0 $0x108  }
0x21: {  	s3 =	sadd.s32 s3, s9;
	s6 =	sadd.s32 @!p0 $0x88, s6;
	s7 =	simm.s32 @p2 $0x1082  }
0x22: {  	[simem:s7], [sflag:s8] =	dma.local @!p0 [hbm:s6], $0xF7A  }
0x23: {  	s9 =	sor.u32 $0xD0000000, s2;
	s6 =	simm.s32 $0x108;
	_ =	swait.ge @!p0 [sflag:s8], $0x0  }
0x24: {  	s3 =	sadd.s32 $0x88, s3;
	s6 =	simm.s32 @!p1 $0x1082;
	[sflag:s4] =	ssyncset.s32 $0xFFFFF086  }
0x25: {  	[simem:s6], [sflag:s4] =	dma.local [hbm:s3], $0xF7A  }
0x26: {  	[smem:$0x3F98] =	sst s1;
	(tag) =	ssettag s2;
	_ =	strace s9  }
0x27: {  	s1 =	sld [smem:$0x3FA8]  }
0x28: {  	s2 =	sld [smem:$0x3FA9]  }
0x29: {  	s4 =	sld [smem:$0x3FAB]  }
0x2a: {  	p0 =	seq.s32 s5, $0x0;
	s5 =	sld [smem:$0x3FAC]  }
0x2b: {  	s6 =	sld [smem:$0x3FAD]  }
0x2c: {  	s7 =	sld [smem:$0x3FAE]  }
0x2d: {  	s3 =	simm.s32 $0x108;
	s8 =	sld [smem:$0x3FAF]  }
0x2e: {  	s3 =	simm.s32 @!p0 $0x1082;
	s9 =	sld [smem:$0x3FB0]  }
0x2f: {  	lr =	sadd.s32 s0, s3;
	s0 =	sld [smem:$0x3FA7]  }
0x30: {  	s3 =	sld [smem:$0x3FAA]  }
0x31: {  	[smem:$0x3FB3] =	sst s10  }
0x32: {  	s10 =	sld [smem:$0x3FB1];
	_ =	sdelay $0x3  }
0x33: {  	p0 =	seq.s32 s10, $0x1;
	s10 =	sld [smem:$0x3FB3];
	_ =	sdelay $0x3  }
0x34: {  	[smem:$0x3FB3] =	sst s10  }
0x35: {  	s10 =	sld [smem:$0x3FB2];
	_ =	sdelay $0x3  }
0x36: {  	p1 =	seq.s32 s10, $0x1;
	s10 =	sld [smem:$0x3FB3];
	_ =	sdelay $0x3  }
0x37: {  	[smem:$0x3FB3] =	sst s10  }
0x38: {  	s10 =	sld [smem:$0x3FB4]  }
0x39: {  	_ = 	snop;
	(pc) =	sbr.ind lr, $3  }
0x3a: {  	_ = 	snop  }
0x3b: {  	_ = 	snop  }
0x3c: {  	p2 =	seq.s32 s10, $0x1;
	s10 =	sld [smem:$0x3FB3]  }
0x3d: {  	_ =	shalt  }
0x3e: {  	_ =	shalt  }
0x3f: {  	_ =	shalt  }
0x40: {  	_ =	shalt  }
0x41: {  	_ =	shalt  }
0x42: {  	_ =	shalt  }
0x43: {  	_ =	shalt  }
0x44: {  	_ =	shalt  }
0x45: {  	_ =	shalt  }
0x46: {  	_ =	shalt  }
0x47: {  	_ =	shalt  }
0x48: {  	_ =	shalt  }
0x49: {  	_ =	shalt  }
0x4a: {  	_ =	shalt  }
0x4b: {  	_ =	shalt  }
0x4c: {  	_ =	shalt  }
0x4d: {  	_ =	shalt  }
0x4e: {  	_ =	shalt  }
0x4f: {  	_ =	shalt  }
0x50: {  	_ =	shalt  }
0x51: {  	_ =	shalt  }
0x52: {  	_ =	shalt  }
0x53: {  	_ =	shalt  }
0x54: {  	_ =	shalt  }
0x55: {  	_ =	shalt  }
0x56: {  	_ =	shalt  }
0x57: {  	_ =	shalt  }
0x58: {  	_ =	shalt  }
0x59: {  	_ =	shalt  }
0x5a: {  	_ =	shalt  }
0x5b: {  	_ =	shalt  }
0x5c: {  	_ =	shalt  }
0x5d: {  	_ =	shalt  }
0x5e: {  	_ =	shalt  }
0x5f: {  	_ =	shalt  }
0x60: {  	_ =	shalt  }
0x61: {  	_ =	shalt  }
0x62: {  	_ =	shalt  }
0x63: {  	_ =	shalt  }
0x64: {  	_ =	shalt  }
0x65: {  	_ =	shalt  }
0x66: {  	_ =	shalt  }
0x67: {  	_ =	shalt  }
0x68: {  	_ =	shalt  }
0x69: {  	_ =	shalt  }
0x6a: {  	_ =	shalt  }
0x6b: {  	_ =	shalt  }
0x6c: {  	_ =	shalt  }
0x6d: {  	_ =	shalt  }
0x6e: {  	_ =	shalt  }
0x6f: {  	_ =	shalt  }
0x70: {  	_ =	shalt  }
0x71: {  	_ =	shalt  }
0x72: {  	_ =	shalt  }
0x73: {  	_ =	shalt  }
0x74: {  	_ =	shalt  }
0x75: {  	_ =	shalt  }
0x76: {  	_ =	shalt  }
0x77: {  	_ =	shalt  }
0x78: {  	_ =	shalt  }
0x79: {  	_ =	shalt  }
0x7a: {  	_ =	shalt  }
0x7b: {  	_ =	shalt  }
0x7c: {  	_ =	shalt  }
0x7d: {  	_ =	shalt  }
0x7e: {  	_ =	shalt  }
0x7f: {  	_ =	shalt  }
0x80: {  	_ =	shalt  }
0x81: {  	_ =	shalt  }
0x82: {  	_ =	shalt  }
0x83: {  	_ =	shalt  }
0x84: {  	_ =	shalt  }
0x85: {  	_ =	shalt  }
0x86: {  	_ =	shalt  }
0x87: {  	_ =	shalt  }
.Lfunc_end0:
.L_simem_size_0:
called_computation_lowered:
.L_overlay_start_0:
0x88: {  	s2 =	sld [smem:$0x3FD9]  }
0x89: {  	s3 =	sld [smem:$0x3FFE];
	_ =	sdelay $0x1  }
0x8a: {  	s1 =	srdreg.scid  }
0x8b: {  	s0 =	sand.u32 $0x1, s1  }
0x8c: {  	s16 =	sshll.u32 s0, $0xA;
	s2 =	sadd.s32 s3, s2  }
0x8d: {  	s2 =	sadd.s32 s2, s16  }
0x8e: {  	[smem:$0x3FBF] =	sst s2  }
0x8f: {  	_ = 	snop  }
0x90: {  	(tm) =	ssettm $0x1  }
0x91: {  	s17 =	sld [smem:$0x3FFB];
	_ =	sdelay $0x3  }
0x92: {  	_ =	strace s17  }
0x93: {  	s2 =	sld [smem:$0x3FFC];
	_ =	sdelay $0x3  }
0x94: {  	_ =	strace s2  }
0x95: {  	s2 =	sld [smem:$0x3FFD];
	_ =	sdelay $0x3  }
0x96: {  	_ =	strace s2  }
0x97: {  	_ =	strace $0x8FFFFFFF  }
0x98: {  	s18 =	sld [smem:$0x3FDB];
	_ =	sdelay $0x1  }
0x99: {  	s19 =	simm.s32 $_scs_section_size  }
0x9a: {  	s4 =	simm.s32 $_size__tile_overlayer_lowered;
	s5 =	simm.s32 $_tile_overlayer_lowered  }
0x9b: {  	s22 =	simm.s32 $0x1BFF;
	s21 =	sshll.u32 s5, $0x1;
	s2 =	sadd.s32 s19, s18  }
0x9c: {  	s6 =	simm.s32 $0x0;
	s20 =	sshll.u32 s4, $0x1;
	s4 =	sadd.s32 s21, s2  }
0x9d: {  	[timem:s6], [sflag:s22] =	dma.local [hbm:s4], s20  }
0x9e: {  	_ =	swait.ge [sflag:s22], s20  }
0x9f: {  	s3 =	ssub.s32 $0x0, s20;
	[sflag:s22] =	ssyncset.done $0x0  }
0xa0: {  	[sflag:s22] =	ssyncadd.s32 s3;
	_ =	sdelay $0x1  }
0xa1: {  	s23 =	simm.s32 $0x1B8B  }
0xa2: {  	_ =	swait.ge [sflag:s23], $0x1  }
0xa3: {  	[sflag:s23] =	ssyncset.done $0x0  }
0xa4: {  	s25 =	simm.s32 $0x1B8E;
	s24 =	sld [smem:$0x3FFE];
	[sflag:s23] =	ssyncadd.s32 $0xFFFFFFFF  }
0xa5: {  	s26 =	simm.s32 $execute0_lowered;
	[smem:$0x3FD2] =	sst s25  }
0xa6: {  	s4 =	sshll.u32 s26, $0x1;
	_ =	strace $0x80000046;
	[dreg:$0x1] =	wrdreg $0xFFFFFFFF  }
0xa7: {  	s28 =	simm.s32 $_size_execute0_lowered;
	s2 =	sadd.s32 s2, s4;
	[dreg:$0x0] =	wrdreg $0x0  }
0xa8: {  	s4 =	sshll.u32 s28, $0x1;
	[dreg:$0x2] =	wrdreg s2  }
0xa9: {  	[dreg:$0x3] =	wrdreg s4  }
0xaa: {  	[dreg:$0x4] =	wrdreg $0xC0  }
0xab: {  	_ =	task [dreg:s6], $0x5FFFF  }
0xac: {  	[dreg:$0x1] =	wrdreg $0xFFFFFFFF  }
0xad: {  	[dreg:$0x0] =	wrdreg $0x60  }
0xae: {  	[dreg:$0x2] =	wrdreg s24  }
0xaf: {  	[dreg:$0x3] =	wrdreg $0x9  }
0xb0: {  	_ =	task.clear_ibuf [dreg:s6], $0x4FFFF;
	_ =	strace $0x90000046  }
0xb1: {  	s29 =	simm.s32 $0x9;
	_ =	strace $0x80000055  }
0xb2: {  	_ =	swait.ge [sflag:s29], $0x1  }
0xb3: {  	[sflag:s29] =	ssyncadd.s32 $0xFFFFFFFF  }
0xb4: {  	_ =	strace $0x90000055  }
0xb5: {  	_ =	sfence  }
0xb6: {  	s30 =	sld [smem:$0x0];
	_ =	sdelay $0x2  }
0xb7: {  	s31 =	sshll.u32 s1, $0xD;
	s1 =	sshrl.u32 s1, $0x2  }
0xb8: {  	s3 =	sand.u32 $0x4000, s31;
	s1 =	sadd.s32 s1, s30  }
0xb9: {  	s0 =	sor.u32 s3, s0;
	s1 =	sshll.u32 s1, $0x11  }
0xba: {  	s0 =	sor.u32 s1, s0  }
0xbb: {  	s0 =	sadd.s32 $0x8F2B, s0  }
0xbc: {  	[sflag:s0] =	ssyncadd.remote.s32 $0x1  }
0xbd: {  	_ =	sfence.sel $0xFFFF  }
0xbe: {  	[dreg:$0x0] =	wrdreg $0xFFFFFFFF;
	(pc) =	sbr.abs _section_cstart, $3  }
0xbf: {  	[dreg:$0x1] =	wrdreg $0xFFFFFFFF  }
0xc0: {  	_ =	task.clear_ibuf [dreg:s6], $0x2FFFF;
	_ =	strace $0x9FFFFFFF  }
0xc1: {  	(tm) =	ssettm $0x7FFFFFFF  }
tec
execute0_lowered:
.L_overlay_start_1:
0x0: {  	(tag) =	ssettag $0x1  }
0x1: {  	s1 =	srdreg.scid  }
0x2: {  	s0 =	stileid.u32;
	s4 =	rddreg [dreg:$0x0];
	s20 =	simm.s32 $0x1  }
0x3: {  	s21 =	simm.s32 $0x13800;
	s22 =	simm.s32 $0x14400;
	s23 =	simm.s32 $0x6400  }
0x4: {  	s24 =	simm.s32 $0xC800;
	s25 =	simm.s32 $0x80;
	s26 =	simm.s32 $0x400  }
0x5: {  	s28 =	simm.s32 $0x0;
	s1 =	sand.u32 $0x1, s1;
	s2 =	sshll.u32 s0, $0x1  }
0x6: {  	s15 =	sadd.s32 $0xA600, s4;
	s16 =	sadd.s32 $0x6E600, s4;
	s6 =	sshrl.u32 s0, $0x2  }
0x7: {  	s17 =	sadd.s32 $0xD2600, s4;
	s3 =	sor.u32 s1, s2;
	s6 =	smul.u32 $0xC8000, s6  }
0x8: {  	v0 =	vimm.s32 $0xFFEDCBA9;
	s2 =	simm.s32 $0x0;
	s1 =	ssub.s32 $0x2, s1;
	s19 =	smul.u32 $0xC00, s3  }
0x9: {  	v0 =	vunpack.c.l.s4.s8 v0;
	[smem:$0x7FF] =	sst s2;
	s7 =	sshrl.u32 s1, $0x1;
	s3 =	sshll.u32 s3, $0x7  }
0xa: {  	_ =	strace $0x80000047;
	s1 =	ssub.s32 s1, s7;
	s30 =	sand.u32 $0x380, s3  }
0xb: {  	v3 =	vunpack.c.0.s8.s32 v0;
	s5 =	sshrl.u32 s19, $0x3;
	s11 =	sor.u32 s6, s30;
	v0 =	vmov s19;
	s19 =	simm.s32 $0x12C00  }
0xc: {  	s5 =	sadd.s32 s5, s4;
	s8 =	sshrl.u32 s11, $0x3;
	s9 =	sadd.s32 $0x32000, s11  }
0xd: {  	s13 =	sadd.s32 $0x64000, s11;
	s31 =	sadd.s32 $0x96000, s11;
	s3 =	sadd.s32 $0x7600, s5  }
0xe: {  	v1 =	vimm.s32 $0x87654321;
	s4 =	sadd.s32 $0x4600, s5;
	s5 =	sadd.s32 $0x1600, s5;
	s6 =	sadd.s32 s15, s8  }
0xf: {  	v1 =	vunpack.c.l.s4.s8 v1;
	s7 =	sadd.s32 s16, s8;
	s12 =	sshrl.u32 s9, $0x3;
	s8 =	sadd.s32 s17, s8  }
0x10: {  	s14 =	sshrl.u32 s13, $0x3;
	s18 =	sshrl.u32 s31, $0x3;
	s9 =	sadd.s32 s15, s12  }
0x11: {  	v2 =	vlaneseq.u32;
	v4 =	vunpack.c.0.s8.s32 v1;
	s10 =	sadd.s32 s16, s12;
	s11 =	sadd.s32 s17, s12;
	s12 =	sadd.s32 s15, s14  }
0x12: {  	vm0 =	vcmask $0x3F3C;
	v5 =	vor.u32 $0xF3800000, v2;
	v6 =	vor.u32 $0xED400000, v2;
	s13 =	sadd.s32 s16, s14;
	s14 =	sadd.s32 s17, s14;
	s15 =	sadd.s32 s15, s18  }
0x13: {  	v1 =	vimm.s32 $0xFFFFFFFF;
	v3 =	vcombine.low v4, v3;
	v4 =	vor.u32 $0xF9C00000, v2;
	s16 =	sadd.s32 s16, s18;
	s17 =	sadd.s32 s17, s18;
	s18 =	smax.u32 s1, $0x1  }
.LBB2_1:
0x14: {  	_ =	strace $0x80000048  }
0x15: {  	[tilespmem:s19], [sflag:$0x1] =	stream.linear.gather [hbm4b:s3+s2], $0xC00, $0x200038;
	[tilespmem:$0x15000] =	vst v63  }
0x16: {  	_ =	swait.ge [sflag:s20], $0xC00  }
0x17: {  	[sflag:s20] =	ssyncset.done $0x0  }
0x18: {  	[sflag:s20] =	ssyncadd.s32 $0xFFFFF400  }
0x19: {  	[tilespmem:s21], [sflag:$0x1] =	stream.linear.gather [hbm4b:s4+s2], $0xC00, $0x200038;
	[tilespmem:$0x15000] =	vst v63  }
0x1a: {  	_ =	swait.ge [sflag:s20], $0xC00  }
0x1b: {  	[sflag:s20] =	ssyncset.done $0x0  }
0x1c: {  	[sflag:s20] =	ssyncadd.s32 $0xFFFFF400  }
0x1d: {  	[tilespmem:s22], [sflag:$0x1] =	stream.linear.gather [hbm4b:s5+s2], $0xC00, $0x200038;
	[tilespmem:$0x15000] =	vst v63  }
0x1e: {  	_ =	swait.ge [sflag:s20], $0xC00  }
0x1f: {  	[sflag:s20] =	ssyncset.done $0x0  }
0x20: {  	[sflag:s20] =	ssyncadd.s32 $0xFFFFF400  }
0x21: {  	_ =	strace $0x90000048  }
0x22: {  	s1 =	simm.s32 $0x40;
	s29 =	simm.s32 $0x0;
	_ =	strace $0x80000049  }
.LBB2_2:
0x23: {  	p0 =	sne.s32 s1, $0x18FC0;
	[tilespmem:s29+$0x0] =	vst v1;
	s29 =	smov.u32 s1;
	s1 =	sadd.s32 $0x40, s1  }
.Ltmp0:
0x24: {  	(pc) =	sbr.rel @p0 .LBB2_2-.Ltmp0, $2  }
0x25: {  	_ =	sdelay $0x2  }
0x26: {  	s29 =	sshra.s32 s29, $0x2  }
0x27: {  	[tilespmem:s29+$0x0] =	vst v1  }
0x28: {  	_ =	strace $0x90000049  }
0x29: {  	s29 =	simm.s32 $0x12C00;
	_ =	strace $0x8000004A  }
0x2a: {  	v7 =	vld [tilespmem:s29+$0x0];
	_ =	sdelay $0x3  }
0x2b: {  	s30 =	simm.s32 $0x13800  }
0x2c: {  	s1 =	simm.s32 $0x0;
	v9 =	vld [tilespmem:s30+$0x0];
	v8 =	vshll.u32 v7, $0xC  }
0x2d: {  	v8 =	vadd.s32 s1, v8  }
0x2e: {  	v8 =	vadd.s32 v2, v8  }
0x2f: {  	vm1 =	vlt.u32 v7, $0x6400;
	v7 =	vxor.u32 $0x80000000, v8  }
0x30: {  	v7 =	vnsel vm1, $0xFFFFFFFF, v7  }
0x31: {  	(xrf1) =	vsort.ascd.msk.u32 $0xffff, v7, v9;
	_ =	sdelay $0x7  }
0x32: {  	s31 =	simm.s32 $0x14400  }
0x33: {  	v8 =	vld [tilespmem:s31+$0x0];
	_ =	sdelay $0x4  }
0x34: {  	v9, v10, _ =	vpop (xrf1);
	(xrf1) =	vsort.ascd.msk.u32 $0xffff, v7, v8  }
0x35: {  	v7 =	vshrl.u32 v9, $0xC  }
0x36: {  	v8 =	vxor.u32 $0x80000, v7  }
0x37: {  	v11 =	vperm.xlane v8, v3;
	_ =	sdelay $0x1  }
0x38: {  	vm1 =	vne.s32 v8, v11  }
0x39: {  	vm2 =	vne.s32 v9, $0xFFFFFFFF;
	vm1 =	vmor vm1, vm0  }
0x3a: {  	v7 =	vand.u32 $0x7F, v7;
	v8 =	vand.u32 $0xFFF80, v8;
	vm1 =	vmand vm2, vm1  }
0x3b: {  	v7 =	vor.u32 v7, v8  }
0x3c: {  	v8 =	vand.u32 $0xFFF, v9  }
0x3d: {  	v8 =	vadd.s32 v0, v8;
	_ =	sdelay $0x2  }
0x3e: {  	[tilespmem:v7+s2+$0x0] =	vst.idx.msk vm1, v8  }
0x3f: {  	s1 =	simm.s32 $0x10;
	[tilespmem:v7+s23+$0x0] =	vst.idx.msk vm1, v10;
	_, v8, _ =	vpop (xrf1)  }
.LBB2_4:
0x40: {  	[tilespmem:v7+s24+$0x0] =	vst.idx.msk vm1, v8;
	s29 =	sadd.s32 $0x10, s29;
	s30 =	sadd.s32 $0x10, s30;
	s31 =	sadd.s32 $0x10, s31  }
0x41: {  	p0 =	sne.s32 s1, $0xBF0;
	s0 =	smov.u32 s1;
	s1 =	sadd.s32 $0x10, s1;
	v7 =	vld [tilespmem:s29+$0x0]  }
0x42: {  	_ =	sdelay $0x3  }
0x43: {  	v8 =	vshll.u32 v7, $0xC;
	v9 =	vld [tilespmem:s30+$0x0]  }
0x44: {  	v8 =	vadd.s32 s0, v8  }
0x45: {  	v8 =	vadd.s32 v2, v8  }
0x46: {  	vm1 =	vlt.u32 v7, $0x6400;
	v7 =	vxor.u32 $0x80000000, v8  }
0x47: {  	v7 =	vnsel vm1, $0xFFFFFFFF, v7  }
0x48: {  	(xrf1) =	vsort.ascd.msk.u32 $0xffff, v7, v9;
	_ =	sdelay $0x8  }
0x49: {  	v8 =	vld [tilespmem:s31+$0x0];
	_ =	sdelay $0x4  }
0x4a: {  	v9, v10, _ =	vpop (xrf1);
	(xrf1) =	vsort.ascd.msk.u32 $0xffff, v7, v8  }
0x4b: {  	v7 =	vshrl.u32 v9, $0xC;
	v8 =	vand.u32 $0xFFF, v9  }
0x4c: {  	v11 =	vxor.u32 $0x80000, v7  }
0x4d: {  	v12 =	vperm.xlane v11, v3;
	v13 =	vand.u32 $0xFFF80, v11;
	_ =	sdelay $0x1  }
0x4e: {  	vm1 =	vne.s32 v11, v12  }
0x4f: {  	vm2 =	vne.s32 v9, $0xFFFFFFFF;
	vm1 =	vmor vm1, vm0  }
0x50: {  	v7 =	vand.u32 $0x7F, v7;
	vm1 =	vmand vm2, vm1  }
0x51: {  	v7 =	vor.u32 v7, v13;
	_ =	sdelay $0x1  }
.Ltmp1:
0x52: {  	(pc) =	sbr.rel @p0 .LBB2_4-.Ltmp1, $4  }
0x53: {  	_ = 	snop  }
0x54: {  	v9 =	vadd.s32 v0, v8  }
0x55: {  	[tilespmem:v7+s2+$0x0] =	vst.idx.msk vm1, v9  }
0x56: {  	[tilespmem:v7+s23+$0x0] =	vst.idx.msk vm1, v10;
	_, v8, _ =	vpop (xrf1)  }
0x57: {  	_ =	sdelay $0x4  }
0x58: {  	[tilespmem:v7+s24+$0x0] =	vst.idx.msk vm1, v8  }
0x59: {  	_ =	strace $0x9000004A  }
0x5a: {  	s0 =	simm.s32 $0x0;
	_ =	strace $0x8000004B  }
0x5b: {  	[hbm4b:s6+s25] =	stream.strided.scatter [tilespmem:s0], [sflag:$0x1], $0x6400, s26, s25, $0x200038;
	[tilespmem:$0x15000] =	vst v63  }
0x5c: {  	_ =	swait.ge [sflag:s20], $0x6400  }
0x5d: {  	[sflag:s20] =	ssyncset.done $0x0  }
0x5e: {  	[sflag:s20] =	ssyncadd.s32 $0xFFFF9C00  }
0x5f: {  	[hbm4b:s7+s25] =	stream.strided.scatter [tilespmem:s23], [sflag:$0x1], $0x6400, s26, s25, $0x200038;
	[tilespmem:$0x15000] =	vst v63  }
0x60: {  	_ =	swait.ge [sflag:s20], $0x6400  }
0x61: {  	[sflag:s20] =	ssyncset.done $0x0  }
0x62: {  	[sflag:s20] =	ssyncadd.s32 $0xFFFF9C00  }
0x63: {  	[hbm4b:s8+s25] =	stream.strided.scatter [tilespmem:s24], [sflag:$0x1], $0x6400, s26, s25, $0x200038;
	[tilespmem:$0x15000] =	vst v63  }
0x64: {  	_ =	swait.ge [sflag:s20], $0x6400  }
0x65: {  	[sflag:s20] =	ssyncset.done $0x0  }
0x66: {  	[sflag:s20] =	ssyncadd.s32 $0xFFFF9C00  }
0x67: {  	_ =	strace $0x9000004B  }
0x68: {  	s1 =	simm.s32 $0x40;
	s29 =	simm.s32 $0x0;
	_ =	strace $0x8000004C  }
.LBB2_6:
0x69: {  	p0 =	sne.s32 s1, $0x18FC0;
	[tilespmem:s29+$0x0] =	vst v1;
	s0 =	smov.u32 s1;
	s1 =	sadd.s32 $0x40, s1  }
.Ltmp2:
0x6a: {  	(pc) =	sbr.rel @p0 .LBB2_6-.Ltmp2, $2  }
0x6b: {  	_ =	sdelay $0x2  }
0x6c: {  	s29 =	sshra.s32 s0, $0x2  }
0x6d: {  	[tilespmem:s29+$0x0] =	vst v1  }
0x6e: {  	_ =	strace $0x9000004C  }
0x6f: {  	s29 =	simm.s32 $0x12C00;
	_ =	strace $0x8000004D  }
0x70: {  	v7 =	vld [tilespmem:s29+$0x0];
	_ =	sdelay $0x3  }
0x71: {  	s30 =	simm.s32 $0x13800  }
0x72: {  	s0 =	simm.s32 $0x0;
	v9 =	vld [tilespmem:s30+$0x0];
	v8 =	vshll.u32 v7, $0xC  }
0x73: {  	v8 =	vadd.s32 s0, v8  }
0x74: {  	v7 =	vadd.s32 $0xFFFF9C00, v7;
	v8 =	vadd.s32 v4, v8  }
0x75: {  	vm1 =	vlt.u32 v7, $0x6400;
	v7 =	vxor.u32 $0x80000000, v8  }
0x76: {  	v7 =	vnsel vm1, $0xFFFFFFFF, v7  }
0x77: {  	(xrf1) =	vsort.ascd.msk.u32 $0xffff, v7, v9;
	_ =	sdelay $0x7  }
0x78: {  	s31 =	simm.s32 $0x14400  }
0x79: {  	v8 =	vld [tilespmem:s31+$0x0];
	_ =	sdelay $0x4  }
0x7a: {  	v9, v10, _ =	vpop (xrf1);
	(xrf1) =	vsort.ascd.msk.u32 $0xffff, v7, v8  }
0x7b: {  	v7 =	vshrl.u32 v9, $0xC  }
0x7c: {  	v8 =	vxor.u32 $0x80000, v7  }
0x7d: {  	v11 =	vperm.xlane v8, v3;
	_ =	sdelay $0x1  }
0x7e: {  	vm1 =	vne.s32 v8, v11  }
0x7f: {  	vm2 =	vne.s32 v9, $0xFFFFFFFF;
	vm1 =	vmor vm1, vm0  }
0x80: {  	v7 =	vand.u32 $0x7F, v7;
	v8 =	vand.u32 $0xFFF80, v8;
	vm1 =	vmand vm2, vm1  }
0x81: {  	v7 =	vor.u32 v7, v8  }
0x82: {  	v8 =	vand.u32 $0xFFF, v9  }
0x83: {  	v8 =	vadd.s32 v0, v8;
	_ =	sdelay $0x2  }
0x84: {  	[tilespmem:v7+s2+$0x0] =	vst.idx.msk vm1, v8  }
0x85: {  	s1 =	simm.s32 $0x10;
	[tilespmem:v7+s23+$0x0] =	vst.idx.msk vm1, v10;
	_, v8, _ =	vpop (xrf1)  }
.LBB2_8:
0x86: {  	[tilespmem:v7+s24+$0x0] =	vst.idx.msk vm1, v8;
	s29 =	sadd.s32 $0x10, s29;
	s30 =	sadd.s32 $0x10, s30;
	s31 =	sadd.s32 $0x10, s31  }
0x87: {  	p0 =	sne.s32 s1, $0xBF0;
	s0 =	smov.u32 s1;
	s1 =	sadd.s32 $0x10, s1;
	v7 =	vld [tilespmem:s29+$0x0]  }
0x88: {  	_ =	sdelay $0x3  }
0x89: {  	v8 =	vadd.s32 $0xFFFF9C00, v7;
	v7 =	vshll.u32 v7, $0xC;
	v9 =	vld [tilespmem:s30+$0x0]  }
0x8a: {  	v7 =	vadd.s32 s0, v7  }
0x8b: {  	v7 =	vadd.s32 v4, v7  }
0x8c: {  	vm1 =	vlt.u32 v8, $0x6400;
	v7 =	vxor.u32 $0x80000000, v7  }
0x8d: {  	v7 =	vnsel vm1, $0xFFFFFFFF, v7  }
0x8e: {  	(xrf1) =	vsort.ascd.msk.u32 $0xffff, v7, v9;
	_ =	sdelay $0x8  }
0x8f: {  	v8 =	vld [tilespmem:s31+$0x0];
	_ =	sdelay $0x4  }
0x90: {  	v9, v10, _ =	vpop (xrf1);
	(xrf1) =	vsort.ascd.msk.u32 $0xffff, v7, v8  }
0x91: {  	v7 =	vshrl.u32 v9, $0xC;
	v8 =	vand.u32 $0xFFF, v9  }
0x92: {  	v11 =	vxor.u32 $0x80000, v7  }
0x93: {  	v12 =	vperm.xlane v11, v3;
	v13 =	vand.u32 $0xFFF80, v11;
	_ =	sdelay $0x1  }
0x94: {  	vm1 =	vne.s32 v11, v12  }
0x95: {  	vm2 =	vne.s32 v9, $0xFFFFFFFF;
	vm1 =	vmor vm1, vm0  }
0x96: {  	v7 =	vand.u32 $0x7F, v7;
	vm1 =	vmand vm2, vm1  }
0x97: {  	v7 =	vor.u32 v7, v13;
	_ =	sdelay $0x1  }
.Ltmp3:
0x98: {  	(pc) =	sbr.rel @p0 .LBB2_8-.Ltmp3, $4  }
0x99: {  	_ = 	snop  }
0x9a: {  	v9 =	vadd.s32 v0, v8  }
0x9b: {  	[tilespmem:v7+s2+$0x0] =	vst.idx.msk vm1, v9  }
0x9c: {  	[tilespmem:v7+s23+$0x0] =	vst.idx.msk vm1, v10;
	_, v8, _ =	vpop (xrf1)  }
0x9d: {  	_ =	sdelay $0x4  }
0x9e: {  	[tilespmem:v7+s24+$0x0] =	vst.idx.msk vm1, v8  }
0x9f: {  	_ =	strace $0x9000004D  }
0xa0: {  	s0 =	simm.s32 $0x0;
	_ =	strace $0x8000004E  }
0xa1: {  	[hbm4b:s9+s25] =	stream.strided.scatter [tilespmem:s0], [sflag:$0x1], $0x6400, s26, s25, $0x200038;
	[tilespmem:$0x15000] =	vst v63  }
0xa2: {  	_ =	swait.ge [sflag:s20], $0x6400  }
0xa3: {  	[sflag:s20] =	ssyncset.done $0x0  }
0xa4: {  	[sflag:s20] =	ssyncadd.s32 $0xFFFF9C00  }
0xa5: {  	[hbm4b:s10+s25] =	stream.strided.scatter [tilespmem:s23], [sflag:$0x1], $0x6400, s26, s25, $0x200038;
	[tilespmem:$0x15000] =	vst v63  }
0xa6: {  	_ =	swait.ge [sflag:s20], $0x6400  }
0xa7: {  	[sflag:s20] =	ssyncset.done $0x0  }
0xa8: {  	[sflag:s20] =	ssyncadd.s32 $0xFFFF9C00  }
0xa9: {  	[hbm4b:s11+s25] =	stream.strided.scatter [tilespmem:s24], [sflag:$0x1], $0x6400, s26, s25, $0x200038;
	[tilespmem:$0x15000] =	vst v63  }
0xaa: {  	_ =	swait.ge [sflag:s20], $0x6400  }
0xab: {  	[sflag:s20] =	ssyncset.done $0x0  }
0xac: {  	[sflag:s20] =	ssyncadd.s32 $0xFFFF9C00  }
0xad: {  	_ =	strace $0x9000004E  }
0xae: {  	s1 =	simm.s32 $0x40;
	s29 =	simm.s32 $0x0;
	_ =	strace $0x8000004F  }
.LBB2_10:
0xaf: {  	p0 =	sne.s32 s1, $0x18FC0;
	[tilespmem:s29+$0x0] =	vst v1;
	s0 =	smov.u32 s1;
	s1 =	sadd.s32 $0x40, s1  }
.Ltmp4:
0xb0: {  	(pc) =	sbr.rel @p0 .LBB2_10-.Ltmp4, $2  }
0xb1: {  	_ =	sdelay $0x2  }
0xb2: {  	s29 =	sshra.s32 s0, $0x2  }
0xb3: {  	[tilespmem:s29+$0x0] =	vst v1  }
0xb4: {  	_ =	strace $0x9000004F  }
0xb5: {  	s29 =	simm.s32 $0x12C00;
	_ =	strace $0x80000050  }
0xb6: {  	v7 =	vld [tilespmem:s29+$0x0];
	_ =	sdelay $0x3  }
0xb7: {  	s30 =	simm.s32 $0x13800  }
0xb8: {  	s0 =	simm.s32 $0x0;
	v9 =	vld [tilespmem:s30+$0x0];
	v8 =	vshll.u32 v7, $0xC  }
0xb9: {  	v8 =	vadd.s32 s0, v8  }
0xba: {  	v7 =	vadd.s32 $0xFFFF3800, v7;
	v8 =	vadd.s32 v5, v8  }
0xbb: {  	vm1 =	vlt.u32 v7, $0x6400;
	v7 =	vxor.u32 $0x80000000, v8  }
0xbc: {  	v7 =	vnsel vm1, $0xFFFFFFFF, v7  }
0xbd: {  	(xrf1) =	vsort.ascd.msk.u32 $0xffff, v7, v9;
	_ =	sdelay $0x7  }
0xbe: {  	s31 =	simm.s32 $0x14400  }
0xbf: {  	v8 =	vld [tilespmem:s31+$0x0];
	_ =	sdelay $0x4  }
0xc0: {  	v9, v10, _ =	vpop (xrf1);
	(xrf1) =	vsort.ascd.msk.u32 $0xffff, v7, v8  }
0xc1: {  	v7 =	vshrl.u32 v9, $0xC  }
0xc2: {  	v8 =	vxor.u32 $0x80000, v7  }
0xc3: {  	v11 =	vperm.xlane v8, v3;
	_ =	sdelay $0x1  }
0xc4: {  	vm1 =	vne.s32 v8, v11  }
0xc5: {  	vm2 =	vne.s32 v9, $0xFFFFFFFF;
	vm1 =	vmor vm1, vm0  }
0xc6: {  	v7 =	vand.u32 $0x7F, v7;
	v8 =	vand.u32 $0xFFF80, v8;
	vm1 =	vmand vm2, vm1  }
0xc7: {  	v7 =	vor.u32 v7, v8  }
0xc8: {  	v8 =	vand.u32 $0xFFF, v9  }
0xc9: {  	v8 =	vadd.s32 v0, v8;
	_ =	sdelay $0x2  }
0xca: {  	[tilespmem:v7+s2+$0x0] =	vst.idx.msk vm1, v8  }
0xcb: {  	s1 =	simm.s32 $0x10;
	[tilespmem:v7+s23+$0x0] =	vst.idx.msk vm1, v10;
	_, v8, _ =	vpop (xrf1)  }
.LBB2_12:
0xcc: {  	[tilespmem:v7+s24+$0x0] =	vst.idx.msk vm1, v8;
	s29 =	sadd.s32 $0x10, s29;
	s30 =	sadd.s32 $0x10, s30;
	s31 =	sadd.s32 $0x10, s31  }
0xcd: {  	p0 =	sne.s32 s1, $0xBF0;
	s0 =	smov.u32 s1;
	s1 =	sadd.s32 $0x10, s1;
	v7 =	vld [tilespmem:s29+$0x0]  }
0xce: {  	_ =	sdelay $0x3  }
0xcf: {  	v8 =	vadd.s32 $0xFFFF3800, v7;
	v7 =	vshll.u32 v7, $0xC;
	v9 =	vld [tilespmem:s30+$0x0]  }
0xd0: {  	v7 =	vadd.s32 s0, v7  }
0xd1: {  	v7 =	vadd.s32 v5, v7  }
0xd2: {  	vm1 =	vlt.u32 v8, $0x6400;
	v7 =	vxor.u32 $0x80000000, v7  }
0xd3: {  	v7 =	vnsel vm1, $0xFFFFFFFF, v7  }
0xd4: {  	(xrf1) =	vsort.ascd.msk.u32 $0xffff, v7, v9;
	_ =	sdelay $0x8  }
0xd5: {  	v8 =	vld [tilespmem:s31+$0x0];
	_ =	sdelay $0x4  }
0xd6: {  	v9, v10, _ =	vpop (xrf1);
	(xrf1) =	vsort.ascd.msk.u32 $0xffff, v7, v8  }
0xd7: {  	v7 =	vshrl.u32 v9, $0xC;
	v8 =	vand.u32 $0xFFF, v9  }
0xd8: {  	v11 =	vxor.u32 $0x80000, v7  }
0xd9: {  	v12 =	vperm.xlane v11, v3;
	v13 =	vand.u32 $0xFFF80, v11;
	_ =	sdelay $0x1  }
0xda: {  	vm1 =	vne.s32 v11, v12  }
0xdb: {  	vm2 =	vne.s32 v9, $0xFFFFFFFF;
	vm1 =	vmor vm1, vm0  }
0xdc: {  	v7 =	vand.u32 $0x7F, v7;
	vm1 =	vmand vm2, vm1  }
0xdd: {  	v7 =	vor.u32 v7, v13;
	_ =	sdelay $0x1  }
.Ltmp5:
0xde: {  	(pc) =	sbr.rel @p0 .LBB2_12-.Ltmp5, $4  }
0xdf: {  	_ = 	snop  }
0xe0: {  	v9 =	vadd.s32 v0, v8  }
0xe1: {  	[tilespmem:v7+s2+$0x0] =	vst.idx.msk vm1, v9  }
0xe2: {  	[tilespmem:v7+s23+$0x0] =	vst.idx.msk vm1, v10;
	_, v8, _ =	vpop (xrf1)  }
0xe3: {  	_ =	sdelay $0x4  }
0xe4: {  	[tilespmem:v7+s24+$0x0] =	vst.idx.msk vm1, v8  }
0xe5: {  	_ =	strace $0x90000050  }
0xe6: {  	s0 =	simm.s32 $0x0;
	_ =	strace $0x80000051  }
0xe7: {  	[hbm4b:s12+s25] =	stream.strided.scatter [tilespmem:s0], [sflag:$0x1], $0x6400, s26, s25, $0x200038;
	[tilespmem:$0x15000] =	vst v63  }
0xe8: {  	_ =	swait.ge [sflag:s20], $0x6400  }
0xe9: {  	[sflag:s20] =	ssyncset.done $0x0  }
0xea: {  	[sflag:s20] =	ssyncadd.s32 $0xFFFF9C00  }
0xeb: {  	[hbm4b:s13+s25] =	stream.strided.scatter [tilespmem:s23], [sflag:$0x1], $0x6400, s26, s25, $0x200038;
	[tilespmem:$0x15000] =	vst v63  }
0xec: {  	_ =	swait.ge [sflag:s20], $0x6400  }
0xed: {  	[sflag:s20] =	ssyncset.done $0x0  }
0xee: {  	[sflag:s20] =	ssyncadd.s32 $0xFFFF9C00  }
0xef: {  	[hbm4b:s14+s25] =	stream.strided.scatter [tilespmem:s24], [sflag:$0x1], $0x6400, s26, s25, $0x200038;
	[tilespmem:$0x15000] =	vst v63  }
0xf0: {  	_ =	swait.ge [sflag:s20], $0x6400  }
0xf1: {  	[sflag:s20] =	ssyncset.done $0x0  }
0xf2: {  	[sflag:s20] =	ssyncadd.s32 $0xFFFF9C00  }
0xf3: {  	_ =	strace $0x90000051  }
0xf4: {  	s1 =	simm.s32 $0x40;
	s29 =	simm.s32 $0x0;
	_ =	strace $0x80000052  }
.LBB2_14:
0xf5: {  	p0 =	sne.s32 s1, $0x18FC0;
	[tilespmem:s29+$0x0] =	vst v1;
	s0 =	smov.u32 s1;
	s1 =	sadd.s32 $0x40, s1  }
.Ltmp6:
0xf6: {  	(pc) =	sbr.rel @p0 .LBB2_14-.Ltmp6, $2  }
0xf7: {  	_ =	sdelay $0x2  }
0xf8: {  	s29 =	sshra.s32 s0, $0x2  }
0xf9: {  	[tilespmem:s29+$0x0] =	vst v1  }
0xfa: {  	_ =	strace $0x90000052  }
0xfb: {  	s29 =	simm.s32 $0x12C00;
	_ =	strace $0x80000053  }
0xfc: {  	v7 =	vld [tilespmem:s29+$0x0];
	_ =	sdelay $0x3  }
0xfd: {  	s30 =	simm.s32 $0x13800  }
0xfe: {  	s0 =	simm.s32 $0x0;
	v9 =	vld [tilespmem:s30+$0x0];
	v8 =	vshll.u32 v7, $0xC  }
0xff: {  	v8 =	vadd.s32 s0, v8  }
0x100: {  	v7 =	vadd.s32 $0xFFFED400, v7;
	v8 =	vadd.s32 v6, v8  }
0x101: {  	vm1 =	vlt.u32 v7, $0x6400;
	v7 =	vxor.u32 $0x80000000, v8  }
0x102: {  	v7 =	vnsel vm1, $0xFFFFFFFF, v7  }
0x103: {  	(xrf1) =	vsort.ascd.msk.u32 $0xffff, v7, v9;
	_ =	sdelay $0x7  }
0x104: {  	s31 =	simm.s32 $0x14400  }
0x105: {  	v8 =	vld [tilespmem:s31+$0x0];
	_ =	sdelay $0x4  }
0x106: {  	v9, v10, _ =	vpop (xrf1);
	(xrf1) =	vsort.ascd.msk.u32 $0xffff, v7, v8  }
0x107: {  	v7 =	vshrl.u32 v9, $0xC  }
0x108: {  	v8 =	vxor.u32 $0x80000, v7  }
0x109: {  	v11 =	vperm.xlane v8, v3;
	_ =	sdelay $0x1  }
0x10a: {  	vm1 =	vne.s32 v8, v11  }
0x10b: {  	vm2 =	vne.s32 v9, $0xFFFFFFFF;
	vm1 =	vmor vm1, vm0  }
0x10c: {  	v7 =	vand.u32 $0x7F, v7;
	v8 =	vand.u32 $0xFFF80, v8;
	vm1 =	vmand vm2, vm1  }
0x10d: {  	v7 =	vor.u32 v7, v8  }
0x10e: {  	v8 =	vand.u32 $0xFFF, v9  }
0x10f: {  	v8 =	vadd.s32 v0, v8;
	_ =	sdelay $0x2  }
0x110: {  	[tilespmem:v7+s2+$0x0] =	vst.idx.msk vm1, v8  }
0x111: {  	s1 =	simm.s32 $0x10;
	[tilespmem:v7+s23+$0x0] =	vst.idx.msk vm1, v10;
	_, v8, _ =	vpop (xrf1)  }
.LBB2_16:
0x112: {  	[tilespmem:v7+s24+$0x0] =	vst.idx.msk vm1, v8;
	s29 =	sadd.s32 $0x10, s29;
	s30 =	sadd.s32 $0x10, s30;
	s31 =	sadd.s32 $0x10, s31  }
0x113: {  	p0 =	sne.s32 s1, $0xBF0;
	s0 =	smov.u32 s1;
	s1 =	sadd.s32 $0x10, s1;
	v7 =	vld [tilespmem:s29+$0x0]  }
0x114: {  	_ =	sdelay $0x3  }
0x115: {  	v8 =	vadd.s32 $0xFFFED400, v7;
	v7 =	vshll.u32 v7, $0xC;
	v9 =	vld [tilespmem:s30+$0x0]  }
0x116: {  	v7 =	vadd.s32 s0, v7  }
0x117: {  	v7 =	vadd.s32 v6, v7  }
0x118: {  	vm1 =	vlt.u32 v8, $0x6400;
	v7 =	vxor.u32 $0x80000000, v7  }
0x119: {  	v7 =	vnsel vm1, $0xFFFFFFFF, v7  }
0x11a: {  	(xrf1) =	vsort.ascd.msk.u32 $0xffff, v7, v9;
	_ =	sdelay $0x8  }
0x11b: {  	v8 =	vld [tilespmem:s31+$0x0];
	_ =	sdelay $0x4  }
0x11c: {  	v9, v10, _ =	vpop (xrf1);
	(xrf1) =	vsort.ascd.msk.u32 $0xffff, v7, v8  }
0x11d: {  	v7 =	vshrl.u32 v9, $0xC;
	v8 =	vand.u32 $0xFFF, v9  }
0x11e: {  	v11 =	vxor.u32 $0x80000, v7  }
0x11f: {  	v12 =	vperm.xlane v11, v3;
	v13 =	vand.u32 $0xFFF80, v11;
	_ =	sdelay $0x1  }
0x120: {  	vm1 =	vne.s32 v11, v12  }
0x121: {  	vm2 =	vne.s32 v9, $0xFFFFFFFF;
	vm1 =	vmor vm1, vm0  }
0x122: {  	v7 =	vand.u32 $0x7F, v7;
	vm1 =	vmand vm2, vm1  }
0x123: {  	v7 =	vor.u32 v7, v13;
	_ =	sdelay $0x1  }
.Ltmp7:
0x124: {  	(pc) =	sbr.rel @p0 .LBB2_16-.Ltmp7, $4  }
0x125: {  	_ = 	snop  }
0x126: {  	v9 =	vadd.s32 v0, v8  }
0x127: {  	[tilespmem:v7+s2+$0x0] =	vst.idx.msk vm1, v9  }
0x128: {  	[tilespmem:v7+s23+$0x0] =	vst.idx.msk vm1, v10;
	_, v8, _ =	vpop (xrf1)  }
0x129: {  	_ =	sdelay $0x4  }
0x12a: {  	[tilespmem:v7+s24+$0x0] =	vst.idx.msk vm1, v8  }
0x12b: {  	_ =	strace $0x90000053  }
0x12c: {  	_ =	strace $0x80000054  }
0x12d: {  	[hbm4b:s15+s25] =	stream.strided.scatter [tilespmem:s2], [sflag:$0x1], $0x6400, s26, s25, $0x200038;
	[tilespmem:$0x15000] =	vst v63  }
0x12e: {  	_ =	swait.ge [sflag:s20], $0x6400  }
0x12f: {  	[sflag:s20] =	ssyncset.done $0x0  }
0x130: {  	[sflag:s20] =	ssyncadd.s32 $0xFFFF9C00  }
0x131: {  	[hbm4b:s16+s25] =	stream.strided.scatter [tilespmem:s23], [sflag:$0x1], $0x6400, s26, s25, $0x200038;
	[tilespmem:$0x15000] =	vst v63  }
0x132: {  	_ =	swait.ge [sflag:s20], $0x6400  }
0x133: {  	s28 =	sadd.s32 $0x1, s28;
	[sflag:s20] =	ssyncset.done $0x0  }
0x134: {  	p0 =	sne.s32 s28, s18;
	[sflag:s20] =	ssyncadd.s32 $0xFFFF9C00  }
0x135: {  	[hbm4b:s17+s25] =	stream.strided.scatter [tilespmem:s24], [sflag:$0x1], $0x6400, s26, s25, $0x200038;
	[tilespmem:$0x15000] =	vst v63  }
.Ltmp8:
0x136: {  	_ = 	snop;
	(pc) =	sbr.rel @p0 .LBB2_1-.Ltmp8, $4  }
0x137: {  	_ =	swait.ge [sflag:s20], $0x6400  }
0x138: {  	[sflag:s20] =	ssyncset.done $0x0  }
0x139: {  	[sflag:s20] =	ssyncadd.s32 $0xFFFF9C00  }
0x13a: {  	_ =	strace $0x90000054  }
0x13b: {  	_ =	sfence.sel $0x180000  }
0x13c: {  	[bflag:$0x0] =	sbarrier.arrive $0xFFFF  }
0x13d: {  	_ =	strace $0x90000047  }
0x13e: {  	s0 =	stileid.u32;
	[bflag:$0x2] =	sbarrier.arrive $0xFFFF  }
0x13f: {  	p0 =	sne.s32 s0, $0x0;
	s0 =	rddreg [dreg:$0x1]  }
0x140: {  	s0 =	sadd.s32 @!p0 $0x100000, s0  }
0x141: {  	[sflag:s0] =	ssyncadd.tile.s32 @!p0 $0x1;
	_ =	shalt  }
.Lfunc_end2:
_tile_overlayer_lowered:
.L_overlay_start_2:
0x142: {  	(tag) =	ssettag $0x2  }
0x143: {  	s0 =	rddreg [dreg:$0x0];
	s2 =	stileid.u32  }
0x144: {  	s1 =	rddreg [dreg:$0x1];
	p0 =	sne.s32 s2, $0x0  }
0x145: {  	s3 =	rddreg [dreg:$0x2];
	[bflag:$0x3] =	sbarrier.arrive $0xFFFF;
	s2 =	simm.s32 @!p0 $0x1C01  }
0x146: {  	[timem:s3], [sflag:s2] =	dma.local @!p0 [hbm:s0], s1  }
0x147: {  	s0 =	simm.s32 @!p0 $0x1  }
0x148: {  	_ =	swait.ge @!p0 [sflag:s0], s1  }
0x149: {  	s1 =	ssub.s32 @!p0 $0x0, s1;
	[sflag:s0] =	ssyncset.done @!p0 $0x0  }
0x14a: {  	[sflag:s0] =	ssyncadd.s32 @!p0 s1  }
0x14b: {  	[bflag:$0x3] =	sbarrier.arrive $0xFFFF  }
0x14c: {  	_ =	shalt  }

// kernel: kernel.8.cloned.1.call-start
scs
__scs_entry_jumppad:
0x0: {  	(pc) =	sbr.rel $0x88, $3  }
0x1: {  	(tag) =	ssettag $0x0;
	lr =	simm.s32 $0x1  }
0x2: {  	[smem:$0x3F98] =	sst lr;
	_ =	strace $0xD0000000  }
0x3: {  	_ = 	snop  }
0x4: {  	_ = 	snop  }
0x5: {  	_ = 	snop  }
0x6: {  	_ = 	snop  }
0x7: {  	_ = 	snop  }
__scs_overlays_trampoline_lowered:
0x8: {  	[smem:$0x3FA7] =	sst s0  }
0x9: {  	[smem:$0x3FA8] =	sst s1  }
0xa: {  	[smem:$0x3FA9] =	sst s2  }
0xb: {  	[smem:$0x3FAA] =	sst s3  }
0xc: {  	[smem:$0x3FAB] =	sst s4  }
0xd: {  	[smem:$0x3FAC] =	sst s5  }
0xe: {  	[smem:$0x3FAD] =	sst s6  }
0xf: {  	[smem:$0x3FAE] =	sst s7  }
0x10: {  	[smem:$0x3FAF] =	sst s8  }
0x11: {  	[smem:$0x3FB0] =	sst s9;
	s0 =	simm.s32 @!p0 $0x0  }
0x12: {  	s1 =	sld [smem:$0x3F96];
	s0 =	simm.s32 @p0 $0x1  }
0x13: {  	[smem:$0x3FB1] =	sst s0;
	s0 =	simm.s32 @!p1 $0x0  }
0x14: {  	s2 =	sld [smem:$0x3F95];
	s0 =	simm.s32 @p1 $0x1  }
0x15: {  	[smem:$0x3FB2] =	sst s0;
	s0 =	simm.s32 @!p2 $0x0  }
0x16: {  	s3 =	sld [smem:$0x3FDB];
	s0 =	simm.s32 @p2 $0x1  }
0x17: {  	s4 =	simm.s32 $0x1BF5;
	[smem:$0x3FB4] =	sst s0  }
0x18: {  	s0 =	sld [smem:$0x3F97];
	_ =	swait.ge [sflag:s4], $0x0  }
0x19: {  	s7 =	sld [smem:$0x3F98]  }
0x1a: {  	s8 =	sadd.s32 $0xFFFFE003, lr  }
0x1b: {  	s9 =	sadd.s32 $0xFFFFFEF7, lr;
	s5 =	simm.s32 $0xFFFFFFFF;
	p2 =	slt.u32 s8, $0xFFFFF086  }
0x1c: {  	p1 =	slt.u32 s9, $0xF7A;
	s5 =	simm.s32 @!p2 $0x0  }
0x1d: {  	s5 =	simm.s32 @p1 $0x1;
	p0 =	seq.s32 s7, s2  }
0x1e: {  	s7 =	smul.u32 @!p0 $0xF7A, s2;
	p2 =	seq.s32 @!p0 s5, $0x0  }
0x1f: {  	s9 =	smul.u32 $0xF7A, s1;
	s8 =	simm.s32 @!p0 $0x1BF5;
	p2 =	por !p2, p0  }
0x20: {  	[sflag:s8] =	ssyncset.s32 @!p0 $0xFFFFF086;
	s6 =	sadd.s32 @!p0 s3, s7;
	s7 =	simm.s32 @!p0 $0x108  }
0x21: {  	s3 =	sadd.s32 s3, s9;
	s6 =	sadd.s32 @!p0 $0x88, s6;
	s7 =	simm.s32 @p2 $0x1082  }
0x22: {  	[simem:s7], [sflag:s8] =	dma.local @!p0 [hbm:s6], $0xF7A  }
0x23: {  	s9 =	sor.u32 $0xD0000000, s2;
	s6 =	simm.s32 $0x108;
	_ =	swait.ge @!p0 [sflag:s8], $0x0  }
0x24: {  	s3 =	sadd.s32 $0x88, s3;
	s6 =	simm.s32 @!p1 $0x1082;
	[sflag:s4] =	ssyncset.s32 $0xFFFFF086  }
0x25: {  	[simem:s6], [sflag:s4] =	dma.local [hbm:s3], $0xF7A  }
0x26: {  	[smem:$0x3F98] =	sst s1;
	(tag) =	ssettag s2;
	_ =	strace s9  }
0x27: {  	s1 =	sld [smem:$0x3FA8]  }
0x28: {  	s2 =	sld [smem:$0x3FA9]  }
0x29: {  	s4 =	sld [smem:$0x3FAB]  }
0x2a: {  	p0 =	seq.s32 s5, $0x0;
	s5 =	sld [smem:$0x3FAC]  }
0x2b: {  	s6 =	sld [smem:$0x3FAD]  }
0x2c: {  	s7 =	sld [smem:$0x3FAE]  }
0x2d: {  	s3 =	simm.s32 $0x108;
	s8 =	sld [smem:$0x3FAF]  }
0x2e: {  	s3 =	simm.s32 @!p0 $0x1082;
	s9 =	sld [smem:$0x3FB0]  }
0x2f: {  	lr =	sadd.s32 s0, s3;
	s0 =	sld [smem:$0x3FA7]  }
0x30: {  	s3 =	sld [smem:$0x3FAA]  }
0x31: {  	[smem:$0x3FB3] =	sst s10  }
0x32: {  	s10 =	sld [smem:$0x3FB1];
	_ =	sdelay $0x3  }
0x33: {  	p0 =	seq.s32 s10, $0x1;
	s10 =	sld [smem:$0x3FB3];
	_ =	sdelay $0x3  }
0x34: {  	[smem:$0x3FB3] =	sst s10  }
0x35: {  	s10 =	sld [smem:$0x3FB2];
	_ =	sdelay $0x3  }
0x36: {  	p1 =	seq.s32 s10, $0x1;
	s10 =	sld [smem:$0x3FB3];
	_ =	sdelay $0x3  }
0x37: {  	[smem:$0x3FB3] =	sst s10  }
0x38: {  	s10 =	sld [smem:$0x3FB4]  }
0x39: {  	_ = 	snop;
	(pc) =	sbr.ind lr, $3  }
0x3a: {  	_ = 	snop  }
0x3b: {  	_ = 	snop  }
0x3c: {  	p2 =	seq.s32 s10, $0x1;
	s10 =	sld [smem:$0x3FB3]  }
0x3d: {  	_ =	shalt  }
0x3e: {  	_ =	shalt  }
0x3f: {  	_ =	shalt  }
0x40: {  	_ =	shalt  }
0x41: {  	_ =	shalt  }
0x42: {  	_ =	shalt  }
0x43: {  	_ =	shalt  }
0x44: {  	_ =	shalt  }
0x45: {  	_ =	shalt  }
0x46: {  	_ =	shalt  }
0x47: {  	_ =	shalt  }
0x48: {  	_ =	shalt  }
0x49: {  	_ =	shalt  }
0x4a: {  	_ =	shalt  }
0x4b: {  	_ =	shalt  }
0x4c: {  	_ =	shalt  }
0x4d: {  	_ =	shalt  }
0x4e: {  	_ =	shalt  }
0x4f: {  	_ =	shalt  }
0x50: {  	_ =	shalt  }
0x51: {  	_ =	shalt  }
0x52: {  	_ =	shalt  }
0x53: {  	_ =	shalt  }
0x54: {  	_ =	shalt  }
0x55: {  	_ =	shalt  }
0x56: {  	_ =	shalt  }
0x57: {  	_ =	shalt  }
0x58: {  	_ =	shalt  }
0x59: {  	_ =	shalt  }
0x5a: {  	_ =	shalt  }
0x5b: {  	_ =	shalt  }
0x5c: {  	_ =	shalt  }
0x5d: {  	_ =	shalt  }
0x5e: {  	_ =	shalt  }
0x5f: {  	_ =	shalt  }
0x60: {  	_ =	shalt  }
0x61: {  	_ =	shalt  }
0x62: {  	_ =	shalt  }
0x63: {  	_ =	shalt  }
0x64: {  	_ =	shalt  }
0x65: {  	_ =	shalt  }
0x66: {  	_ =	shalt  }
0x67: {  	_ =	shalt  }
0x68: {  	_ =	shalt  }
0x69: {  	_ =	shalt  }
0x6a: {  	_ =	shalt  }
0x6b: {  	_ =	shalt  }
0x6c: {  	_ =	shalt  }
0x6d: {  	_ =	shalt  }
0x6e: {  	_ =	shalt  }
0x6f: {  	_ =	shalt  }
0x70: {  	_ =	shalt  }
0x71: {  	_ =	shalt  }
0x72: {  	_ =	shalt  }
0x73: {  	_ =	shalt  }
0x74: {  	_ =	shalt  }
0x75: {  	_ =	shalt  }
0x76: {  	_ =	shalt  }
0x77: {  	_ =	shalt  }
0x78: {  	_ =	shalt  }
0x79: {  	_ =	shalt  }
0x7a: {  	_ =	shalt  }
0x7b: {  	_ =	shalt  }
0x7c: {  	_ =	shalt  }
0x7d: {  	_ =	shalt  }
0x7e: {  	_ =	shalt  }
0x7f: {  	_ =	shalt  }
0x80: {  	_ =	shalt  }
0x81: {  	_ =	shalt  }
0x82: {  	_ =	shalt  }
0x83: {  	_ =	shalt  }
0x84: {  	_ =	shalt  }
0x85: {  	_ =	shalt  }
0x86: {  	_ =	shalt  }
0x87: {  	_ =	shalt  }
.Lfunc_end0:
.L_simem_size_0:
called_computation.1_lowered:
.L_overlay_start_0:
0x88: {  	s2 =	sld [smem:$0x3FD9]  }
0x89: {  	s3 =	sld [smem:$0x3FFE];
	_ =	sdelay $0x1  }
0x8a: {  	s1 =	srdreg.scid  }
0x8b: {  	s0 =	sand.u32 $0x1, s1  }
0x8c: {  	s17 =	sshll.u32 s0, $0xA;
	s2 =	sadd.s32 s3, s2  }
0x8d: {  	s2 =	sadd.s32 s2, s17  }
0x8e: {  	[smem:$0x3FBF] =	sst s2  }
0x8f: {  	_ = 	snop  }
0x90: {  	s2 =	sld [smem:$0x3FD0];
	(tm) =	ssettm $0x1  }
0x91: {  	s18 =	sld [smem:$0x3FFB];
	_ =	sdelay $0x3  }
0x92: {  	_ =	strace s18  }
0x93: {  	s3 =	sld [smem:$0x3FFC];
	_ =	sdelay $0x3  }
0x94: {  	_ =	strace s3  }
0x95: {  	s3 =	sld [smem:$0x3FFD];
	_ =	sdelay $0x3  }
0x96: {  	_ =	strace s3  }
0x97: {  	_ =	strace $0x8FFFFFFF  }
0x98: {  	s19 =	sld [smem:$0x3FDB];
	_ =	sdelay $0x1  }
0x99: {  	s4 =	simm.s32 $_scs_section_size  }
0x9a: {  	s5 =	simm.s32 $_size__tile_overlayer_lowered;
	s6 =	simm.s32 $_tile_overlayer_lowered  }
0x9b: {  	s22 =	simm.s32 $0x1BFF;
	s21 =	sshll.u32 s6, $0x1;
	s3 =	sadd.s32 s4, s19  }
0x9c: {  	s7 =	simm.s32 $0x0;
	s20 =	sshll.u32 s5, $0x1;
	s5 =	sadd.s32 s21, s3  }
0x9d: {  	[timem:s7], [sflag:s22] =	dma.local [hbm:s5], s20  }
0x9e: {  	_ =	swait.ge [sflag:s22], s20  }
0x9f: {  	s4 =	ssub.s32 $0x0, s20;
	[sflag:s22] =	ssyncset.done $0x0  }
0xa0: {  	[sflag:s22] =	ssyncadd.s32 s4;
	_ =	sdelay $0x1  }
0xa1: {  	s23 =	simm.s32 $0x1B8B  }
0xa2: {  	_ =	swait.ge [sflag:s23], $0x1  }
0xa3: {  	[sflag:s23] =	ssyncset.done $0x0  }
0xa4: {  	s25 =	simm.s32 $0x1B8E;
	s24 =	sld [smem:$0x3FFE];
	[sflag:s23] =	ssyncadd.s32 $0xFFFFFFFF  }
0xa5: {  	s26 =	simm.s32 $execute0_lowered;
	[smem:$0x3FD2] =	sst s25  }
0xa6: {  	s5 =	sshll.u32 s26, $0x1;
	_ =	strace $0x80000056;
	[dreg:$0x1] =	wrdreg $0xFFFFFFFF  }
0xa7: {  	s28 =	simm.s32 $_size_execute0_lowered;
	s3 =	sadd.s32 s3, s5;
	[dreg:$0x0] =	wrdreg $0x0  }
0xa8: {  	s5 =	sshll.u32 s28, $0x1;
	[dreg:$0x2] =	wrdreg s3  }
0xa9: {  	[dreg:$0x3] =	wrdreg s5  }
0xaa: {  	[dreg:$0x4] =	wrdreg $0xC0  }
0xab: {  	_ =	task [dreg:s7], $0x5FFFF  }
0xac: {  	[dreg:$0x1] =	wrdreg $0xFFFFFFFF  }
0xad: {  	[dreg:$0x0] =	wrdreg $0x60  }
0xae: {  	[dreg:$0x2] =	wrdreg s24  }
0xaf: {  	[dreg:$0x3] =	wrdreg s2  }
0xb0: {  	[dreg:$0x4] =	wrdreg $0x9  }
0xb1: {  	_ =	task.clear_ibuf [dreg:s7], $0x5FFFF;
	_ =	strace $0x90000056  }
0xb2: {  	s29 =	simm.s32 $0x9;
	_ =	strace $0x8000005A  }
0xb3: {  	_ =	swait.ge [sflag:s29], $0x1  }
0xb4: {  	[sflag:s29] =	ssyncadd.s32 $0xFFFFFFFF  }
0xb5: {  	_ =	strace $0x9000005A  }
0xb6: {  	_ =	sfence  }
0xb7: {  	s30 =	sld [smem:$0x0];
	_ =	sdelay $0x2  }
0xb8: {  	s31 =	sshll.u32 s1, $0xD;
	s1 =	sshrl.u32 s1, $0x2  }
0xb9: {  	s3 =	sand.u32 $0x4000, s31;
	s1 =	sadd.s32 s1, s30  }
0xba: {  	s0 =	sor.u32 s3, s0;
	s1 =	sshll.u32 s1, $0x11  }
0xbb: {  	s0 =	sor.u32 s1, s0  }
0xbc: {  	s0 =	sadd.s32 $0x8F2B, s0  }
0xbd: {  	[sflag:s0] =	ssyncadd.remote.s32 $0x1  }
0xbe: {  	_ =	sfence.sel $0xFFFF  }
0xbf: {  	[dreg:$0x0] =	wrdreg $0xFFFFFFFF;
	(pc) =	sbr.abs _section_cstart, $3  }
0xc0: {  	[dreg:$0x1] =	wrdreg $0xFFFFFFFF  }
0xc1: {  	_ =	task.clear_ibuf [dreg:s7], $0x2FFFF;
	_ =	strace $0x9FFFFFFF  }
0xc2: {  	(tm) =	ssettm $0x7FFFFFFF  }
0xc3: {  	_ =	shalt  }
tec
execute0_lowered:
.L_overlay_start_1:
0x0: {  	(tag) =	ssettag $0x1  }
0x1: {  	s0 =	rddreg [dreg:$0x0]  }
0x2: {  	s1 =	rddreg [dreg:$0x1];
	s2 =	simm.s32 $0x0;
	s3 =	srdreg.scid  }
0x3: {  	s11 =	stileid.u32;
	s30 =	simm.s32 $0x1400;
	s29 =	simm.s32 $0xC8000  }
0x4: {  	s31 =	simm.s32 $0x1900;
	s4 =	sand.u32 $0x1, s3;
	s25 =	sshll.u32 s11, $0x1  }
0x5: {  	[smem:$0x7FF] =	sst s2;
	s5 =	sadd.s32 $0xA600, s0;
	s3 =	sor.u32 s4, s25  }
0x6: {  	s8 =	sadd.s32 $0x6E600, s0;
	s9 =	sadd.s32 $0xD2600, s0;
	s7 =	smul.u32 $0xC80, s3  }
0x7: {  	s21 =	smul.u32 $0x1900, s11;
	_ =	strace $0x80000057;
	s6 =	ssub.s32 $0x2, s4  }
0x8: {  	s22 =	smul.u32 $0xC80, s4;
	s10 =	sshrl.u32 s6, $0x1;
	s28 =	sadd.s32 s5, s7  }
0x9: {  	s26 =	ssub.s32 s6, s10;
	s10 =	sadd.s32 s8, s7;
	[dreg:$0x3] =	wrdreg s28  }
0xa: {  	s3 =	sadd.s32 $0x136600, s0;
	s12 =	sadd.s32 s9, s7;
	[dreg:$0x4] =	wrdreg s10  }
0xb: {  	s13 =	sadd.s32 $0x280, s7;
	s0 =	smax.u32 s26, $0x1;
	[dreg:$0x5] =	wrdreg s12  }
0xc: {  	s25 =	smul.u32 $0x19000, s11;
	s14 =	sadd.s32 s5, s13;
	[dreg:$0x12] =	wrdreg s0  }
0xd: {  	s11 =	simm.s32 $0x3;
	s15 =	sadd.s32 s8, s13;
	[dreg:$0x6] =	wrdreg s14  }
0xe: {  	s16 =	sadd.s32 $0x500, s7;
	s6 =	sadd.s32 s9, s13;
	[dreg:$0x7] =	wrdreg s15  }
0xf: {  	s1 =	sadd.s32 s25, s1;
	s17 =	sadd.s32 s5, s16;
	[dreg:$0x8] =	wrdreg s6  }
0x10: {  	s18 =	sadd.s32 $0x780, s7;
	s12 =	sadd.s32 s8, s16;
	[dreg:$0x9] =	wrdreg s17  }
0x11: {  	s7 =	sadd.s32 $0xA00, s7;
	s10 =	sadd.s32 s9, s16;
	[dreg:$0xa] =	wrdreg s12  }
0x12: {  	s26 =	smul.u32 $0xC800, s4;
	s19 =	sadd.s32 s5, s18;
	[dreg:$0xb] =	wrdreg s10  }
0x13: {  	s4 =	simm.s32 $0x50;
	s20 =	sadd.s32 s8, s18;
	[dreg:$0xc] =	wrdreg s19  }
0x14: {  	s5 =	sadd.s32 s5, s7;
	s23 =	sadd.s32 s8, s7;
	[dreg:$0xd] =	wrdreg s20  }
0x15: {  	s24 =	sadd.s32 s9, s7;
	s7 =	simm.s32 $0x15900;
	[dreg:$0xf] =	wrdreg s5  }
0x16: {  	s8 =	simm.s32 $0x18100;
	s13 =	simm.s32 $0x4;
	[dreg:$0x10] =	wrdreg s23  }
0x17: {  	s16 =	simm.s32 $0x9;
	s6 =	sadd.s32 s9, s18;
	[dreg:$0x11] =	wrdreg s24  }
0x18: {  	s20 =	sadd.s32 s22, s21;
	s0 =	sadd.s32 s26, s1;
	s1 =	simm.s32 $0x1  }
0x19: {  	s5 =	simm.s32 $0x10900;
	s9 =	simm.s32 $0x2;
	s10 =	simm.s32 $0x6  }
.Ltmp0:
0x1a: {  	s12 =	simm.s32 $0x7;
	s14 =	simm.s32 $0x8;
	(pc) =	sbr.rel .LBB2_1-.Ltmp0, $4  }
0x1b: {  	s15 =	simm.s32 $0x5;
	s17 =	simm.s32 $0x0;
	[dreg:$0xe] =	wrdreg s6  }
0x1c: {  	s21 =	sadd.s32 $0x280, s20;
	s22 =	sadd.s32 $0x500, s20;
	s0 =	sadd.s32 $0xF00, s0  }
0x1d: {  	v0 =	vlaneseq.u32;
	s23 =	sadd.s32 $0x780, s20;
	s28 =	sadd.s32 $0xF0, s20;
	[dreg:$0x13] =	wrdreg s0  }
0x1e: {  	v1 =	vor.u32 $0x1A000, v0;
	s24 =	sadd.s32 $0xA00, s20;
	s6 =	simm.s32 $0x13100;
	[dreg:$0x14] =	wrdreg s28  }
.LBB2_29:
0x1f: {  	s17 =	rddreg [dreg:$0x15]  }
0x20: {  	s0 =	rddreg [dreg:$0x12];
	s17 =	sadd.s32 $0x1, s17  }
0x21: {  	p0 =	sne.s32 s17, s0  }
.Ltmp1:
0x22: {  	_ = 	snop;
	(pc) =	sbr.rel @!p0 .LBB2_30-.Ltmp1, $2  }
0x23: {  	_ =	sdelay $0x2  }
0x24: {  	_ =	strace $0x90000059  }
.LBB2_1:
0x25: {  	[dreg:$0x15] =	wrdreg s17  }
0x26: {  	_ =	strace $0x80000058  }
0x27: {  	s0 =	rddreg [dreg:$0x3]  }
0x28: {  	[tilespmem:s31], [sflag:$0x1] =	stream.strided.gather [hbm4b:s0+s30], $0x5000, s29, s30, $0x200038;
	[tilespmem:$0x1A900] =	vst v63  }
0x29: {  	s18 =	simm.s32 $0x6900;
	s17 =	rddreg [dreg:$0x4]  }
0x2a: {  	[tilespmem:s18], [sflag:$0x1] =	stream.strided.gather [hbm4b:s17+s30], $0x5000, s29, s30, $0x200038;
	[tilespmem:$0x1A900] =	vst v63  }
0x2b: {  	s25 =	simm.s32 $0xB900;
	s19 =	rddreg [dreg:$0x5]  }
0x2c: {  	[tilespmem:s25], [sflag:$0x1] =	stream.strided.gather [hbm4b:s19+s30], $0x5000, s29, s30, $0x200038;
	[tilespmem:$0x1A900] =	vst v63  }
0x2d: {  	_ =	swait.ge [sflag:s1], $0x5000  }
0x2e: {  	[sflag:s1] =	ssyncset.done $0x0  }
0x2f: {  	[sflag:s1] =	ssyncadd.s32 $0xFFFFB000  }
0x30: {  	_ =	swait.ge [sflag:s1], $0x5000  }
0x31: {  	[sflag:s1] =	ssyncset.done $0x0  }
0x32: {  	[sflag:s1] =	ssyncadd.s32 $0xFFFFB000  }
0x33: {  	_ =	swait.ge [sflag:s1], $0x5000  }
0x34: {  	s26 =	sand.u32 $0x70, s2;
	s28 =	sand.u32 $0x1C00, s2;
	[sflag:s1] =	ssyncset.done $0x0  }
0x35: {  	s0 =	sor.u32 s26, s28;
	[sflag:s1] =	ssyncadd.s32 $0xFFFFB000  }
0x36: {  	v7 =	vld [tilespmem:s0+$0xBB00]  }
0x37: {  	v8 =	vld [tilespmem:s0+$0x4200]  }
0x38: {  	v9 =	vld [tilespmem:s0+$0xBA80]  }
0x39: {  	v10 =	vld [tilespmem:s0+$0xBC00]  }
0x3a: {  	v11 =	vld [tilespmem:s0+$0xBB80]  }
0x3b: {  	v5 =	vld [tilespmem:s0+$0xCE80]  }
0x3c: {  	v3 =	vld [tilespmem:s0+$0xE380]  }
0x3d: {  	v12 =	vld [tilespmem:s0+$0x1A00]  }
0x3e: {  	v2 =	vld [tilespmem:s0+$0xA680]  }
0x3f: {  	v13 =	vld [tilespmem:s0+$0x7D00]  }
0x40: {  	v14 =	vld [tilespmem:s0+$0x6B00]  }
0x41: {  	v15 =	vld [tilespmem:s0+$0x6A80]  }
0x42: {  	v16 =	vld [tilespmem:s0+$0xBA00]  }
0x43: {  	v17 =	vld [tilespmem:s0+$0x4180]  }
0x44: {  	v18 =	vld [tilespmem:s0+$0x6A00]  }
0x45: {  	v19 =	vld [tilespmem:s0+$0xB980]  }
0x46: {  	v20 =	vld [tilespmem:s0+$0xB900]  }
0x47: {  	v21 =	vld [tilespmem:s0+$0x6980]  }
0x48: {  	v22 =	vld [tilespmem:s0+$0x6900]  }
0x49: {  	v23 =	vld [tilespmem:s0+$0x4100]  }
0x4a: {  	v24 =	vld [tilespmem:s0+$0x3080]  }
0x4b: {  	v25 =	vld [tilespmem:s0+$0x3000]  }
0x4c: {  	v26 =	vld [tilespmem:s0+$0x2F80]  }
0x4d: {  	v27 =	vld [tilespmem:s0+$0x2F00]  }
0x4e: {  	v28 =	vld [tilespmem:s0+$0x2E80]  }
0x4f: {  	v29 =	vld [tilespmem:s0+$0x2E00]  }
0x50: {  	v30 =	vld [tilespmem:s0+$0x2D80]  }
0x51: {  	v31 =	vld [tilespmem:s0+$0x1C00]  }
0x52: {  	v32 =	vld [tilespmem:s0+$0x1B80]  }
0x53: {  	v33 =	vld [tilespmem:s0+$0x1B00]  }
0x54: {  	v34 =	vld [tilespmem:s0+$0x1A80]  }
0x55: {  	v6 =	vld [tilespmem:s0+$0x1980]  }
0x56: {  	v35 =	vld [tilespmem:s0+$0x1900]  }
0x57: {  	s30 =	sor.u32 s2, s2;
	v4 =	vld [tilespmem:s0+$0xE400]  }
0x58: {  	s17 =	sor.u32 $0x380, s30;
	v36 =	vld [tilespmem:s0+$0x2D00]  }
0x59: {  	v37 =	vld [tilespmem:s17+$0x1900]  }
0x5a: {  	v38 =	vld [tilespmem:s17+$0x6900]  }
0x5b: {  	v39 =	vld [tilespmem:s0+$0x6B80];
	vm0 =	vgt.s32 v6, v35  }
0x5c: {  	v40 =	vld [tilespmem:s0+$0x6C00];
	v35 =	vsel vm0, v6, v35  }
0x5d: {  	v41 =	vld [tilespmem:s0+$0x4380];
	vm1 =	vgt.s32 v12, v35  }
0x5e: {  	v42 =	vld [tilespmem:s0+$0x7D80];
	v12 =	vsel vm1, v12, v35  }
0x5f: {  	v43 =	vld [tilespmem:s17+$0xB900];
	vm2 =	vgt.s32 v34, v12  }
0x60: {  	v44 =	vld [tilespmem:s0+$0x7E00];
	v12 =	vsel vm2, v34, v12  }
0x61: {  	v45 =	vld [tilespmem:s0+$0xCF00];
	vm3 =	vgt.s32 v33, v12  }
0x62: {  	v46 =	vld [tilespmem:s0+$0x7F00];
	v12 =	vsel vm3, v33, v12  }
0x63: {  	v47 =	vld [tilespmem:s0+$0x7F80];
	vm4 =	vgt.s32 v32, v12  }
0x64: {  	v48 =	vld [tilespmem:s0+$0x8000];
	v12 =	vsel vm4, v32, v12  }
0x65: {  	v49 =	vld [tilespmem:s0+$0xD080];
	vm5 =	vgt.s32 v31, v12  }
0x66: {  	v50 =	vld [tilespmem:s0+$0xE100];
	v12 =	vsel vm5, v31, v12  }
0x67: {  	v51 =	vld [tilespmem:s0+$0x9100];
	vm6 =	vgt.s32 v37, v12  }
0x68: {  	v52 =	vld [tilespmem:s0+$0x9200];
	v12 =	vsel vm6, v37, v12  }
0x69: {  	v53 =	vld [tilespmem:s0+$0x9280];
	vm7 =	vgt.s32 v36, v12  }
0x6a: {  	v55 =	vld [tilespmem:s0+$0x4300];
	v12 =	vsel vm7, v36, v12  }
0x6b: {  	v56 =	vld [tilespmem:s0+$0x9300];
	vm8 =	vgt.s32 v30, v12  }
0x6c: {  	v57 =	vld [tilespmem:s0+$0x9380];
	v12 =	vsel vm8, v30, v12  }
0x6d: {  	v58 =	vld [tilespmem:s0+$0x4400];
	vm9 =	vgt.s32 v29, v12  }
0x6e: {  	v59 =	vld [tilespmem:s0+$0x9400];
	v12 =	vsel vm9, v29, v12  }
0x6f: {  	v61 =	vld [tilespmem:s0+$0x4480];
	vm10 =	vgt.s32 v28, v12  }
0x70: {  	v62 =	vld [tilespmem:s0+$0x5580];
	v12 =	vsel vm10, v28, v12  }
0x71: {  	v63 =	vld [tilespmem:s0+$0x5500];
	vm11 =	vgt.s32 v27, v12  }
0x72: {  	v6 =	vld [tilespmem:s0+$0xE280];
	v12 =	vsel vm11, v27, v12  }
0x73: {  	v21 =	vsel vm0, v21, v22;
	v35 =	vld [tilespmem:s0+$0xD000];
	vm12 =	vgt.s32 v26, v12  }
0x74: {  	v18 =	vsel vm1, v18, v21;
	v34 =	vld [tilespmem:s0+$0xCD80];
	v12 =	vsel vm12, v26, v12  }
0x75: {  	v15 =	vsel vm2, v15, v18;
	v33 =	vld [tilespmem:s0+$0xCD00];
	vm13 =	vgt.s32 v25, v12  }
0x76: {  	v19 =	vsel vm0, v19, v20;
	v14 =	vsel vm3, v14, v15;
	v32 =	vld [tilespmem:s0+$0xCE00];
	v12 =	vsel vm13, v25, v12  }
0x77: {  	v16 =	vsel vm1, v16, v19;
	v60 =	vsel vm4, v39, v14;
	v39 =	vld [tilespmem:s0+$0xA500];
	vm14 =	vgt.s32 v24, v12  }
0x78: {  	v9 =	vsel vm2, v9, v16;
	v31 =	vld [tilespmem:s0+$0x7E80];
	v12 =	vsel vm14, v24, v12  }
0x79: {  	v7 =	vsel vm3, v7, v9;
	v9 =	vsel vm5, v40, v60;
	v40 =	vld [tilespmem:s0+$0xA580];
	vm15 =	vgt.s32 v23, v12  }
0x7a: {  	v26 =	vld [tilespmem:s0+$0x4280];
	v12 =	vsel vm15, v23, v12  }
0x7b: {  	v60 =	vld [tilespmem:s0+$0x5880];
	vm0 =	vgt.s32 v17, v12  }
0x7c: {  	v37 =	vld [tilespmem:s0+$0xCF80];
	v12 =	vsel vm0, v17, v12  }
0x7d: {  	v9 =	vsel vm6, v38, v9;
	v38 =	vld [tilespmem:s0+$0x9480];
	vm1 =	vgt.s32 v8, v12  }
0x7e: {  	v7 =	vsel vm4, v11, v7;
	v36 =	vld [tilespmem:s0+$0x5680];
	v8 =	vsel vm1, v8, v12  }
0x7f: {  	v7 =	vsel vm5, v10, v7;
	v9 =	vsel vm7, v13, v9;
	v30 =	vld [tilespmem:s0+$0xE200];
	vm2 =	vgt.s32 v26, v8  }
0x80: {  	v7 =	vsel vm6, v43, v7;
	v9 =	vsel vm8, v42, v9;
	v42 =	vld [tilespmem:s0+$0x5600];
	v8 =	vsel vm2, v26, v8  }
0x81: {  	v7 =	vsel vm7, v33, v7;
	v29 =	vld [tilespmem:s0+$0xE180];
	vm3 =	vgt.s32 v55, v8  }
0x82: {  	v7 =	vsel vm8, v34, v7;
	v9 =	vsel vm9, v44, v9;
	v28 =	vld [tilespmem:s0+$0x8080];
	v8 =	vsel vm3, v55, v8  }
0x83: {  	v7 =	vsel vm9, v32, v7;
	v44 =	vld [tilespmem:s0+$0x5700];
	v9 =	vsel vm10, v31, v9;
	vm9 =	vgt.s32 v41, v8  }
0x84: {  	v5 =	vsel vm10, v5, v7;
	v27 =	vld [tilespmem:s0+$0x9180];
	v43 =	vsel vm11, v46, v9;
	v8 =	vsel vm9, v41, v8  }
0x85: {  	v5 =	vsel vm11, v45, v5;
	v46 =	vld [tilespmem:s0+$0xA600];
	v7 =	vsel vm12, v47, v43;
	vm11 =	vgt.s32 v58, v8  }
0x86: {  	v5 =	vsel vm12, v37, v5;
	v47 =	vld [tilespmem:s0+$0xE480];
	v7 =	vsel vm13, v48, v7;
	v8 =	vsel vm11, v58, v8  }
0x87: {  	v5 =	vsel vm13, v35, v5;
	v48 =	vld [tilespmem:s0+$0xF500];
	v7 =	vsel vm14, v28, v7;
	vm13 =	vgt.s32 v61, v8  }
0x88: {  	v24 =	vld [tilespmem:s0+$0xE300];
	v5 =	vsel vm14, v49, v5;
	v7 =	vsel vm15, v51, v7;
	v8 =	vsel vm13, v61, v8  }
0x89: {  	v49 =	vld [tilespmem:s0+$0xF580];
	v5 =	vsel vm15, v50, v5;
	v7 =	vsel vm0, v27, v7;
	vm15 =	vgt.s32 v63, v8  }
0x8a: {  	v51 =	vld [tilespmem:s0+$0xF600];
	v5 =	vsel vm0, v29, v5;
	v7 =	vsel vm1, v52, v7;
	v8 =	vsel vm15, v63, v8  }
0x8b: {  	v52 =	vld [tilespmem:s0+$0xF680];
	v5 =	vsel vm1, v30, v5;
	v7 =	vsel vm2, v53, v7;
	vm0 =	vgt.s32 v62, v8  }
0x8c: {  	v53 =	vld [tilespmem:s0+$0xA700];
	v5 =	vsel vm2, v6, v5;
	v54 =	vsel vm3, v56, v7;
	v8 =	vsel vm0, v62, v8  }
0x8d: {  	v55 =	vld [tilespmem:s0+$0x5780];
	v5 =	vsel vm3, v24, v5;
	v6 =	vsel vm9, v57, v54;
	vm1 =	vgt.s32 v42, v8  }
0x8e: {  	v56 =	vld [tilespmem:s0+$0xF700];
	v3 =	vsel vm9, v3, v5;
	v5 =	vsel vm11, v59, v6;
	v8 =	vsel vm1, v42, v8  }
0x8f: {  	v57 =	vld [tilespmem:s0+$0xF780];
	v3 =	vsel vm11, v4, v3;
	v4 =	vsel vm13, v38, v5;
	vm2 =	vgt.s32 v36, v8  }
0x90: {  	v5 =	vld [tilespmem:s0+$0x5800];
	v3 =	vsel vm13, v47, v3;
	v4 =	vsel vm15, v39, v4;
	v8 =	vsel vm2, v36, v8  }
0x91: {  	v58 =	vld [tilespmem:s0+$0xA780];
	v3 =	vsel vm15, v48, v3;
	v4 =	vsel vm0, v40, v4;
	vm3 =	vgt.s32 v44, v8  }
0x92: {  	v59 =	vld [tilespmem:s0+$0xA800];
	v3 =	vsel vm0, v49, v3;
	v4 =	vsel vm1, v46, v4;
	v8 =	vsel vm3, v44, v8  }
0x93: {  	s31 =	sadd.s32 $0x0, s20;
	v3 =	vsel vm1, v51, v3;
	v2 =	vsel vm2, v2, v4;
	v4 =	vld [tilespmem:s0+$0xA880];
	vm0 =	vgt.s32 v55, v8  }
0x94: {  	v61 =	vld [tilespmem:s0+$0xF800];
	v63 =	vadd.s32 s31, v1;
	v3 =	vsel vm2, v52, v3;
	v7 =	vsel vm0, v55, v8  }
0x95: {  	v62 =	vld [tilespmem:s0+$0xF880];
	v2 =	vsel vm3, v53, v2;
	v3 =	vsel vm3, v56, v3;
	vm1 =	vgt.s32 v5, v7  }
0x96: {  	v2 =	vsel vm0, v58, v2;
	v3 =	vsel vm0, v57, v3;
	v5 =	vsel vm1, v5, v7  }
0x97: {  	v2 =	vsel vm1, v59, v2;
	vm2 =	vgt.s32 v60, v5;
	v5 =	vand.u32 v5, v60  }
0x98: {  	v2 =	vsel vm2, v4, v2;
	v4 =	vor.u32 s31, v0;
	vm0 =	vlt.s32 v5, $0x0  }
0x99: {  	s26 =	simm.s32 $0xC90;
	s18 =	simm.s32 $0xC80;
	v3 =	vsel vm1, v61, v3;
	v5 =	vsel vm0, v63, v2;
	v4 =	vand.u32 $0xFFF, v4  }
0x9a: {  	s19 =	simm.s32 $0x80;
	s25 =	simm.s32 $0x10;
	s17 =	simm.s32 $0x10;
	v2 =	vsel vm2, v62, v3;
	[tilespmem:s2+$0x0] =	vst v5;
	v3 =	vor.u32 $0x19000, v4  }
.LBB2_2:
0x9b: {  	s0 =	sand.u32 $0x70, s17  }
0x9c: {  	s28 =	sand.u32 $0x1C00, s19;
	v2 =	vsel vm0, v3, v2;
	s31 =	smov.u32 s17;
	s30 =	sadd.s32 $0x10, s17  }
0x9d: {  	p0 =	sne.s32 s17, $0x270;
	s0 =	sor.u32 s0, s28;
	[tilespmem:s18+$0x0] =	vst v2;
	s18 =	smov.u32 s26  }
0x9e: {  	v10 =	vld [tilespmem:s0+$0xBB00]  }
0x9f: {  	v4 =	vld [tilespmem:s0+$0x4200]  }
0xa0: {  	v15 =	vld [tilespmem:s0+$0xBA80]  }
0xa1: {  	v16 =	vld [tilespmem:s0+$0xBC00]  }
0xa2: {  	v17 =	vld [tilespmem:s0+$0xBB80]  }
0xa3: {  	s17 =	sor.u32 s19, s31;
	v9 =	vld [tilespmem:s0+$0xCE80]  }
0xa4: {  	s17 =	sor.u32 $0x380, s17;
	v3 =	vld [tilespmem:s0+$0xE380]  }
0xa5: {  	v18 =	vld [tilespmem:s0+$0x1A00]  }
0xa6: {  	v2 =	vld [tilespmem:s0+$0xA680]  }
0xa7: {  	v19 =	vld [tilespmem:s0+$0x7D00]  }
0xa8: {  	v20 =	vld [tilespmem:s0+$0x6B00]  }
0xa9: {  	v21 =	vld [tilespmem:s0+$0x6A80]  }
0xaa: {  	v22 =	vld [tilespmem:s0+$0xBA00]  }
0xab: {  	v6 =	vld [tilespmem:s0+$0x4180]  }
0xac: {  	v23 =	vld [tilespmem:s0+$0x6A00]  }
0xad: {  	v13 =	vld [tilespmem:s0+$0xB980]  }
0xae: {  	v24 =	vld [tilespmem:s0+$0xB900]  }
0xaf: {  	v25 =	vld [tilespmem:s0+$0x6980]  }
0xb0: {  	v26 =	vld [tilespmem:s0+$0x6900]  }
0xb1: {  	v7 =	vld [tilespmem:s0+$0x4100]  }
0xb2: {  	v11 =	vld [tilespmem:s0+$0x3080]  }
0xb3: {  	v12 =	vld [tilespmem:s0+$0x3000]  }
0xb4: {  	v14 =	vld [tilespmem:s0+$0x2F80]  }
0xb5: {  	v27 =	vld [tilespmem:s0+$0x2F00]  }
0xb6: {  	v28 =	vld [tilespmem:s0+$0x2E80]  }
0xb7: {  	v29 =	vld [tilespmem:s0+$0x2E00]  }
0xb8: {  	v30 =	vld [tilespmem:s0+$0x2D80]  }
0xb9: {  	v31 =	vld [tilespmem:s0+$0x1C00]  }
0xba: {  	v32 =	vld [tilespmem:s0+$0x1B80]  }
0xbb: {  	v33 =	vld [tilespmem:s0+$0x1B00]  }
0xbc: {  	v34 =	vld [tilespmem:s0+$0x1A80]  }
0xbd: {  	v5 =	vld [tilespmem:s0+$0xE400]  }
0xbe: {  	v35 =	vld [tilespmem:s0+$0x1980]  }
0xbf: {  	v36 =	vld [tilespmem:s0+$0x2D00]  }
0xc0: {  	v37 =	vld [tilespmem:s0+$0x1900]  }
0xc1: {  	v38 =	vld [tilespmem:s17+$0x1900]  }
0xc2: {  	v39 =	vld [tilespmem:s17+$0x6900]  }
0xc3: {  	v40 =	vld [tilespmem:s0+$0x6B80]  }
0xc4: {  	v41 =	vld [tilespmem:s0+$0x6C00]  }
0xc5: {  	vm0 =	vgt.s32 v35, v37;
	v8 =	vld [tilespmem:s0+$0x4380]  }
0xc6: {  	v35 =	vsel vm0, v35, v37;
	v25 =	vsel vm0, v25, v26;
	v24 =	vsel vm0, v13, v24;
	v13 =	vld [tilespmem:s0+$0xE280]  }
0xc7: {  	vm0 =	vgt.s32 v18, v35;
	v26 =	vld [tilespmem:s0+$0xD000]  }
0xc8: {  	v18 =	vsel vm0, v18, v35;
	v23 =	vsel vm0, v23, v25;
	v22 =	vsel vm0, v22, v24;
	v24 =	vld [tilespmem:s0+$0x7D80]  }
0xc9: {  	vm0 =	vgt.s32 v34, v18;
	v25 =	vld [tilespmem:s0+$0xCD80]  }
0xca: {  	v18 =	vsel vm0, v34, v18;
	v21 =	vsel vm0, v21, v23;
	v15 =	vsel vm0, v15, v22;
	v22 =	vld [tilespmem:s17+$0xB900]  }
0xcb: {  	vm0 =	vgt.s32 v33, v18;
	v23 =	vld [tilespmem:s0+$0xCD00]  }
0xcc: {  	v18 =	vsel vm0, v33, v18;
	v20 =	vsel vm0, v20, v21;
	v10 =	vsel vm0, v10, v15;
	v15 =	vld [tilespmem:s0+$0x7E00]  }
0xcd: {  	vm0 =	vgt.s32 v32, v18;
	v21 =	vld [tilespmem:s0+$0xCE00]  }
0xce: {  	v18 =	vsel vm0, v32, v18;
	v20 =	vsel vm0, v40, v20;
	v10 =	vsel vm0, v17, v10;
	v17 =	vld [tilespmem:s0+$0xCF00]  }
0xcf: {  	vm0 =	vgt.s32 v31, v18;
	v32 =	vld [tilespmem:s0+$0x7E80]  }
0xd0: {  	v18 =	vsel vm0, v31, v18;
	v20 =	vsel vm0, v41, v20;
	v10 =	vsel vm0, v16, v10;
	v16 =	vld [tilespmem:s0+$0x7F00]  }
0xd1: {  	vm0 =	vgt.s32 v38, v18;
	v31 =	vld [tilespmem:s0+$0xCF80]  }
0xd2: {  	v18 =	vsel vm0, v38, v18;
	v20 =	vsel vm0, v39, v20;
	v22 =	vsel vm0, v22, v10;
	v33 =	vld [tilespmem:s0+$0x7F80]  }
0xd3: {  	vm0 =	vgt.s32 v36, v18;
	v10 =	vld [tilespmem:s0+$0x5680]  }
0xd4: {  	v18 =	vsel vm0, v36, v18;
	v19 =	vsel vm0, v19, v20;
	v20 =	vsel vm0, v23, v22;
	v22 =	vld [tilespmem:s0+$0x8000]  }
0xd5: {  	vm0 =	vgt.s32 v30, v18;
	v23 =	vld [tilespmem:s0+$0xE200]  }
0xd6: {  	v18 =	vsel vm0, v30, v18;
	v19 =	vsel vm0, v24, v19;
	v20 =	vsel vm0, v25, v20;
	v24 =	vld [tilespmem:s0+$0xD080]  }
0xd7: {  	vm0 =	vgt.s32 v29, v18;
	v25 =	vld [tilespmem:s0+$0xE180]  }
0xd8: {  	v18 =	vsel vm0, v29, v18;
	v15 =	vsel vm0, v15, v19;
	v19 =	vsel vm0, v21, v20;
	v20 =	vld [tilespmem:s0+$0xE100]  }
0xd9: {  	vm0 =	vgt.s32 v28, v18;
	v21 =	vld [tilespmem:s0+$0x8080]  }
0xda: {  	v18 =	vsel vm0, v28, v18;
	v15 =	vsel vm0, v32, v15;
	v9 =	vsel vm0, v9, v19;
	v19 =	vld [tilespmem:s0+$0x9100]  }
0xdb: {  	vm0 =	vgt.s32 v27, v18;
	v28 =	vld [tilespmem:s0+$0x9180]  }
0xdc: {  	v18 =	vsel vm0, v27, v18;
	v15 =	vsel vm0, v16, v15;
	v9 =	vsel vm0, v17, v9;
	v16 =	vld [tilespmem:s0+$0x9200]  }
0xdd: {  	vm0 =	vgt.s32 v14, v18;
	v17 =	vld [tilespmem:s0+$0x4280]  }
0xde: {  	v14 =	vsel vm0, v14, v18;
	v15 =	vsel vm0, v33, v15;
	v9 =	vsel vm0, v31, v9;
	v18 =	vld [tilespmem:s0+$0x9280]  }
0xdf: {  	vm0 =	vgt.s32 v12, v14;
	v27 =	vld [tilespmem:s0+$0x4300]  }
0xe0: {  	v12 =	vsel vm0, v12, v14;
	v14 =	vsel vm0, v22, v15;
	v9 =	vsel vm0, v26, v9;
	v15 =	vld [tilespmem:s0+$0xE300]  }
0xe1: {  	vm0 =	vgt.s32 v11, v12;
	v22 =	vld [tilespmem:s0+$0x9300]  }
0xe2: {  	v11 =	vsel vm0, v11, v12;
	v12 =	vsel vm0, v21, v14;
	v9 =	vsel vm0, v24, v9;
	v14 =	vld [tilespmem:s0+$0x9380]  }
0xe3: {  	vm0 =	vgt.s32 v7, v11;
	v21 =	vld [tilespmem:s0+$0x4400]  }
0xe4: {  	v7 =	vsel vm0, v7, v11;
	v11 =	vsel vm0, v19, v12;
	v9 =	vsel vm0, v20, v9;
	v12 =	vld [tilespmem:s0+$0x9400]  }
0xe5: {  	vm0 =	vgt.s32 v6, v7;
	v19 =	vld [tilespmem:s0+$0x4480]  }
0xe6: {  	v6 =	vsel vm0, v6, v7;
	v7 =	vsel vm0, v28, v11;
	v9 =	vsel vm0, v25, v9;
	v11 =	vld [tilespmem:s0+$0x5580]  }
0xe7: {  	vm0 =	vgt.s32 v4, v6;
	v20 =	vld [tilespmem:s0+$0x5500]  }
0xe8: {  	v4 =	vsel vm0, v4, v6;
	v6 =	vsel vm0, v16, v7;
	v7 =	vsel vm0, v23, v9;
	v9 =	vld [tilespmem:s0+$0x9480]  }
0xe9: {  	vm0 =	vgt.s32 v17, v4;
	v16 =	vld [tilespmem:s0+$0xA500]  }
0xea: {  	v4 =	vsel vm0, v17, v4;
	v6 =	vsel vm0, v18, v6;
	v7 =	vsel vm0, v13, v7;
	v13 =	vld [tilespmem:s0+$0xA580]  }
0xeb: {  	vm0 =	vgt.s32 v27, v4;
	v17 =	vld [tilespmem:s0+$0x5600]  }
0xec: {  	v4 =	vsel vm0, v27, v4;
	v6 =	vsel vm0, v22, v6;
	v7 =	vsel vm0, v15, v7;
	v15 =	vld [tilespmem:s0+$0x5700]  }
0xed: {  	vm0 =	vgt.s32 v8, v4;
	v18 =	vld [tilespmem:s0+$0xA600]  }
0xee: {  	v4 =	vsel vm0, v8, v4;
	v6 =	vsel vm0, v14, v6;
	v3 =	vsel vm0, v3, v7;
	v7 =	vld [tilespmem:s0+$0xE480]  }
0xef: {  	vm0 =	vgt.s32 v21, v4;
	v8 =	vld [tilespmem:s0+$0xF500]  }
0xf0: {  	v4 =	vsel vm0, v21, v4;
	v6 =	vsel vm0, v12, v6;
	v3 =	vsel vm0, v5, v3;
	v5 =	vld [tilespmem:s0+$0xF580]  }
0xf1: {  	vm0 =	vgt.s32 v19, v4;
	v12 =	vld [tilespmem:s0+$0xF600]  }
0xf2: {  	v4 =	vsel vm0, v19, v4;
	v6 =	vsel vm0, v9, v6;
	v9 =	vld [tilespmem:s0+$0xF680]  }
0xf3: {  	v3 =	vsel vm0, v7, v3;
	vm0 =	vgt.s32 v20, v4;
	v7 =	vld [tilespmem:s0+$0xA700]  }
0xf4: {  	v4 =	vsel vm0, v20, v4;
	v6 =	vsel vm0, v16, v6;
	v3 =	vsel vm0, v8, v3;
	v8 =	vld [tilespmem:s0+$0x5780]  }
0xf5: {  	vm0 =	vgt.s32 v11, v4;
	v14 =	vld [tilespmem:s0+$0xF700]  }
0xf6: {  	v4 =	vsel vm0, v11, v4;
	v6 =	vsel vm0, v13, v6;
	v3 =	vsel vm0, v5, v3;
	v5 =	vld [tilespmem:s0+$0xF780]  }
0xf7: {  	vm0 =	vgt.s32 v17, v4;
	v11 =	vld [tilespmem:s0+$0x5800]  }
0xf8: {  	v4 =	vsel vm0, v17, v4;
	v6 =	vsel vm0, v18, v6;
	v3 =	vsel vm0, v12, v3;
	v12 =	vld [tilespmem:s0+$0xA780]  }
0xf9: {  	vm0 =	vgt.s32 v10, v4;
	v13 =	vld [tilespmem:s0+$0xA800]  }
0xfa: {  	v4 =	vsel vm0, v10, v4;
	v2 =	vsel vm0, v2, v6;
	v3 =	vsel vm0, v9, v3;
	v6 =	vld [tilespmem:s0+$0xF800]  }
0xfb: {  	vm0 =	vgt.s32 v15, v4;
	v9 =	vld [tilespmem:s0+$0x5880]  }
0xfc: {  	v4 =	vsel vm0, v15, v4;
	v2 =	vsel vm0, v7, v2;
	v3 =	vsel vm0, v14, v3;
	v7 =	vld [tilespmem:s0+$0xA880]  }
0xfd: {  	vm0 =	vgt.s32 v8, v4;
	v10 =	vld [tilespmem:s0+$0xF880]  }
0xfe: {  	v4 =	vsel vm0, v8, v4;
	v2 =	vsel vm0, v12, v2;
	v3 =	vsel vm0, v5, v3  }
0xff: {  	s0 =	sadd.s32 s31, s20;
	vm0 =	vgt.s32 v11, v4  }
.Ltmp2:
0x100: {  	v5 =	vadd.s32 s0, v1;
	v4 =	vsel vm0, v11, v4;
	v2 =	vsel vm0, v13, v2;
	(pc) =	sbr.rel @p0 .LBB2_2-.Ltmp2, $4  }
0x101: {  	v3 =	vsel vm0, v6, v3;
	vm1 =	vgt.s32 v9, v4;
	v4 =	vand.u32 v4, v9  }
0x102: {  	v6 =	vsel vm1, v7, v2;
	v7 =	vor.u32 s0, v0;
	vm0 =	vlt.s32 v4, $0x0  }
0x103: {  	s19 =	sadd.s32 $0x80, s19;
	v2 =	vsel vm1, v10, v3;
	v3 =	vsel vm0, v5, v6;
	v4 =	vand.u32 $0xFFF, v7  }
0x104: {  	s26 =	sadd.s32 $0x10, s26;
	s17 =	smov.u32 s30;
	[tilespmem:s25+$0x0] =	vst v3;
	v3 =	vor.u32 $0x19000, v4;
	s25 =	sadd.s32 $0x10, s25  }
0x105: {  	v2 =	vsel vm0, v3, v2  }
0x106: {  	s0 =	rddreg [dreg:$0x6];
	s30 =	simm.s32 $0x1400;
	s31 =	simm.s32 $0x1900;
	[tilespmem:s18+$0x0] =	vst v2  }
0x107: {  	[tilespmem:s31], [sflag:$0x1] =	stream.strided.gather [hbm4b:s0+s30], $0x5000, s29, s30, $0x200038;
	[tilespmem:$0x1A900] =	vst v63  }
0x108: {  	s28 =	rddreg [dreg:$0x7];
	s17 =	simm.s32 $0x6900  }
0x109: {  	[tilespmem:s17], [sflag:$0x1] =	stream.strided.gather [hbm4b:s28+s30], $0x5000, s29, s30, $0x200038;
	[tilespmem:$0x1A900] =	vst v63  }
0x10a: {  	s18 =	simm.s32 $0xB900;
	s17 =	rddreg [dreg:$0x8]  }
0x10b: {  	[tilespmem:s18], [sflag:$0x1] =	stream.strided.gather [hbm4b:s17+s30], $0x5000, s29, s30, $0x200038;
	[tilespmem:$0x1A900] =	vst v63  }
0x10c: {  	_ =	swait.ge [sflag:s1], $0x5000  }
0x10d: {  	[sflag:s1] =	ssyncset.done $0x0  }
0x10e: {  	[sflag:s1] =	ssyncadd.s32 $0xFFFFB000  }
0x10f: {  	_ =	swait.ge [sflag:s1], $0x5000  }
0x110: {  	[sflag:s1] =	ssyncset.done $0x0  }
0x111: {  	[sflag:s1] =	ssyncadd.s32 $0xFFFFB000  }
0x112: {  	s0 =	simm.s32 $0x0;
	_ =	swait.ge [sflag:s1], $0x5000  }
0x113: {  	s19 =	sand.u32 $0x70, s0;
	s25 =	sand.u32 $0x1C00, s0;
	[sflag:s1] =	ssyncset.done $0x0  }
0x114: {  	s18 =	sor.u32 s19, s25;
	[sflag:s1] =	ssyncadd.s32 $0xFFFFB000  }
0x115: {  	v6 =	vld [tilespmem:s18+$0x7D80]  }
0x116: {  	v8 =	vld [tilespmem:s18+$0xCD00]  }
0x117: {  	v9 =	vld [tilespmem:s18+$0x7D00]  }
0x118: {  	v10 =	vld [tilespmem:s18+$0x4200]  }
0x119: {  	v11 =	vld [tilespmem:s18+$0xBB00]  }
0x11a: {  	v12 =	vld [tilespmem:s18+$0x6B00]  }
0x11b: {  	v13 =	vld [tilespmem:s18+$0x6B80]  }
0x11c: {  	v14 =	vld [tilespmem:s18+$0xBA80]  }
0x11d: {  	v15 =	vld [tilespmem:s18+$0x6A80]  }
0x11e: {  	s26 =	sor.u32 s0, s0;
	v16 =	vld [tilespmem:s18+$0x4180]  }
0x11f: {  	s17 =	sor.u32 $0x380, s26;
	v17 =	vld [tilespmem:s18+$0xBA00]  }
0x120: {  	v18 =	vld [tilespmem:s17+$0xB900]  }
0x121: {  	v19 =	vld [tilespmem:s18+$0x6A00]  }
0x122: {  	v20 =	vld [tilespmem:s17+$0x6900]  }
0x123: {  	v21 =	vld [tilespmem:s18+$0xB980]  }
0x124: {  	v22 =	vld [tilespmem:s18+$0x6980]  }
0x125: {  	v23 =	vld [tilespmem:s18+$0xB900]  }
0x126: {  	v24 =	vld [tilespmem:s18+$0x6900]  }
0x127: {  	v25 =	vld [tilespmem:s18+$0x4100]  }
0x128: {  	v26 =	vld [tilespmem:s18+$0x3080]  }
0x129: {  	v27 =	vld [tilespmem:s18+$0x3000]  }
0x12a: {  	v28 =	vld [tilespmem:s18+$0x2F80]  }
0x12b: {  	v29 =	vld [tilespmem:s18+$0x2F00]  }
0x12c: {  	v30 =	vld [tilespmem:s18+$0x2E80]  }
0x12d: {  	v31 =	vld [tilespmem:s18+$0x2E00]  }
0x12e: {  	v7 =	vld [tilespmem:s18+$0x2D80]  }
0x12f: {  	v32 =	vld [tilespmem:s18+$0x2D00]  }
0x130: {  	v33 =	vld [tilespmem:s18+$0x1C00]  }
0x131: {  	v34 =	vld [tilespmem:s18+$0x1B80]  }
0x132: {  	v35 =	vld [tilespmem:s18+$0x1B00]  }
0x133: {  	v36 =	vld [tilespmem:s18+$0xBB80]  }
0x134: {  	v5 =	vld [tilespmem:s18+$0x1A00]  }
0x135: {  	v4 =	vld [tilespmem:s18+$0x1980]  }
0x136: {  	v37 =	vld [tilespmem:s17+$0x1900]  }
0x137: {  	v38 =	vld [tilespmem:s18+$0x1900]  }
0x138: {  	v39 =	vld [tilespmem:s18+$0x1A80]  }
0x139: {  	v3 =	vld [tilespmem:s18+$0x5700]  }
0x13a: {  	v40 =	vld [tilespmem:s18+$0x4280]  }
0x13b: {  	v2 =	vld [tilespmem:s18+$0xF680]  }
0x13c: {  	v41 =	vld [tilespmem:s18+$0x4300];
	vm0 =	vgt.s32 v4, v38  }
0x13d: {  	v42 =	vld [tilespmem:s18+$0xBC00];
	v38 =	vsel vm0, v4, v38  }
0x13e: {  	v43 =	vld [tilespmem:s18+$0x4380];
	vm1 =	vgt.s32 v5, v38  }
0x13f: {  	v63 =	vld [tilespmem:s18+$0x6C00];
	v38 =	vsel vm1, v5, v38  }
0x140: {  	v44 =	vld [tilespmem:s18+$0xE200];
	vm2 =	vgt.s32 v39, v38  }
0x141: {  	v45 =	vld [tilespmem:s18+$0xCE80];
	v38 =	vsel vm2, v39, v38  }
0x142: {  	v46 =	vld [tilespmem:s18+$0xCD80];
	vm3 =	vgt.s32 v35, v38  }
0x143: {  	v47 =	vld [tilespmem:s18+$0x7E80];
	v35 =	vsel vm3, v35, v38  }
0x144: {  	v48 =	vld [tilespmem:s18+$0x7F00];
	vm4 =	vgt.s32 v34, v35  }
0x145: {  	v49 =	vld [tilespmem:s18+$0x9100];
	v34 =	vsel vm4, v34, v35  }
0x146: {  	v50 =	vld [tilespmem:s18+$0x7F80];
	vm5 =	vgt.s32 v33, v34  }
0x147: {  	v51 =	vld [tilespmem:s18+$0x8080];
	v33 =	vsel vm5, v33, v34  }
0x148: {  	v52 =	vld [tilespmem:s18+$0xCF80];
	vm6 =	vgt.s32 v37, v33  }
0x149: {  	v53 =	vld [tilespmem:s18+$0xD080];
	v33 =	vsel vm6, v37, v33  }
0x14a: {  	v54 =	vld [tilespmem:s18+$0xE180];
	vm7 =	vgt.s32 v32, v33  }
0x14b: {  	v55 =	vld [tilespmem:s18+$0xE280];
	v32 =	vsel vm7, v32, v33  }
0x14c: {  	v56 =	vld [tilespmem:s18+$0x9280];
	vm8 =	vgt.s32 v7, v32  }
0x14d: {  	v58 =	vld [tilespmem:s18+$0x9300];
	v32 =	vsel vm8, v7, v32  }
0x14e: {  	v59 =	vld [tilespmem:s18+$0x5580];
	vm9 =	vgt.s32 v31, v32  }
0x14f: {  	v61 =	vld [tilespmem:s18+$0x9380];
	v31 =	vsel vm9, v31, v32  }
0x150: {  	v62 =	vld [tilespmem:s18+$0x4400];
	vm10 =	vgt.s32 v30, v31  }
0x151: {  	v4 =	vld [tilespmem:s18+$0xF600];
	v30 =	vsel vm10, v30, v31  }
0x152: {  	v21 =	vsel vm0, v21, v23;
	v23 =	vld [tilespmem:s18+$0xF500];
	vm11 =	vgt.s32 v29, v30  }
0x153: {  	v5 =	vld [tilespmem:s18+$0xF580];
	v29 =	vsel vm11, v29, v30  }
0x154: {  	v22 =	vsel vm0, v22, v24;
	v17 =	vsel vm1, v17, v21;
	v39 =	vld [tilespmem:s18+$0x9480];
	vm12 =	vgt.s32 v28, v29  }
0x155: {  	v19 =	vsel vm1, v19, v22;
	v14 =	vsel vm2, v14, v17;
	v38 =	vld [tilespmem:s18+$0x9180];
	v28 =	vsel vm12, v28, v29  }
0x156: {  	v15 =	vsel vm2, v15, v19;
	v11 =	vsel vm3, v11, v14;
	v35 =	vld [tilespmem:s18+$0xCE00];
	vm13 =	vgt.s32 v27, v28  }
0x157: {  	v12 =	vsel vm3, v12, v15;
	v11 =	vsel vm4, v36, v11;
	v36 =	vld [tilespmem:s18+$0x4480];
	v27 =	vsel vm13, v27, v28  }
0x158: {  	v12 =	vsel vm4, v13, v12;
	v34 =	vld [tilespmem:s18+$0x7E00];
	vm14 =	vgt.s32 v26, v27  }
0x159: {  	v12 =	vsel vm5, v63, v12;
	v63 =	vld [tilespmem:s18+$0x9400];
	v26 =	vsel vm14, v26, v27  }
0x15a: {  	v11 =	vsel vm5, v42, v11;
	v42 =	vld [tilespmem:s18+$0xE300];
	vm0 =	vgt.s32 v25, v26  }
0x15b: {  	v37 =	vld [tilespmem:s18+$0x5600];
	v57 =	vsel vm0, v25, v26  }
0x15c: {  	v11 =	vsel vm6, v18, v11;
	v33 =	vld [tilespmem:s18+$0x5680];
	vm15 =	vgt.s32 v16, v57  }
0x15d: {  	v12 =	vsel vm6, v20, v12;
	v8 =	vsel vm7, v8, v11;
	v7 =	vld [tilespmem:s18+$0x5780];
	v60 =	vsel vm15, v16, v57  }
0x15e: {  	v9 =	vsel vm7, v9, v12;
	v8 =	vsel vm8, v46, v8;
	v46 =	vld [tilespmem:s18+$0xE380];
	vm2 =	vgt.s32 v10, v60  }
0x15f: {  	v6 =	vsel vm8, v6, v9;
	v32 =	vld [tilespmem:s18+$0x8000];
	v10 =	vsel vm2, v10, v60  }
0x160: {  	v6 =	vsel vm9, v34, v6;
	v31 =	vld [tilespmem:s18+$0xCF00];
	vm3 =	vgt.s32 v40, v10  }
0x161: {  	v6 =	vsel vm10, v47, v6;
	v47 =	vld [tilespmem:s18+$0xE400];
	v10 =	vsel vm3, v40, v10  }
0x162: {  	v30 =	vld [tilespmem:s18+$0xD000];
	vm4 =	vgt.s32 v41, v10  }
0x163: {  	v8 =	vsel vm9, v35, v8;
	v6 =	vsel vm11, v48, v6;
	v48 =	vld [tilespmem:s18+$0xE480];
	v10 =	vsel vm4, v41, v10  }
0x164: {  	v8 =	vsel vm10, v45, v8;
	v29 =	vld [tilespmem:s18+$0xE100];
	vm10 =	vgt.s32 v43, v10  }
0x165: {  	v8 =	vsel vm11, v31, v8;
	v40 =	vld [tilespmem:s18+$0x5500];
	v10 =	vsel vm10, v43, v10  }
0x166: {  	v6 =	vsel vm12, v50, v6;
	v28 =	vld [tilespmem:s18+$0x9200];
	v8 =	vsel vm12, v52, v8;
	vm12 =	vgt.s32 v62, v10  }
0x167: {  	v50 =	vld [tilespmem:s18+$0xA500];
	v6 =	vsel vm13, v32, v6;
	v8 =	vsel vm13, v30, v8;
	v10 =	vsel vm12, v62, v10  }
0x168: {  	v52 =	vld [tilespmem:s18+$0xA600];
	v6 =	vsel vm14, v51, v6;
	v8 =	vsel vm14, v53, v8;
	vm14 =	vgt.s32 v36, v10  }
0x169: {  	v51 =	vld [tilespmem:s18+$0xA580];
	v6 =	vsel vm0, v49, v6;
	v8 =	vsel vm0, v29, v8;
	v10 =	vsel vm14, v36, v10  }
0x16a: {  	v53 =	vld [tilespmem:s18+$0xA680];
	v6 =	vsel vm15, v38, v6;
	v8 =	vsel vm15, v54, v8;
	vm15 =	vgt.s32 v40, v10  }
0x16b: {  	v54 =	vld [tilespmem:s18+$0xA700];
	v6 =	vsel vm2, v28, v6;
	v8 =	vsel vm2, v44, v8;
	v9 =	vsel vm15, v40, v10  }
0x16c: {  	v57 =	vld [tilespmem:s18+$0xF800];
	v6 =	vsel vm3, v56, v6;
	v8 =	vsel vm3, v55, v8;
	vm8 =	vgt.s32 v59, v9  }
0x16d: {  	v60 =	vld [tilespmem:s18+$0xA780];
	v6 =	vsel vm4, v58, v6;
	v8 =	vsel vm4, v42, v8;
	v9 =	vsel vm8, v59, v9  }
0x16e: {  	v56 =	vld [tilespmem:s18+$0xF700];
	v6 =	vsel vm10, v61, v6;
	v8 =	vsel vm10, v46, v8;
	vm9 =	vgt.s32 v37, v9  }
0x16f: {  	v58 =	vld [tilespmem:s18+$0x5800];
	v6 =	vsel vm12, v63, v6;
	v8 =	vsel vm12, v47, v8;
	v9 =	vsel vm9, v37, v9  }
0x170: {  	v61 =	vld [tilespmem:s18+$0xA800];
	v6 =	vsel vm14, v39, v6;
	v8 =	vsel vm14, v48, v8;
	vm10 =	vgt.s32 v33, v9  }
0x171: {  	v62 =	vld [tilespmem:s18+$0x5880];
	v6 =	vsel vm15, v50, v6;
	v8 =	vsel vm15, v23, v8;
	v9 =	vsel vm10, v33, v9  }
0x172: {  	v59 =	vld [tilespmem:s18+$0xF780];
	v6 =	vsel vm8, v51, v6;
	v5 =	vsel vm8, v5, v8;
	vm11 =	vgt.s32 v3, v9  }
0x173: {  	v6 =	vsel vm9, v52, v6;
	v4 =	vsel vm9, v4, v5;
	v5 =	vld [tilespmem:s18+$0xA880];
	v3 =	vsel vm11, v3, v9  }
0x174: {  	s28 =	sadd.s32 $0x0, s21;
	v6 =	vsel vm10, v53, v6;
	v2 =	vsel vm10, v2, v4;
	v4 =	vld [tilespmem:s18+$0xF880];
	vm12 =	vgt.s32 v7, v3  }
0x175: {  	v63 =	vor.u32 s28, v0;
	v6 =	vsel vm11, v54, v6;
	v3 =	vsel vm12, v7, v3  }
0x176: {  	v2 =	vsel vm11, v56, v2;
	v6 =	vsel vm12, v60, v6;
	vm13 =	vgt.s32 v58, v3  }
0x177: {  	v2 =	vsel vm12, v59, v2;
	v3 =	vsel vm13, v58, v3;
	v6 =	vsel vm13, v61, v6  }
0x178: {  	v2 =	vsel vm13, v57, v2;
	vm14 =	vgt.s32 v62, v3;
	v3 =	vand.u32 v3, v62  }
0x179: {  	v5 =	vsel vm14, v5, v6;
	v2 =	vsel vm14, v4, v2;
	v4 =	vand.u32 $0xFFF, v63  }
0x17a: {  	vm15 =	vlt.s32 v3, $0x0;
	v3 =	vadd.s32 s28, v1;
	v4 =	vor.u32 $0x19000, v4  }
0x17b: {  	s26 =	simm.s32 $0x10;
	s17 =	sand.u32 $0x3F0, s0;
	s18 =	simm.s32 $0x80;
	v3 =	vsel vm15, v3, v5;
	v2 =	vsel vm15, v4, v2  }
.LBB2_4:
0x17c: {  	s0 =	sand.u32 $0x70, s26  }
0x17d: {  	s28 =	sand.u32 $0x1C00, s18;
	[tilespmem:s17+$0x280] =	vst v3;
	s25 =	smov.u32 s26;
	s19 =	sadd.s32 $0x10, s26  }
0x17e: {  	p0 =	sne.s32 s26, $0x270;
	s0 =	sor.u32 s0, s28;
	[tilespmem:s17+$0xF00] =	vst v2  }
0x17f: {  	v11 =	vld [tilespmem:s0+$0x7D80]  }
0x180: {  	v14 =	vld [tilespmem:s0+$0xCD00]  }
0x181: {  	v17 =	vld [tilespmem:s0+$0x7D00]  }
0x182: {  	v4 =	vld [tilespmem:s0+$0x4200]  }
0x183: {  	v13 =	vld [tilespmem:s0+$0xBB00]  }
0x184: {  	s17 =	sor.u32 s18, s25;
	v19 =	vld [tilespmem:s0+$0x6B00]  }
0x185: {  	s17 =	sor.u32 $0x380, s17;
	v20 =	vld [tilespmem:s0+$0x6B80]  }
0x186: {  	v21 =	vld [tilespmem:s0+$0xBA80]  }
0x187: {  	v22 =	vld [tilespmem:s0+$0x6A80]  }
0x188: {  	v6 =	vld [tilespmem:s0+$0x4180]  }
0x189: {  	v7 =	vld [tilespmem:s0+$0xBA00]  }
0x18a: {  	v23 =	vld [tilespmem:s17+$0xB900]  }
0x18b: {  	v15 =	vld [tilespmem:s0+$0x6A00]  }
0x18c: {  	v24 =	vld [tilespmem:s17+$0x6900]  }
0x18d: {  	v5 =	vld [tilespmem:s0+$0xB980]  }
0x18e: {  	v25 =	vld [tilespmem:s0+$0x6980]  }
0x18f: {  	v26 =	vld [tilespmem:s0+$0xB900]  }
0x190: {  	v27 =	vld [tilespmem:s0+$0x6900]  }
0x191: {  	v8 =	vld [tilespmem:s0+$0x4100]  }
0x192: {  	v9 =	vld [tilespmem:s0+$0x3080]  }
0x193: {  	v16 =	vld [tilespmem:s0+$0x3000]  }
0x194: {  	v18 =	vld [tilespmem:s0+$0x2F80]  }
0x195: {  	v28 =	vld [tilespmem:s0+$0x2F00]  }
0x196: {  	v29 =	vld [tilespmem:s0+$0x2E80]  }
0x197: {  	v30 =	vld [tilespmem:s0+$0x2E00]  }
0x198: {  	v31 =	vld [tilespmem:s0+$0x2D80]  }
0x199: {  	v32 =	vld [tilespmem:s0+$0x2D00]  }
0x19a: {  	v33 =	vld [tilespmem:s0+$0x1C00]  }
0x19b: {  	v34 =	vld [tilespmem:s0+$0x1B80]  }
0x19c: {  	v35 =	vld [tilespmem:s0+$0x1B00]  }
0x19d: {  	v36 =	vld [tilespmem:s0+$0xBB80]  }
0x19e: {  	v37 =	vld [tilespmem:s0+$0x1A00]  }
0x19f: {  	v38 =	vld [tilespmem:s0+$0x1980]  }
0x1a0: {  	v39 =	vld [tilespmem:s17+$0x1900]  }
0x1a1: {  	v40 =	vld [tilespmem:s0+$0x1900]  }
0x1a2: {  	v41 =	vld [tilespmem:s0+$0x1A80]  }
0x1a3: {  	v2 =	vld [tilespmem:s0+$0x5700]  }
0x1a4: {  	v12 =	vld [tilespmem:s0+$0x4280]  }
0x1a5: {  	v3 =	vld [tilespmem:s0+$0xF680]  }
0x1a6: {  	vm0 =	vgt.s32 v38, v40;
	v10 =	vld [tilespmem:s0+$0x4300]  }
0x1a7: {  	v38 =	vsel vm0, v38, v40;
	v25 =	vsel vm0, v25, v27;
	v26 =	vsel vm0, v5, v26;
	v5 =	vld [tilespmem:s0+$0xF600]  }
0x1a8: {  	vm0 =	vgt.s32 v37, v38;
	v27 =	vld [tilespmem:s0+$0xBC00]  }
0x1a9: {  	v37 =	vsel vm0, v37, v38;
	v25 =	vsel vm0, v15, v25;
	v26 =	vsel vm0, v7, v26;
	v15 =	vld [tilespmem:s0+$0x4380]  }
0x1aa: {  	vm0 =	vgt.s32 v41, v37;
	v7 =	vld [tilespmem:s0+$0xF580]  }
0x1ab: {  	v37 =	vsel vm0, v41, v37;
	v22 =	vsel vm0, v22, v25;
	v21 =	vsel vm0, v21, v26;
	v25 =	vld [tilespmem:s0+$0x6C00]  }
0x1ac: {  	vm0 =	vgt.s32 v35, v37;
	v26 =	vld [tilespmem:s0+$0xE200]  }
0x1ad: {  	v35 =	vsel vm0, v35, v37;
	v19 =	vsel vm0, v19, v22;
	v13 =	vsel vm0, v13, v21;
	v21 =	vld [tilespmem:s0+$0x9180]  }
0x1ae: {  	vm0 =	vgt.s32 v34, v35;
	v22 =	vld [tilespmem:s0+$0xCE80]  }
0x1af: {  	v34 =	vsel vm0, v34, v35;
	v19 =	vsel vm0, v20, v19;
	v13 =	vsel vm0, v36, v13;
	v20 =	vld [tilespmem:s0+$0xCE00]  }
0x1b0: {  	vm0 =	vgt.s32 v33, v34;
	v35 =	vld [tilespmem:s0+$0xCD80]  }
0x1b1: {  	v33 =	vsel vm0, v33, v34;
	v19 =	vsel vm0, v25, v19;
	v13 =	vsel vm0, v27, v13;
	v25 =	vld [tilespmem:s0+$0x7E00]  }
0x1b2: {  	vm0 =	vgt.s32 v39, v33;
	v27 =	vld [tilespmem:s0+$0x7E80]  }
0x1b3: {  	v33 =	vsel vm0, v39, v33;
	v19 =	vsel vm0, v24, v19;
	v23 =	vsel vm0, v23, v13;
	v13 =	vld [tilespmem:s0+$0x5600]  }
0x1b4: {  	vm0 =	vgt.s32 v32, v33;
	v24 =	vld [tilespmem:s0+$0x7F00]  }
0x1b5: {  	v32 =	vsel vm0, v32, v33;
	v17 =	vsel vm0, v17, v19;
	v19 =	vsel vm0, v14, v23;
	v14 =	vld [tilespmem:s0+$0x5680]  }
0x1b6: {  	vm0 =	vgt.s32 v31, v32;
	v23 =	vld [tilespmem:s0+$0x9100]  }
0x1b7: {  	v31 =	vsel vm0, v31, v32;
	v17 =	vsel vm0, v11, v17;
	v19 =	vsel vm0, v35, v19;
	v32 =	vld [tilespmem:s0+$0x7F80]  }
0x1b8: {  	vm0 =	vgt.s32 v30, v31;
	v11 =	vld [tilespmem:s0+$0x5780]  }
0x1b9: {  	v30 =	vsel vm0, v30, v31;
	v17 =	vsel vm0, v25, v17;
	v19 =	vsel vm0, v20, v19;
	v20 =	vld [tilespmem:s0+$0x8000]  }
0x1ba: {  	vm0 =	vgt.s32 v29, v30;
	v25 =	vld [tilespmem:s0+$0x8080]  }
0x1bb: {  	v29 =	vsel vm0, v29, v30;
	v17 =	vsel vm0, v27, v17;
	v19 =	vsel vm0, v22, v19;
	v22 =	vld [tilespmem:s0+$0xCF00]  }
0x1bc: {  	vm0 =	vgt.s32 v28, v29;
	v27 =	vld [tilespmem:s0+$0xCF80]  }
0x1bd: {  	v28 =	vsel vm0, v28, v29;
	v17 =	vsel vm0, v24, v17;
	v24 =	vld [tilespmem:s0+$0xD000]  }
0x1be: {  	vm1 =	vgt.s32 v18, v28;
	v29 =	vld [tilespmem:s0+$0xD080]  }
0x1bf: {  	v18 =	vsel vm1, v18, v28;
	v17 =	vsel vm1, v32, v17;
	v28 =	vld [tilespmem:s0+$0xE100]  }
0x1c0: {  	v19 =	vsel vm0, v22, v19;
	vm0 =	vgt.s32 v16, v18;
	v22 =	vld [tilespmem:s0+$0xE180]  }
0x1c1: {  	v19 =	vsel vm1, v27, v19;
	v16 =	vsel vm0, v16, v18;
	v17 =	vsel vm0, v20, v17;
	v18 =	vld [tilespmem:s0+$0x9200]  }
0x1c2: {  	v19 =	vsel vm0, v24, v19;
	vm0 =	vgt.s32 v9, v16;
	v20 =	vld [tilespmem:s0+$0xE280]  }
0x1c3: {  	v9 =	vsel vm0, v9, v16;
	v16 =	vsel vm0, v25, v17;
	v17 =	vsel vm0, v29, v19;
	v19 =	vld [tilespmem:s0+$0x9280]  }
0x1c4: {  	vm0 =	vgt.s32 v8, v9;
	v24 =	vld [tilespmem:s0+$0xF500]  }
0x1c5: {  	v8 =	vsel vm0, v8, v9;
	v9 =	vsel vm0, v23, v16;
	v16 =	vsel vm0, v28, v17;
	v17 =	vld [tilespmem:s0+$0x9300]  }
0x1c6: {  	vm0 =	vgt.s32 v6, v8;
	v23 =	vld [tilespmem:s0+$0x5580]  }
0x1c7: {  	v6 =	vsel vm0, v6, v8;
	v8 =	vsel vm0, v21, v9;
	v9 =	vsel vm0, v22, v16;
	v16 =	vld [tilespmem:s0+$0x9380]  }
0x1c8: {  	vm0 =	vgt.s32 v4, v6;
	v21 =	vld [tilespmem:s0+$0x4400]  }
0x1c9: {  	v4 =	vsel vm0, v4, v6;
	v6 =	vsel vm0, v18, v8;
	v8 =	vsel vm0, v26, v9;
	v9 =	vld [tilespmem:s0+$0x9400]  }
0x1ca: {  	vm0 =	vgt.s32 v12, v4;
	v18 =	vld [tilespmem:s0+$0x4480]  }
0x1cb: {  	v4 =	vsel vm0, v12, v4;
	v6 =	vsel vm0, v19, v6;
	v8 =	vsel vm0, v20, v8;
	v12 =	vld [tilespmem:s0+$0x9480]  }
0x1cc: {  	vm0 =	vgt.s32 v10, v4;
	v19 =	vld [tilespmem:s0+$0x5500]  }
0x1cd: {  	v4 =	vsel vm0, v10, v4;
	v6 =	vsel vm0, v17, v6;
	v10 =	vld [tilespmem:s0+$0xE300]  }
0x1ce: {  	vm1 =	vgt.s32 v15, v4;
	v17 =	vld [tilespmem:s0+$0xE380]  }
0x1cf: {  	v4 =	vsel vm1, v15, v4;
	v6 =	vsel vm1, v16, v6;
	v15 =	vld [tilespmem:s0+$0xE400]  }
0x1d0: {  	vm2 =	vgt.s32 v21, v4;
	v16 =	vld [tilespmem:s0+$0xE480]  }
0x1d1: {  	v4 =	vsel vm2, v21, v4;
	v6 =	vsel vm2, v9, v6;
	v9 =	vld [tilespmem:s0+$0xA500]  }
0x1d2: {  	v8 =	vsel vm0, v10, v8;
	vm0 =	vgt.s32 v18, v4;
	v10 =	vld [tilespmem:s0+$0xA580]  }
0x1d3: {  	v8 =	vsel vm1, v17, v8;
	v4 =	vsel vm0, v18, v4;
	v6 =	vsel vm0, v12, v6;
	v12 =	vld [tilespmem:s0+$0xA600]  }
0x1d4: {  	v8 =	vsel vm2, v15, v8;
	vm1 =	vgt.s32 v19, v4;
	v15 =	vld [tilespmem:s0+$0xA680]  }
0x1d5: {  	v8 =	vsel vm0, v16, v8;
	v4 =	vsel vm1, v19, v4;
	v16 =	vld [tilespmem:s0+$0xA700]  }
0x1d6: {  	v6 =	vsel vm1, v9, v6;
	v8 =	vsel vm1, v24, v8;
	vm0 =	vgt.s32 v23, v4;
	v9 =	vld [tilespmem:s0+$0xF700]  }
0x1d7: {  	v4 =	vsel vm0, v23, v4;
	v6 =	vsel vm0, v10, v6;
	v7 =	vsel vm0, v7, v8;
	v8 =	vld [tilespmem:s0+$0xF800]  }
0x1d8: {  	vm0 =	vgt.s32 v13, v4;
	v10 =	vld [tilespmem:s0+$0x5800]  }
0x1d9: {  	v4 =	vsel vm0, v13, v4;
	v6 =	vsel vm0, v12, v6;
	v5 =	vsel vm0, v5, v7;
	v7 =	vld [tilespmem:s0+$0xF780]  }
0x1da: {  	vm0 =	vgt.s32 v14, v4;
	v12 =	vld [tilespmem:s0+$0xA780]  }
0x1db: {  	v4 =	vsel vm0, v14, v4;
	v6 =	vsel vm0, v15, v6;
	v3 =	vsel vm0, v3, v5;
	v5 =	vld [tilespmem:s0+$0xA800]  }
0x1dc: {  	vm0 =	vgt.s32 v2, v4;
	v13 =	vld [tilespmem:s0+$0x5880]  }
0x1dd: {  	v2 =	vsel vm0, v2, v4;
	v4 =	vsel vm0, v16, v6;
	v3 =	vsel vm0, v9, v3;
	v6 =	vld [tilespmem:s0+$0xA880]  }
0x1de: {  	vm0 =	vgt.s32 v11, v2;
	v9 =	vld [tilespmem:s0+$0xF880]  }
0x1df: {  	v2 =	vsel vm0, v11, v2;
	v4 =	vsel vm0, v12, v4;
	v3 =	vsel vm0, v7, v3  }
0x1e0: {  	s0 =	sadd.s32 s25, s21;
	vm0 =	vgt.s32 v10, v2  }
.Ltmp3:
0x1e1: {  	v2 =	vsel vm0, v10, v2;
	v4 =	vsel vm0, v5, v4;
	v3 =	vsel vm0, v8, v3;
	(pc) =	sbr.rel @p0 .LBB2_4-.Ltmp3, $4  }
0x1e2: {  	v5 =	vor.u32 s0, v0;
	vm0 =	vgt.s32 v13, v2;
	v2 =	vand.u32 v2, v13  }
0x1e3: {  	v4 =	vsel vm0, v6, v4;
	v6 =	vsel vm0, v9, v3;
	v3 =	vand.u32 $0xFFF, v5  }
0x1e4: {  	vm0 =	vlt.s32 v2, $0x0;
	v2 =	vadd.s32 s0, v1;
	v5 =	vor.u32 $0x19000, v3  }
0x1e5: {  	s18 =	sadd.s32 $0x80, s18;
	s26 =	smov.u32 s19;
	s17 =	sand.u32 $0x3F0, s25;
	v3 =	vsel vm0, v2, v4;
	v2 =	vsel vm0, v5, v6  }
0x1e6: {  	[tilespmem:s17+$0x280] =	vst v3  }
0x1e7: {  	[tilespmem:s17+$0xF00] =	vst v2;
	s0 =	rddreg [dreg:$0x9]  }
0x1e8: {  	[tilespmem:s31], [sflag:$0x1] =	stream.strided.gather [hbm4b:s0+s30], $0x5000, s29, s30, $0x200038;
	[tilespmem:$0x1A900] =	vst v63  }
0x1e9: {  	s26 =	rddreg [dreg:$0xa];
	s28 =	simm.s32 $0x6900  }
0x1ea: {  	[tilespmem:s28], [sflag:$0x1] =	stream.strided.gather [hbm4b:s26+s30], $0x5000, s29, s30, $0x200038;
	[tilespmem:$0x1A900] =	vst v63  }
0x1eb: {  	s17 =	rddreg [dreg:$0xb];
	s18 =	simm.s32 $0xB900  }
0x1ec: {  	[tilespmem:s18], [sflag:$0x1] =	stream.strided.gather [hbm4b:s17+s30], $0x5000, s29, s30, $0x200038;
	[tilespmem:$0x1A900] =	vst v63  }
0x1ed: {  	_ =	swait.ge [sflag:s1], $0x5000  }
0x1ee: {  	[sflag:s1] =	ssyncset.done $0x0  }
0x1ef: {  	[sflag:s1] =	ssyncadd.s32 $0xFFFFB000  }
0x1f0: {  	_ =	swait.ge [sflag:s1], $0x5000  }
0x1f1: {  	[sflag:s1] =	ssyncset.done $0x0  }
0x1f2: {  	[sflag:s1] =	ssyncadd.s32 $0xFFFFB000  }
0x1f3: {  	s19 =	simm.s32 $0x0;
	_ =	swait.ge [sflag:s1], $0x5000  }
0x1f4: {  	s25 =	sand.u32 $0x70, s19;
	s18 =	sand.u32 $0x1C00, s19;
	[sflag:s1] =	ssyncset.done $0x0  }
0x1f5: {  	s18 =	sor.u32 s25, s18;
	[sflag:s1] =	ssyncadd.s32 $0xFFFFB000  }
0x1f6: {  	v6 =	vld [tilespmem:s18+$0x7D80]  }
0x1f7: {  	v8 =	vld [tilespmem:s18+$0xCD00]  }
0x1f8: {  	v9 =	vld [tilespmem:s18+$0x7D00]  }
0x1f9: {  	v10 =	vld [tilespmem:s18+$0x4200]  }
0x1fa: {  	v11 =	vld [tilespmem:s18+$0xBB00]  }
0x1fb: {  	v12 =	vld [tilespmem:s18+$0x6B00]  }
0x1fc: {  	v13 =	vld [tilespmem:s18+$0x6B80]  }
0x1fd: {  	v14 =	vld [tilespmem:s18+$0xBA80]  }
0x1fe: {  	v15 =	vld [tilespmem:s18+$0x6A80]  }
0x1ff: {  	s26 =	sor.u32 s19, s19;
	v16 =	vld [tilespmem:s18+$0x4180]  }
0x200: {  	s17 =	sor.u32 $0x380, s26;
	v17 =	vld [tilespmem:s18+$0xBA00]  }
0x201: {  	v18 =	vld [tilespmem:s17+$0xB900]  }
0x202: {  	v19 =	vld [tilespmem:s18+$0x6A00]  }
0x203: {  	v20 =	vld [tilespmem:s17+$0x6900]  }
0x204: {  	v21 =	vld [tilespmem:s18+$0xB980]  }
0x205: {  	v22 =	vld [tilespmem:s18+$0x6980]  }
0x206: {  	v23 =	vld [tilespmem:s18+$0xB900]  }
0x207: {  	v24 =	vld [tilespmem:s18+$0x6900]  }
0x208: {  	v25 =	vld [tilespmem:s18+$0x4100]  }
0x209: {  	v26 =	vld [tilespmem:s18+$0x3080]  }
0x20a: {  	v27 =	vld [tilespmem:s18+$0x3000]  }
0x20b: {  	v28 =	vld [tilespmem:s18+$0x2F80]  }
0x20c: {  	v29 =	vld [tilespmem:s18+$0x2F00]  }
0x20d: {  	v30 =	vld [tilespmem:s18+$0x2E80]  }
0x20e: {  	v31 =	vld [tilespmem:s18+$0x2E00]  }
0x20f: {  	v7 =	vld [tilespmem:s18+$0x2D80]  }
0x210: {  	v32 =	vld [tilespmem:s18+$0x2D00]  }
0x211: {  	v33 =	vld [tilespmem:s18+$0x1C00]  }
0x212: {  	v34 =	vld [tilespmem:s18+$0x1B80]  }
0x213: {  	v35 =	vld [tilespmem:s18+$0x1B00]  }
0x214: {  	v36 =	vld [tilespmem:s18+$0xBB80]  }
0x215: {  	v5 =	vld [tilespmem:s18+$0x1A00]  }
0x216: {  	v4 =	vld [tilespmem:s18+$0x1980]  }
0x217: {  	v37 =	vld [tilespmem:s17+$0x1900]  }
0x218: {  	v38 =	vld [tilespmem:s18+$0x1900]  }
0x219: {  	v39 =	vld [tilespmem:s18+$0x1A80]  }
0x21a: {  	v3 =	vld [tilespmem:s18+$0x5700]  }
0x21b: {  	v40 =	vld [tilespmem:s18+$0x4280]  }
0x21c: {  	v2 =	vld [tilespmem:s18+$0xF680]  }
0x21d: {  	v41 =	vld [tilespmem:s18+$0x4300];
	vm0 =	vgt.s32 v4, v38  }
0x21e: {  	v42 =	vld [tilespmem:s18+$0xBC00];
	v38 =	vsel vm0, v4, v38  }
0x21f: {  	v43 =	vld [tilespmem:s18+$0x4380];
	vm1 =	vgt.s32 v5, v38  }
0x220: {  	v63 =	vld [tilespmem:s18+$0x6C00];
	v38 =	vsel vm1, v5, v38  }
0x221: {  	v44 =	vld [tilespmem:s18+$0xE200];
	vm2 =	vgt.s32 v39, v38  }
0x222: {  	v45 =	vld [tilespmem:s18+$0xCE80];
	v38 =	vsel vm2, v39, v38  }
0x223: {  	v46 =	vld [tilespmem:s18+$0xCD80];
	vm3 =	vgt.s32 v35, v38  }
0x224: {  	v47 =	vld [tilespmem:s18+$0x7E80];
	v35 =	vsel vm3, v35, v38  }
0x225: {  	v48 =	vld [tilespmem:s18+$0x7F00];
	vm4 =	vgt.s32 v34, v35  }
0x226: {  	v49 =	vld [tilespmem:s18+$0x9100];
	v34 =	vsel vm4, v34, v35  }
0x227: {  	v50 =	vld [tilespmem:s18+$0x7F80];
	vm5 =	vgt.s32 v33, v34  }
0x228: {  	v51 =	vld [tilespmem:s18+$0x8080];
	v33 =	vsel vm5, v33, v34  }
0x229: {  	v52 =	vld [tilespmem:s18+$0xCF80];
	vm6 =	vgt.s32 v37, v33  }
0x22a: {  	v53 =	vld [tilespmem:s18+$0xD080];
	v33 =	vsel vm6, v37, v33  }
0x22b: {  	v54 =	vld [tilespmem:s18+$0xE180];
	vm7 =	vgt.s32 v32, v33  }
0x22c: {  	v55 =	vld [tilespmem:s18+$0xE280];
	v32 =	vsel vm7, v32, v33  }
0x22d: {  	v56 =	vld [tilespmem:s18+$0x9280];
	vm8 =	vgt.s32 v7, v32  }
0x22e: {  	v58 =	vld [tilespmem:s18+$0x9300];
	v32 =	vsel vm8, v7, v32  }
0x22f: {  	v59 =	vld [tilespmem:s18+$0x5580];
	vm9 =	vgt.s32 v31, v32  }
0x230: {  	v61 =	vld [tilespmem:s18+$0x9380];
	v31 =	vsel vm9, v31, v32  }
0x231: {  	v62 =	vld [tilespmem:s18+$0x4400];
	vm10 =	vgt.s32 v30, v31  }
0x232: {  	v4 =	vld [tilespmem:s18+$0xF600];
	v30 =	vsel vm10, v30, v31  }
0x233: {  	v21 =	vsel vm0, v21, v23;
	v23 =	vld [tilespmem:s18+$0xF500];
	vm11 =	vgt.s32 v29, v30  }
0x234: {  	v5 =	vld [tilespmem:s18+$0xF580];
	v29 =	vsel vm11, v29, v30  }
0x235: {  	v22 =	vsel vm0, v22, v24;
	v17 =	vsel vm1, v17, v21;
	v39 =	vld [tilespmem:s18+$0x9480];
	vm12 =	vgt.s32 v28, v29  }
0x236: {  	v19 =	vsel vm1, v19, v22;
	v14 =	vsel vm2, v14, v17;
	v38 =	vld [tilespmem:s18+$0x9180];
	v28 =	vsel vm12, v28, v29  }
0x237: {  	v15 =	vsel vm2, v15, v19;
	v11 =	vsel vm3, v11, v14;
	v35 =	vld [tilespmem:s18+$0xCE00];
	vm13 =	vgt.s32 v27, v28  }
0x238: {  	v12 =	vsel vm3, v12, v15;
	v11 =	vsel vm4, v36, v11;
	v36 =	vld [tilespmem:s18+$0x4480];
	v27 =	vsel vm13, v27, v28  }
0x239: {  	v12 =	vsel vm4, v13, v12;
	v34 =	vld [tilespmem:s18+$0x7E00];
	vm14 =	vgt.s32 v26, v27  }
0x23a: {  	v12 =	vsel vm5, v63, v12;
	v63 =	vld [tilespmem:s18+$0x9400];
	v26 =	vsel vm14, v26, v27  }
0x23b: {  	v11 =	vsel vm5, v42, v11;
	v42 =	vld [tilespmem:s18+$0xE300];
	vm0 =	vgt.s32 v25, v26  }
0x23c: {  	v37 =	vld [tilespmem:s18+$0x5600];
	v57 =	vsel vm0, v25, v26  }
0x23d: {  	v11 =	vsel vm6, v18, v11;
	v33 =	vld [tilespmem:s18+$0x5680];
	vm15 =	vgt.s32 v16, v57  }
0x23e: {  	v12 =	vsel vm6, v20, v12;
	v8 =	vsel vm7, v8, v11;
	v7 =	vld [tilespmem:s18+$0x5780];
	v60 =	vsel vm15, v16, v57  }
0x23f: {  	v9 =	vsel vm7, v9, v12;
	v8 =	vsel vm8, v46, v8;
	v46 =	vld [tilespmem:s18+$0xE380];
	vm2 =	vgt.s32 v10, v60  }
0x240: {  	v6 =	vsel vm8, v6, v9;
	v32 =	vld [tilespmem:s18+$0x8000];
	v10 =	vsel vm2, v10, v60  }
0x241: {  	v6 =	vsel vm9, v34, v6;
	v31 =	vld [tilespmem:s18+$0xCF00];
	vm3 =	vgt.s32 v40, v10  }
0x242: {  	v6 =	vsel vm10, v47, v6;
	v47 =	vld [tilespmem:s18+$0xE400];
	v10 =	vsel vm3, v40, v10  }
0x243: {  	v30 =	vld [tilespmem:s18+$0xD000];
	vm4 =	vgt.s32 v41, v10  }
0x244: {  	v8 =	vsel vm9, v35, v8;
	v6 =	vsel vm11, v48, v6;
	v48 =	vld [tilespmem:s18+$0xE480];
	v10 =	vsel vm4, v41, v10  }
0x245: {  	v8 =	vsel vm10, v45, v8;
	v29 =	vld [tilespmem:s18+$0xE100];
	vm10 =	vgt.s32 v43, v10  }
0x246: {  	v8 =	vsel vm11, v31, v8;
	v40 =	vld [tilespmem:s18+$0x5500];
	v10 =	vsel vm10, v43, v10  }
0x247: {  	v6 =	vsel vm12, v50, v6;
	v28 =	vld [tilespmem:s18+$0x9200];
	v8 =	vsel vm12, v52, v8;
	vm12 =	vgt.s32 v62, v10  }
0x248: {  	v50 =	vld [tilespmem:s18+$0xA500];
	v6 =	vsel vm13, v32, v6;
	v8 =	vsel vm13, v30, v8;
	v10 =	vsel vm12, v62, v10  }
0x249: {  	v52 =	vld [tilespmem:s18+$0xA600];
	v6 =	vsel vm14, v51, v6;
	v8 =	vsel vm14, v53, v8;
	vm14 =	vgt.s32 v36, v10  }
0x24a: {  	v51 =	vld [tilespmem:s18+$0xA580];
	v6 =	vsel vm0, v49, v6;
	v8 =	vsel vm0, v29, v8;
	v10 =	vsel vm14, v36, v10  }
0x24b: {  	v53 =	vld [tilespmem:s18+$0xA680];
	v6 =	vsel vm15, v38, v6;
	v8 =	vsel vm15, v54, v8;
	vm15 =	vgt.s32 v40, v10  }
0x24c: {  	v54 =	vld [tilespmem:s18+$0xA700];
	v6 =	vsel vm2, v28, v6;
	v8 =	vsel vm2, v44, v8;
	v9 =	vsel vm15, v40, v10  }
0x24d: {  	v57 =	vld [tilespmem:s18+$0xF800];
	v6 =	vsel vm3, v56, v6;
	v8 =	vsel vm3, v55, v8;
	vm8 =	vgt.s32 v59, v9  }
0x24e: {  	v60 =	vld [tilespmem:s18+$0xA780];
	v6 =	vsel vm4, v58, v6;
	v8 =	vsel vm4, v42, v8;
	v9 =	vsel vm8, v59, v9  }
0x24f: {  	v56 =	vld [tilespmem:s18+$0xF700];
	v6 =	vsel vm10, v61, v6;
	v8 =	vsel vm10, v46, v8;
	vm9 =	vgt.s32 v37, v9  }
0x250: {  	v58 =	vld [tilespmem:s18+$0x5800];
	v6 =	vsel vm12, v63, v6;
	v8 =	vsel vm12, v47, v8;
	v9 =	vsel vm9, v37, v9  }
0x251: {  	v61 =	vld [tilespmem:s18+$0xA800];
	v6 =	vsel vm14, v39, v6;
	v8 =	vsel vm14, v48, v8;
	vm10 =	vgt.s32 v33, v9  }
0x252: {  	v62 =	vld [tilespmem:s18+$0x5880];
	v6 =	vsel vm15, v50, v6;
	v8 =	vsel vm15, v23, v8;
	v9 =	vsel vm10, v33, v9  }
0x253: {  	v59 =	vld [tilespmem:s18+$0xF780];
	v6 =	vsel vm8, v51, v6;
	v5 =	vsel vm8, v5, v8;
	vm11 =	vgt.s32 v3, v9  }
0x254: {  	v6 =	vsel vm9, v52, v6;
	v4 =	vsel vm9, v4, v5;
	v5 =	vld [tilespmem:s18+$0xA880];
	v3 =	vsel vm11, v3, v9  }
0x255: {  	s28 =	sadd.s32 $0x0, s22;
	v6 =	vsel vm10, v53, v6;
	v2 =	vsel vm10, v2, v4;
	v4 =	vld [tilespmem:s18+$0xF880];
	vm12 =	vgt.s32 v7, v3  }
0x256: {  	v63 =	vor.u32 s28, v0;
	v6 =	vsel vm11, v54, v6;
	v3 =	vsel vm12, v7, v3  }
0x257: {  	v2 =	vsel vm11, v56, v2;
	v6 =	vsel vm12, v60, v6;
	vm13 =	vgt.s32 v58, v3  }
0x258: {  	v2 =	vsel vm12, v59, v2;
	v3 =	vsel vm13, v58, v3;
	v6 =	vsel vm13, v61, v6  }
0x259: {  	v2 =	vsel vm13, v57, v2;
	vm14 =	vgt.s32 v62, v3;
	v3 =	vand.u32 v3, v62  }
0x25a: {  	v5 =	vsel vm14, v5, v6;
	v2 =	vsel vm14, v4, v2;
	v4 =	vand.u32 $0xFFF, v63  }
0x25b: {  	vm15 =	vlt.s32 v3, $0x0;
	v3 =	vadd.s32 s28, v1;
	v4 =	vor.u32 $0x19000, v4  }
0x25c: {  	s26 =	simm.s32 $0x10;
	s17 =	sand.u32 $0x3F0, s19;
	s18 =	simm.s32 $0x80;
	v3 =	vsel vm15, v3, v5;
	v2 =	vsel vm15, v4, v2  }
.LBB2_6:
0x25d: {  	s0 =	sand.u32 $0x70, s26  }
0x25e: {  	s28 =	sand.u32 $0x1C00, s18;
	[tilespmem:s17+$0x500] =	vst v3;
	s25 =	smov.u32 s26;
	s19 =	sadd.s32 $0x10, s26  }
0x25f: {  	p0 =	sne.s32 s26, $0x270;
	s0 =	sor.u32 s0, s28;
	[tilespmem:s17+$0x1180] =	vst v2  }
0x260: {  	v11 =	vld [tilespmem:s0+$0x7D80]  }
0x261: {  	v14 =	vld [tilespmem:s0+$0xCD00]  }
0x262: {  	v17 =	vld [tilespmem:s0+$0x7D00]  }
0x263: {  	v4 =	vld [tilespmem:s0+$0x4200]  }
0x264: {  	v13 =	vld [tilespmem:s0+$0xBB00]  }
0x265: {  	s17 =	sor.u32 s18, s25;
	v19 =	vld [tilespmem:s0+$0x6B00]  }
0x266: {  	s17 =	sor.u32 $0x380, s17;
	v20 =	vld [tilespmem:s0+$0x6B80]  }
0x267: {  	v21 =	vld [tilespmem:s0+$0xBA80]  }
0x268: {  	v22 =	vld [tilespmem:s0+$0x6A80]  }
0x269: {  	v6 =	vld [tilespmem:s0+$0x4180]  }
0x26a: {  	v7 =	vld [tilespmem:s0+$0xBA00]  }
0x26b: {  	v23 =	vld [tilespmem:s17+$0xB900]  }
0x26c: {  	v15 =	vld [tilespmem:s0+$0x6A00]  }
0x26d: {  	v24 =	vld [tilespmem:s17+$0x6900]  }
0x26e: {  	v5 =	vld [tilespmem:s0+$0xB980]  }
0x26f: {  	v25 =	vld [tilespmem:s0+$0x6980]  }
0x270: {  	v26 =	vld [tilespmem:s0+$0xB900]  }
0x271: {  	v27 =	vld [tilespmem:s0+$0x6900]  }
0x272: {  	v8 =	vld [tilespmem:s0+$0x4100]  }
0x273: {  	v9 =	vld [tilespmem:s0+$0x3080]  }
0x274: {  	v16 =	vld [tilespmem:s0+$0x3000]  }
0x275: {  	v18 =	vld [tilespmem:s0+$0x2F80]  }
0x276: {  	v28 =	vld [tilespmem:s0+$0x2F00]  }
0x277: {  	v29 =	vld [tilespmem:s0+$0x2E80]  }
0x278: {  	v30 =	vld [tilespmem:s0+$0x2E00]  }
0x279: {  	v31 =	vld [tilespmem:s0+$0x2D80]  }
0x27a: {  	v32 =	vld [tilespmem:s0+$0x2D00]  }
0x27b: {  	v33 =	vld [tilespmem:s0+$0x1C00]  }
0x27c: {  	v34 =	vld [tilespmem:s0+$0x1B80]  }
0x27d: {  	v35 =	vld [tilespmem:s0+$0x1B00]  }
0x27e: {  	v36 =	vld [tilespmem:s0+$0xBB80]  }
0x27f: {  	v37 =	vld [tilespmem:s0+$0x1A00]  }
0x280: {  	v38 =	vld [tilespmem:s0+$0x1980]  }
0x281: {  	v39 =	vld [tilespmem:s17+$0x1900]  }
0x282: {  	v40 =	vld [tilespmem:s0+$0x1900]  }
0x283: {  	v41 =	vld [tilespmem:s0+$0x1A80]  }
0x284: {  	v2 =	vld [tilespmem:s0+$0x5700]  }
0x285: {  	v12 =	vld [tilespmem:s0+$0x4280]  }
0x286: {  	v3 =	vld [tilespmem:s0+$0xF680]  }
0x287: {  	vm0 =	vgt.s32 v38, v40;
	v10 =	vld [tilespmem:s0+$0x4300]  }
0x288: {  	v38 =	vsel vm0, v38, v40;
	v25 =	vsel vm0, v25, v27;
	v26 =	vsel vm0, v5, v26;
	v5 =	vld [tilespmem:s0+$0xF600]  }
0x289: {  	vm0 =	vgt.s32 v37, v38;
	v27 =	vld [tilespmem:s0+$0xBC00]  }
0x28a: {  	v37 =	vsel vm0, v37, v38;
	v25 =	vsel vm0, v15, v25;
	v26 =	vsel vm0, v7, v26;
	v15 =	vld [tilespmem:s0+$0x4380]  }
0x28b: {  	vm0 =	vgt.s32 v41, v37;
	v7 =	vld [tilespmem:s0+$0xF580]  }
0x28c: {  	v37 =	vsel vm0, v41, v37;
	v22 =	vsel vm0, v22, v25;
	v21 =	vsel vm0, v21, v26;
	v25 =	vld [tilespmem:s0+$0x6C00]  }
0x28d: {  	vm0 =	vgt.s32 v35, v37;
	v26 =	vld [tilespmem:s0+$0xE200]  }
0x28e: {  	v35 =	vsel vm0, v35, v37;
	v19 =	vsel vm0, v19, v22;
	v13 =	vsel vm0, v13, v21;
	v21 =	vld [tilespmem:s0+$0x9180]  }
0x28f: {  	vm0 =	vgt.s32 v34, v35;
	v22 =	vld [tilespmem:s0+$0xCE80]  }
0x290: {  	v34 =	vsel vm0, v34, v35;
	v19 =	vsel vm0, v20, v19;
	v13 =	vsel vm0, v36, v13;
	v20 =	vld [tilespmem:s0+$0xCE00]  }
0x291: {  	vm0 =	vgt.s32 v33, v34;
	v35 =	vld [tilespmem:s0+$0xCD80]  }
0x292: {  	v33 =	vsel vm0, v33, v34;
	v19 =	vsel vm0, v25, v19;
	v13 =	vsel vm0, v27, v13;
	v25 =	vld [tilespmem:s0+$0x7E00]  }
0x293: {  	vm0 =	vgt.s32 v39, v33;
	v27 =	vld [tilespmem:s0+$0x7E80]  }
0x294: {  	v33 =	vsel vm0, v39, v33;
	v19 =	vsel vm0, v24, v19;
	v23 =	vsel vm0, v23, v13;
	v13 =	vld [tilespmem:s0+$0x5600]  }
0x295: {  	vm0 =	vgt.s32 v32, v33;
	v24 =	vld [tilespmem:s0+$0x7F00]  }
0x296: {  	v32 =	vsel vm0, v32, v33;
	v17 =	vsel vm0, v17, v19;
	v19 =	vsel vm0, v14, v23;
	v14 =	vld [tilespmem:s0+$0x5680]  }
0x297: {  	vm0 =	vgt.s32 v31, v32;
	v23 =	vld [tilespmem:s0+$0x9100]  }
0x298: {  	v31 =	vsel vm0, v31, v32;
	v17 =	vsel vm0, v11, v17;
	v19 =	vsel vm0, v35, v19;
	v32 =	vld [tilespmem:s0+$0x7F80]  }
0x299: {  	vm0 =	vgt.s32 v30, v31;
	v11 =	vld [tilespmem:s0+$0x5780]  }
0x29a: {  	v30 =	vsel vm0, v30, v31;
	v17 =	vsel vm0, v25, v17;
	v19 =	vsel vm0, v20, v19;
	v20 =	vld [tilespmem:s0+$0x8000]  }
0x29b: {  	vm0 =	vgt.s32 v29, v30;
	v25 =	vld [tilespmem:s0+$0x8080]  }
0x29c: {  	v29 =	vsel vm0, v29, v30;
	v17 =	vsel vm0, v27, v17;
	v19 =	vsel vm0, v22, v19;
	v22 =	vld [tilespmem:s0+$0xCF00]  }
0x29d: {  	vm0 =	vgt.s32 v28, v29;
	v27 =	vld [tilespmem:s0+$0xCF80]  }
0x29e: {  	v28 =	vsel vm0, v28, v29;
	v17 =	vsel vm0, v24, v17;
	v24 =	vld [tilespmem:s0+$0xD000]  }
0x29f: {  	vm1 =	vgt.s32 v18, v28;
	v29 =	vld [tilespmem:s0+$0xD080]  }
0x2a0: {  	v18 =	vsel vm1, v18, v28;
	v17 =	vsel vm1, v32, v17;
	v28 =	vld [tilespmem:s0+$0xE100]  }
0x2a1: {  	v19 =	vsel vm0, v22, v19;
	vm0 =	vgt.s32 v16, v18;
	v22 =	vld [tilespmem:s0+$0xE180]  }
0x2a2: {  	v19 =	vsel vm1, v27, v19;
	v16 =	vsel vm0, v16, v18;
	v17 =	vsel vm0, v20, v17;
	v18 =	vld [tilespmem:s0+$0x9200]  }
0x2a3: {  	v19 =	vsel vm0, v24, v19;
	vm0 =	vgt.s32 v9, v16;
	v20 =	vld [tilespmem:s0+$0xE280]  }
0x2a4: {  	v9 =	vsel vm0, v9, v16;
	v16 =	vsel vm0, v25, v17;
	v17 =	vsel vm0, v29, v19;
	v19 =	vld [tilespmem:s0+$0x9280]  }
0x2a5: {  	vm0 =	vgt.s32 v8, v9;
	v24 =	vld [tilespmem:s0+$0xF500]  }
0x2a6: {  	v8 =	vsel vm0, v8, v9;
	v9 =	vsel vm0, v23, v16;
	v16 =	vsel vm0, v28, v17;
	v17 =	vld [tilespmem:s0+$0x9300]  }
0x2a7: {  	vm0 =	vgt.s32 v6, v8;
	v23 =	vld [tilespmem:s0+$0x5580]  }
0x2a8: {  	v6 =	vsel vm0, v6, v8;
	v8 =	vsel vm0, v21, v9;
	v9 =	vsel vm0, v22, v16;
	v16 =	vld [tilespmem:s0+$0x9380]  }
0x2a9: {  	vm0 =	vgt.s32 v4, v6;
	v21 =	vld [tilespmem:s0+$0x4400]  }
0x2aa: {  	v4 =	vsel vm0, v4, v6;
	v6 =	vsel vm0, v18, v8;
	v8 =	vsel vm0, v26, v9;
	v9 =	vld [tilespmem:s0+$0x9400]  }
0x2ab: {  	vm0 =	vgt.s32 v12, v4;
	v18 =	vld [tilespmem:s0+$0x4480]  }
0x2ac: {  	v4 =	vsel vm0, v12, v4;
	v6 =	vsel vm0, v19, v6;
	v8 =	vsel vm0, v20, v8;
	v12 =	vld [tilespmem:s0+$0x9480]  }
0x2ad: {  	vm0 =	vgt.s32 v10, v4;
	v19 =	vld [tilespmem:s0+$0x5500]  }
0x2ae: {  	v4 =	vsel vm0, v10, v4;
	v6 =	vsel vm0, v17, v6;
	v10 =	vld [tilespmem:s0+$0xE300]  }
0x2af: {  	vm1 =	vgt.s32 v15, v4;
	v17 =	vld [tilespmem:s0+$0xE380]  }
0x2b0: {  	v4 =	vsel vm1, v15, v4;
	v6 =	vsel vm1, v16, v6;
	v15 =	vld [tilespmem:s0+$0xE400]  }
0x2b1: {  	vm2 =	vgt.s32 v21, v4;
	v16 =	vld [tilespmem:s0+$0xE480]  }
0x2b2: {  	v4 =	vsel vm2, v21, v4;
	v6 =	vsel vm2, v9, v6;
	v9 =	vld [tilespmem:s0+$0xA500]  }
0x2b3: {  	v8 =	vsel vm0, v10, v8;
	vm0 =	vgt.s32 v18, v4;
	v10 =	vld [tilespmem:s0+$0xA580]  }
0x2b4: {  	v8 =	vsel vm1, v17, v8;
	v4 =	vsel vm0, v18, v4;
	v6 =	vsel vm0, v12, v6;
	v12 =	vld [tilespmem:s0+$0xA600]  }
0x2b5: {  	v8 =	vsel vm2, v15, v8;
	vm1 =	vgt.s32 v19, v4;
	v15 =	vld [tilespmem:s0+$0xA680]  }
0x2b6: {  	v8 =	vsel vm0, v16, v8;
	v4 =	vsel vm1, v19, v4;
	v16 =	vld [tilespmem:s0+$0xA700]  }
0x2b7: {  	v6 =	vsel vm1, v9, v6;
	v8 =	vsel vm1, v24, v8;
	vm0 =	vgt.s32 v23, v4;
	v9 =	vld [tilespmem:s0+$0xF700]  }
0x2b8: {  	v4 =	vsel vm0, v23, v4;
	v6 =	vsel vm0, v10, v6;
	v7 =	vsel vm0, v7, v8;
	v8 =	vld [tilespmem:s0+$0xF800]  }
0x2b9: {  	vm0 =	vgt.s32 v13, v4;
	v10 =	vld [tilespmem:s0+$0x5800]  }
0x2ba: {  	v4 =	vsel vm0, v13, v4;
	v6 =	vsel vm0, v12, v6;
	v5 =	vsel vm0, v5, v7;
	v7 =	vld [tilespmem:s0+$0xF780]  }
0x2bb: {  	vm0 =	vgt.s32 v14, v4;
	v12 =	vld [tilespmem:s0+$0xA780]  }
0x2bc: {  	v4 =	vsel vm0, v14, v4;
	v6 =	vsel vm0, v15, v6;
	v3 =	vsel vm0, v3, v5;
	v5 =	vld [tilespmem:s0+$0xA800]  }
0x2bd: {  	vm0 =	vgt.s32 v2, v4;
	v13 =	vld [tilespmem:s0+$0x5880]  }
0x2be: {  	v2 =	vsel vm0, v2, v4;
	v4 =	vsel vm0, v16, v6;
	v3 =	vsel vm0, v9, v3;
	v6 =	vld [tilespmem:s0+$0xA880]  }
0x2bf: {  	vm0 =	vgt.s32 v11, v2;
	v9 =	vld [tilespmem:s0+$0xF880]  }
0x2c0: {  	v2 =	vsel vm0, v11, v2;
	v4 =	vsel vm0, v12, v4;
	v3 =	vsel vm0, v7, v3  }
0x2c1: {  	s0 =	sadd.s32 s25, s22;
	vm0 =	vgt.s32 v10, v2  }
.Ltmp4:
0x2c2: {  	v2 =	vsel vm0, v10, v2;
	v4 =	vsel vm0, v5, v4;
	v3 =	vsel vm0, v8, v3;
	(pc) =	sbr.rel @p0 .LBB2_6-.Ltmp4, $4  }
0x2c3: {  	v5 =	vor.u32 s0, v0;
	vm0 =	vgt.s32 v13, v2;
	v2 =	vand.u32 v2, v13  }
0x2c4: {  	v4 =	vsel vm0, v6, v4;
	v6 =	vsel vm0, v9, v3;
	v3 =	vand.u32 $0xFFF, v5  }
0x2c5: {  	vm0 =	vlt.s32 v2, $0x0;
	v2 =	vadd.s32 s0, v1;
	v5 =	vor.u32 $0x19000, v3  }
0x2c6: {  	s18 =	sadd.s32 $0x80, s18;
	s26 =	smov.u32 s19;
	s17 =	sand.u32 $0x3F0, s25;
	v3 =	vsel vm0, v2, v4;
	v2 =	vsel vm0, v5, v6  }
0x2c7: {  	[tilespmem:s17+$0x500] =	vst v3  }
0x2c8: {  	[tilespmem:s17+$0x1180] =	vst v2;
	s0 =	rddreg [dreg:$0xc]  }
0x2c9: {  	[tilespmem:s31], [sflag:$0x1] =	stream.strided.gather [hbm4b:s0+s30], $0x5000, s29, s30, $0x200038;
	[tilespmem:$0x1A900] =	vst v63  }
0x2ca: {  	s26 =	rddreg [dreg:$0xd];
	s28 =	simm.s32 $0x6900  }
0x2cb: {  	[tilespmem:s28], [sflag:$0x1] =	stream.strided.gather [hbm4b:s26+s30], $0x5000, s29, s30, $0x200038;
	[tilespmem:$0x1A900] =	vst v63  }
0x2cc: {  	s17 =	rddreg [dreg:$0xe];
	s18 =	simm.s32 $0xB900  }
0x2cd: {  	[tilespmem:s18], [sflag:$0x1] =	stream.strided.gather [hbm4b:s17+s30], $0x5000, s29, s30, $0x200038;
	[tilespmem:$0x1A900] =	vst v63  }
0x2ce: {  	_ =	swait.ge [sflag:s1], $0x5000  }
0x2cf: {  	[sflag:s1] =	ssyncset.done $0x0  }
0x2d0: {  	[sflag:s1] =	ssyncadd.s32 $0xFFFFB000  }
0x2d1: {  	_ =	swait.ge [sflag:s1], $0x5000  }
0x2d2: {  	[sflag:s1] =	ssyncset.done $0x0  }
0x2d3: {  	[sflag:s1] =	ssyncadd.s32 $0xFFFFB000  }
0x2d4: {  	s19 =	simm.s32 $0x0;
	_ =	swait.ge [sflag:s1], $0x5000  }
0x2d5: {  	s25 =	sand.u32 $0x70, s19;
	s18 =	sand.u32 $0x1C00, s19;
	[sflag:s1] =	ssyncset.done $0x0  }
0x2d6: {  	s18 =	sor.u32 s25, s18;
	[sflag:s1] =	ssyncadd.s32 $0xFFFFB000  }
0x2d7: {  	v6 =	vld [tilespmem:s18+$0x7D80]  }
0x2d8: {  	v8 =	vld [tilespmem:s18+$0xCD00]  }
0x2d9: {  	v9 =	vld [tilespmem:s18+$0x7D00]  }
0x2da: {  	v10 =	vld [tilespmem:s18+$0x4200]  }
0x2db: {  	v11 =	vld [tilespmem:s18+$0xBB00]  }
0x2dc: {  	v12 =	vld [tilespmem:s18+$0x6B00]  }
0x2dd: {  	v13 =	vld [tilespmem:s18+$0x6B80]  }
0x2de: {  	v14 =	vld [tilespmem:s18+$0xBA80]  }
0x2df: {  	v15 =	vld [tilespmem:s18+$0x6A80]  }
0x2e0: {  	s26 =	sor.u32 s19, s19;
	v16 =	vld [tilespmem:s18+$0x4180]  }
0x2e1: {  	s17 =	sor.u32 $0x380, s26;
	v17 =	vld [tilespmem:s18+$0xBA00]  }
0x2e2: {  	v18 =	vld [tilespmem:s17+$0xB900]  }
0x2e3: {  	v19 =	vld [tilespmem:s18+$0x6A00]  }
0x2e4: {  	v20 =	vld [tilespmem:s17+$0x6900]  }
0x2e5: {  	v21 =	vld [tilespmem:s18+$0xB980]  }
0x2e6: {  	v22 =	vld [tilespmem:s18+$0x6980]  }
0x2e7: {  	v23 =	vld [tilespmem:s18+$0xB900]  }
0x2e8: {  	v24 =	vld [tilespmem:s18+$0x6900]  }
0x2e9: {  	v25 =	vld [tilespmem:s18+$0x4100]  }
0x2ea: {  	v26 =	vld [tilespmem:s18+$0x3080]  }
0x2eb: {  	v27 =	vld [tilespmem:s18+$0x3000]  }
0x2ec: {  	v28 =	vld [tilespmem:s18+$0x2F80]  }
0x2ed: {  	v29 =	vld [tilespmem:s18+$0x2F00]  }
0x2ee: {  	v30 =	vld [tilespmem:s18+$0x2E80]  }
0x2ef: {  	v31 =	vld [tilespmem:s18+$0x2E00]  }
0x2f0: {  	v7 =	vld [tilespmem:s18+$0x2D80]  }
0x2f1: {  	v32 =	vld [tilespmem:s18+$0x2D00]  }
0x2f2: {  	v33 =	vld [tilespmem:s18+$0x1C00]  }
0x2f3: {  	v34 =	vld [tilespmem:s18+$0x1B80]  }
0x2f4: {  	v35 =	vld [tilespmem:s18+$0x1B00]  }
0x2f5: {  	v36 =	vld [tilespmem:s18+$0xBB80]  }
0x2f6: {  	v5 =	vld [tilespmem:s18+$0x1A00]  }
0x2f7: {  	v4 =	vld [tilespmem:s18+$0x1980]  }
0x2f8: {  	v37 =	vld [tilespmem:s17+$0x1900]  }
0x2f9: {  	v38 =	vld [tilespmem:s18+$0x1900]  }
0x2fa: {  	v39 =	vld [tilespmem:s18+$0x1A80]  }
0x2fb: {  	v3 =	vld [tilespmem:s18+$0x5700]  }
0x2fc: {  	v40 =	vld [tilespmem:s18+$0x4280]  }
0x2fd: {  	v2 =	vld [tilespmem:s18+$0xF680]  }
0x2fe: {  	v41 =	vld [tilespmem:s18+$0x4300];
	vm0 =	vgt.s32 v4, v38  }
0x2ff: {  	v42 =	vld [tilespmem:s18+$0xBC00];
	v38 =	vsel vm0, v4, v38  }
0x300: {  	v43 =	vld [tilespmem:s18+$0x4380];
	vm1 =	vgt.s32 v5, v38  }
0x301: {  	v63 =	vld [tilespmem:s18+$0x6C00];
	v38 =	vsel vm1, v5, v38  }
0x302: {  	v44 =	vld [tilespmem:s18+$0xE200];
	vm2 =	vgt.s32 v39, v38  }
0x303: {  	v45 =	vld [tilespmem:s18+$0xCE80];
	v38 =	vsel vm2, v39, v38  }
0x304: {  	v46 =	vld [tilespmem:s18+$0xCD80];
	vm3 =	vgt.s32 v35, v38  }
0x305: {  	v47 =	vld [tilespmem:s18+$0x7E80];
	v35 =	vsel vm3, v35, v38  }
0x306: {  	v48 =	vld [tilespmem:s18+$0x7F00];
	vm4 =	vgt.s32 v34, v35  }
0x307: {  	v49 =	vld [tilespmem:s18+$0x9100];
	v34 =	vsel vm4, v34, v35  }
0x308: {  	v50 =	vld [tilespmem:s18+$0x7F80];
	vm5 =	vgt.s32 v33, v34  }
0x309: {  	v51 =	vld [tilespmem:s18+$0x8080];
	v33 =	vsel vm5, v33, v34  }
0x30a: {  	v52 =	vld [tilespmem:s18+$0xCF80];
	vm6 =	vgt.s32 v37, v33  }
0x30b: {  	v53 =	vld [tilespmem:s18+$0xD080];
	v33 =	vsel vm6, v37, v33  }
0x30c: {  	v54 =	vld [tilespmem:s18+$0xE180];
	vm7 =	vgt.s32 v32, v33  }
0x30d: {  	v55 =	vld [tilespmem:s18+$0xE280];
	v32 =	vsel vm7, v32, v33  }
0x30e: {  	v56 =	vld [tilespmem:s18+$0x9280];
	vm8 =	vgt.s32 v7, v32  }
0x30f: {  	v58 =	vld [tilespmem:s18+$0x9300];
	v32 =	vsel vm8, v7, v32  }
0x310: {  	v59 =	vld [tilespmem:s18+$0x5580];
	vm9 =	vgt.s32 v31, v32  }
0x311: {  	v61 =	vld [tilespmem:s18+$0x9380];
	v31 =	vsel vm9, v31, v32  }
0x312: {  	v62 =	vld [tilespmem:s18+$0x4400];
	vm10 =	vgt.s32 v30, v31  }
0x313: {  	v4 =	vld [tilespmem:s18+$0xF600];
	v30 =	vsel vm10, v30, v31  }
0x314: {  	v21 =	vsel vm0, v21, v23;
	v23 =	vld [tilespmem:s18+$0xF500];
	vm11 =	vgt.s32 v29, v30  }
0x315: {  	v5 =	vld [tilespmem:s18+$0xF580];
	v29 =	vsel vm11, v29, v30  }
0x316: {  	v22 =	vsel vm0, v22, v24;
	v17 =	vsel vm1, v17, v21;
	v39 =	vld [tilespmem:s18+$0x9480];
	vm12 =	vgt.s32 v28, v29  }
0x317: {  	v19 =	vsel vm1, v19, v22;
	v14 =	vsel vm2, v14, v17;
	v38 =	vld [tilespmem:s18+$0x9180];
	v28 =	vsel vm12, v28, v29  }
0x318: {  	v15 =	vsel vm2, v15, v19;
	v11 =	vsel vm3, v11, v14;
	v35 =	vld [tilespmem:s18+$0xCE00];
	vm13 =	vgt.s32 v27, v28  }
0x319: {  	v12 =	vsel vm3, v12, v15;
	v11 =	vsel vm4, v36, v11;
	v36 =	vld [tilespmem:s18+$0x4480];
	v27 =	vsel vm13, v27, v28  }
0x31a: {  	v12 =	vsel vm4, v13, v12;
	v34 =	vld [tilespmem:s18+$0x7E00];
	vm14 =	vgt.s32 v26, v27  }
0x31b: {  	v12 =	vsel vm5, v63, v12;
	v63 =	vld [tilespmem:s18+$0x9400];
	v26 =	vsel vm14, v26, v27  }
0x31c: {  	v11 =	vsel vm5, v42, v11;
	v42 =	vld [tilespmem:s18+$0xE300];
	vm0 =	vgt.s32 v25, v26  }
0x31d: {  	v37 =	vld [tilespmem:s18+$0x5600];
	v57 =	vsel vm0, v25, v26  }
0x31e: {  	v11 =	vsel vm6, v18, v11;
	v33 =	vld [tilespmem:s18+$0x5680];
	vm15 =	vgt.s32 v16, v57  }
0x31f: {  	v12 =	vsel vm6, v20, v12;
	v8 =	vsel vm7, v8, v11;
	v7 =	vld [tilespmem:s18+$0x5780];
	v60 =	vsel vm15, v16, v57  }
0x320: {  	v9 =	vsel vm7, v9, v12;
	v8 =	vsel vm8, v46, v8;
	v46 =	vld [tilespmem:s18+$0xE380];
	vm2 =	vgt.s32 v10, v60  }
0x321: {  	v6 =	vsel vm8, v6, v9;
	v32 =	vld [tilespmem:s18+$0x8000];
	v10 =	vsel vm2, v10, v60  }
0x322: {  	v6 =	vsel vm9, v34, v6;
	v31 =	vld [tilespmem:s18+$0xCF00];
	vm3 =	vgt.s32 v40, v10  }
0x323: {  	v6 =	vsel vm10, v47, v6;
	v47 =	vld [tilespmem:s18+$0xE400];
	v10 =	vsel vm3, v40, v10  }
0x324: {  	v30 =	vld [tilespmem:s18+$0xD000];
	vm4 =	vgt.s32 v41, v10  }
0x325: {  	v8 =	vsel vm9, v35, v8;
	v6 =	vsel vm11, v48, v6;
	v48 =	vld [tilespmem:s18+$0xE480];
	v10 =	vsel vm4, v41, v10  }
0x326: {  	v8 =	vsel vm10, v45, v8;
	v29 =	vld [tilespmem:s18+$0xE100];
	vm10 =	vgt.s32 v43, v10  }
0x327: {  	v8 =	vsel vm11, v31, v8;
	v40 =	vld [tilespmem:s18+$0x5500];
	v10 =	vsel vm10, v43, v10  }
0x328: {  	v6 =	vsel vm12, v50, v6;
	v28 =	vld [tilespmem:s18+$0x9200];
	v8 =	vsel vm12, v52, v8;
	vm12 =	vgt.s32 v62, v10  }
0x329: {  	v50 =	vld [tilespmem:s18+$0xA500];
	v6 =	vsel vm13, v32, v6;
	v8 =	vsel vm13, v30, v8;
	v10 =	vsel vm12, v62, v10  }
0x32a: {  	v52 =	vld [tilespmem:s18+$0xA600];
	v6 =	vsel vm14, v51, v6;
	v8 =	vsel vm14, v53, v8;
	vm14 =	vgt.s32 v36, v10  }
0x32b: {  	v51 =	vld [tilespmem:s18+$0xA580];
	v6 =	vsel vm0, v49, v6;
	v8 =	vsel vm0, v29, v8;
	v10 =	vsel vm14, v36, v10  }
0x32c: {  	v53 =	vld [tilespmem:s18+$0xA680];
	v6 =	vsel vm15, v38, v6;
	v8 =	vsel vm15, v54, v8;
	vm15 =	vgt.s32 v40, v10  }
0x32d: {  	v54 =	vld [tilespmem:s18+$0xA700];
	v6 =	vsel vm2, v28, v6;
	v8 =	vsel vm2, v44, v8;
	v9 =	vsel vm15, v40, v10  }
0x32e: {  	v57 =	vld [tilespmem:s18+$0xF800];
	v6 =	vsel vm3, v56, v6;
	v8 =	vsel vm3, v55, v8;
	vm8 =	vgt.s32 v59, v9  }
0x32f: {  	v60 =	vld [tilespmem:s18+$0xA780];
	v6 =	vsel vm4, v58, v6;
	v8 =	vsel vm4, v42, v8;
	v9 =	vsel vm8, v59, v9  }
0x330: {  	v56 =	vld [tilespmem:s18+$0xF700];
	v6 =	vsel vm10, v61, v6;
	v8 =	vsel vm10, v46, v8;
	vm9 =	vgt.s32 v37, v9  }
0x331: {  	v58 =	vld [tilespmem:s18+$0x5800];
	v6 =	vsel vm12, v63, v6;
	v8 =	vsel vm12, v47, v8;
	v9 =	vsel vm9, v37, v9  }
0x332: {  	v61 =	vld [tilespmem:s18+$0xA800];
	v6 =	vsel vm14, v39, v6;
	v8 =	vsel vm14, v48, v8;
	vm10 =	vgt.s32 v33, v9  }
0x333: {  	v62 =	vld [tilespmem:s18+$0x5880];
	v6 =	vsel vm15, v50, v6;
	v8 =	vsel vm15, v23, v8;
	v9 =	vsel vm10, v33, v9  }
0x334: {  	v59 =	vld [tilespmem:s18+$0xF780];
	v6 =	vsel vm8, v51, v6;
	v5 =	vsel vm8, v5, v8;
	vm11 =	vgt.s32 v3, v9  }
0x335: {  	v6 =	vsel vm9, v52, v6;
	v4 =	vsel vm9, v4, v5;
	v5 =	vld [tilespmem:s18+$0xA880];
	v3 =	vsel vm11, v3, v9  }
0x336: {  	s28 =	sadd.s32 $0x0, s23;
	v6 =	vsel vm10, v53, v6;
	v2 =	vsel vm10, v2, v4;
	v4 =	vld [tilespmem:s18+$0xF880];
	vm12 =	vgt.s32 v7, v3  }
0x337: {  	v63 =	vor.u32 s28, v0;
	v6 =	vsel vm11, v54, v6;
	v3 =	vsel vm12, v7, v3  }
0x338: {  	v2 =	vsel vm11, v56, v2;
	v6 =	vsel vm12, v60, v6;
	vm13 =	vgt.s32 v58, v3  }
0x339: {  	v2 =	vsel vm12, v59, v2;
	v3 =	vsel vm13, v58, v3;
	v6 =	vsel vm13, v61, v6  }
0x33a: {  	v2 =	vsel vm13, v57, v2;
	vm14 =	vgt.s32 v62, v3;
	v3 =	vand.u32 v3, v62  }
0x33b: {  	v5 =	vsel vm14, v5, v6;
	v2 =	vsel vm14, v4, v2;
	v4 =	vand.u32 $0xFFF, v63  }
0x33c: {  	vm15 =	vlt.s32 v3, $0x0;
	v3 =	vadd.s32 s28, v1;
	v4 =	vor.u32 $0x19000, v4  }
0x33d: {  	s26 =	simm.s32 $0x10;
	s17 =	sand.u32 $0x3F0, s19;
	s18 =	simm.s32 $0x80;
	v3 =	vsel vm15, v3, v5;
	v2 =	vsel vm15, v4, v2  }
.LBB2_8:
0x33e: {  	s0 =	sand.u32 $0x70, s26  }
0x33f: {  	s28 =	sand.u32 $0x1C00, s18;
	[tilespmem:s17+$0x780] =	vst v3;
	s25 =	smov.u32 s26;
	s19 =	sadd.s32 $0x10, s26  }
0x340: {  	p0 =	sne.s32 s26, $0x270;
	s0 =	sor.u32 s0, s28;
	[tilespmem:s17+$0x1400] =	vst v2  }
0x341: {  	v11 =	vld [tilespmem:s0+$0x7D80]  }
0x342: {  	v14 =	vld [tilespmem:s0+$0xCD00]  }
0x343: {  	v17 =	vld [tilespmem:s0+$0x7D00]  }
0x344: {  	v4 =	vld [tilespmem:s0+$0x4200]  }
0x345: {  	v13 =	vld [tilespmem:s0+$0xBB00]  }
0x346: {  	s17 =	sor.u32 s18, s25;
	v19 =	vld [tilespmem:s0+$0x6B00]  }
0x347: {  	s17 =	sor.u32 $0x380, s17;
	v20 =	vld [tilespmem:s0+$0x6B80]  }
0x348: {  	v21 =	vld [tilespmem:s0+$0xBA80]  }
0x349: {  	v22 =	vld [tilespmem:s0+$0x6A80]  }
0x34a: {  	v6 =	vld [tilespmem:s0+$0x4180]  }
0x34b: {  	v7 =	vld [tilespmem:s0+$0xBA00]  }
0x34c: {  	v23 =	vld [tilespmem:s17+$0xB900]  }
0x34d: {  	v15 =	vld [tilespmem:s0+$0x6A00]  }
0x34e: {  	v24 =	vld [tilespmem:s17+$0x6900]  }
0x34f: {  	v5 =	vld [tilespmem:s0+$0xB980]  }
0x350: {  	v25 =	vld [tilespmem:s0+$0x6980]  }
0x351: {  	v26 =	vld [tilespmem:s0+$0xB900]  }
0x352: {  	v27 =	vld [tilespmem:s0+$0x6900]  }
0x353: {  	v8 =	vld [tilespmem:s0+$0x4100]  }
0x354: {  	v9 =	vld [tilespmem:s0+$0x3080]  }
0x355: {  	v16 =	vld [tilespmem:s0+$0x3000]  }
0x356: {  	v18 =	vld [tilespmem:s0+$0x2F80]  }
0x357: {  	v28 =	vld [tilespmem:s0+$0x2F00]  }
0x358: {  	v29 =	vld [tilespmem:s0+$0x2E80]  }
0x359: {  	v30 =	vld [tilespmem:s0+$0x2E00]  }
0x35a: {  	v31 =	vld [tilespmem:s0+$0x2D80]  }
0x35b: {  	v32 =	vld [tilespmem:s0+$0x2D00]  }
0x35c: {  	v33 =	vld [tilespmem:s0+$0x1C00]  }
0x35d: {  	v34 =	vld [tilespmem:s0+$0x1B80]  }
0x35e: {  	v35 =	vld [tilespmem:s0+$0x1B00]  }
0x35f: {  	v36 =	vld [tilespmem:s0+$0xBB80]  }
0x360: {  	v37 =	vld [tilespmem:s0+$0x1A00]  }
0x361: {  	v38 =	vld [tilespmem:s0+$0x1980]  }
0x362: {  	v39 =	vld [tilespmem:s17+$0x1900]  }
0x363: {  	v40 =	vld [tilespmem:s0+$0x1900]  }
0x364: {  	v41 =	vld [tilespmem:s0+$0x1A80]  }
0x365: {  	v2 =	vld [tilespmem:s0+$0x5700]  }
0x366: {  	v12 =	vld [tilespmem:s0+$0x4280]  }
0x367: {  	v3 =	vld [tilespmem:s0+$0xF680]  }
0x368: {  	vm0 =	vgt.s32 v38, v40;
	v10 =	vld [tilespmem:s0+$0x4300]  }
0x369: {  	v38 =	vsel vm0, v38, v40;
	v25 =	vsel vm0, v25, v27;
	v26 =	vsel vm0, v5, v26;
	v5 =	vld [tilespmem:s0+$0xF600]  }
0x36a: {  	vm0 =	vgt.s32 v37, v38;
	v27 =	vld [tilespmem:s0+$0xBC00]  }
0x36b: {  	v37 =	vsel vm0, v37, v38;
	v25 =	vsel vm0, v15, v25;
	v26 =	vsel vm0, v7, v26;
	v15 =	vld [tilespmem:s0+$0x4380]  }
0x36c: {  	vm0 =	vgt.s32 v41, v37;
	v7 =	vld [tilespmem:s0+$0xF580]  }
0x36d: {  	v37 =	vsel vm0, v41, v37;
	v22 =	vsel vm0, v22, v25;
	v21 =	vsel vm0, v21, v26;
	v25 =	vld [tilespmem:s0+$0x6C00]  }
0x36e: {  	vm0 =	vgt.s32 v35, v37;
	v26 =	vld [tilespmem:s0+$0xE200]  }
0x36f: {  	v35 =	vsel vm0, v35, v37;
	v19 =	vsel vm0, v19, v22;
	v13 =	vsel vm0, v13, v21;
	v21 =	vld [tilespmem:s0+$0x9180]  }
0x370: {  	vm0 =	vgt.s32 v34, v35;
	v22 =	vld [tilespmem:s0+$0xCE80]  }
0x371: {  	v34 =	vsel vm0, v34, v35;
	v19 =	vsel vm0, v20, v19;
	v13 =	vsel vm0, v36, v13;
	v20 =	vld [tilespmem:s0+$0xCE00]  }
0x372: {  	vm0 =	vgt.s32 v33, v34;
	v35 =	vld [tilespmem:s0+$0xCD80]  }
0x373: {  	v33 =	vsel vm0, v33, v34;
	v19 =	vsel vm0, v25, v19;
	v13 =	vsel vm0, v27, v13;
	v25 =	vld [tilespmem:s0+$0x7E00]  }
0x374: {  	vm0 =	vgt.s32 v39, v33;
	v27 =	vld [tilespmem:s0+$0x7E80]  }
0x375: {  	v33 =	vsel vm0, v39, v33;
	v19 =	vsel vm0, v24, v19;
	v23 =	vsel vm0, v23, v13;
	v13 =	vld [tilespmem:s0+$0x5600]  }
0x376: {  	vm0 =	vgt.s32 v32, v33;
	v24 =	vld [tilespmem:s0+$0x7F00]  }
0x377: {  	v32 =	vsel vm0, v32, v33;
	v17 =	vsel vm0, v17, v19;
	v19 =	vsel vm0, v14, v23;
	v14 =	vld [tilespmem:s0+$0x5680]  }
0x378: {  	vm0 =	vgt.s32 v31, v32;
	v23 =	vld [tilespmem:s0+$0x9100]  }
0x379: {  	v31 =	vsel vm0, v31, v32;
	v17 =	vsel vm0, v11, v17;
	v19 =	vsel vm0, v35, v19;
	v32 =	vld [tilespmem:s0+$0x7F80]  }
0x37a: {  	vm0 =	vgt.s32 v30, v31;
	v11 =	vld [tilespmem:s0+$0x5780]  }
0x37b: {  	v30 =	vsel vm0, v30, v31;
	v17 =	vsel vm0, v25, v17;
	v19 =	vsel vm0, v20, v19;
	v20 =	vld [tilespmem:s0+$0x8000]  }
0x37c: {  	vm0 =	vgt.s32 v29, v30;
	v25 =	vld [tilespmem:s0+$0x8080]  }
0x37d: {  	v29 =	vsel vm0, v29, v30;
	v17 =	vsel vm0, v27, v17;
	v19 =	vsel vm0, v22, v19;
	v22 =	vld [tilespmem:s0+$0xCF00]  }
0x37e: {  	vm0 =	vgt.s32 v28, v29;
	v27 =	vld [tilespmem:s0+$0xCF80]  }
0x37f: {  	v28 =	vsel vm0, v28, v29;
	v17 =	vsel vm0, v24, v17;
	v24 =	vld [tilespmem:s0+$0xD000]  }
0x380: {  	vm1 =	vgt.s32 v18, v28;
	v29 =	vld [tilespmem:s0+$0xD080]  }
0x381: {  	v18 =	vsel vm1, v18, v28;
	v17 =	vsel vm1, v32, v17;
	v28 =	vld [tilespmem:s0+$0xE100]  }
0x382: {  	v19 =	vsel vm0, v22, v19;
	vm0 =	vgt.s32 v16, v18;
	v22 =	vld [tilespmem:s0+$0xE180]  }
0x383: {  	v19 =	vsel vm1, v27, v19;
	v16 =	vsel vm0, v16, v18;
	v17 =	vsel vm0, v20, v17;
	v18 =	vld [tilespmem:s0+$0x9200]  }
0x384: {  	v19 =	vsel vm0, v24, v19;
	vm0 =	vgt.s32 v9, v16;
	v20 =	vld [tilespmem:s0+$0xE280]  }
0x385: {  	v9 =	vsel vm0, v9, v16;
	v16 =	vsel vm0, v25, v17;
	v17 =	vsel vm0, v29, v19;
	v19 =	vld [tilespmem:s0+$0x9280]  }
0x386: {  	vm0 =	vgt.s32 v8, v9;
	v24 =	vld [tilespmem:s0+$0xF500]  }
0x387: {  	v8 =	vsel vm0, v8, v9;
	v9 =	vsel vm0, v23, v16;
	v16 =	vsel vm0, v28, v17;
	v17 =	vld [tilespmem:s0+$0x9300]  }
0x388: {  	vm0 =	vgt.s32 v6, v8;
	v23 =	vld [tilespmem:s0+$0x5580]  }
0x389: {  	v6 =	vsel vm0, v6, v8;
	v8 =	vsel vm0, v21, v9;
	v9 =	vsel vm0, v22, v16;
	v16 =	vld [tilespmem:s0+$0x9380]  }
0x38a: {  	vm0 =	vgt.s32 v4, v6;
	v21 =	vld [tilespmem:s0+$0x4400]  }
0x38b: {  	v4 =	vsel vm0, v4, v6;
	v6 =	vsel vm0, v18, v8;
	v8 =	vsel vm0, v26, v9;
	v9 =	vld [tilespmem:s0+$0x9400]  }
0x38c: {  	vm0 =	vgt.s32 v12, v4;
	v18 =	vld [tilespmem:s0+$0x4480]  }
0x38d: {  	v4 =	vsel vm0, v12, v4;
	v6 =	vsel vm0, v19, v6;
	v8 =	vsel vm0, v20, v8;
	v12 =	vld [tilespmem:s0+$0x9480]  }
0x38e: {  	vm0 =	vgt.s32 v10, v4;
	v19 =	vld [tilespmem:s0+$0x5500]  }
0x38f: {  	v4 =	vsel vm0, v10, v4;
	v6 =	vsel vm0, v17, v6;
	v10 =	vld [tilespmem:s0+$0xE300]  }
0x390: {  	vm1 =	vgt.s32 v15, v4;
	v17 =	vld [tilespmem:s0+$0xE380]  }
0x391: {  	v4 =	vsel vm1, v15, v4;
	v6 =	vsel vm1, v16, v6;
	v15 =	vld [tilespmem:s0+$0xE400]  }
0x392: {  	vm2 =	vgt.s32 v21, v4;
	v16 =	vld [tilespmem:s0+$0xE480]  }
0x393: {  	v4 =	vsel vm2, v21, v4;
	v6 =	vsel vm2, v9, v6;
	v9 =	vld [tilespmem:s0+$0xA500]  }
0x394: {  	v8 =	vsel vm0, v10, v8;
	vm0 =	vgt.s32 v18, v4;
	v10 =	vld [tilespmem:s0+$0xA580]  }
0x395: {  	v8 =	vsel vm1, v17, v8;
	v4 =	vsel vm0, v18, v4;
	v6 =	vsel vm0, v12, v6;
	v12 =	vld [tilespmem:s0+$0xA600]  }
0x396: {  	v8 =	vsel vm2, v15, v8;
	vm1 =	vgt.s32 v19, v4;
	v15 =	vld [tilespmem:s0+$0xA680]  }
0x397: {  	v8 =	vsel vm0, v16, v8;
	v4 =	vsel vm1, v19, v4;
	v16 =	vld [tilespmem:s0+$0xA700]  }
0x398: {  	v6 =	vsel vm1, v9, v6;
	v8 =	vsel vm1, v24, v8;
	vm0 =	vgt.s32 v23, v4;
	v9 =	vld [tilespmem:s0+$0xF700]  }
0x399: {  	v4 =	vsel vm0, v23, v4;
	v6 =	vsel vm0, v10, v6;
	v7 =	vsel vm0, v7, v8;
	v8 =	vld [tilespmem:s0+$0xF800]  }
0x39a: {  	vm0 =	vgt.s32 v13, v4;
	v10 =	vld [tilespmem:s0+$0x5800]  }
0x39b: {  	v4 =	vsel vm0, v13, v4;
	v6 =	vsel vm0, v12, v6;
	v5 =	vsel vm0, v5, v7;
	v7 =	vld [tilespmem:s0+$0xF780]  }
0x39c: {  	vm0 =	vgt.s32 v14, v4;
	v12 =	vld [tilespmem:s0+$0xA780]  }
0x39d: {  	v4 =	vsel vm0, v14, v4;
	v6 =	vsel vm0, v15, v6;
	v3 =	vsel vm0, v3, v5;
	v5 =	vld [tilespmem:s0+$0xA800]  }
0x39e: {  	vm0 =	vgt.s32 v2, v4;
	v13 =	vld [tilespmem:s0+$0x5880]  }
0x39f: {  	v2 =	vsel vm0, v2, v4;
	v4 =	vsel vm0, v16, v6;
	v3 =	vsel vm0, v9, v3;
	v6 =	vld [tilespmem:s0+$0xA880]  }
0x3a0: {  	vm0 =	vgt.s32 v11, v2;
	v9 =	vld [tilespmem:s0+$0xF880]  }
0x3a1: {  	v2 =	vsel vm0, v11, v2;
	v4 =	vsel vm0, v12, v4;
	v3 =	vsel vm0, v7, v3  }
0x3a2: {  	s0 =	sadd.s32 s25, s23;
	vm0 =	vgt.s32 v10, v2  }
.Ltmp5:
0x3a3: {  	v2 =	vsel vm0, v10, v2;
	v4 =	vsel vm0, v5, v4;
	v3 =	vsel vm0, v8, v3;
	(pc) =	sbr.rel @p0 .LBB2_8-.Ltmp5, $4  }
0x3a4: {  	v5 =	vor.u32 s0, v0;
	vm0 =	vgt.s32 v13, v2;
	v2 =	vand.u32 v2, v13  }
0x3a5: {  	v4 =	vsel vm0, v6, v4;
	v6 =	vsel vm0, v9, v3;
	v3 =	vand.u32 $0xFFF, v5  }
0x3a6: {  	vm0 =	vlt.s32 v2, $0x0;
	v2 =	vadd.s32 s0, v1;
	v5 =	vor.u32 $0x19000, v3  }
0x3a7: {  	s18 =	sadd.s32 $0x80, s18;
	s26 =	smov.u32 s19;
	s17 =	sand.u32 $0x3F0, s25;
	v3 =	vsel vm0, v2, v4;
	v2 =	vsel vm0, v5, v6  }
0x3a8: {  	[tilespmem:s17+$0x780] =	vst v3  }
0x3a9: {  	[tilespmem:s17+$0x1400] =	vst v2;
	s0 =	rddreg [dreg:$0xf]  }
0x3aa: {  	[tilespmem:s31], [sflag:$0x1] =	stream.strided.gather [hbm4b:s0+s30], $0x5000, s29, s30, $0x200038;
	[tilespmem:$0x1A900] =	vst v63  }
0x3ab: {  	s26 =	rddreg [dreg:$0x10];
	s28 =	simm.s32 $0x6900  }
0x3ac: {  	[tilespmem:s28], [sflag:$0x1] =	stream.strided.gather [hbm4b:s26+s30], $0x5000, s29, s30, $0x200038;
	[tilespmem:$0x1A900] =	vst v63  }
0x3ad: {  	s17 =	rddreg [dreg:$0x11];
	s18 =	simm.s32 $0xB900  }
0x3ae: {  	[tilespmem:s18], [sflag:$0x1] =	stream.strided.gather [hbm4b:s17+s30], $0x5000, s29, s30, $0x200038;
	[tilespmem:$0x1A900] =	vst v63  }
0x3af: {  	_ =	swait.ge [sflag:s1], $0x5000  }
0x3b0: {  	[sflag:s1] =	ssyncset.done $0x0  }
0x3b1: {  	[sflag:s1] =	ssyncadd.s32 $0xFFFFB000  }
0x3b2: {  	_ =	swait.ge [sflag:s1], $0x5000  }
0x3b3: {  	[sflag:s1] =	ssyncset.done $0x0  }
0x3b4: {  	[sflag:s1] =	ssyncadd.s32 $0xFFFFB000  }
0x3b5: {  	s19 =	simm.s32 $0x0;
	_ =	swait.ge [sflag:s1], $0x5000  }
0x3b6: {  	s25 =	sand.u32 $0x70, s19;
	s18 =	sand.u32 $0x1C00, s19;
	[sflag:s1] =	ssyncset.done $0x0  }
0x3b7: {  	s18 =	sor.u32 s25, s18;
	[sflag:s1] =	ssyncadd.s32 $0xFFFFB000  }
0x3b8: {  	v6 =	vld [tilespmem:s18+$0x7D80]  }
0x3b9: {  	v8 =	vld [tilespmem:s18+$0xCD00]  }
0x3ba: {  	v9 =	vld [tilespmem:s18+$0x7D00]  }
0x3bb: {  	v10 =	vld [tilespmem:s18+$0x4200]  }
0x3bc: {  	v11 =	vld [tilespmem:s18+$0xBB00]  }
0x3bd: {  	v12 =	vld [tilespmem:s18+$0x6B00]  }
0x3be: {  	v13 =	vld [tilespmem:s18+$0x6B80]  }
0x3bf: {  	v14 =	vld [tilespmem:s18+$0xBA80]  }
0x3c0: {  	v15 =	vld [tilespmem:s18+$0x6A80]  }
0x3c1: {  	s26 =	sor.u32 s19, s19;
	v16 =	vld [tilespmem:s18+$0x4180]  }
0x3c2: {  	s17 =	sor.u32 $0x380, s26;
	v17 =	vld [tilespmem:s18+$0xBA00]  }
0x3c3: {  	v18 =	vld [tilespmem:s17+$0xB900]  }
0x3c4: {  	v19 =	vld [tilespmem:s18+$0x6A00]  }
0x3c5: {  	v20 =	vld [tilespmem:s17+$0x6900]  }
0x3c6: {  	v21 =	vld [tilespmem:s18+$0xB980]  }
0x3c7: {  	v22 =	vld [tilespmem:s18+$0x6980]  }
0x3c8: {  	v23 =	vld [tilespmem:s18+$0xB900]  }
0x3c9: {  	v24 =	vld [tilespmem:s18+$0x6900]  }
0x3ca: {  	v25 =	vld [tilespmem:s18+$0x4100]  }
0x3cb: {  	v26 =	vld [tilespmem:s18+$0x3080]  }
0x3cc: {  	v27 =	vld [tilespmem:s18+$0x3000]  }
0x3cd: {  	v28 =	vld [tilespmem:s18+$0x2F80]  }
0x3ce: {  	v29 =	vld [tilespmem:s18+$0x2F00]  }
0x3cf: {  	v30 =	vld [tilespmem:s18+$0x2E80]  }
0x3d0: {  	v31 =	vld [tilespmem:s18+$0x2E00]  }
0x3d1: {  	v7 =	vld [tilespmem:s18+$0x2D80]  }
0x3d2: {  	v32 =	vld [tilespmem:s18+$0x2D00]  }
0x3d3: {  	v33 =	vld [tilespmem:s18+$0x1C00]  }
0x3d4: {  	v34 =	vld [tilespmem:s18+$0x1B80]  }
0x3d5: {  	v35 =	vld [tilespmem:s18+$0x1B00]  }
0x3d6: {  	v36 =	vld [tilespmem:s18+$0xBB80]  }
0x3d7: {  	v5 =	vld [tilespmem:s18+$0x1A00]  }
0x3d8: {  	v4 =	vld [tilespmem:s18+$0x1980]  }
0x3d9: {  	v37 =	vld [tilespmem:s17+$0x1900]  }
0x3da: {  	v38 =	vld [tilespmem:s18+$0x1900]  }
0x3db: {  	v39 =	vld [tilespmem:s18+$0x1A80]  }
0x3dc: {  	v3 =	vld [tilespmem:s18+$0x5700]  }
0x3dd: {  	v40 =	vld [tilespmem:s18+$0x4280]  }
0x3de: {  	v2 =	vld [tilespmem:s18+$0xF680]  }
0x3df: {  	v41 =	vld [tilespmem:s18+$0x4300];
	vm0 =	vgt.s32 v4, v38  }
0x3e0: {  	v42 =	vld [tilespmem:s18+$0xBC00];
	v38 =	vsel vm0, v4, v38  }
0x3e1: {  	v43 =	vld [tilespmem:s18+$0x4380];
	vm1 =	vgt.s32 v5, v38  }
0x3e2: {  	v63 =	vld [tilespmem:s18+$0x6C00];
	v38 =	vsel vm1, v5, v38  }
0x3e3: {  	v44 =	vld [tilespmem:s18+$0xE200];
	vm2 =	vgt.s32 v39, v38  }
0x3e4: {  	v45 =	vld [tilespmem:s18+$0xCE80];
	v38 =	vsel vm2, v39, v38  }
0x3e5: {  	v46 =	vld [tilespmem:s18+$0xCD80];
	vm3 =	vgt.s32 v35, v38  }
0x3e6: {  	v47 =	vld [tilespmem:s18+$0x7E80];
	v35 =	vsel vm3, v35, v38  }
0x3e7: {  	v48 =	vld [tilespmem:s18+$0x7F00];
	vm4 =	vgt.s32 v34, v35  }
0x3e8: {  	v49 =	vld [tilespmem:s18+$0x9100];
	v34 =	vsel vm4, v34, v35  }
0x3e9: {  	v50 =	vld [tilespmem:s18+$0x7F80];
	vm5 =	vgt.s32 v33, v34  }
0x3ea: {  	v51 =	vld [tilespmem:s18+$0x8080];
	v33 =	vsel vm5, v33, v34  }
0x3eb: {  	v52 =	vld [tilespmem:s18+$0xCF80];
	vm6 =	vgt.s32 v37, v33  }
0x3ec: {  	v53 =	vld [tilespmem:s18+$0xD080];
	v33 =	vsel vm6, v37, v33  }
0x3ed: {  	v54 =	vld [tilespmem:s18+$0xE180];
	vm7 =	vgt.s32 v32, v33  }
0x3ee: {  	v55 =	vld [tilespmem:s18+$0xE280];
	v32 =	vsel vm7, v32, v33  }
0x3ef: {  	v56 =	vld [tilespmem:s18+$0x9280];
	vm8 =	vgt.s32 v7, v32  }
0x3f0: {  	v58 =	vld [tilespmem:s18+$0x9300];
	v32 =	vsel vm8, v7, v32  }
0x3f1: {  	v59 =	vld [tilespmem:s18+$0x5580];
	vm9 =	vgt.s32 v31, v32  }
0x3f2: {  	v61 =	vld [tilespmem:s18+$0x9380];
	v31 =	vsel vm9, v31, v32  }
0x3f3: {  	v62 =	vld [tilespmem:s18+$0x4400];
	vm10 =	vgt.s32 v30, v31  }
0x3f4: {  	v4 =	vld [tilespmem:s18+$0xF600];
	v30 =	vsel vm10, v30, v31  }
0x3f5: {  	v21 =	vsel vm0, v21, v23;
	v23 =	vld [tilespmem:s18+$0xF500];
	vm11 =	vgt.s32 v29, v30  }
0x3f6: {  	v5 =	vld [tilespmem:s18+$0xF580];
	v29 =	vsel vm11, v29, v30  }
0x3f7: {  	v22 =	vsel vm0, v22, v24;
	v17 =	vsel vm1, v17, v21;
	v39 =	vld [tilespmem:s18+$0x9480];
	vm12 =	vgt.s32 v28, v29  }
0x3f8: {  	v19 =	vsel vm1, v19, v22;
	v14 =	vsel vm2, v14, v17;
	v38 =	vld [tilespmem:s18+$0x9180];
	v28 =	vsel vm12, v28, v29  }
0x3f9: {  	v15 =	vsel vm2, v15, v19;
	v11 =	vsel vm3, v11, v14;
	v35 =	vld [tilespmem:s18+$0xCE00];
	vm13 =	vgt.s32 v27, v28  }
0x3fa: {  	v12 =	vsel vm3, v12, v15;
	v11 =	vsel vm4, v36, v11;
	v36 =	vld [tilespmem:s18+$0x4480];
	v27 =	vsel vm13, v27, v28  }
0x3fb: {  	v12 =	vsel vm4, v13, v12;
	v34 =	vld [tilespmem:s18+$0x7E00];
	vm14 =	vgt.s32 v26, v27  }
0x3fc: {  	v12 =	vsel vm5, v63, v12;
	v63 =	vld [tilespmem:s18+$0x9400];
	v26 =	vsel vm14, v26, v27  }
0x3fd: {  	v11 =	vsel vm5, v42, v11;
	v42 =	vld [tilespmem:s18+$0xE300];
	vm0 =	vgt.s32 v25, v26  }
0x3fe: {  	v37 =	vld [tilespmem:s18+$0x5600];
	v57 =	vsel vm0, v25, v26  }
0x3ff: {  	v11 =	vsel vm6, v18, v11;
	v33 =	vld [tilespmem:s18+$0x5680];
	vm15 =	vgt.s32 v16, v57  }
0x400: {  	v12 =	vsel vm6, v20, v12;
	v8 =	vsel vm7, v8, v11;
	v7 =	vld [tilespmem:s18+$0x5780];
	v60 =	vsel vm15, v16, v57  }
0x401: {  	v9 =	vsel vm7, v9, v12;
	v8 =	vsel vm8, v46, v8;
	v46 =	vld [tilespmem:s18+$0xE380];
	vm2 =	vgt.s32 v10, v60  }
0x402: {  	v6 =	vsel vm8, v6, v9;
	v32 =	vld [tilespmem:s18+$0x8000];
	v10 =	vsel vm2, v10, v60  }
0x403: {  	v6 =	vsel vm9, v34, v6;
	v31 =	vld [tilespmem:s18+$0xCF00];
	vm3 =	vgt.s32 v40, v10  }
0x404: {  	v6 =	vsel vm10, v47, v6;
	v47 =	vld [tilespmem:s18+$0xE400];
	v10 =	vsel vm3, v40, v10  }
0x405: {  	v30 =	vld [tilespmem:s18+$0xD000];
	vm4 =	vgt.s32 v41, v10  }
0x406: {  	v8 =	vsel vm9, v35, v8;
	v6 =	vsel vm11, v48, v6;
	v48 =	vld [tilespmem:s18+$0xE480];
	v10 =	vsel vm4, v41, v10  }
0x407: {  	v8 =	vsel vm10, v45, v8;
	v29 =	vld [tilespmem:s18+$0xE100];
	vm10 =	vgt.s32 v43, v10  }
0x408: {  	v8 =	vsel vm11, v31, v8;
	v40 =	vld [tilespmem:s18+$0x5500];
	v10 =	vsel vm10, v43, v10  }
0x409: {  	v6 =	vsel vm12, v50, v6;
	v28 =	vld [tilespmem:s18+$0x9200];
	v8 =	vsel vm12, v52, v8;
	vm12 =	vgt.s32 v62, v10  }
0x40a: {  	v50 =	vld [tilespmem:s18+$0xA500];
	v6 =	vsel vm13, v32, v6;
	v8 =	vsel vm13, v30, v8;
	v10 =	vsel vm12, v62, v10  }
0x40b: {  	v52 =	vld [tilespmem:s18+$0xA600];
	v6 =	vsel vm14, v51, v6;
	v8 =	vsel vm14, v53, v8;
	vm14 =	vgt.s32 v36, v10  }
0x40c: {  	v51 =	vld [tilespmem:s18+$0xA580];
	v6 =	vsel vm0, v49, v6;
	v8 =	vsel vm0, v29, v8;
	v10 =	vsel vm14, v36, v10  }
0x40d: {  	v53 =	vld [tilespmem:s18+$0xA680];
	v6 =	vsel vm15, v38, v6;
	v8 =	vsel vm15, v54, v8;
	vm15 =	vgt.s32 v40, v10  }
0x40e: {  	v54 =	vld [tilespmem:s18+$0xA700];
	v6 =	vsel vm2, v28, v6;
	v8 =	vsel vm2, v44, v8;
	v9 =	vsel vm15, v40, v10  }
0x40f: {  	v57 =	vld [tilespmem:s18+$0xF800];
	v6 =	vsel vm3, v56, v6;
	v8 =	vsel vm3, v55, v8;
	vm8 =	vgt.s32 v59, v9  }
0x410: {  	v60 =	vld [tilespmem:s18+$0xA780];
	v6 =	vsel vm4, v58, v6;
	v8 =	vsel vm4, v42, v8;
	v9 =	vsel vm8, v59, v9  }
0x411: {  	v56 =	vld [tilespmem:s18+$0xF700];
	v6 =	vsel vm10, v61, v6;
	v8 =	vsel vm10, v46, v8;
	vm9 =	vgt.s32 v37, v9  }
0x412: {  	v58 =	vld [tilespmem:s18+$0x5800];
	v6 =	vsel vm12, v63, v6;
	v8 =	vsel vm12, v47, v8;
	v9 =	vsel vm9, v37, v9  }
0x413: {  	v61 =	vld [tilespmem:s18+$0xA800];
	v6 =	vsel vm14, v39, v6;
	v8 =	vsel vm14, v48, v8;
	vm10 =	vgt.s32 v33, v9  }
0x414: {  	v62 =	vld [tilespmem:s18+$0x5880];
	v6 =	vsel vm15, v50, v6;
	v8 =	vsel vm15, v23, v8;
	v9 =	vsel vm10, v33, v9  }
0x415: {  	v59 =	vld [tilespmem:s18+$0xF780];
	v6 =	vsel vm8, v51, v6;
	v5 =	vsel vm8, v5, v8;
	vm11 =	vgt.s32 v3, v9  }
0x416: {  	v6 =	vsel vm9, v52, v6;
	v4 =	vsel vm9, v4, v5;
	v5 =	vld [tilespmem:s18+$0xA880];
	v3 =	vsel vm11, v3, v9  }
0x417: {  	s28 =	sadd.s32 $0x0, s24;
	v6 =	vsel vm10, v53, v6;
	v2 =	vsel vm10, v2, v4;
	v4 =	vld [tilespmem:s18+$0xF880];
	vm12 =	vgt.s32 v7, v3  }
0x418: {  	v63 =	vor.u32 s28, v0;
	v6 =	vsel vm11, v54, v6;
	v3 =	vsel vm12, v7, v3  }
0x419: {  	v2 =	vsel vm11, v56, v2;
	v6 =	vsel vm12, v60, v6;
	vm13 =	vgt.s32 v58, v3  }
0x41a: {  	v2 =	vsel vm12, v59, v2;
	v3 =	vsel vm13, v58, v3;
	v6 =	vsel vm13, v61, v6  }
0x41b: {  	v2 =	vsel vm13, v57, v2;
	vm14 =	vgt.s32 v62, v3;
	v3 =	vand.u32 v3, v62  }
0x41c: {  	v5 =	vsel vm14, v5, v6;
	v2 =	vsel vm14, v4, v2;
	v4 =	vand.u32 $0xFFF, v63  }
0x41d: {  	vm15 =	vlt.s32 v3, $0x0;
	v3 =	vadd.s32 s28, v1;
	v4 =	vor.u32 $0x19000, v4  }
0x41e: {  	s26 =	simm.s32 $0x10;
	s17 =	sand.u32 $0x3F0, s19;
	s18 =	simm.s32 $0x80;
	v3 =	vsel vm15, v3, v5;
	v2 =	vsel vm15, v4, v2  }
.LBB2_10:
0x41f: {  	s0 =	sand.u32 $0x70, s26  }
0x420: {  	s28 =	sand.u32 $0x1C00, s18;
	[tilespmem:s17+$0xA00] =	vst v3;
	s25 =	smov.u32 s26;
	s19 =	sadd.s32 $0x10, s26  }
0x421: {  	p0 =	sne.s32 s26, $0x270;
	s0 =	sor.u32 s0, s28;
	[tilespmem:s17+$0x1680] =	vst v2  }
0x422: {  	v11 =	vld [tilespmem:s0+$0x7D80]  }
0x423: {  	v14 =	vld [tilespmem:s0+$0xCD00]  }
0x424: {  	v17 =	vld [tilespmem:s0+$0x7D00]  }
0x425: {  	v4 =	vld [tilespmem:s0+$0x4200]  }
0x426: {  	v13 =	vld [tilespmem:s0+$0xBB00]  }
0x427: {  	s17 =	sor.u32 s18, s25;
	v19 =	vld [tilespmem:s0+$0x6B00]  }
0x428: {  	s17 =	sor.u32 $0x380, s17;
	v20 =	vld [tilespmem:s0+$0x6B80]  }
0x429: {  	v21 =	vld [tilespmem:s0+$0xBA80]  }
0x42a: {  	v22 =	vld [tilespmem:s0+$0x6A80]  }
0x42b: {  	v6 =	vld [tilespmem:s0+$0x4180]  }
0x42c: {  	v7 =	vld [tilespmem:s0+$0xBA00]  }
0x42d: {  	v23 =	vld [tilespmem:s17+$0xB900]  }
0x42e: {  	v15 =	vld [tilespmem:s0+$0x6A00]  }
0x42f: {  	v24 =	vld [tilespmem:s17+$0x6900]  }
0x430: {  	v5 =	vld [tilespmem:s0+$0xB980]  }
0x431: {  	v25 =	vld [tilespmem:s0+$0x6980]  }
0x432: {  	v26 =	vld [tilespmem:s0+$0xB900]  }
0x433: {  	v27 =	vld [tilespmem:s0+$0x6900]  }
0x434: {  	v8 =	vld [tilespmem:s0+$0x4100]  }
0x435: {  	v9 =	vld [tilespmem:s0+$0x3080]  }
0x436: {  	v16 =	vld [tilespmem:s0+$0x3000]  }
0x437: {  	v18 =	vld [tilespmem:s0+$0x2F80]  }
0x438: {  	v28 =	vld [tilespmem:s0+$0x2F00]  }
0x439: {  	v29 =	vld [tilespmem:s0+$0x2E80]  }
0x43a: {  	v30 =	vld [tilespmem:s0+$0x2E00]  }
0x43b: {  	v31 =	vld [tilespmem:s0+$0x2D80]  }
0x43c: {  	v32 =	vld [tilespmem:s0+$0x2D00]  }
0x43d: {  	v33 =	vld [tilespmem:s0+$0x1C00]  }
0x43e: {  	v34 =	vld [tilespmem:s0+$0x1B80]  }
0x43f: {  	v35 =	vld [tilespmem:s0+$0x1B00]  }
0x440: {  	v36 =	vld [tilespmem:s0+$0xBB80]  }
0x441: {  	v37 =	vld [tilespmem:s0+$0x1A00]  }
0x442: {  	v38 =	vld [tilespmem:s0+$0x1980]  }
0x443: {  	v39 =	vld [tilespmem:s17+$0x1900]  }
0x444: {  	v40 =	vld [tilespmem:s0+$0x1900]  }
0x445: {  	v41 =	vld [tilespmem:s0+$0x1A80]  }
0x446: {  	v2 =	vld [tilespmem:s0+$0x5700]  }
0x447: {  	v12 =	vld [tilespmem:s0+$0x4280]  }
0x448: {  	v3 =	vld [tilespmem:s0+$0xF680]  }
0x449: {  	vm0 =	vgt.s32 v38, v40;
	v10 =	vld [tilespmem:s0+$0x4300]  }
0x44a: {  	v38 =	vsel vm0, v38, v40;
	v25 =	vsel vm0, v25, v27;
	v26 =	vsel vm0, v5, v26;
	v5 =	vld [tilespmem:s0+$0xF600]  }
0x44b: {  	vm0 =	vgt.s32 v37, v38;
	v27 =	vld [tilespmem:s0+$0xBC00]  }
0x44c: {  	v37 =	vsel vm0, v37, v38;
	v25 =	vsel vm0, v15, v25;
	v26 =	vsel vm0, v7, v26;
	v15 =	vld [tilespmem:s0+$0x4380]  }
0x44d: {  	vm0 =	vgt.s32 v41, v37;
	v7 =	vld [tilespmem:s0+$0xF580]  }
0x44e: {  	v37 =	vsel vm0, v41, v37;
	v22 =	vsel vm0, v22, v25;
	v21 =	vsel vm0, v21, v26;
	v25 =	vld [tilespmem:s0+$0x6C00]  }
0x44f: {  	vm0 =	vgt.s32 v35, v37;
	v26 =	vld [tilespmem:s0+$0xE200]  }
0x450: {  	v35 =	vsel vm0, v35, v37;
	v19 =	vsel vm0, v19, v22;
	v13 =	vsel vm0, v13, v21;
	v21 =	vld [tilespmem:s0+$0x9180]  }
0x451: {  	vm0 =	vgt.s32 v34, v35;
	v22 =	vld [tilespmem:s0+$0xCE80]  }
0x452: {  	v34 =	vsel vm0, v34, v35;
	v19 =	vsel vm0, v20, v19;
	v13 =	vsel vm0, v36, v13;
	v20 =	vld [tilespmem:s0+$0xCE00]  }
0x453: {  	vm0 =	vgt.s32 v33, v34;
	v35 =	vld [tilespmem:s0+$0xCD80]  }
0x454: {  	v33 =	vsel vm0, v33, v34;
	v19 =	vsel vm0, v25, v19;
	v13 =	vsel vm0, v27, v13;
	v25 =	vld [tilespmem:s0+$0x7E00]  }
0x455: {  	vm0 =	vgt.s32 v39, v33;
	v27 =	vld [tilespmem:s0+$0x7E80]  }
0x456: {  	v33 =	vsel vm0, v39, v33;
	v19 =	vsel vm0, v24, v19;
	v23 =	vsel vm0, v23, v13;
	v13 =	vld [tilespmem:s0+$0x5600]  }
0x457: {  	vm0 =	vgt.s32 v32, v33;
	v24 =	vld [tilespmem:s0+$0x7F00]  }
0x458: {  	v32 =	vsel vm0, v32, v33;
	v17 =	vsel vm0, v17, v19;
	v19 =	vsel vm0, v14, v23;
	v14 =	vld [tilespmem:s0+$0x5680]  }
0x459: {  	vm0 =	vgt.s32 v31, v32;
	v23 =	vld [tilespmem:s0+$0x9100]  }
0x45a: {  	v31 =	vsel vm0, v31, v32;
	v17 =	vsel vm0, v11, v17;
	v19 =	vsel vm0, v35, v19;
	v32 =	vld [tilespmem:s0+$0x7F80]  }
0x45b: {  	vm0 =	vgt.s32 v30, v31;
	v11 =	vld [tilespmem:s0+$0x5780]  }
0x45c: {  	v30 =	vsel vm0, v30, v31;
	v17 =	vsel vm0, v25, v17;
	v19 =	vsel vm0, v20, v19;
	v20 =	vld [tilespmem:s0+$0x8000]  }
0x45d: {  	vm0 =	vgt.s32 v29, v30;
	v25 =	vld [tilespmem:s0+$0x8080]  }
0x45e: {  	v29 =	vsel vm0, v29, v30;
	v17 =	vsel vm0, v27, v17;
	v19 =	vsel vm0, v22, v19;
	v22 =	vld [tilespmem:s0+$0xCF00]  }
0x45f: {  	vm0 =	vgt.s32 v28, v29;
	v27 =	vld [tilespmem:s0+$0xCF80]  }
0x460: {  	v28 =	vsel vm0, v28, v29;
	v17 =	vsel vm0, v24, v17;
	v24 =	vld [tilespmem:s0+$0xD000]  }
0x461: {  	vm1 =	vgt.s32 v18, v28;
	v29 =	vld [tilespmem:s0+$0xD080]  }
0x462: {  	v18 =	vsel vm1, v18, v28;
	v17 =	vsel vm1, v32, v17;
	v28 =	vld [tilespmem:s0+$0xE100]  }
0x463: {  	v19 =	vsel vm0, v22, v19;
	vm0 =	vgt.s32 v16, v18;
	v22 =	vld [tilespmem:s0+$0xE180]  }
0x464: {  	v19 =	vsel vm1, v27, v19;
	v16 =	vsel vm0, v16, v18;
	v17 =	vsel vm0, v20, v17;
	v18 =	vld [tilespmem:s0+$0x9200]  }
0x465: {  	v19 =	vsel vm0, v24, v19;
	vm0 =	vgt.s32 v9, v16;
	v20 =	vld [tilespmem:s0+$0xE280]  }
0x466: {  	v9 =	vsel vm0, v9, v16;
	v16 =	vsel vm0, v25, v17;
	v17 =	vsel vm0, v29, v19;
	v19 =	vld [tilespmem:s0+$0x9280]  }
0x467: {  	vm0 =	vgt.s32 v8, v9;
	v24 =	vld [tilespmem:s0+$0xF500]  }
0x468: {  	v8 =	vsel vm0, v8, v9;
	v9 =	vsel vm0, v23, v16;
	v16 =	vsel vm0, v28, v17;
	v17 =	vld [tilespmem:s0+$0x9300]  }
0x469: {  	vm0 =	vgt.s32 v6, v8;
	v23 =	vld [tilespmem:s0+$0x5580]  }
0x46a: {  	v6 =	vsel vm0, v6, v8;
	v8 =	vsel vm0, v21, v9;
	v9 =	vsel vm0, v22, v16;
	v16 =	vld [tilespmem:s0+$0x9380]  }
0x46b: {  	vm0 =	vgt.s32 v4, v6;
	v21 =	vld [tilespmem:s0+$0x4400]  }
0x46c: {  	v4 =	vsel vm0, v4, v6;
	v6 =	vsel vm0, v18, v8;
	v8 =	vsel vm0, v26, v9;
	v9 =	vld [tilespmem:s0+$0x9400]  }
0x46d: {  	vm0 =	vgt.s32 v12, v4;
	v18 =	vld [tilespmem:s0+$0x4480]  }
0x46e: {  	v4 =	vsel vm0, v12, v4;
	v6 =	vsel vm0, v19, v6;
	v8 =	vsel vm0, v20, v8;
	v12 =	vld [tilespmem:s0+$0x9480]  }
0x46f: {  	vm0 =	vgt.s32 v10, v4;
	v19 =	vld [tilespmem:s0+$0x5500]  }
0x470: {  	v4 =	vsel vm0, v10, v4;
	v6 =	vsel vm0, v17, v6;
	v10 =	vld [tilespmem:s0+$0xE300]  }
0x471: {  	vm1 =	vgt.s32 v15, v4;
	v17 =	vld [tilespmem:s0+$0xE380]  }
0x472: {  	v4 =	vsel vm1, v15, v4;
	v6 =	vsel vm1, v16, v6;
	v15 =	vld [tilespmem:s0+$0xE400]  }
0x473: {  	vm2 =	vgt.s32 v21, v4;
	v16 =	vld [tilespmem:s0+$0xE480]  }
0x474: {  	v4 =	vsel vm2, v21, v4;
	v6 =	vsel vm2, v9, v6;
	v9 =	vld [tilespmem:s0+$0xA500]  }
0x475: {  	v8 =	vsel vm0, v10, v8;
	vm0 =	vgt.s32 v18, v4;
	v10 =	vld [tilespmem:s0+$0xA580]  }
0x476: {  	v8 =	vsel vm1, v17, v8;
	v4 =	vsel vm0, v18, v4;
	v6 =	vsel vm0, v12, v6;
	v12 =	vld [tilespmem:s0+$0xA600]  }
0x477: {  	v8 =	vsel vm2, v15, v8;
	vm1 =	vgt.s32 v19, v4;
	v15 =	vld [tilespmem:s0+$0xA680]  }
0x478: {  	v8 =	vsel vm0, v16, v8;
	v4 =	vsel vm1, v19, v4;
	v16 =	vld [tilespmem:s0+$0xA700]  }
0x479: {  	v6 =	vsel vm1, v9, v6;
	v8 =	vsel vm1, v24, v8;
	vm0 =	vgt.s32 v23, v4;
	v9 =	vld [tilespmem:s0+$0xF700]  }
0x47a: {  	v4 =	vsel vm0, v23, v4;
	v6 =	vsel vm0, v10, v6;
	v7 =	vsel vm0, v7, v8;
	v8 =	vld [tilespmem:s0+$0xF800]  }
0x47b: {  	vm0 =	vgt.s32 v13, v4;
	v10 =	vld [tilespmem:s0+$0x5800]  }
0x47c: {  	v4 =	vsel vm0, v13, v4;
	v6 =	vsel vm0, v12, v6;
	v5 =	vsel vm0, v5, v7;
	v7 =	vld [tilespmem:s0+$0xF780]  }
0x47d: {  	vm0 =	vgt.s32 v14, v4;
	v12 =	vld [tilespmem:s0+$0xA780]  }
0x47e: {  	v4 =	vsel vm0, v14, v4;
	v6 =	vsel vm0, v15, v6;
	v3 =	vsel vm0, v3, v5;
	v5 =	vld [tilespmem:s0+$0xA800]  }
0x47f: {  	vm0 =	vgt.s32 v2, v4;
	v13 =	vld [tilespmem:s0+$0x5880]  }
0x480: {  	v2 =	vsel vm0, v2, v4;
	v4 =	vsel vm0, v16, v6;
	v3 =	vsel vm0, v9, v3;
	v6 =	vld [tilespmem:s0+$0xA880]  }
0x481: {  	vm0 =	vgt.s32 v11, v2;
	v9 =	vld [tilespmem:s0+$0xF880]  }
0x482: {  	v2 =	vsel vm0, v11, v2;
	v4 =	vsel vm0, v12, v4;
	v3 =	vsel vm0, v7, v3  }
0x483: {  	s0 =	sadd.s32 s25, s24;
	vm0 =	vgt.s32 v10, v2  }
.Ltmp6:
0x484: {  	v2 =	vsel vm0, v10, v2;
	v4 =	vsel vm0, v5, v4;
	v3 =	vsel vm0, v8, v3;
	(pc) =	sbr.rel @p0 .LBB2_10-.Ltmp6, $4  }
0x485: {  	v5 =	vor.u32 s0, v0;
	vm0 =	vgt.s32 v13, v2;
	v2 =	vand.u32 v2, v13  }
0x486: {  	v4 =	vsel vm0, v6, v4;
	v6 =	vsel vm0, v9, v3;
	v3 =	vand.u32 $0xFFF, v5  }
0x487: {  	vm0 =	vlt.s32 v2, $0x0;
	v2 =	vadd.s32 s0, v1;
	v5 =	vor.u32 $0x19000, v3  }
0x488: {  	s18 =	sadd.s32 $0x80, s18;
	s26 =	smov.u32 s19;
	s17 =	sand.u32 $0x3F0, s25;
	v3 =	vsel vm0, v2, v4;
	v2 =	vsel vm0, v5, v6  }
0x489: {  	[tilespmem:s17+$0xA00] =	vst v3  }
0x48a: {  	[tilespmem:s17+$0x1680] =	vst v2  }
0x48b: {  	_ =	strace $0x90000058  }
0x48c: {  	s0 =	simm.s32 $0x0;
	_ =	strace $0x80000059  }
0x48d: {  	[tilespmem:s5], [sflag:$0x2] =	stream.indirect.gather [hbm4b:s3+s4], $0x80, s0, s4, $0x2000b8;
	[tilespmem:$0x1A900] =	vst v63  }
0x48e: {  	_ = 	snop  }
0x48f: {  	[tilespmem:s6], [sflag:$0x3] =	stream.indirect.gather [hbm4b:s3+s4], $0x80, s4, s4, $0x2000b8;
	[tilespmem:$0x1A900] =	vst v63  }
.Ltmp7:
0x490: {  	_ = 	snop;
	(pc) =	sbr.rel .LBB2_12-.Ltmp7, $4  }
0x491: {  	s26 =	simm.s32 $0xA0;
	s18 =	rddreg [dreg:$0x14]  }
0x492: {  	[tilespmem:s7], [sflag:$0x4] =	stream.indirect.gather [hbm4b:s3+s4], $0x80, s26, s4, $0x2000b8;
	[tilespmem:$0x1A900] =	vst v63  }
0x493: {  	s28 =	simm.s32 $0xF0;
	s19 =	rddreg [dreg:$0x13]  }
0x494: {  	[tilespmem:s8], [sflag:$0x5] =	stream.indirect.gather [hbm4b:s3+s4], $0x80, s28, s4, $0x2000b8;
	[tilespmem:$0x1A900] =	vst v63  }
.LBB2_27:
0x495: {  	s17 =	sadd.s32 $0x230, s25  }
0x496: {  	[tilespmem:s8], [sflag:$0x5] =	stream.indirect.gather [hbm4b:s3+s4], $0x80, s17, s4, $0x2000b8;
	[tilespmem:$0x1A900] =	vst v63  }
.LBB2_28:
0x497: {  	s0 =	sadd.s32 $0x500, s0  }
0x498: {  	p0 =	sne.s32 s0, $0x3200  }
.Ltmp8:
0x499: {  	_ = 	snop;
	(pc) =	sbr.rel @!p0 .LBB2_29-.Ltmp8, $2  }
0x49a: {  	_ =	sdelay $0x2  }
0x49b: {  	s19 =	sadd.s32 $0x1400, s19;
	s18 =	sadd.s32 $0x140, s18  }
.LBB2_12:
0x49c: {  	_ =	swait.ge [sflag:s9], $0x2800;
	s28 =	sadd.s32 $0xFFFFFF10, s18  }
0x49d: {  	s25 =	sshra.s32 s0, $0x2;
	[sflag:s9] =	ssyncset.done $0x0;
	p0 =	sgt.u32 s28, $0x18650  }
.Ltmp9:
0x49e: {  	s17 =	sadd.s32 $0xC80, s25;
	[sflag:s9] =	ssyncadd.s32 $0xFFFFD800;
	(pc) =	sbr.rel @p0 .LBB2_31-.Ltmp9, $4  }
0x49f: {  	[tilespmem:s5], [sflag:$0x2] =	stream.indirect.gather.add.f32 [hbm:s3], $0x80, s17, s4, $0x2000b8;
	[tilespmem:$0x1A900] =	vst v63  }
0x4a0: {  	_ =	swait.ge [sflag:s9], $0x2800  }
0x4a1: {  	[sflag:s9] =	ssyncset.done $0x0  }
0x4a2: {  	p1 =	seq.s32 s0, $0x2D00;
	[sflag:s9] =	ssyncadd.s32 $0xFFFFD800  }
.Ltmp10:
0x4a3: {  	(pc) =	sbr.rel @p1 .LBB2_16-.Ltmp10, $3  }
0x4a4: {  	_ =	sdelay $0x1  }
0x4a5: {  	s17 =	sadd.s32 $0xFFFFF100, s19;
	p0 =	por $0x1, $0x1  }
0x4a6: {  	[hbm4b:s17+s2] =	stream.linear.scatter [tilespmem:s5], [sflag:$0x6], $0x2800, $0x200038;
	[tilespmem:$0x1A900] =	vst v63  }
.Ltmp11:
0x4a7: {  	(pc) =	sbr.rel .LBB2_15-.Ltmp11, $4  }
0x4a8: {  	_ = 	snop  }
0x4a9: {  	_ =	swait.ge [sflag:s10], $0x2800  }
0x4aa: {  	[sflag:s10] =	ssyncset.done $0x0  }
0x4ab: {  	[sflag:s10] =	ssyncadd.s32 $0xFFFFD800  }
.LBB2_31:
.Ltmp12:
0x4ac: {  	(pc) =	sbr.rel @p1 .LBB2_16-.Ltmp12, $2  }
0x4ad: {  	_ =	sdelay $0x2  }
0x4ae: {  	p0 =	por $0x1, $0x1  }
.LBB2_15:
0x4af: {  	s17 =	sadd.s32 $0x140, s25;
	p0 =	por $0x0, $0x0  }
0x4b0: {  	[tilespmem:s5], [sflag:$0x2] =	stream.indirect.gather [hbm4b:s3+s4], $0x80, s17, s4, $0x2000b8;
	[tilespmem:$0x1A900] =	vst v63  }
.LBB2_16:
0x4b1: {  	_ =	swait.ge [sflag:s11], $0x2800;
	s28 =	sadd.s32 $0xFFFFFF60, s18  }
0x4b2: {  	[sflag:s11] =	ssyncset.done $0x0;
	p1 =	sgt.u32 s28, $0x18650  }
.Ltmp13:
0x4b3: {  	s17 =	sadd.s32 $0xCD0, s25;
	[sflag:s11] =	ssyncadd.s32 $0xFFFFD800;
	(pc) =	sbr.rel @p1 .LBB2_32-.Ltmp13, $4  }
0x4b4: {  	[tilespmem:s6], [sflag:$0x3] =	stream.indirect.gather.add.f32 [hbm:s3], $0x80, s17, s4, $0x2000b8;
	[tilespmem:$0x1A900] =	vst v63  }
0x4b5: {  	_ =	swait.ge [sflag:s11], $0x2800  }
0x4b6: {  	[sflag:s11] =	ssyncset.done $0x0  }
0x4b7: {  	[sflag:s11] =	ssyncadd.s32 $0xFFFFD800  }
.Ltmp14:
0x4b8: {  	(pc) =	sbr.rel @p0 .LBB2_20-.Ltmp14, $3  }
0x4b9: {  	_ =	sdelay $0x1  }
0x4ba: {  	s17 =	sadd.s32 $0xFFFFF600, s19  }
0x4bb: {  	[hbm4b:s17+s2] =	stream.linear.scatter [tilespmem:s6], [sflag:$0x7], $0x2800, $0x200038;
	[tilespmem:$0x1A900] =	vst v63  }
.Ltmp15:
0x4bc: {  	(pc) =	sbr.rel .LBB2_19-.Ltmp15, $4  }
0x4bd: {  	_ = 	snop  }
0x4be: {  	_ =	swait.ge [sflag:s12], $0x2800  }
0x4bf: {  	[sflag:s12] =	ssyncset.done $0x0  }
0x4c0: {  	[sflag:s12] =	ssyncadd.s32 $0xFFFFD800  }
.LBB2_32:
.Ltmp16:
0x4c1: {  	(pc) =	sbr.rel @p0 .LBB2_20-.Ltmp16, $1  }
0x4c2: {  	_ =	sdelay $0x3  }
.LBB2_19:
0x4c3: {  	s17 =	sadd.s32 $0x190, s25  }
0x4c4: {  	[tilespmem:s6], [sflag:$0x3] =	stream.indirect.gather [hbm4b:s3+s4], $0x80, s17, s4, $0x2000b8;
	[tilespmem:$0x1A900] =	vst v63  }
.LBB2_20:
0x4c5: {  	_ =	swait.ge [sflag:s13], $0x2800;
	s28 =	sadd.s32 $0xFFFFFFB0, s18  }
0x4c6: {  	[sflag:s13] =	ssyncset.done $0x0;
	p1 =	sgt.u32 s28, $0x18650  }
.Ltmp17:
0x4c7: {  	s17 =	sadd.s32 $0xD20, s25;
	[sflag:s13] =	ssyncadd.s32 $0xFFFFD800;
	(pc) =	sbr.rel @p1 .LBB2_33-.Ltmp17, $4  }
0x4c8: {  	[tilespmem:s7], [sflag:$0x4] =	stream.indirect.gather.add.f32 [hbm:s3], $0x80, s17, s4, $0x2000b8;
	[tilespmem:$0x1A900] =	vst v63  }
0x4c9: {  	_ =	swait.ge [sflag:s13], $0x2800  }
0x4ca: {  	[sflag:s13] =	ssyncset.done $0x0  }
0x4cb: {  	[sflag:s13] =	ssyncadd.s32 $0xFFFFD800  }
.Ltmp18:
0x4cc: {  	(pc) =	sbr.rel @p0 .LBB2_24-.Ltmp18, $3  }
0x4cd: {  	_ =	sdelay $0x1  }
0x4ce: {  	s17 =	sadd.s32 $0xFFFFFB00, s19  }
0x4cf: {  	[hbm4b:s17+s2] =	stream.linear.scatter [tilespmem:s7], [sflag:$0x8], $0x2800, $0x200038;
	[tilespmem:$0x1A900] =	vst v63  }
.Ltmp19:
0x4d0: {  	(pc) =	sbr.rel .LBB2_23-.Ltmp19, $4  }
0x4d1: {  	_ = 	snop  }
0x4d2: {  	_ =	swait.ge [sflag:s14], $0x2800  }
0x4d3: {  	[sflag:s14] =	ssyncset.done $0x0  }
0x4d4: {  	[sflag:s14] =	ssyncadd.s32 $0xFFFFD800  }
.LBB2_33:
.Ltmp20:
0x4d5: {  	(pc) =	sbr.rel @p0 .LBB2_24-.Ltmp20, $1  }
0x4d6: {  	_ =	sdelay $0x3  }
.LBB2_23:
0x4d7: {  	s17 =	sadd.s32 $0x1E0, s25  }
0x4d8: {  	[tilespmem:s7], [sflag:$0x4] =	stream.indirect.gather [hbm4b:s3+s4], $0x80, s17, s4, $0x2000b8;
	[tilespmem:$0x1A900] =	vst v63  }
.LBB2_24:
0x4d9: {  	_ =	swait.ge [sflag:s15], $0x2800  }
0x4da: {  	p1 =	sgt.u32 s18, $0x18650;
	[sflag:s15] =	ssyncset.done $0x0  }
.Ltmp21:
0x4db: {  	s17 =	sadd.s32 $0xD70, s25;
	[sflag:s15] =	ssyncadd.s32 $0xFFFFD800;
	(pc) =	sbr.rel @p1 .LBB2_34-.Ltmp21, $4  }
0x4dc: {  	[tilespmem:s8], [sflag:$0x5] =	stream.indirect.gather.add.f32 [hbm:s3], $0x80, s17, s4, $0x2000b8;
	[tilespmem:$0x1A900] =	vst v63  }
0x4dd: {  	_ =	swait.ge [sflag:s15], $0x2800  }
0x4de: {  	[sflag:s15] =	ssyncset.done $0x0  }
0x4df: {  	[sflag:s15] =	ssyncadd.s32 $0xFFFFD800  }
.Ltmp22:
0x4e0: {  	(pc) =	sbr.rel @p0 .LBB2_28-.Ltmp22, $2  }
0x4e1: {  	_ =	sdelay $0x2  }
0x4e2: {  	[hbm4b:s19+s2] =	stream.linear.scatter [tilespmem:s8], [sflag:$0x9], $0x2800, $0x200038;
	[tilespmem:$0x1A900] =	vst v63  }
.Ltmp23:
0x4e3: {  	(pc) =	sbr.rel .LBB2_27-.Ltmp23, $4  }
0x4e4: {  	_ = 	snop  }
0x4e5: {  	_ =	swait.ge [sflag:s16], $0x2800  }
0x4e6: {  	[sflag:s16] =	ssyncset.done $0x0  }
0x4e7: {  	[sflag:s16] =	ssyncadd.s32 $0xFFFFD800  }
.LBB2_34:
.Ltmp24:
0x4e8: {  	(pc) =	sbr.rel @p0 .LBB2_28-.Ltmp24, $4  }
.Ltmp25:
0x4e9: {  	(pc) =	sbr.rel @!p0 .LBB2_27-.Ltmp25, $4  }
0x4ea: {  	_ = 	snop  }
0x4eb: {  	_ = 	snop  }
0x4ec: {  	_ = 	snop  }
0x4ed: {  	_ = 	snop  }
.LBB2_30:
0x4ee: {  	_ =	sfence.sel $0x180000  }
0x4ef: {  	[bflag:$0x0] =	sbarrier.arrive $0xFFFF  }
0x4f0: {  	_ =	strace $0x90000057  }
0x4f1: {  	s0 =	stileid.u32;
	[bflag:$0x2] =	sbarrier.arrive $0xFFFF  }
0x4f2: {  	p0 =	sne.s32 s0, $0x0;
	s0 =	rddreg [dreg:$0x2]  }
0x4f3: {  	s0 =	sadd.s32 @!p0 $0x100000, s0  }
0x4f4: {  	[sflag:s0] =	ssyncadd.tile.s32 @!p0 $0x1;
	_ =	shalt  }
.Lfunc_end2:
_tile_overlayer_lowered:
.L_overlay_start_2:
0x4f5: {  	(tag) =	ssettag $0x2  }
0x4f6: {  	s0 =	rddreg [dreg:$0x0];
	s2 =	stileid.u32  }
0x4f7: {  	s1 =	rddreg [dreg:$0x1];
	p0 =	sne.s32 s2, $0x0  }
0x4f8: {  	s3 =	rddreg [dreg:$0x2];
	[bflag:$0x3] =	sbarrier.arrive $0xFFFF;
	s2 =	simm.s32 @!p0 $0x1C0A  }
0x4f9: {  	[timem:s3], [sflag:s2] =	dma.local @!p0 [hbm:s0], s1  }
0x4fa: {  	s0 =	simm.s32 @!p0 $0xA  }
0x4fb: {  	_ =	swait.ge @!p0 [sflag:s0], s1  }
0x4fc: {  	s1 =	ssub.s32 @!p0 $0x0, s1;
	[sflag:s0] =	ssyncset.done @!p0 $0x0  }
0x4fd: {  	[sflag:s0] =	ssyncadd.s32 @!p0 s1  }
0x4fe: {  	[bflag:$0x3] =	sbarrier.arrive $0xFFFF  }
0x4ff: {  	_ =	shalt  }

</sc_bundles>
